<compile_context>
chip_gen: v7x
topology: tpu7x:2x2x1
jax: 0.10.2.dev20260603
libtpu: 0.0.44.dev20260713+nightly
codegen_flags: <defaults>
</compile_context>

<pallas_src>
import functools

import jax
import jax.numpy as jnp
from jax import lax
from jax.experimental import pallas as pl
from jax.experimental.pallas import tpu as pltpu
from jax.experimental.pallas import tpu_sc as plsc

_NC, _NS, _L = 2, 16, 16
_NW = _NC * _NS
_SL = 8
_U = 8


def _emb_body(R, NT, ICH, x_hbm, tab_hbm, out_hbm,
              in0, in1, out0, out1, tab_v, sin0, sin1, sout0, sout1):
    wid = lax.axis_index("s") * _NC + lax.axis_index("c")
    i0 = wid * ICH

    def in_slice(t):
        return x_hbm.at[pl.ds(t * _SL, _SL), pl.ds(i0, ICH)]

    def out_slice(t):
        return out_hbm.at[pl.ds(t * _SL, _SL), :, pl.ds(i0, ICH)]

    def compute(in_v, out_v):
        for s in range(_SL):

            @plsc.parallel_loop(0, ICH // _L, unroll=_U)
            def _grp(g, s=s):
                iv = in_v[s, pl.ds(g * _L, _L)] * R
                for q in range(R):
                    val = plsc.load_gather(tab_v, [iv + q])
                    out_v[s, q, pl.ds(g * _L, _L)] = val

    pltpu.async_copy(in_slice(0), in0, sin0)
    pltpu.sync_copy(tab_hbm, tab_v)

    def pair(p, carry):
        t0 = p * 2

        pltpu.make_async_copy(in_slice(t0), in0, sin0).wait()

        @pl.when(t0 + 1 < NT)
        def _():
            pltpu.async_copy(in_slice(t0 + 1), in1, sin1)

        @pl.when(t0 >= 2)
        def _():
            pltpu.make_async_copy(out0, out_slice(t0 - 2), sout0).wait()

        compute(in0, out0)
        pltpu.async_copy(out0, out_slice(t0), sout0)

        @pl.when(t0 + 1 < NT)
        def _():
            t1 = t0 + 1
            pltpu.make_async_copy(in_slice(t1), in1, sin1).wait()

            @pl.when(t1 + 1 < NT)
            def _():
                pltpu.async_copy(in_slice(t1 + 1), in0, sin0)

            @pl.when(t1 >= 2)
            def _():
                pltpu.make_async_copy(out1, out_slice(t1 - 2), sout1).wait()

            compute(in1, out1)
            pltpu.async_copy(out1, out_slice(t1), sout1)

        return carry

    lax.fori_loop(0, (NT + 1) // 2, pair, 0)

    last_even = ((NT - 1) // 2) * 2
    pltpu.make_async_copy(out0, out_slice(last_even), sout0).wait()
    if NT > 1:
        last_odd = ((NT - 2) // 2) * 2 + 1
        pltpu.make_async_copy(out1, out_slice(last_odd), sout1).wait()


def kernel(x, table):
    B, S = x.shape
    V, R = table.shape
    ICH = B // _NW
    NT = S // _SL

    body = functools.partial(_emb_body, R, NT, ICH)
    k = pl.kernel(
        body,
        out_type=jax.ShapeDtypeStruct((S, R, B), table.dtype),
        compiler_params=pltpu.CompilerParams(
            needs_layout_passes=False, use_tc_tiling_on_sc=True),
        mesh=plsc.VectorSubcoreMesh(
            core_axis_name="c", subcore_axis_name="s",
            num_cores=_NC, num_subcores=_NS,
        ),
        scratch_types=[
            pltpu.VMEM((_SL, ICH), jnp.int32),
            pltpu.VMEM((_SL, ICH), jnp.int32),
            pltpu.VMEM((_SL, R, ICH), jnp.float32),
            pltpu.VMEM((_SL, R, ICH), jnp.float32),
            pltpu.VMEM((V * R,), jnp.float32),
            pltpu.SemaphoreType.DMA,
            pltpu.SemaphoreType.DMA,
            pltpu.SemaphoreType.DMA,
            pltpu.SemaphoreType.DMA,
        ],
    )
    ot = k(jnp.transpose(x), table.reshape(V * R))
    return jnp.transpose(ot, (2, 0, 1))

# --- scband reference (transcript-rebuilt; emitter-appended) ---
"""Pipeline reference for scband-embedding-model-72997264162896 (READ-ONLY COPY).

The authoritative reference and input builder live on the scoring server;
editing this copy changes nothing except your own understanding.
"""

import jax, jax.numpy as jnp
import numpy as np

def setup_inputs(seed: int = 0) -> dict:
    key = jax.random.key(seed)
    k1, k2 = jax.random.split(key)
    x = jax.random.randint(k1, (16384, 200), 0, 8, dtype=jnp.int64) if jax.config.jax_enable_x64 else jax.random.randint(k1, (16384, 200), 0, 8, dtype=jnp.int32)
    table = jax.random.normal(k2, (8, 4), dtype=jnp.float32)
    return {"x": x, "table": table}

def reference(x, table):
    # nn.Embedding forward: gather rows of the table by index
    return jnp.take(table, x, axis=0)

if __name__ == "__main__":
    import jax
    _d = setup_inputs()
    print(jax.jit(kernel)(*tuple(_d.values())))

</pallas_src>

<mosaic_0001>
#map = affine_map<(d0, d1) -> (0, 0)>
#map1 = affine_map<(d0, d1) -> (0)>
#map2 = affine_map<(d0, d1) -> (0, 0, 0)>
module attributes {stable_mosaic.version = 14 : i64} {
  func.func @_emb_body(%arg0: i32, %arg1: i32, %arg2: memref<200x16384xi32, #tpu.memory_space<hbm>>, %arg3: memref<32xf32, #tpu.memory_space<hbm>>, %arg4: memref<200x4x16384xf32, #tpu.memory_space<hbm>>, %arg5: memref<8x512xi32, #tpu.memory_space<vmem>>, %arg6: memref<8x512xi32, #tpu.memory_space<vmem>>, %arg7: memref<8x4x512xf32, #tpu.memory_space<vmem>>, %arg8: memref<8x4x512xf32, #tpu.memory_space<vmem>>, %arg9: memref<32xf32, #tpu.memory_space<vmem>>, %arg10: memref<!tpu.dma_semaphore, #tpu.memory_space<semaphore_mem>>, %arg11: memref<!tpu.dma_semaphore, #tpu.memory_space<semaphore_mem>>, %arg12: memref<!tpu.dma_semaphore, #tpu.memory_space<semaphore_mem>>, %arg13: memref<!tpu.dma_semaphore, #tpu.memory_space<semaphore_mem>>) attributes {dimension_semantics = [#tpu.dimension_semantics<core_parallel>, #tpu.dimension_semantics<subcore_parallel>], iteration_bounds = array<i64: 2, 16>, scalar_prefetch = 0 : i64, scratch_operands = 9 : i64, tpu.core_type = #tpu.core_type<sc_vector_subcore>, window_params = [{transform_indices = #map}, {transform_indices = #map1}, {transform_indices = #map2}]} {
    %mul3A = arith.constant 2 : i32
    %mul3A_0 = arith.muli %arg1, %mul3A : i32
    %add3A = arith.addi %mul3A_0, %arg0 : i32
    %mul3A_1 = arith.constant 512 : i32
    %mul3A_2 = arith.muli %add3A, %mul3A_1 : i32
    %dma_start3A = arith.constant 0 : i32
    %dma_start3A_3 = tpu.memref_slice %arg2[%dma_start3A, %mul3A_2] : memref<200x16384xi32, #tpu.memory_space<hbm>> -> memref<8x512xi32, #tpu.memory_space<hbm>>
    %dma_start3A_4 = arith.constant 0 : i32
    %dma_start3A_5 = tpu.memref_slice %arg2[%dma_start3A_4, %mul3A_2] : memref<200x16384xi32, #tpu.memory_space<hbm>> -> memref<8x512xi32, #tpu.memory_space<hbm>>
    tpu.enqueue_dma source(%dma_start3A_5 : memref<8x512xi32, #tpu.memory_space<hbm>>) target(%arg5 : memref<8x512xi32, #tpu.memory_space<vmem>>) target_semaphore(%arg10 : memref<!tpu.dma_semaphore, #tpu.memory_space<semaphore_mem>>)
    "tpu.region"() ({
      %run_scoped3A = tpu.sem_alloc : memref<!tpu.dma_semaphore, #tpu.memory_space<semaphore_mem>>
      tpu.enqueue_dma source(%arg3 : memref<32xf32, #tpu.memory_space<hbm>>) target(%arg9 : memref<32xf32, #tpu.memory_space<vmem>>) target_semaphore(%run_scoped3A : memref<!tpu.dma_semaphore, #tpu.memory_space<semaphore_mem>>)
      tpu.wait_dma2 semaphore(%run_scoped3A : memref<!tpu.dma_semaphore, #tpu.memory_space<semaphore_mem>>) src(%arg3 : memref<32xf32, #tpu.memory_space<hbm>>) dst(%arg9 : memref<32xf32, #tpu.memory_space<vmem>>)
      tpu.yield
    }) : () -> ()
    %scan3A = arith.constant 0 : i32
    %scan3A_6 = arith.constant 0 : i32
    %scan3A_7 = arith.constant 13 : i32
    %scan3A_8 = arith.addi %scan3A_6, %scan3A_7 : i32
    %scan3A_9 = arith.constant 1 : i32
    scf.for %scan3A_22 = %scan3A_6 to %scan3A_8 step %scan3A_9  : i32 {
      %mul3A_23 = arith.constant 2 : i32
      %mul3A_24 = arith.muli %scan3A_22, %mul3A_23 : i32
      %mul3A_25 = arith.constant 8 : i32
      %mul3A_26 = arith.muli %mul3A_24, %mul3A_25 : i32
      %dma_wait3A_27 = tpu.memref_slice %arg2[%mul3A_26, %mul3A_2] : memref<200x16384xi32, #tpu.memory_space<hbm>> -> memref<8x512xi32, #tpu.memory_space<hbm>>
      %dma_wait3A_28 = tpu.memref_slice %arg2[%mul3A_26, %mul3A_2] : memref<200x16384xi32, #tpu.memory_space<hbm>> -> memref<8x512xi32, #tpu.memory_space<hbm>>
      tpu.wait_dma2 semaphore(%arg10 : memref<!tpu.dma_semaphore, #tpu.memory_space<semaphore_mem>>) src(%dma_wait3A_28 : memref<8x512xi32, #tpu.memory_space<hbm>>) dst(%arg5 : memref<8x512xi32, #tpu.memory_space<vmem>>)
      %add3A_29 = arith.constant 1 : i32
      %add3A_30 = arith.addi %mul3A_24, %add3A_29 : i32
      %lt3A = arith.constant 25 : i32
      %lt3A_31 = arith.cmpi slt, %add3A_30, %lt3A : i32
      %convert_element_type3A = arith.extui %lt3A_31 : i1 to i32
      %cond3A = arith.constant 0 : i32
      %cond3A_32 = arith.cmpi ne, %convert_element_type3A, %cond3A : i32
      scf.if %cond3A_32 {
        %add3A_73 = arith.constant 1 : i32
        %add3A_74 = arith.addi %mul3A_24, %add3A_73 : i32
        %mul3A_75 = arith.constant 8 : i32
        %mul3A_76 = arith.muli %add3A_74, %mul3A_75 : i32
        %dma_start3A_77 = tpu.memref_slice %arg2[%mul3A_76, %mul3A_2] : memref<200x16384xi32, #tpu.memory_space<hbm>> -> memref<8x512xi32, #tpu.memory_space<hbm>>
        %dma_start3A_78 = tpu.memref_slice %arg2[%mul3A_76, %mul3A_2] : memref<200x16384xi32, #tpu.memory_space<hbm>> -> memref<8x512xi32, #tpu.memory_space<hbm>>
        tpu.enqueue_dma source(%dma_start3A_78 : memref<8x512xi32, #tpu.memory_space<hbm>>) target(%arg6 : memref<8x512xi32, #tpu.memory_space<vmem>>) target_semaphore(%arg11 : memref<!tpu.dma_semaphore, #tpu.memory_space<semaphore_mem>>)
      } else {
      }
      %ge3A = arith.constant 2 : i32
      %ge3A_33 = arith.cmpi sge, %mul3A_24, %ge3A : i32
      %convert_element_type3A_34 = arith.extui %ge3A_33 : i1 to i32
      %cond3A_35 = arith.constant 0 : i32
      %cond3A_36 = arith.cmpi ne, %convert_element_type3A_34, %cond3A_35 : i32
      scf.if %cond3A_36 {
        %sub3A = arith.constant 2 : i32
        %sub3A_73 = arith.subi %mul3A_24, %sub3A : i32
        %mul3A_74 = arith.constant 8 : i32
        %mul3A_75 = arith.muli %sub3A_73, %mul3A_74 : i32
        %dma_wait3A_76 = arith.constant 0 : i32
        %dma_wait3A_77 = tpu.memref_slice %arg4[%mul3A_75, %dma_wait3A_76, %mul3A_2] : memref<200x4x16384xf32, #tpu.memory_space<hbm>> -> memref<8x4x512xf32, #tpu.memory_space<hbm>>
        %dma_wait3A_78 = arith.constant 0 : i32
        %dma_wait3A_79 = tpu.memref_slice %arg4[%mul3A_75, %dma_wait3A_78, %mul3A_2] : memref<200x4x16384xf32, #tpu.memory_space<hbm>> -> memref<8x4x512xf32, #tpu.memory_space<hbm>>
        tpu.wait_dma2 semaphore(%arg12 : memref<!tpu.dma_semaphore, #tpu.memory_space<semaphore_mem>>) src(%arg7 : memref<8x4x512xf32, #tpu.memory_space<vmem>>) dst(%dma_wait3A_79 : memref<8x4x512xf32, #tpu.memory_space<hbm>>)
      } else {
      }
      %parallel_loop3A = arith.constant 0 : i32
      %parallel_loop3A_37 = arith.constant 32 : i32
      %parallel_loop3A_38 = arith.constant 1 : i32
      scf.for %parallel_loop3A_73 = %parallel_loop3A to %parallel_loop3A_37 step %parallel_loop3A_38  : i32 {
        %parallel_loop3A_74 = arith.constant 16 : i32
        %parallel_loop3A_75 = arith.muli %parallel_loop3A_73, %parallel_loop3A_74 : i32
        %parallel_loop3A_76 = arith.constant 0 : i32
        %parallel_loop3A_77 = arith.index_cast %parallel_loop3A_76 : i32 to index
        %parallel_loop3A_78 = arith.index_cast %parallel_loop3A_75 : i32 to index
        %parallel_loop3A_79 = tpu.vector_load %arg5[%parallel_loop3A_77, %parallel_loop3A_78] {strides = array<i32>} : memref<8x512xi32, #tpu.memory_space<vmem>>, vector<16xi32>,
        %parallel_loop3A_80 = arith.constant 4 : i32
        %parallel_loop3A_81 = vector.broadcast %parallel_loop3A_80 : i32 to vector<16xi32>
        %parallel_loop3A_82 = arith.muli %parallel_loop3A_79, %parallel_loop3A_81 : vector<16xi32>
        %parallel_loop3A_83 = arith.constant 0 : i32
        %parallel_loop3A_84 = vector.broadcast %parallel_loop3A_83 : i32 to vector<16xi32>
        %parallel_loop3A_85 = arith.addi %parallel_loop3A_82, %parallel_loop3A_84 : vector<16xi32>
        %parallel_loop3A_86 = tpu.vector_load_idx %arg9[%parallel_loop3A_85] : memref<32xf32, #tpu.memory_space<vmem>>[vector<16xi32>], vector<16xf32>,
        %parallel_loop3A_87 = arith.constant 16 : i32
        %parallel_loop3A_88 = arith.muli %parallel_loop3A_73, %parallel_loop3A_87 : i32
        %parallel_loop3A_89 = arith.constant 0 : i32
        %parallel_loop3A_90 = arith.constant 0 : i32
        %parallel_loop3A_91 = arith.index_cast %parallel_loop3A_89 : i32 to index
        %parallel_loop3A_92 = arith.index_cast %parallel_loop3A_90 : i32 to index
        %parallel_loop3A_93 = arith.index_cast %parallel_loop3A_88 : i32 to index
        %parallel_loop3A_94 = tpu.vector_load %arg7[%parallel_loop3A_91, %parallel_loop3A_92, %parallel_loop3A_93] {strides = array<i32>} : memref<8x4x512xf32, #tpu.memory_space<vmem>>, vector<16xf32>,
        tpu.vector_store %arg7[%parallel_loop3A_91, %parallel_loop3A_92, %parallel_loop3A_93], %parallel_loop3A_86 {strides = array<i32>} : memref<8x4x512xf32, #tpu.memory_space<vmem>>, vector<16xf32>,
        %parallel_loop3A_95 = arith.constant 1 : i32
        %parallel_loop3A_96 = vector.broadcast %parallel_loop3A_95 : i32 to vector<16xi32>
        %parallel_loop3A_97 = arith.addi %parallel_loop3A_82, %parallel_loop3A_96 : vector<16xi32>
        %parallel_loop3A_98 = tpu.vector_load_idx %arg9[%parallel_loop3A_97] : memref<32xf32, #tpu.memory_space<vmem>>[vector<16xi32>], vector<16xf32>,
        %parallel_loop3A_99 = arith.constant 16 : i32
        %parallel_loop3A_100 = arith.muli %parallel_loop3A_73, %parallel_loop3A_99 : i32
        %parallel_loop3A_101 = arith.constant 0 : i32
        %parallel_loop3A_102 = arith.constant 1 : i32
        %parallel_loop3A_103 = arith.index_cast %parallel_loop3A_101 : i32 to index
        %parallel_loop3A_104 = arith.index_cast %parallel_loop3A_102 : i32 to index
        %parallel_loop3A_105 = arith.index_cast %parallel_loop3A_100 : i32 to index
        %parallel_loop3A_106 = tpu.vector_load %arg7[%parallel_loop3A_103, %parallel_loop3A_104, %parallel_loop3A_105] {strides = array<i32>} : memref<8x4x512xf32, #tpu.memory_space<vmem>>, vector<16xf32>,
        tpu.vector_store %arg7[%parallel_loop3A_103, %parallel_loop3A_104, %parallel_loop3A_105], %parallel_loop3A_98 {strides = array<i32>} : memref<8x4x512xf32, #tpu.memory_space<vmem>>, vector<16xf32>,
        %parallel_loop3A_107 = arith.constant 2 : i32
        %parallel_loop3A_108 = vector.broadcast %parallel_loop3A_107 : i32 to vector<16xi32>
        %parallel_loop3A_109 = arith.addi %parallel_loop3A_82, %parallel_loop3A_108 : vector<16xi32>
        %parallel_loop3A_110 = tpu.vector_load_idx %arg9[%parallel_loop3A_109] : memref<32xf32, #tpu.memory_space<vmem>>[vector<16xi32>], vector<16xf32>,
        %parallel_loop3A_111 = arith.constant 16 : i32
        %parallel_loop3A_112 = arith.muli %parallel_loop3A_73, %parallel_loop3A_111 : i32
        %parallel_loop3A_113 = arith.constant 0 : i32
        %parallel_loop3A_114 = arith.constant 2 : i32
        %parallel_loop3A_115 = arith.index_cast %parallel_loop3A_113 : i32 to index
        %parallel_loop3A_116 = arith.index_cast %parallel_loop3A_114 : i32 to index
        %parallel_loop3A_117 = arith.index_cast %parallel_loop3A_112 : i32 to index
        %parallel_loop3A_118 = tpu.vector_load %arg7[%parallel_loop3A_115, %parallel_loop3A_116, %parallel_loop3A_117] {strides = array<i32>} : memref<8x4x512xf32, #tpu.memory_space<vmem>>, vector<16xf32>,
        tpu.vector_store %arg7[%parallel_loop3A_115, %parallel_loop3A_116, %parallel_loop3A_117], %parallel_loop3A_110 {strides = array<i32>} : memref<8x4x512xf32, #tpu.memory_space<vmem>>, vector<16xf32>,
        %parallel_loop3A_119 = arith.constant 3 : i32
        %parallel_loop3A_120 = vector.broadcast %parallel_loop3A_119 : i32 to vector<16xi32>
        %parallel_loop3A_121 = arith.addi %parallel_loop3A_82, %parallel_loop3A_120 : vector<16xi32>
        %parallel_loop3A_122 = tpu.vector_load_idx %arg9[%parallel_loop3A_121] : memref<32xf32, #tpu.memory_space<vmem>>[vector<16xi32>], vector<16xf32>,
        %parallel_loop3A_123 = arith.constant 16 : i32
        %parallel_loop3A_124 = arith.muli %parallel_loop3A_73, %parallel_loop3A_123 : i32
        %parallel_loop3A_125 = arith.constant 0 : i32
        %parallel_loop3A_126 = arith.constant 3 : i32
        %parallel_loop3A_127 = arith.index_cast %parallel_loop3A_125 : i32 to index
        %parallel_loop3A_128 = arith.index_cast %parallel_loop3A_126 : i32 to index
        %parallel_loop3A_129 = arith.index_cast %parallel_loop3A_124 : i32 to index
        %parallel_loop3A_130 = tpu.vector_load %arg7[%parallel_loop3A_127, %parallel_loop3A_128, %parallel_loop3A_129] {strides = array<i32>} : memref<8x4x512xf32, #tpu.memory_space<vmem>>, vector<16xf32>,
        tpu.vector_store %arg7[%parallel_loop3A_127, %parallel_loop3A_128, %parallel_loop3A_129], %parallel_loop3A_122 {strides = array<i32>} : memref<8x4x512xf32, #tpu.memory_space<vmem>>, vector<16xf32>,
      } {sc.loop_unroll_factor = 8 : i64, sc.parallel_access}
      %parallel_loop3A_39 = arith.constant 0 : i32
      %parallel_loop3A_40 = arith.constant 32 : i32
      %parallel_loop3A_41 = arith.constant 1 : i32
      scf.for %parallel_loop3A_73 = %parallel_loop3A_39 to %parallel_loop3A_40 step %parallel_loop3A_41  : i32 {
        %parallel_loop3A_74 = arith.constant 16 : i32
        %parallel_loop3A_75 = arith.muli %parallel_loop3A_73, %parallel_loop3A_74 : i32
        %parallel_loop3A_76 = arith.constant 1 : i32
        %parallel_loop3A_77 = arith.index_cast %parallel_loop3A_76 : i32 to index
        %parallel_loop3A_78 = arith.index_cast %parallel_loop3A_75 : i32 to index
        %parallel_loop3A_79 = tpu.vector_load %arg5[%parallel_loop3A_77, %parallel_loop3A_78] {strides = array<i32>} : memref<8x512xi32, #tpu.memory_space<vmem>>, vector<16xi32>,
        %parallel_loop3A_80 = arith.constant 4 : i32
        %parallel_loop3A_81 = vector.broadcast %parallel_loop3A_80 : i32 to vector<16xi32>
        %parallel_loop3A_82 = arith.muli %parallel_loop3A_79, %parallel_loop3A_81 : vector<16xi32>
        %parallel_loop3A_83 = arith.constant 0 : i32
        %parallel_loop3A_84 = vector.broadcast %parallel_loop3A_83 : i32 to vector<16xi32>
        %parallel_loop3A_85 = arith.addi %parallel_loop3A_82, %parallel_loop3A_84 : vector<16xi32>
        %parallel_loop3A_86 = tpu.vector_load_idx %arg9[%parallel_loop3A_85] : memref<32xf32, #tpu.memory_space<vmem>>[vector<16xi32>], vector<16xf32>,
        %parallel_loop3A_87 = arith.constant 16 : i32
        %parallel_loop3A_88 = arith.muli %parallel_loop3A_73, %parallel_loop3A_87 : i32
        %parallel_loop3A_89 = arith.constant 1 : i32
        %parallel_loop3A_90 = arith.constant 0 : i32
        %parallel_loop3A_91 = arith.index_cast %parallel_loop3A_89 : i32 to index
        %parallel_loop3A_92 = arith.index_cast %parallel_loop3A_90 : i32 to index
        %parallel_loop3A_93 = arith.index_cast %parallel_loop3A_88 : i32 to index
        %parallel_loop3A_94 = tpu.vector_load %arg7[%parallel_loop3A_91, %parallel_loop3A_92, %parallel_loop3A_93] {strides = array<i32>} : memref<8x4x512xf32, #tpu.memory_space<vmem>>, vector<16xf32>,
        tpu.vector_store %arg7[%parallel_loop3A_91, %parallel_loop3A_92, %parallel_loop3A_93], %parallel_loop3A_86 {strides = array<i32>} : memref<8x4x512xf32, #tpu.memory_space<vmem>>, vector<16xf32>,
        %parallel_loop3A_95 = arith.constant 1 : i32
        %parallel_loop3A_96 = vector.broadcast %parallel_loop3A_95 : i32 to vector<16xi32>
        %parallel_loop3A_97 = arith.addi %parallel_loop3A_82, %parallel_loop3A_96 : vector<16xi32>
        %parallel_loop3A_98 = tpu.vector_load_idx %arg9[%parallel_loop3A_97] : memref<32xf32, #tpu.memory_space<vmem>>[vector<16xi32>], vector<16xf32>,
        %parallel_loop3A_99 = arith.constant 16 : i32
        %parallel_loop3A_100 = arith.muli %parallel_loop3A_73, %parallel_loop3A_99 : i32
        %parallel_loop3A_101 = arith.constant 1 : i32
        %parallel_loop3A_102 = arith.constant 1 : i32
        %parallel_loop3A_103 = arith.index_cast %parallel_loop3A_101 : i32 to index
        %parallel_loop3A_104 = arith.index_cast %parallel_loop3A_102 : i32 to index
        %parallel_loop3A_105 = arith.index_cast %parallel_loop3A_100 : i32 to index
        %parallel_loop3A_106 = tpu.vector_load %arg7[%parallel_loop3A_103, %parallel_loop3A_104, %parallel_loop3A_105] {strides = array<i32>} : memref<8x4x512xf32, #tpu.memory_space<vmem>>, vector<16xf32>,
        tpu.vector_store %arg7[%parallel_loop3A_103, %parallel_loop3A_104, %parallel_loop3A_105], %parallel_loop3A_98 {strides = array<i32>} : memref<8x4x512xf32, #tpu.memory_space<vmem>>, vector<16xf32>,
        %parallel_loop3A_107 = arith.constant 2 : i32
        %parallel_loop3A_108 = vector.broadcast %parallel_loop3A_107 : i32 to vector<16xi32>
        %parallel_loop3A_109 = arith.addi %parallel_loop3A_82, %parallel_loop3A_108 : vector<16xi32>
        %parallel_loop3A_110 = tpu.vector_load_idx %arg9[%parallel_loop3A_109] : memref<32xf32, #tpu.memory_space<vmem>>[vector<16xi32>], vector<16xf32>,
        %parallel_loop3A_111 = arith.constant 16 : i32
        %parallel_loop3A_112 = arith.muli %parallel_loop3A_73, %parallel_loop3A_111 : i32
        %parallel_loop3A_113 = arith.constant 1 : i32
        %parallel_loop3A_114 = arith.constant 2 : i32
        %parallel_loop3A_115 = arith.index_cast %parallel_loop3A_113 : i32 to index
        %parallel_loop3A_116 = arith.index_cast %parallel_loop3A_114 : i32 to index
        %parallel_loop3A_117 = arith.index_cast %parallel_loop3A_112 : i32 to index
        %parallel_loop3A_118 = tpu.vector_load %arg7[%parallel_loop3A_115, %parallel_loop3A_116, %parallel_loop3A_117] {strides = array<i32>} : memref<8x4x512xf32, #tpu.memory_space<vmem>>, vector<16xf32>,
        tpu.vector_store %arg7[%parallel_loop3A_115, %parallel_loop3A_116, %parallel_loop3A_117], %parallel_loop3A_110 {strides = array<i32>} : memref<8x4x512xf32, #tpu.memory_space<vmem>>, vector<16xf32>,
        %parallel_loop3A_119 = arith.constant 3 : i32
        %parallel_loop3A_120 = vector.broadcast %parallel_loop3A_119 : i32 to vector<16xi32>
        %parallel_loop3A_121 = arith.addi %parallel_loop3A_82, %parallel_loop3A_120 : vector<16xi32>
        %parallel_loop3A_122 = tpu.vector_load_idx %arg9[%parallel_loop3A_121] : memref<32xf32, #tpu.memory_space<vmem>>[vector<16xi32>], vector<16xf32>,
        %parallel_loop3A_123 = arith.constant 16 : i32
        %parallel_loop3A_124 = arith.muli %parallel_loop3A_73, %parallel_loop3A_123 : i32
        %parallel_loop3A_125 = arith.constant 1 : i32
        %parallel_loop3A_126 = arith.constant 3 : i32
        %parallel_loop3A_127 = arith.index_cast %parallel_loop3A_125 : i32 to index
        %parallel_loop3A_128 = arith.index_cast %parallel_loop3A_126 : i32 to index
        %parallel_loop3A_129 = arith.index_cast %parallel_loop3A_124 : i32 to index
        %parallel_loop3A_130 = tpu.vector_load %arg7[%parallel_loop3A_127, %parallel_loop3A_128, %parallel_loop3A_129] {strides = array<i32>} : memref<8x4x512xf32, #tpu.memory_space<vmem>>, vector<16xf32>,
        tpu.vector_store %arg7[%parallel_loop3A_127, %parallel_loop3A_128, %parallel_loop3A_129], %parallel_loop3A_122 {strides = array<i32>} : memref<8x4x512xf32, #tpu.memory_space<vmem>>, vector<16xf32>,
      } {sc.loop_unroll_factor = 8 : i64, sc.parallel_access}
      %parallel_loop3A_42 = arith.constant 0 : i32
      %parallel_loop3A_43 = arith.constant 32 : i32
      %parallel_loop3A_44 = arith.constant 1 : i32
      scf.for %parallel_loop3A_73 = %parallel_loop3A_42 to %parallel_loop3A_43 step %parallel_loop3A_44  : i32 {
        %parallel_loop3A_74 = arith.constant 16 : i32
        %parallel_loop3A_75 = arith.muli %parallel_loop3A_73, %parallel_loop3A_74 : i32
        %parallel_loop3A_76 = arith.constant 2 : i32
        %parallel_loop3A_77 = arith.index_cast %parallel_loop3A_76 : i32 to index
        %parallel_loop3A_78 = arith.index_cast %parallel_loop3A_75 : i32 to index
        %parallel_loop3A_79 = tpu.vector_load %arg5[%parallel_loop3A_77, %parallel_loop3A_78] {strides = array<i32>} : memref<8x512xi32, #tpu.memory_space<vmem>>, vector<16xi32>,
        %parallel_loop3A_80 = arith.constant 4 : i32
        %parallel_loop3A_81 = vector.broadcast %parallel_loop3A_80 : i32 to vector<16xi32>
        %parallel_loop3A_82 = arith.muli %parallel_loop3A_79, %parallel_loop3A_81 : vector<16xi32>
        %parallel_loop3A_83 = arith.constant 0 : i32
        %parallel_loop3A_84 = vector.broadcast %parallel_loop3A_83 : i32 to vector<16xi32>
        %parallel_loop3A_85 = arith.addi %parallel_loop3A_82, %parallel_loop3A_84 : vector<16xi32>
        %parallel_loop3A_86 = tpu.vector_load_idx %arg9[%parallel_loop3A_85] : memref<32xf32, #tpu.memory_space<vmem>>[vector<16xi32>], vector<16xf32>,
        %parallel_loop3A_87 = arith.constant 16 : i32
        %parallel_loop3A_88 = arith.muli %parallel_loop3A_73, %parallel_loop3A_87 : i32
        %parallel_loop3A_89 = arith.constant 2 : i32
        %parallel_loop3A_90 = arith.constant 0 : i32
        %parallel_loop3A_91 = arith.index_cast %parallel_loop3A_89 : i32 to index
        %parallel_loop3A_92 = arith.index_cast %parallel_loop3A_90 : i32 to index
        %parallel_loop3A_93 = arith.index_cast %parallel_loop3A_88 : i32 to index
        %parallel_loop3A_94 = tpu.vector_load %arg7[%parallel_loop3A_91, %parallel_loop3A_92, %parallel_loop3A_93] {strides = array<i32>} : memref<8x4x512xf32, #tpu.memory_space<vmem>>, vector<16xf32>,
        tpu.vector_store %arg7[%parallel_loop3A_91, %parallel_loop3A_92, %parallel_loop3A_93], %parallel_loop3A_86 {strides = array<i32>} : memref<8x4x512xf32, #tpu.memory_space<vmem>>, vector<16xf32>,
        %parallel_loop3A_95 = arith.constant 1 : i32
        %parallel_loop3A_96 = vector.broadcast %parallel_loop3A_95 : i32 to vector<16xi32>
        %parallel_loop3A_97 = arith.addi %parallel_loop3A_82, %parallel_loop3A_96 : vector<16xi32>
        %parallel_loop3A_98 = tpu.vector_load_idx %arg9[%parallel_loop3A_97] : memref<32xf32, #tpu.memory_space<vmem>>[vector<16xi32>], vector<16xf32>,
        %parallel_loop3A_99 = arith.constant 16 : i32
        %parallel_loop3A_100 = arith.muli %parallel_loop3A_73, %parallel_loop3A_99 : i32
        %parallel_loop3A_101 = arith.constant 2 : i32
        %parallel_loop3A_102 = arith.constant 1 : i32
        %parallel_loop3A_103 = arith.index_cast %parallel_loop3A_101 : i32 to index
        %parallel_loop3A_104 = arith.index_cast %parallel_loop3A_102 : i32 to index
        %parallel_loop3A_105 = arith.index_cast %parallel_loop3A_100 : i32 to index
        %parallel_loop3A_106 = tpu.vector_load %arg7[%parallel_loop3A_103, %parallel_loop3A_104, %parallel_loop3A_105] {strides = array<i32>} : memref<8x4x512xf32, #tpu.memory_space<vmem>>, vector<16xf32>,
        tpu.vector_store %arg7[%parallel_loop3A_103, %parallel_loop3A_104, %parallel_loop3A_105], %parallel_loop3A_98 {strides = array<i32>} : memref<8x4x512xf32, #tpu.memory_space<vmem>>, vector<16xf32>,
        %parallel_loop3A_107 = arith.constant 2 : i32
        %parallel_loop3A_108 = vector.broadcast %parallel_loop3A_107 : i32 to vector<16xi32>
        %parallel_loop3A_109 = arith.addi %parallel_loop3A_82, %parallel_loop3A_108 : vector<16xi32>
        %parallel_loop3A_110 = tpu.vector_load_idx %arg9[%parallel_loop3A_109] : memref<32xf32, #tpu.memory_space<vmem>>[vector<16xi32>], vector<16xf32>,
        %parallel_loop3A_111 = arith.constant 16 : i32
        %parallel_loop3A_112 = arith.muli %parallel_loop3A_73, %parallel_loop3A_111 : i32
        %parallel_loop3A_113 = arith.constant 2 : i32
        %parallel_loop3A_114 = arith.constant 2 : i32
        %parallel_loop3A_115 = arith.index_cast %parallel_loop3A_113 : i32 to index
        %parallel_loop3A_116 = arith.index_cast %parallel_loop3A_114 : i32 to index
        %parallel_loop3A_117 = arith.index_cast %parallel_loop3A_112 : i32 to index
        %parallel_loop3A_118 = tpu.vector_load %arg7[%parallel_loop3A_115, %parallel_loop3A_116, %parallel_loop3A_117] {strides = array<i32>} : memref<8x4x512xf32, #tpu.memory_space<vmem>>, vector<16xf32>,
        tpu.vector_store %arg7[%parallel_loop3A_115, %parallel_loop3A_116, %parallel_loop3A_117], %parallel_loop3A_110 {strides = array<i32>} : memref<8x4x512xf32, #tpu.memory_space<vmem>>, vector<16xf32>,
        %parallel_loop3A_119 = arith.constant 3 : i32
        %parallel_loop3A_120 = vector.broadcast %parallel_loop3A_119 : i32 to vector<16xi32>
        %parallel_loop3A_121 = arith.addi %parallel_loop3A_82, %parallel_loop3A_120 : vector<16xi32>
        %parallel_loop3A_122 = tpu.vector_load_idx %arg9[%parallel_loop3A_121] : memref<32xf32, #tpu.memory_space<vmem>>[vector<16xi32>], vector<16xf32>,
        %parallel_loop3A_123 = arith.constant 16 : i32
        %parallel_loop3A_124 = arith.muli %parallel_loop3A_73, %parallel_loop3A_123 : i32
        %parallel_loop3A_125 = arith.constant 2 : i32
        %parallel_loop3A_126 = arith.constant 3 : i32
        %parallel_loop3A_127 = arith.index_cast %parallel_loop3A_125 : i32 to index
        %parallel_loop3A_128 = arith.index_cast %parallel_loop3A_126 : i32 to index
        %parallel_loop3A_129 = arith.index_cast %parallel_loop3A_124 : i32 to index
        %parallel_loop3A_130 = tpu.vector_load %arg7[%parallel_loop3A_127, %parallel_loop3A_128, %parallel_loop3A_129] {strides = array<i32>} : memref<8x4x512xf32, #tpu.memory_space<vmem>>, vector<16xf32>,
        tpu.vector_store %arg7[%parallel_loop3A_127, %parallel_loop3A_128, %parallel_loop3A_129], %parallel_loop3A_122 {strides = array<i32>} : memref<8x4x512xf32, #tpu.memory_space<vmem>>, vector<16xf32>,
      } {sc.loop_unroll_factor = 8 : i64, sc.parallel_access}
      %parallel_loop3A_45 = arith.constant 0 : i32
      %parallel_loop3A_46 = arith.constant 32 : i32
      %parallel_loop3A_47 = arith.constant 1 : i32
      scf.for %parallel_loop3A_73 = %parallel_loop3A_45 to %parallel_loop3A_46 step %parallel_loop3A_47  : i32 {
        %parallel_loop3A_74 = arith.constant 16 : i32
        %parallel_loop3A_75 = arith.muli %parallel_loop3A_73, %parallel_loop3A_74 : i32
        %parallel_loop3A_76 = arith.constant 3 : i32
        %parallel_loop3A_77 = arith.index_cast %parallel_loop3A_76 : i32 to index
        %parallel_loop3A_78 = arith.index_cast %parallel_loop3A_75 : i32 to index
        %parallel_loop3A_79 = tpu.vector_load %arg5[%parallel_loop3A_77, %parallel_loop3A_78] {strides = array<i32>} : memref<8x512xi32, #tpu.memory_space<vmem>>, vector<16xi32>,
        %parallel_loop3A_80 = arith.constant 4 : i32
        %parallel_loop3A_81 = vector.broadcast %parallel_loop3A_80 : i32 to vector<16xi32>
        %parallel_loop3A_82 = arith.muli %parallel_loop3A_79, %parallel_loop3A_81 : vector<16xi32>
        %parallel_loop3A_83 = arith.constant 0 : i32
        %parallel_loop3A_84 = vector.broadcast %parallel_loop3A_83 : i32 to vector<16xi32>
        %parallel_loop3A_85 = arith.addi %parallel_loop3A_82, %parallel_loop3A_84 : vector<16xi32>
        %parallel_loop3A_86 = tpu.vector_load_idx %arg9[%parallel_loop3A_85] : memref<32xf32, #tpu.memory_space<vmem>>[vector<16xi32>], vector<16xf32>,
        %parallel_loop3A_87 = arith.constant 16 : i32
        %parallel_loop3A_88 = arith.muli %parallel_loop3A_73, %parallel_loop3A_87 : i32
        %parallel_loop3A_89 = arith.constant 3 : i32
        %parallel_loop3A_90 = arith.constant 0 : i32
        %parallel_loop3A_91 = arith.index_cast %parallel_loop3A_89 : i32 to index
        %parallel_loop3A_92 = arith.index_cast %parallel_loop3A_90 : i32 to index
        %parallel_loop3A_93 = arith.index_cast %parallel_loop3A_88 : i32 to index
        %parallel_loop3A_94 = tpu.vector_load %arg7[%parallel_loop3A_91, %parallel_loop3A_92, %parallel_loop3A_93] {strides = array<i32>} : memref<8x4x512xf32, #tpu.memory_space<vmem>>, vector<16xf32>,
        tpu.vector_store %arg7[%parallel_loop3A_91, %parallel_loop3A_92, %parallel_loop3A_93], %parallel_loop3A_86 {strides = array<i32>} : memref<8x4x512xf32, #tpu.memory_space<vmem>>, vector<16xf32>,
        %parallel_loop3A_95 = arith.constant 1 : i32
        %parallel_loop3A_96 = vector.broadcast %parallel_loop3A_95 : i32 to vector<16xi32>
        %parallel_loop3A_97 = arith.addi %parallel_loop3A_82, %parallel_loop3A_96 : vector<16xi32>
        %parallel_loop3A_98 = tpu.vector_load_idx %arg9[%parallel_loop3A_97] : memref<32xf32, #tpu.memory_space<vmem>>[vector<16xi32>], vector<16xf32>,
        %parallel_loop3A_99 = arith.constant 16 : i32
        %parallel_loop3A_100 = arith.muli %parallel_loop3A_73, %parallel_loop3A_99 : i32
        %parallel_loop3A_101 = arith.constant 3 : i32
        %parallel_loop3A_102 = arith.constant 1 : i32
        %parallel_loop3A_103 = arith.index_cast %parallel_loop3A_101 : i32 to index
        %parallel_loop3A_104 = arith.index_cast %parallel_loop3A_102 : i32 to index
        %parallel_loop3A_105 = arith.index_cast %parallel_loop3A_100 : i32 to index
        %parallel_loop3A_106 = tpu.vector_load %arg7[%parallel_loop3A_103, %parallel_loop3A_104, %parallel_loop3A_105] {strides = array<i32>} : memref<8x4x512xf32, #tpu.memory_space<vmem>>, vector<16xf32>,
        tpu.vector_store %arg7[%parallel_loop3A_103, %parallel_loop3A_104, %parallel_loop3A_105], %parallel_loop3A_98 {strides = array<i32>} : memref<8x4x512xf32, #tpu.memory_space<vmem>>, vector<16xf32>,
        %parallel_loop3A_107 = arith.constant 2 : i32
        %parallel_loop3A_108 = vector.broadcast %parallel_loop3A_107 : i32 to vector<16xi32>
        %parallel_loop3A_109 = arith.addi %parallel_loop3A_82, %parallel_loop3A_108 : vector<16xi32>
        %parallel_loop3A_110 = tpu.vector_load_idx %arg9[%parallel_loop3A_109] : memref<32xf32, #tpu.memory_space<vmem>>[vector<16xi32>], vector<16xf32>,
        %parallel_loop3A_111 = arith.constant 16 : i32
        %parallel_loop3A_112 = arith.muli %parallel_loop3A_73, %parallel_loop3A_111 : i32
        %parallel_loop3A_113 = arith.constant 3 : i32
        %parallel_loop3A_114 = arith.constant 2 : i32
        %parallel_loop3A_115 = arith.index_cast %parallel_loop3A_113 : i32 to index
        %parallel_loop3A_116 = arith.index_cast %parallel_loop3A_114 : i32 to index
        %parallel_loop3A_117 = arith.index_cast %parallel_loop3A_112 : i32 to index
        %parallel_loop3A_118 = tpu.vector_load %arg7[%parallel_loop3A_115, %parallel_loop3A_116, %parallel_loop3A_117] {strides = array<i32>} : memref<8x4x512xf32, #tpu.memory_space<vmem>>, vector<16xf32>,
        tpu.vector_store %arg7[%parallel_loop3A_115, %parallel_loop3A_116, %parallel_loop3A_117], %parallel_loop3A_110 {strides = array<i32>} : memref<8x4x512xf32, #tpu.memory_space<vmem>>, vector<16xf32>,
        %parallel_loop3A_119 = arith.constant 3 : i32
        %parallel_loop3A_120 = vector.broadcast %parallel_loop3A_119 : i32 to vector<16xi32>
        %parallel_loop3A_121 = arith.addi %parallel_loop3A_82, %parallel_loop3A_120 : vector<16xi32>
        %parallel_loop3A_122 = tpu.vector_load_idx %arg9[%parallel_loop3A_121] : memref<32xf32, #tpu.memory_space<vmem>>[vector<16xi32>], vector<16xf32>,
        %parallel_loop3A_123 = arith.constant 16 : i32
        %parallel_loop3A_124 = arith.muli %parallel_loop3A_73, %parallel_loop3A_123 : i32
        %parallel_loop3A_125 = arith.constant 3 : i32
        %parallel_loop3A_126 = arith.constant 3 : i32
        %parallel_loop3A_127 = arith.index_cast %parallel_loop3A_125 : i32 to index
        %parallel_loop3A_128 = arith.index_cast %parallel_loop3A_126 : i32 to index
        %parallel_loop3A_129 = arith.index_cast %parallel_loop3A_124 : i32 to index
        %parallel_loop3A_130 = tpu.vector_load %arg7[%parallel_loop3A_127, %parallel_loop3A_128, %parallel_loop3A_129] {strides = array<i32>} : memref<8x4x512xf32, #tpu.memory_space<vmem>>, vector<16xf32>,
        tpu.vector_store %arg7[%parallel_loop3A_127, %parallel_loop3A_128, %parallel_loop3A_129], %parallel_loop3A_122 {strides = array<i32>} : memref<8x4x512xf32, #tpu.memory_space<vmem>>, vector<16xf32>,
      } {sc.loop_unroll_factor = 8 : i64, sc.parallel_access}
      %parallel_loop3A_48 = arith.constant 0 : i32
      %parallel_loop3A_49 = arith.constant 32 : i32
      %parallel_loop3A_50 = arith.constant 1 : i32
      scf.for %parallel_loop3A_73 = %parallel_loop3A_48 to %parallel_loop3A_49 step %parallel_loop3A_50  : i32 {
        %parallel_loop3A_74 = arith.constant 16 : i32
        %parallel_loop3A_75 = arith.muli %parallel_loop3A_73, %parallel_loop3A_74 : i32
        %parallel_loop3A_76 = arith.constant 4 : i32
        %parallel_loop3A_77 = arith.index_cast %parallel_loop3A_76 : i32 to index
        %parallel_loop3A_78 = arith.index_cast %parallel_loop3A_75 : i32 to index
        %parallel_loop3A_79 = tpu.vector_load %arg5[%parallel_loop3A_77, %parallel_loop3A_78] {strides = array<i32>} : memref<8x512xi32, #tpu.memory_space<vmem>>, vector<16xi32>,
        %parallel_loop3A_80 = arith.constant 4 : i32
        %parallel_loop3A_81 = vector.broadcast %parallel_loop3A_80 : i32 to vector<16xi32>
        %parallel_loop3A_82 = arith.muli %parallel_loop3A_79, %parallel_loop3A_81 : vector<16xi32>
        %parallel_loop3A_83 = arith.constant 0 : i32
        %parallel_loop3A_84 = vector.broadcast %parallel_loop3A_83 : i32 to vector<16xi32>
        %parallel_loop3A_85 = arith.addi %parallel_loop3A_82, %parallel_loop3A_84 : vector<16xi32>
        %parallel_loop3A_86 = tpu.vector_load_idx %arg9[%parallel_loop3A_85] : memref<32xf32, #tpu.memory_space<vmem>>[vector<16xi32>], vector<16xf32>,
        %parallel_loop3A_87 = arith.constant 16 : i32
        %parallel_loop3A_88 = arith.muli %parallel_loop3A_73, %parallel_loop3A_87 : i32
        %parallel_loop3A_89 = arith.constant 4 : i32
        %parallel_loop3A_90 = arith.constant 0 : i32
        %parallel_loop3A_91 = arith.index_cast %parallel_loop3A_89 : i32 to index
        %parallel_loop3A_92 = arith.index_cast %parallel_loop3A_90 : i32 to index
        %parallel_loop3A_93 = arith.index_cast %parallel_loop3A_88 : i32 to index
        %parallel_loop3A_94 = tpu.vector_load %arg7[%parallel_loop3A_91, %parallel_loop3A_92, %parallel_loop3A_93] {strides = array<i32>} : memref<8x4x512xf32, #tpu.memory_space<vmem>>, vector<16xf32>,
        tpu.vector_store %arg7[%parallel_loop3A_91, %parallel_loop3A_92, %parallel_loop3A_93], %parallel_loop3A_86 {strides = array<i32>} : memref<8x4x512xf32, #tpu.memory_space<vmem>>, vector<16xf32>,
        %parallel_loop3A_95 = arith.constant 1 : i32
        %parallel_loop3A_96 = vector.broadcast %parallel_loop3A_95 : i32 to vector<16xi32>
        %parallel_loop3A_97 = arith.addi %parallel_loop3A_82, %parallel_loop3A_96 : vector<16xi32>
        %parallel_loop3A_98 = tpu.vector_load_idx %arg9[%parallel_loop3A_97] : memref<32xf32, #tpu.memory_space<vmem>>[vector<16xi32>], vector<16xf32>,
        %parallel_loop3A_99 = arith.constant 16 : i32
        %parallel_loop3A_100 = arith.muli %parallel_loop3A_73, %parallel_loop3A_99 : i32
        %parallel_loop3A_101 = arith.constant 4 : i32
        %parallel_loop3A_102 = arith.constant 1 : i32
        %parallel_loop3A_103 = arith.index_cast %parallel_loop3A_101 : i32 to index
        %parallel_loop3A_104 = arith.index_cast %parallel_loop3A_102 : i32 to index
        %parallel_loop3A_105 = arith.index_cast %parallel_loop3A_100 : i32 to index
        %parallel_loop3A_106 = tpu.vector_load %arg7[%parallel_loop3A_103, %parallel_loop3A_104, %parallel_loop3A_105] {strides = array<i32>} : memref<8x4x512xf32, #tpu.memory_space<vmem>>, vector<16xf32>,
        tpu.vector_store %arg7[%parallel_loop3A_103, %parallel_loop3A_104, %parallel_loop3A_105], %parallel_loop3A_98 {strides = array<i32>} : memref<8x4x512xf32, #tpu.memory_space<vmem>>, vector<16xf32>,
        %parallel_loop3A_107 = arith.constant 2 : i32
        %parallel_loop3A_108 = vector.broadcast %parallel_loop3A_107 : i32 to vector<16xi32>
        %parallel_loop3A_109 = arith.addi %parallel_loop3A_82, %parallel_loop3A_108 : vector<16xi32>
        %parallel_loop3A_110 = tpu.vector_load_idx %arg9[%parallel_loop3A_109] : memref<32xf32, #tpu.memory_space<vmem>>[vector<16xi32>], vector<16xf32>,
        %parallel_loop3A_111 = arith.constant 16 : i32
        %parallel_loop3A_112 = arith.muli %parallel_loop3A_73, %parallel_loop3A_111 : i32
        %parallel_loop3A_113 = arith.constant 4 : i32
        %parallel_loop3A_114 = arith.constant 2 : i32
        %parallel_loop3A_115 = arith.index_cast %parallel_loop3A_113 : i32 to index
        %parallel_loop3A_116 = arith.index_cast %parallel_loop3A_114 : i32 to index
        %parallel_loop3A_117 = arith.index_cast %parallel_loop3A_112 : i32 to index
        %parallel_loop3A_118 = tpu.vector_load %arg7[%parallel_loop3A_115, %parallel_loop3A_116, %parallel_loop3A_117] {strides = array<i32>} : memref<8x4x512xf32, #tpu.memory_space<vmem>>, vector<16xf32>,
        tpu.vector_store %arg7[%parallel_loop3A_115, %parallel_loop3A_116, %parallel_loop3A_117], %parallel_loop3A_110 {strides = array<i32>} : memref<8x4x512xf32, #tpu.memory_space<vmem>>, vector<16xf32>,
        %parallel_loop3A_119 = arith.constant 3 : i32
        %parallel_loop3A_120 = vector.broadcast %parallel_loop3A_119 : i32 to vector<16xi32>
        %parallel_loop3A_121 = arith.addi %parallel_loop3A_82, %parallel_loop3A_120 : vector<16xi32>
        %parallel_loop3A_122 = tpu.vector_load_idx %arg9[%parallel_loop3A_121] : memref<32xf32, #tpu.memory_space<vmem>>[vector<16xi32>], vector<16xf32>,
        %parallel_loop3A_123 = arith.constant 16 : i32
        %parallel_loop3A_124 = arith.muli %parallel_loop3A_73, %parallel_loop3A_123 : i32
        %parallel_loop3A_125 = arith.constant 4 : i32
        %parallel_loop3A_126 = arith.constant 3 : i32
        %parallel_loop3A_127 = arith.index_cast %parallel_loop3A_125 : i32 to index
        %parallel_loop3A_128 = arith.index_cast %parallel_loop3A_126 : i32 to index
        %parallel_loop3A_129 = arith.index_cast %parallel_loop3A_124 : i32 to index
        %parallel_loop3A_130 = tpu.vector_load %arg7[%parallel_loop3A_127, %parallel_loop3A_128, %parallel_loop3A_129] {strides = array<i32>} : memref<8x4x512xf32, #tpu.memory_space<vmem>>, vector<16xf32>,
        tpu.vector_store %arg7[%parallel_loop3A_127, %parallel_loop3A_128, %parallel_loop3A_129], %parallel_loop3A_122 {strides = array<i32>} : memref<8x4x512xf32, #tpu.memory_space<vmem>>, vector<16xf32>,
      } {sc.loop_unroll_factor = 8 : i64, sc.parallel_access}
      %parallel_loop3A_51 = arith.constant 0 : i32
      %parallel_loop3A_52 = arith.constant 32 : i32
      %parallel_loop3A_53 = arith.constant 1 : i32
      scf.for %parallel_loop3A_73 = %parallel_loop3A_51 to %parallel_loop3A_52 step %parallel_loop3A_53  : i32 {
        %parallel_loop3A_74 = arith.constant 16 : i32
        %parallel_loop3A_75 = arith.muli %parallel_loop3A_73, %parallel_loop3A_74 : i32
        %parallel_loop3A_76 = arith.constant 5 : i32
        %parallel_loop3A_77 = arith.index_cast %parallel_loop3A_76 : i32 to index
        %parallel_loop3A_78 = arith.index_cast %parallel_loop3A_75 : i32 to index
        %parallel_loop3A_79 = tpu.vector_load %arg5[%parallel_loop3A_77, %parallel_loop3A_78] {strides = array<i32>} : memref<8x512xi32, #tpu.memory_space<vmem>>, vector<16xi32>,
        %parallel_loop3A_80 = arith.constant 4 : i32
        %parallel_loop3A_81 = vector.broadcast %parallel_loop3A_80 : i32 to vector<16xi32>
        %parallel_loop3A_82 = arith.muli %parallel_loop3A_79, %parallel_loop3A_81 : vector<16xi32>
        %parallel_loop3A_83 = arith.constant 0 : i32
        %parallel_loop3A_84 = vector.broadcast %parallel_loop3A_83 : i32 to vector<16xi32>
        %parallel_loop3A_85 = arith.addi %parallel_loop3A_82, %parallel_loop3A_84 : vector<16xi32>
        %parallel_loop3A_86 = tpu.vector_load_idx %arg9[%parallel_loop3A_85] : memref<32xf32, #tpu.memory_space<vmem>>[vector<16xi32>], vector<16xf32>,
        %parallel_loop3A_87 = arith.constant 16 : i32
        %parallel_loop3A_88 = arith.muli %parallel_loop3A_73, %parallel_loop3A_87 : i32
        %parallel_loop3A_89 = arith.constant 5 : i32
        %parallel_loop3A_90 = arith.constant 0 : i32
        %parallel_loop3A_91 = arith.index_cast %parallel_loop3A_89 : i32 to index
        %parallel_loop3A_92 = arith.index_cast %parallel_loop3A_90 : i32 to index
        %parallel_loop3A_93 = arith.index_cast %parallel_loop3A_88 : i32 to index
        %parallel_loop3A_94 = tpu.vector_load %arg7[%parallel_loop3A_91, %parallel_loop3A_92, %parallel_loop3A_93] {strides = array<i32>} : memref<8x4x512xf32, #tpu.memory_space<vmem>>, vector<16xf32>,
        tpu.vector_store %arg7[%parallel_loop3A_91, %parallel_loop3A_92, %parallel_loop3A_93], %parallel_loop3A_86 {strides = array<i32>} : memref<8x4x512xf32, #tpu.memory_space<vmem>>, vector<16xf32>,
        %parallel_loop3A_95 = arith.constant 1 : i32
        %parallel_loop3A_96 = vector.broadcast %parallel_loop3A_95 : i32 to vector<16xi32>
        %parallel_loop3A_97 = arith.addi %parallel_loop3A_82, %parallel_loop3A_96 : vector<16xi32>
        %parallel_loop3A_98 = tpu.vector_load_idx %arg9[%parallel_loop3A_97] : memref<32xf32, #tpu.memory_space<vmem>>[vector<16xi32>], vector<16xf32>,
        %parallel_loop3A_99 = arith.constant 16 : i32
        %parallel_loop3A_100 = arith.muli %parallel_loop3A_73, %parallel_loop3A_99 : i32
        %parallel_loop3A_101 = arith.constant 5 : i32
        %parallel_loop3A_102 = arith.constant 1 : i32
        %parallel_loop3A_103 = arith.index_cast %parallel_loop3A_101 : i32 to index
        %parallel_loop3A_104 = arith.index_cast %parallel_loop3A_102 : i32 to index
        %parallel_loop3A_105 = arith.index_cast %parallel_loop3A_100 : i32 to index
        %parallel_loop3A_106 = tpu.vector_load %arg7[%parallel_loop3A_103, %parallel_loop3A_104, %parallel_loop3A_105] {strides = array<i32>} : memref<8x4x512xf32, #tpu.memory_space<vmem>>, vector<16xf32>,
        tpu.vector_store %arg7[%parallel_loop3A_103, %parallel_loop3A_104, %parallel_loop3A_105], %parallel_loop3A_98 {strides = array<i32>} : memref<8x4x512xf32, #tpu.memory_space<vmem>>, vector<16xf32>,
        %parallel_loop3A_107 = arith.constant 2 : i32
        %parallel_loop3A_108 = vector.broadcast %parallel_loop3A_107 : i32 to vector<16xi32>
        %parallel_loop3A_109 = arith.addi %parallel_loop3A_82, %parallel_loop3A_108 : vector<16xi32>
        %parallel_loop3A_110 = tpu.vector_load_idx %arg9[%parallel_loop3A_109] : memref<32xf32, #tpu.memory_space<vmem>>[vector<16xi32>], vector<16xf32>,
        %parallel_loop3A_111 = arith.constant 16 : i32
        %parallel_loop3A_112 = arith.muli %parallel_loop3A_73, %parallel_loop3A_111 : i32
        %parallel_loop3A_113 = arith.constant 5 : i32
        %parallel_loop3A_114 = arith.constant 2 : i32
        %parallel_loop3A_115 = arith.index_cast %parallel_loop3A_113 : i32 to index
        %parallel_loop3A_116 = arith.index_cast %parallel_loop3A_114 : i32 to index
        %parallel_loop3A_117 = arith.index_cast %parallel_loop3A_112 : i32 to index
        %parallel_loop3A_118 = tpu.vector_load %arg7[%parallel_loop3A_115, %parallel_loop3A_116, %parallel_loop3A_117] {strides = array<i32>} : memref<8x4x512xf32, #tpu.memory_space<vmem>>, vector<16xf32>,
        tpu.vector_store %arg7[%parallel_loop3A_115, %parallel_loop3A_116, %parallel_loop3A_117], %parallel_loop3A_110 {strides = array<i32>} : memref<8x4x512xf32, #tpu.memory_space<vmem>>, vector<16xf32>,
        %parallel_loop3A_119 = arith.constant 3 : i32
        %parallel_loop3A_120 = vector.broadcast %parallel_loop3A_119 : i32 to vector<16xi32>
        %parallel_loop3A_121 = arith.addi %parallel_loop3A_82, %parallel_loop3A_120 : vector<16xi32>
        %parallel_loop3A_122 = tpu.vector_load_idx %arg9[%parallel_loop3A_121] : memref<32xf32, #tpu.memory_space<vmem>>[vector<16xi32>], vector<16xf32>,
        %parallel_loop3A_123 = arith.constant 16 : i32
        %parallel_loop3A_124 = arith.muli %parallel_loop3A_73, %parallel_loop3A_123 : i32
        %parallel_loop3A_125 = arith.constant 5 : i32
        %parallel_loop3A_126 = arith.constant 3 : i32
        %parallel_loop3A_127 = arith.index_cast %parallel_loop3A_125 : i32 to index
        %parallel_loop3A_128 = arith.index_cast %parallel_loop3A_126 : i32 to index
        %parallel_loop3A_129 = arith.index_cast %parallel_loop3A_124 : i32 to index
        %parallel_loop3A_130 = tpu.vector_load %arg7[%parallel_loop3A_127, %parallel_loop3A_128, %parallel_loop3A_129] {strides = array<i32>} : memref<8x4x512xf32, #tpu.memory_space<vmem>>, vector<16xf32>,
        tpu.vector_store %arg7[%parallel_loop3A_127, %parallel_loop3A_128, %parallel_loop3A_129], %parallel_loop3A_122 {strides = array<i32>} : memref<8x4x512xf32, #tpu.memory_space<vmem>>, vector<16xf32>,
      } {sc.loop_unroll_factor = 8 : i64, sc.parallel_access}
      %parallel_loop3A_54 = arith.constant 0 : i32
      %parallel_loop3A_55 = arith.constant 32 : i32
      %parallel_loop3A_56 = arith.constant 1 : i32
      scf.for %parallel_loop3A_73 = %parallel_loop3A_54 to %parallel_loop3A_55 step %parallel_loop3A_56  : i32 {
        %parallel_loop3A_74 = arith.constant 16 : i32
        %parallel_loop3A_75 = arith.muli %parallel_loop3A_73, %parallel_loop3A_74 : i32
        %parallel_loop3A_76 = arith.constant 6 : i32
        %parallel_loop3A_77 = arith.index_cast %parallel_loop3A_76 : i32 to index
        %parallel_loop3A_78 = arith.index_cast %parallel_loop3A_75 : i32 to index
        %parallel_loop3A_79 = tpu.vector_load %arg5[%parallel_loop3A_77, %parallel_loop3A_78] {strides = array<i32>} : memref<8x512xi32, #tpu.memory_space<vmem>>, vector<16xi32>,
        %parallel_loop3A_80 = arith.constant 4 : i32
        %parallel_loop3A_81 = vector.broadcast %parallel_loop3A_80 : i32 to vector<16xi32>
        %parallel_loop3A_82 = arith.muli %parallel_loop3A_79, %parallel_loop3A_81 : vector<16xi32>
        %parallel_loop3A_83 = arith.constant 0 : i32
        %parallel_loop3A_84 = vector.broadcast %parallel_loop3A_83 : i32 to vector<16xi32>
        %parallel_loop3A_85 = arith.addi %parallel_loop3A_82, %parallel_loop3A_84 : vector<16xi32>
        %parallel_loop3A_86 = tpu.vector_load_idx %arg9[%parallel_loop3A_85] : memref<32xf32, #tpu.memory_space<vmem>>[vector<16xi32>], vector<16xf32>,
        %parallel_loop3A_87 = arith.constant 16 : i32
        %parallel_loop3A_88 = arith.muli %parallel_loop3A_73, %parallel_loop3A_87 : i32
        %parallel_loop3A_89 = arith.constant 6 : i32
        %parallel_loop3A_90 = arith.constant 0 : i32
        %parallel_loop3A_91 = arith.index_cast %parallel_loop3A_89 : i32 to index
        %parallel_loop3A_92 = arith.index_cast %parallel_loop3A_90 : i32 to index
        %parallel_loop3A_93 = arith.index_cast %parallel_loop3A_88 : i32 to index
        %parallel_loop3A_94 = tpu.vector_load %arg7[%parallel_loop3A_91, %parallel_loop3A_92, %parallel_loop3A_93] {strides = array<i32>} : memref<8x4x512xf32, #tpu.memory_space<vmem>>, vector<16xf32>,
        tpu.vector_store %arg7[%parallel_loop3A_91, %parallel_loop3A_92, %parallel_loop3A_93], %parallel_loop3A_86 {strides = array<i32>} : memref<8x4x512xf32, #tpu.memory_space<vmem>>, vector<16xf32>,
        %parallel_loop3A_95 = arith.constant 1 : i32
        %parallel_loop3A_96 = vector.broadcast %parallel_loop3A_95 : i32 to vector<16xi32>
        %parallel_loop3A_97 = arith.addi %parallel_loop3A_82, %parallel_loop3A_96 : vector<16xi32>
        %parallel_loop3A_98 = tpu.vector_load_idx %arg9[%parallel_loop3A_97] : memref<32xf32, #tpu.memory_space<vmem>>[vector<16xi32>], vector<16xf32>,
        %parallel_loop3A_99 = arith.constant 16 : i32
        %parallel_loop3A_100 = arith.muli %parallel_loop3A_73, %parallel_loop3A_99 : i32
        %parallel_loop3A_101 = arith.constant 6 : i32
        %parallel_loop3A_102 = arith.constant 1 : i32
        %parallel_loop3A_103 = arith.index_cast %parallel_loop3A_101 : i32 to index
        %parallel_loop3A_104 = arith.index_cast %parallel_loop3A_102 : i32 to index
        %parallel_loop3A_105 = arith.index_cast %parallel_loop3A_100 : i32 to index
        %parallel_loop3A_106 = tpu.vector_load %arg7[%parallel_loop3A_103, %parallel_loop3A_104, %parallel_loop3A_105] {strides = array<i32>} : memref<8x4x512xf32, #tpu.memory_space<vmem>>, vector<16xf32>,
        tpu.vector_store %arg7[%parallel_loop3A_103, %parallel_loop3A_104, %parallel_loop3A_105], %parallel_loop3A_98 {strides = array<i32>} : memref<8x4x512xf32, #tpu.memory_space<vmem>>, vector<16xf32>,
        %parallel_loop3A_107 = arith.constant 2 : i32
        %parallel_loop3A_108 = vector.broadcast %parallel_loop3A_107 : i32 to vector<16xi32>
        %parallel_loop3A_109 = arith.addi %parallel_loop3A_82, %parallel_loop3A_108 : vector<16xi32>
        %parallel_loop3A_110 = tpu.vector_load_idx %arg9[%parallel_loop3A_109] : memref<32xf32, #tpu.memory_space<vmem>>[vector<16xi32>], vector<16xf32>,
        %parallel_loop3A_111 = arith.constant 16 : i32
        %parallel_loop3A_112 = arith.muli %parallel_loop3A_73, %parallel_loop3A_111 : i32
        %parallel_loop3A_113 = arith.constant 6 : i32
        %parallel_loop3A_114 = arith.constant 2 : i32
        %parallel_loop3A_115 = arith.index_cast %parallel_loop3A_113 : i32 to index
        %parallel_loop3A_116 = arith.index_cast %parallel_loop3A_114 : i32 to index
        %parallel_loop3A_117 = arith.index_cast %parallel_loop3A_112 : i32 to index
        %parallel_loop3A_118 = tpu.vector_load %arg7[%parallel_loop3A_115, %parallel_loop3A_116, %parallel_loop3A_117] {strides = array<i32>} : memref<8x4x512xf32, #tpu.memory_space<vmem>>, vector<16xf32>,
        tpu.vector_store %arg7[%parallel_loop3A_115, %parallel_loop3A_116, %parallel_loop3A_117], %parallel_loop3A_110 {strides = array<i32>} : memref<8x4x512xf32, #tpu.memory_space<vmem>>, vector<16xf32>,
        %parallel_loop3A_119 = arith.constant 3 : i32
        %parallel_loop3A_120 = vector.broadcast %parallel_loop3A_119 : i32 to vector<16xi32>
        %parallel_loop3A_121 = arith.addi %parallel_loop3A_82, %parallel_loop3A_120 : vector<16xi32>
        %parallel_loop3A_122 = tpu.vector_load_idx %arg9[%parallel_loop3A_121] : memref<32xf32, #tpu.memory_space<vmem>>[vector<16xi32>], vector<16xf32>,
        %parallel_loop3A_123 = arith.constant 16 : i32
        %parallel_loop3A_124 = arith.muli %parallel_loop3A_73, %parallel_loop3A_123 : i32
        %parallel_loop3A_125 = arith.constant 6 : i32
        %parallel_loop3A_126 = arith.constant 3 : i32
        %parallel_loop3A_127 = arith.index_cast %parallel_loop3A_125 : i32 to index
        %parallel_loop3A_128 = arith.index_cast %parallel_loop3A_126 : i32 to index
        %parallel_loop3A_129 = arith.index_cast %parallel_loop3A_124 : i32 to index
        %parallel_loop3A_130 = tpu.vector_load %arg7[%parallel_loop3A_127, %parallel_loop3A_128, %parallel_loop3A_129] {strides = array<i32>} : memref<8x4x512xf32, #tpu.memory_space<vmem>>, vector<16xf32>,
        tpu.vector_store %arg7[%parallel_loop3A_127, %parallel_loop3A_128, %parallel_loop3A_129], %parallel_loop3A_122 {strides = array<i32>} : memref<8x4x512xf32, #tpu.memory_space<vmem>>, vector<16xf32>,
      } {sc.loop_unroll_factor = 8 : i64, sc.parallel_access}
      %parallel_loop3A_57 = arith.constant 0 : i32
      %parallel_loop3A_58 = arith.constant 32 : i32
      %parallel_loop3A_59 = arith.constant 1 : i32
      scf.for %parallel_loop3A_73 = %parallel_loop3A_57 to %parallel_loop3A_58 step %parallel_loop3A_59  : i32 {
        %parallel_loop3A_74 = arith.constant 16 : i32
        %parallel_loop3A_75 = arith.muli %parallel_loop3A_73, %parallel_loop3A_74 : i32
        %parallel_loop3A_76 = arith.constant 7 : i32
        %parallel_loop3A_77 = arith.index_cast %parallel_loop3A_76 : i32 to index
        %parallel_loop3A_78 = arith.index_cast %parallel_loop3A_75 : i32 to index
        %parallel_loop3A_79 = tpu.vector_load %arg5[%parallel_loop3A_77, %parallel_loop3A_78] {strides = array<i32>} : memref<8x512xi32, #tpu.memory_space<vmem>>, vector<16xi32>,
        %parallel_loop3A_80 = arith.constant 4 : i32
        %parallel_loop3A_81 = vector.broadcast %parallel_loop3A_80 : i32 to vector<16xi32>
        %parallel_loop3A_82 = arith.muli %parallel_loop3A_79, %parallel_loop3A_81 : vector<16xi32>
        %parallel_loop3A_83 = arith.constant 0 : i32
        %parallel_loop3A_84 = vector.broadcast %parallel_loop3A_83 : i32 to vector<16xi32>
        %parallel_loop3A_85 = arith.addi %parallel_loop3A_82, %parallel_loop3A_84 : vector<16xi32>
        %parallel_loop3A_86 = tpu.vector_load_idx %arg9[%parallel_loop3A_85] : memref<32xf32, #tpu.memory_space<vmem>>[vector<16xi32>], vector<16xf32>,
        %parallel_loop3A_87 = arith.constant 16 : i32
        %parallel_loop3A_88 = arith.muli %parallel_loop3A_73, %parallel_loop3A_87 : i32
        %parallel_loop3A_89 = arith.constant 7 : i32
        %parallel_loop3A_90 = arith.constant 0 : i32
        %parallel_loop3A_91 = arith.index_cast %parallel_loop3A_89 : i32 to index
        %parallel_loop3A_92 = arith.index_cast %parallel_loop3A_90 : i32 to index
        %parallel_loop3A_93 = arith.index_cast %parallel_loop3A_88 : i32 to index
        %parallel_loop3A_94 = tpu.vector_load %arg7[%parallel_loop3A_91, %parallel_loop3A_92, %parallel_loop3A_93] {strides = array<i32>} : memref<8x4x512xf32, #tpu.memory_space<vmem>>, vector<16xf32>,
        tpu.vector_store %arg7[%parallel_loop3A_91, %parallel_loop3A_92, %parallel_loop3A_93], %parallel_loop3A_86 {strides = array<i32>} : memref<8x4x512xf32, #tpu.memory_space<vmem>>, vector<16xf32>,
        %parallel_loop3A_95 = arith.constant 1 : i32
        %parallel_loop3A_96 = vector.broadcast %parallel_loop3A_95 : i32 to vector<16xi32>
        %parallel_loop3A_97 = arith.addi %parallel_loop3A_82, %parallel_loop3A_96 : vector<16xi32>
        %parallel_loop3A_98 = tpu.vector_load_idx %arg9[%parallel_loop3A_97] : memref<32xf32, #tpu.memory_space<vmem>>[vector<16xi32>], vector<16xf32>,
        %parallel_loop3A_99 = arith.constant 16 : i32
        %parallel_loop3A_100 = arith.muli %parallel_loop3A_73, %parallel_loop3A_99 : i32
        %parallel_loop3A_101 = arith.constant 7 : i32
        %parallel_loop3A_102 = arith.constant 1 : i32
        %parallel_loop3A_103 = arith.index_cast %parallel_loop3A_101 : i32 to index
        %parallel_loop3A_104 = arith.index_cast %parallel_loop3A_102 : i32 to index
        %parallel_loop3A_105 = arith.index_cast %parallel_loop3A_100 : i32 to index
        %parallel_loop3A_106 = tpu.vector_load %arg7[%parallel_loop3A_103, %parallel_loop3A_104, %parallel_loop3A_105] {strides = array<i32>} : memref<8x4x512xf32, #tpu.memory_space<vmem>>, vector<16xf32>,
        tpu.vector_store %arg7[%parallel_loop3A_103, %parallel_loop3A_104, %parallel_loop3A_105], %parallel_loop3A_98 {strides = array<i32>} : memref<8x4x512xf32, #tpu.memory_space<vmem>>, vector<16xf32>,
        %parallel_loop3A_107 = arith.constant 2 : i32
        %parallel_loop3A_108 = vector.broadcast %parallel_loop3A_107 : i32 to vector<16xi32>
        %parallel_loop3A_109 = arith.addi %parallel_loop3A_82, %parallel_loop3A_108 : vector<16xi32>
        %parallel_loop3A_110 = tpu.vector_load_idx %arg9[%parallel_loop3A_109] : memref<32xf32, #tpu.memory_space<vmem>>[vector<16xi32>], vector<16xf32>,
        %parallel_loop3A_111 = arith.constant 16 : i32
        %parallel_loop3A_112 = arith.muli %parallel_loop3A_73, %parallel_loop3A_111 : i32
        %parallel_loop3A_113 = arith.constant 7 : i32
        %parallel_loop3A_114 = arith.constant 2 : i32
        %parallel_loop3A_115 = arith.index_cast %parallel_loop3A_113 : i32 to index
        %parallel_loop3A_116 = arith.index_cast %parallel_loop3A_114 : i32 to index
        %parallel_loop3A_117 = arith.index_cast %parallel_loop3A_112 : i32 to index
        %parallel_loop3A_118 = tpu.vector_load %arg7[%parallel_loop3A_115, %parallel_loop3A_116, %parallel_loop3A_117] {strides = array<i32>} : memref<8x4x512xf32, #tpu.memory_space<vmem>>, vector<16xf32>,
        tpu.vector_store %arg7[%parallel_loop3A_115, %parallel_loop3A_116, %parallel_loop3A_117], %parallel_loop3A_110 {strides = array<i32>} : memref<8x4x512xf32, #tpu.memory_space<vmem>>, vector<16xf32>,
        %parallel_loop3A_119 = arith.constant 3 : i32
        %parallel_loop3A_120 = vector.broadcast %parallel_loop3A_119 : i32 to vector<16xi32>
        %parallel_loop3A_121 = arith.addi %parallel_loop3A_82, %parallel_loop3A_120 : vector<16xi32>
        %parallel_loop3A_122 = tpu.vector_load_idx %arg9[%parallel_loop3A_121] : memref<32xf32, #tpu.memory_space<vmem>>[vector<16xi32>], vector<16xf32>,
        %parallel_loop3A_123 = arith.constant 16 : i32
        %parallel_loop3A_124 = arith.muli %parallel_loop3A_73, %parallel_loop3A_123 : i32
        %parallel_loop3A_125 = arith.constant 7 : i32
        %parallel_loop3A_126 = arith.constant 3 : i32
        %parallel_loop3A_127 = arith.index_cast %parallel_loop3A_125 : i32 to index
        %parallel_loop3A_128 = arith.index_cast %parallel_loop3A_126 : i32 to index
        %parallel_loop3A_129 = arith.index_cast %parallel_loop3A_124 : i32 to index
        %parallel_loop3A_130 = tpu.vector_load %arg7[%parallel_loop3A_127, %parallel_loop3A_128, %parallel_loop3A_129] {strides = array<i32>} : memref<8x4x512xf32, #tpu.memory_space<vmem>>, vector<16xf32>,
        tpu.vector_store %arg7[%parallel_loop3A_127, %parallel_loop3A_128, %parallel_loop3A_129], %parallel_loop3A_122 {strides = array<i32>} : memref<8x4x512xf32, #tpu.memory_space<vmem>>, vector<16xf32>,
      } {sc.loop_unroll_factor = 8 : i64, sc.parallel_access}
      %mul3A_60 = arith.constant 8 : i32
      %mul3A_61 = arith.muli %mul3A_24, %mul3A_60 : i32
      %dma_start3A_62 = arith.constant 0 : i32
      %dma_start3A_63 = tpu.memref_slice %arg4[%mul3A_61, %dma_start3A_62, %mul3A_2] : memref<200x4x16384xf32, #tpu.memory_space<hbm>> -> memref<8x4x512xf32, #tpu.memory_space<hbm>>
      %dma_start3A_64 = arith.constant 0 : i32
      %dma_start3A_65 = tpu.memref_slice %arg4[%mul3A_61, %dma_start3A_64, %mul3A_2] : memref<200x4x16384xf32, #tpu.memory_space<hbm>> -> memref<8x4x512xf32, #tpu.memory_space<hbm>>
      tpu.enqueue_dma source(%arg7 : memref<8x4x512xf32, #tpu.memory_space<vmem>>) target(%dma_start3A_65 : memref<8x4x512xf32, #tpu.memory_space<hbm>>) target_semaphore(%arg12 : memref<!tpu.dma_semaphore, #tpu.memory_space<semaphore_mem>>)
      %add3A_66 = arith.constant 1 : i32
      %add3A_67 = arith.addi %mul3A_24, %add3A_66 : i32
      %lt3A_68 = arith.constant 25 : i32
      %lt3A_69 = arith.cmpi slt, %add3A_67, %lt3A_68 : i32
      %convert_element_type3A_70 = arith.extui %lt3A_69 : i1 to i32
      %cond3A_71 = arith.constant 0 : i32
      %cond3A_72 = arith.cmpi ne, %convert_element_type3A_70, %cond3A_71 : i32
      scf.if %cond3A_72 {
        %add3A_73 = arith.constant 1 : i32
        %add3A_74 = arith.addi %mul3A_24, %add3A_73 : i32
        %mul3A_75 = arith.constant 8 : i32
        %mul3A_76 = arith.muli %add3A_74, %mul3A_75 : i32
        %dma_wait3A_77 = tpu.memref_slice %arg2[%mul3A_76, %mul3A_2] : memref<200x16384xi32, #tpu.memory_space<hbm>> -> memref<8x512xi32, #tpu.memory_space<hbm>>
        %dma_wait3A_78 = tpu.memref_slice %arg2[%mul3A_76, %mul3A_2] : memref<200x16384xi32, #tpu.memory_space<hbm>> -> memref<8x512xi32, #tpu.memory_space<hbm>>
        tpu.wait_dma2 semaphore(%arg11 : memref<!tpu.dma_semaphore, #tpu.memory_space<semaphore_mem>>) src(%dma_wait3A_78 : memref<8x512xi32, #tpu.memory_space<hbm>>) dst(%arg6 : memref<8x512xi32, #tpu.memory_space<vmem>>)
        %add3A_79 = arith.constant 1 : i32
        %add3A_80 = arith.addi %add3A_74, %add3A_79 : i32
        %lt3A_81 = arith.constant 25 : i32
        %lt3A_82 = arith.cmpi slt, %add3A_80, %lt3A_81 : i32
        %convert_element_type3A_83 = arith.extui %lt3A_82 : i1 to i32
        %cond3A_84 = arith.constant 0 : i32
        %cond3A_85 = arith.cmpi ne, %convert_element_type3A_83, %cond3A_84 : i32
        scf.if %cond3A_85 {
          %add3A_121 = arith.constant 1 : i32
          %add3A_122 = arith.addi %add3A_74, %add3A_121 : i32
          %mul3A_123 = arith.constant 8 : i32
          %mul3A_124 = arith.muli %add3A_122, %mul3A_123 : i32
          %dma_start3A_125 = tpu.memref_slice %arg2[%mul3A_124, %mul3A_2] : memref<200x16384xi32, #tpu.memory_space<hbm>> -> memref<8x512xi32, #tpu.memory_space<hbm>>
          %dma_start3A_126 = tpu.memref_slice %arg2[%mul3A_124, %mul3A_2] : memref<200x16384xi32, #tpu.memory_space<hbm>> -> memref<8x512xi32, #tpu.memory_space<hbm>>
          tpu.enqueue_dma source(%dma_start3A_126 : memref<8x512xi32, #tpu.memory_space<hbm>>) target(%arg5 : memref<8x512xi32, #tpu.memory_space<vmem>>) target_semaphore(%arg10 : memref<!tpu.dma_semaphore, #tpu.memory_space<semaphore_mem>>)
        } else {
        }
        %ge3A_86 = arith.constant 2 : i32
        %ge3A_87 = arith.cmpi sge, %add3A_74, %ge3A_86 : i32
        %convert_element_type3A_88 = arith.extui %ge3A_87 : i1 to i32
        %cond3A_89 = arith.constant 0 : i32
        %cond3A_90 = arith.cmpi ne, %convert_element_type3A_88, %cond3A_89 : i32
        scf.if %cond3A_90 {
          %sub3A = arith.constant 2 : i32
          %sub3A_121 = arith.subi %add3A_74, %sub3A : i32
          %mul3A_122 = arith.constant 8 : i32
          %mul3A_123 = arith.muli %sub3A_121, %mul3A_122 : i32
          %dma_wait3A_124 = arith.constant 0 : i32
          %dma_wait3A_125 = tpu.memref_slice %arg4[%mul3A_123, %dma_wait3A_124, %mul3A_2] : memref<200x4x16384xf32, #tpu.memory_space<hbm>> -> memref<8x4x512xf32, #tpu.memory_space<hbm>>
          %dma_wait3A_126 = arith.constant 0 : i32
          %dma_wait3A_127 = tpu.memref_slice %arg4[%mul3A_123, %dma_wait3A_126, %mul3A_2] : memref<200x4x16384xf32, #tpu.memory_space<hbm>> -> memref<8x4x512xf32, #tpu.memory_space<hbm>>
          tpu.wait_dma2 semaphore(%arg13 : memref<!tpu.dma_semaphore, #tpu.memory_space<semaphore_mem>>) src(%arg8 : memref<8x4x512xf32, #tpu.memory_space<vmem>>) dst(%dma_wait3A_127 : memref<8x4x512xf32, #tpu.memory_space<hbm>>)
        } else {
        }
        %parallel_loop3A_91 = arith.constant 0 : i32
        %parallel_loop3A_92 = arith.constant 32 : i32
        %parallel_loop3A_93 = arith.constant 1 : i32
        scf.for %parallel_loop3A_121 = %parallel_loop3A_91 to %parallel_loop3A_92 step %parallel_loop3A_93  : i32 {
          %parallel_loop3A_122 = arith.constant 16 : i32
          %parallel_loop3A_123 = arith.muli %parallel_loop3A_121, %parallel_loop3A_122 : i32
          %parallel_loop3A_124 = arith.constant 0 : i32
          %parallel_loop3A_125 = arith.index_cast %parallel_loop3A_124 : i32 to index
          %parallel_loop3A_126 = arith.index_cast %parallel_loop3A_123 : i32 to index
          %parallel_loop3A_127 = tpu.vector_load %arg6[%parallel_loop3A_125, %parallel_loop3A_126] {strides = array<i32>} : memref<8x512xi32, #tpu.memory_space<vmem>>, vector<16xi32>,
          %parallel_loop3A_128 = arith.constant 4 : i32
          %parallel_loop3A_129 = vector.broadcast %parallel_loop3A_128 : i32 to vector<16xi32>
          %parallel_loop3A_130 = arith.muli %parallel_loop3A_127, %parallel_loop3A_129 : vector<16xi32>
          %parallel_loop3A_131 = arith.constant 0 : i32
          %parallel_loop3A_132 = vector.broadcast %parallel_loop3A_131 : i32 to vector<16xi32>
          %parallel_loop3A_133 = arith.addi %parallel_loop3A_130, %parallel_loop3A_132 : vector<16xi32>
          %parallel_loop3A_134 = tpu.vector_load_idx %arg9[%parallel_loop3A_133] : memref<32xf32, #tpu.memory_space<vmem>>[vector<16xi32>], vector<16xf32>,
          %parallel_loop3A_135 = arith.constant 16 : i32
          %parallel_loop3A_136 = arith.muli %parallel_loop3A_121, %parallel_loop3A_135 : i32
          %parallel_loop3A_137 = arith.constant 0 : i32
          %parallel_loop3A_138 = arith.constant 0 : i32
          %parallel_loop3A_139 = arith.index_cast %parallel_loop3A_137 : i32 to index
          %parallel_loop3A_140 = arith.index_cast %parallel_loop3A_138 : i32 to index
          %parallel_loop3A_141 = arith.index_cast %parallel_loop3A_136 : i32 to index
          %parallel_loop3A_142 = tpu.vector_load %arg8[%parallel_loop3A_139, %parallel_loop3A_140, %parallel_loop3A_141] {strides = array<i32>} : memref<8x4x512xf32, #tpu.memory_space<vmem>>, vector<16xf32>,
          tpu.vector_store %arg8[%parallel_loop3A_139, %parallel_loop3A_140, %parallel_loop3A_141], %parallel_loop3A_134 {strides = array<i32>} : memref<8x4x512xf32, #tpu.memory_space<vmem>>, vector<16xf32>,
          %parallel_loop3A_143 = arith.constant 1 : i32
          %parallel_loop3A_144 = vector.broadcast %parallel_loop3A_143 : i32 to vector<16xi32>
          %parallel_loop3A_145 = arith.addi %parallel_loop3A_130, %parallel_loop3A_144 : vector<16xi32>
          %parallel_loop3A_146 = tpu.vector_load_idx %arg9[%parallel_loop3A_145] : memref<32xf32, #tpu.memory_space<vmem>>[vector<16xi32>], vector<16xf32>,
          %parallel_loop3A_147 = arith.constant 16 : i32
          %parallel_loop3A_148 = arith.muli %parallel_loop3A_121, %parallel_loop3A_147 : i32
          %parallel_loop3A_149 = arith.constant 0 : i32
          %parallel_loop3A_150 = arith.constant 1 : i32
          %parallel_loop3A_151 = arith.index_cast %parallel_loop3A_149 : i32 to index
          %parallel_loop3A_152 = arith.index_cast %parallel_loop3A_150 : i32 to index
          %parallel_loop3A_153 = arith.index_cast %parallel_loop3A_148 : i32 to index
          %parallel_loop3A_154 = tpu.vector_load %arg8[%parallel_loop3A_151, %parallel_loop3A_152, %parallel_loop3A_153] {strides = array<i32>} : memref<8x4x512xf32, #tpu.memory_space<vmem>>, vector<16xf32>,
          tpu.vector_store %arg8[%parallel_loop3A_151, %parallel_loop3A_152, %parallel_loop3A_153], %parallel_loop3A_146 {strides = array<i32>} : memref<8x4x512xf32, #tpu.memory_space<vmem>>, vector<16xf32>,
          %parallel_loop3A_155 = arith.constant 2 : i32
          %parallel_loop3A_156 = vector.broadcast %parallel_loop3A_155 : i32 to vector<16xi32>
          %parallel_loop3A_157 = arith.addi %parallel_loop3A_130, %parallel_loop3A_156 : vector<16xi32>
          %parallel_loop3A_158 = tpu.vector_load_idx %arg9[%parallel_loop3A_157] : memref<32xf32, #tpu.memory_space<vmem>>[vector<16xi32>], vector<16xf32>,
          %parallel_loop3A_159 = arith.constant 16 : i32
          %parallel_loop3A_160 = arith.muli %parallel_loop3A_121, %parallel_loop3A_159 : i32
          %parallel_loop3A_161 = arith.constant 0 : i32
          %parallel_loop3A_162 = arith.constant 2 : i32
          %parallel_loop3A_163 = arith.index_cast %parallel_loop3A_161 : i32 to index
          %parallel_loop3A_164 = arith.index_cast %parallel_loop3A_162 : i32 to index
          %parallel_loop3A_165 = arith.index_cast %parallel_loop3A_160 : i32 to index
          %parallel_loop3A_166 = tpu.vector_load %arg8[%parallel_loop3A_163, %parallel_loop3A_164, %parallel_loop3A_165] {strides = array<i32>} : memref<8x4x512xf32, #tpu.memory_space<vmem>>, vector<16xf32>,
          tpu.vector_store %arg8[%parallel_loop3A_163, %parallel_loop3A_164, %parallel_loop3A_165], %parallel_loop3A_158 {strides = array<i32>} : memref<8x4x512xf32, #tpu.memory_space<vmem>>, vector<16xf32>,
          %parallel_loop3A_167 = arith.constant 3 : i32
          %parallel_loop3A_168 = vector.broadcast %parallel_loop3A_167 : i32 to vector<16xi32>
          %parallel_loop3A_169 = arith.addi %parallel_loop3A_130, %parallel_loop3A_168 : vector<16xi32>
          %parallel_loop3A_170 = tpu.vector_load_idx %arg9[%parallel_loop3A_169] : memref<32xf32, #tpu.memory_space<vmem>>[vector<16xi32>], vector<16xf32>,
          %parallel_loop3A_171 = arith.constant 16 : i32
          %parallel_loop3A_172 = arith.muli %parallel_loop3A_121, %parallel_loop3A_171 : i32
          %parallel_loop3A_173 = arith.constant 0 : i32
          %parallel_loop3A_174 = arith.constant 3 : i32
          %parallel_loop3A_175 = arith.index_cast %parallel_loop3A_173 : i32 to index
          %parallel_loop3A_176 = arith.index_cast %parallel_loop3A_174 : i32 to index
          %parallel_loop3A_177 = arith.index_cast %parallel_loop3A_172 : i32 to index
          %parallel_loop3A_178 = tpu.vector_load %arg8[%parallel_loop3A_175, %parallel_loop3A_176, %parallel_loop3A_177] {strides = array<i32>} : memref<8x4x512xf32, #tpu.memory_space<vmem>>, vector<16xf32>,
          tpu.vector_store %arg8[%parallel_loop3A_175, %parallel_loop3A_176, %parallel_loop3A_177], %parallel_loop3A_170 {strides = array<i32>} : memref<8x4x512xf32, #tpu.memory_space<vmem>>, vector<16xf32>,
        } {sc.loop_unroll_factor = 8 : i64, sc.parallel_access}
        %parallel_loop3A_94 = arith.constant 0 : i32
        %parallel_loop3A_95 = arith.constant 32 : i32
        %parallel_loop3A_96 = arith.constant 1 : i32
        scf.for %parallel_loop3A_121 = %parallel_loop3A_94 to %parallel_loop3A_95 step %parallel_loop3A_96  : i32 {
          %parallel_loop3A_122 = arith.constant 16 : i32
          %parallel_loop3A_123 = arith.muli %parallel_loop3A_121, %parallel_loop3A_122 : i32
          %parallel_loop3A_124 = arith.constant 1 : i32
          %parallel_loop3A_125 = arith.index_cast %parallel_loop3A_124 : i32 to index
          %parallel_loop3A_126 = arith.index_cast %parallel_loop3A_123 : i32 to index
          %parallel_loop3A_127 = tpu.vector_load %arg6[%parallel_loop3A_125, %parallel_loop3A_126] {strides = array<i32>} : memref<8x512xi32, #tpu.memory_space<vmem>>, vector<16xi32>,
          %parallel_loop3A_128 = arith.constant 4 : i32
          %parallel_loop3A_129 = vector.broadcast %parallel_loop3A_128 : i32 to vector<16xi32>
          %parallel_loop3A_130 = arith.muli %parallel_loop3A_127, %parallel_loop3A_129 : vector<16xi32>
          %parallel_loop3A_131 = arith.constant 0 : i32
          %parallel_loop3A_132 = vector.broadcast %parallel_loop3A_131 : i32 to vector<16xi32>
          %parallel_loop3A_133 = arith.addi %parallel_loop3A_130, %parallel_loop3A_132 : vector<16xi32>
          %parallel_loop3A_134 = tpu.vector_load_idx %arg9[%parallel_loop3A_133] : memref<32xf32, #tpu.memory_space<vmem>>[vector<16xi32>], vector<16xf32>,
          %parallel_loop3A_135 = arith.constant 16 : i32
          %parallel_loop3A_136 = arith.muli %parallel_loop3A_121, %parallel_loop3A_135 : i32
          %parallel_loop3A_137 = arith.constant 1 : i32
          %parallel_loop3A_138 = arith.constant 0 : i32
          %parallel_loop3A_139 = arith.index_cast %parallel_loop3A_137 : i32 to index
          %parallel_loop3A_140 = arith.index_cast %parallel_loop3A_138 : i32 to index
          %parallel_loop3A_141 = arith.index_cast %parallel_loop3A_136 : i32 to index
          %parallel_loop3A_142 = tpu.vector_load %arg8[%parallel_loop3A_139, %parallel_loop3A_140, %parallel_loop3A_141] {strides = array<i32>} : memref<8x4x512xf32, #tpu.memory_space<vmem>>, vector<16xf32>,
          tpu.vector_store %arg8[%parallel_loop3A_139, %parallel_loop3A_140, %parallel_loop3A_141], %parallel_loop3A_134 {strides = array<i32>} : memref<8x4x512xf32, #tpu.memory_space<vmem>>, vector<16xf32>,
          %parallel_loop3A_143 = arith.constant 1 : i32
          %parallel_loop3A_144 = vector.broadcast %parallel_loop3A_143 : i32 to vector<16xi32>
          %parallel_loop3A_145 = arith.addi %parallel_loop3A_130, %parallel_loop3A_144 : vector<16xi32>
          %parallel_loop3A_146 = tpu.vector_load_idx %arg9[%parallel_loop3A_145] : memref<32xf32, #tpu.memory_space<vmem>>[vector<16xi32>], vector<16xf32>,
          %parallel_loop3A_147 = arith.constant 16 : i32
          %parallel_loop3A_148 = arith.muli %parallel_loop3A_121, %parallel_loop3A_147 : i32
          %parallel_loop3A_149 = arith.constant 1 : i32
          %parallel_loop3A_150 = arith.constant 1 : i32
          %parallel_loop3A_151 = arith.index_cast %parallel_loop3A_149 : i32 to index
          %parallel_loop3A_152 = arith.index_cast %parallel_loop3A_150 : i32 to index
          %parallel_loop3A_153 = arith.index_cast %parallel_loop3A_148 : i32 to index
          %parallel_loop3A_154 = tpu.vector_load %arg8[%parallel_loop3A_151, %parallel_loop3A_152, %parallel_loop3A_153] {strides = array<i32>} : memref<8x4x512xf32, #tpu.memory_space<vmem>>, vector<16xf32>,
          tpu.vector_store %arg8[%parallel_loop3A_151, %parallel_loop3A_152, %parallel_loop3A_153], %parallel_loop3A_146 {strides = array<i32>} : memref<8x4x512xf32, #tpu.memory_space<vmem>>, vector<16xf32>,
          %parallel_loop3A_155 = arith.constant 2 : i32
          %parallel_loop3A_156 = vector.broadcast %parallel_loop3A_155 : i32 to vector<16xi32>
          %parallel_loop3A_157 = arith.addi %parallel_loop3A_130, %parallel_loop3A_156 : vector<16xi32>
          %parallel_loop3A_158 = tpu.vector_load_idx %arg9[%parallel_loop3A_157] : memref<32xf32, #tpu.memory_space<vmem>>[vector<16xi32>], vector<16xf32>,
          %parallel_loop3A_159 = arith.constant 16 : i32
          %parallel_loop3A_160 = arith.muli %parallel_loop3A_121, %parallel_loop3A_159 : i32
          %parallel_loop3A_161 = arith.constant 1 : i32
          %parallel_loop3A_162 = arith.constant 2 : i32
          %parallel_loop3A_163 = arith.index_cast %parallel_loop3A_161 : i32 to index
          %parallel_loop3A_164 = arith.index_cast %parallel_loop3A_162 : i32 to index
          %parallel_loop3A_165 = arith.index_cast %parallel_loop3A_160 : i32 to index
          %parallel_loop3A_166 = tpu.vector_load %arg8[%parallel_loop3A_163, %parallel_loop3A_164, %parallel_loop3A_165] {strides = array<i32>} : memref<8x4x512xf32, #tpu.memory_space<vmem>>, vector<16xf32>,
          tpu.vector_store %arg8[%parallel_loop3A_163, %parallel_loop3A_164, %parallel_loop3A_165], %parallel_loop3A_158 {strides = array<i32>} : memref<8x4x512xf32, #tpu.memory_space<vmem>>, vector<16xf32>,
          %parallel_loop3A_167 = arith.constant 3 : i32
          %parallel_loop3A_168 = vector.broadcast %parallel_loop3A_167 : i32 to vector<16xi32>
          %parallel_loop3A_169 = arith.addi %parallel_loop3A_130, %parallel_loop3A_168 : vector<16xi32>
          %parallel_loop3A_170 = tpu.vector_load_idx %arg9[%parallel_loop3A_169] : memref<32xf32, #tpu.memory_space<vmem>>[vector<16xi32>], vector<16xf32>,
          %parallel_loop3A_171 = arith.constant 16 : i32
          %parallel_loop3A_172 = arith.muli %parallel_loop3A_121, %parallel_loop3A_171 : i32
          %parallel_loop3A_173 = arith.constant 1 : i32
          %parallel_loop3A_174 = arith.constant 3 : i32
          %parallel_loop3A_175 = arith.index_cast %parallel_loop3A_173 : i32 to index
          %parallel_loop3A_176 = arith.index_cast %parallel_loop3A_174 : i32 to index
          %parallel_loop3A_177 = arith.index_cast %parallel_loop3A_172 : i32 to index
          %parallel_loop3A_178 = tpu.vector_load %arg8[%parallel_loop3A_175, %parallel_loop3A_176, %parallel_loop3A_177] {strides = array<i32>} : memref<8x4x512xf32, #tpu.memory_space<vmem>>, vector<16xf32>,
          tpu.vector_store %arg8[%parallel_loop3A_175, %parallel_loop3A_176, %parallel_loop3A_177], %parallel_loop3A_170 {strides = array<i32>} : memref<8x4x512xf32, #tpu.memory_space<vmem>>, vector<16xf32>,
        } {sc.loop_unroll_factor = 8 : i64, sc.parallel_access}
        %parallel_loop3A_97 = arith.constant 0 : i32
        %parallel_loop3A_98 = arith.constant 32 : i32
        %parallel_loop3A_99 = arith.constant 1 : i32
        scf.for %parallel_loop3A_121 = %parallel_loop3A_97 to %parallel_loop3A_98 step %parallel_loop3A_99  : i32 {
          %parallel_loop3A_122 = arith.constant 16 : i32
          %parallel_loop3A_123 = arith.muli %parallel_loop3A_121, %parallel_loop3A_122 : i32
          %parallel_loop3A_124 = arith.constant 2 : i32
          %parallel_loop3A_125 = arith.index_cast %parallel_loop3A_124 : i32 to index
          %parallel_loop3A_126 = arith.index_cast %parallel_loop3A_123 : i32 to index
          %parallel_loop3A_127 = tpu.vector_load %arg6[%parallel_loop3A_125, %parallel_loop3A_126] {strides = array<i32>} : memref<8x512xi32, #tpu.memory_space<vmem>>, vector<16xi32>,
          %parallel_loop3A_128 = arith.constant 4 : i32
          %parallel_loop3A_129 = vector.broadcast %parallel_loop3A_128 : i32 to vector<16xi32>
          %parallel_loop3A_130 = arith.muli %parallel_loop3A_127, %parallel_loop3A_129 : vector<16xi32>
          %parallel_loop3A_131 = arith.constant 0 : i32
          %parallel_loop3A_132 = vector.broadcast %parallel_loop3A_131 : i32 to vector<16xi32>
          %parallel_loop3A_133 = arith.addi %parallel_loop3A_130, %parallel_loop3A_132 : vector<16xi32>
          %parallel_loop3A_134 = tpu.vector_load_idx %arg9[%parallel_loop3A_133] : memref<32xf32, #tpu.memory_space<vmem>>[vector<16xi32>], vector<16xf32>,
          %parallel_loop3A_135 = arith.constant 16 : i32
          %parallel_loop3A_136 = arith.muli %parallel_loop3A_121, %parallel_loop3A_135 : i32
          %parallel_loop3A_137 = arith.constant 2 : i32
          %parallel_loop3A_138 = arith.constant 0 : i32
          %parallel_loop3A_139 = arith.index_cast %parallel_loop3A_137 : i32 to index
          %parallel_loop3A_140 = arith.index_cast %parallel_loop3A_138 : i32 to index
          %parallel_loop3A_141 = arith.index_cast %parallel_loop3A_136 : i32 to index
          %parallel_loop3A_142 = tpu.vector_load %arg8[%parallel_loop3A_139, %parallel_loop3A_140, %parallel_loop3A_141] {strides = array<i32>} : memref<8x4x512xf32, #tpu.memory_space<vmem>>, vector<16xf32>,
          tpu.vector_store %arg8[%parallel_loop3A_139, %parallel_loop3A_140, %parallel_loop3A_141], %parallel_loop3A_134 {strides = array<i32>} : memref<8x4x512xf32, #tpu.memory_space<vmem>>, vector<16xf32>,
          %parallel_loop3A_143 = arith.constant 1 : i32
          %parallel_loop3A_144 = vector.broadcast %parallel_loop3A_143 : i32 to vector<16xi32>
          %parallel_loop3A_145 = arith.addi %parallel_loop3A_130, %parallel_loop3A_144 : vector<16xi32>
          %parallel_loop3A_146 = tpu.vector_load_idx %arg9[%parallel_loop3A_145] : memref<32xf32, #tpu.memory_space<vmem>>[vector<16xi32>], vector<16xf32>,
          %parallel_loop3A_147 = arith.constant 16 : i32
          %parallel_loop3A_148 = arith.muli %parallel_loop3A_121, %parallel_loop3A_147 : i32
          %parallel_loop3A_149 = arith.constant 2 : i32
          %parallel_loop3A_150 = arith.constant 1 : i32
          %parallel_loop3A_151 = arith.index_cast %parallel_loop3A_149 : i32 to index
          %parallel_loop3A_152 = arith.index_cast %parallel_loop3A_150 : i32 to index
          %parallel_loop3A_153 = arith.index_cast %parallel_loop3A_148 : i32 to index
          %parallel_loop3A_154 = tpu.vector_load %arg8[%parallel_loop3A_151, %parallel_loop3A_152, %parallel_loop3A_153] {strides = array<i32>} : memref<8x4x512xf32, #tpu.memory_space<vmem>>, vector<16xf32>,
          tpu.vector_store %arg8[%parallel_loop3A_151, %parallel_loop3A_152, %parallel_loop3A_153], %parallel_loop3A_146 {strides = array<i32>} : memref<8x4x512xf32, #tpu.memory_space<vmem>>, vector<16xf32>,
          %parallel_loop3A_155 = arith.constant 2 : i32
          %parallel_loop3A_156 = vector.broadcast %parallel_loop3A_155 : i32 to vector<16xi32>
          %parallel_loop3A_157 = arith.addi %parallel_loop3A_130, %parallel_loop3A_156 : vector<16xi32>
          %parallel_loop3A_158 = tpu.vector_load_idx %arg9[%parallel_loop3A_157] : memref<32xf32, #tpu.memory_space<vmem>>[vector<16xi32>], vector<16xf32>,
          %parallel_loop3A_159 = arith.constant 16 : i32
          %parallel_loop3A_160 = arith.muli %parallel_loop3A_121, %parallel_loop3A_159 : i32
          %parallel_loop3A_161 = arith.constant 2 : i32
          %parallel_loop3A_162 = arith.constant 2 : i32
          %parallel_loop3A_163 = arith.index_cast %parallel_loop3A_161 : i32 to index
          %parallel_loop3A_164 = arith.index_cast %parallel_loop3A_162 : i32 to index
          %parallel_loop3A_165 = arith.index_cast %parallel_loop3A_160 : i32 to index
          %parallel_loop3A_166 = tpu.vector_load %arg8[%parallel_loop3A_163, %parallel_loop3A_164, %parallel_loop3A_165] {strides = array<i32>} : memref<8x4x512xf32, #tpu.memory_space<vmem>>, vector<16xf32>,
          tpu.vector_store %arg8[%parallel_loop3A_163, %parallel_loop3A_164, %parallel_loop3A_165], %parallel_loop3A_158 {strides = array<i32>} : memref<8x4x512xf32, #tpu.memory_space<vmem>>, vector<16xf32>,
          %parallel_loop3A_167 = arith.constant 3 : i32
          %parallel_loop3A_168 = vector.broadcast %parallel_loop3A_167 : i32 to vector<16xi32>
          %parallel_loop3A_169 = arith.addi %parallel_loop3A_130, %parallel_loop3A_168 : vector<16xi32>
          %parallel_loop3A_170 = tpu.vector_load_idx %arg9[%parallel_loop3A_169] : memref<32xf32, #tpu.memory_space<vmem>>[vector<16xi32>], vector<16xf32>,
          %parallel_loop3A_171 = arith.constant 16 : i32
          %parallel_loop3A_172 = arith.muli %parallel_loop3A_121, %parallel_loop3A_171 : i32
          %parallel_loop3A_173 = arith.constant 2 : i32
          %parallel_loop3A_174 = arith.constant 3 : i32
          %parallel_loop3A_175 = arith.index_cast %parallel_loop3A_173 : i32 to index
          %parallel_loop3A_176 = arith.index_cast %parallel_loop3A_174 : i32 to index
          %parallel_loop3A_177 = arith.index_cast %parallel_loop3A_172 : i32 to index
          %parallel_loop3A_178 = tpu.vector_load %arg8[%parallel_loop3A_175, %parallel_loop3A_176, %parallel_loop3A_177] {strides = array<i32>} : memref<8x4x512xf32, #tpu.memory_space<vmem>>, vector<16xf32>,
          tpu.vector_store %arg8[%parallel_loop3A_175, %parallel_loop3A_176, %parallel_loop3A_177], %parallel_loop3A_170 {strides = array<i32>} : memref<8x4x512xf32, #tpu.memory_space<vmem>>, vector<16xf32>,
        } {sc.loop_unroll_factor = 8 : i64, sc.parallel_access}
        %parallel_loop3A_100 = arith.constant 0 : i32
        %parallel_loop3A_101 = arith.constant 32 : i32
        %parallel_loop3A_102 = arith.constant 1 : i32
        scf.for %parallel_loop3A_121 = %parallel_loop3A_100 to %parallel_loop3A_101 step %parallel_loop3A_102  : i32 {
          %parallel_loop3A_122 = arith.constant 16 : i32
          %parallel_loop3A_123 = arith.muli %parallel_loop3A_121, %parallel_loop3A_122 : i32
          %parallel_loop3A_124 = arith.constant 3 : i32
          %parallel_loop3A_125 = arith.index_cast %parallel_loop3A_124 : i32 to index
          %parallel_loop3A_126 = arith.index_cast %parallel_loop3A_123 : i32 to index
          %parallel_loop3A_127 = tpu.vector_load %arg6[%parallel_loop3A_125, %parallel_loop3A_126] {strides = array<i32>} : memref<8x512xi32, #tpu.memory_space<vmem>>, vector<16xi32>,
          %parallel_loop3A_128 = arith.constant 4 : i32
          %parallel_loop3A_129 = vector.broadcast %parallel_loop3A_128 : i32 to vector<16xi32>
          %parallel_loop3A_130 = arith.muli %parallel_loop3A_127, %parallel_loop3A_129 : vector<16xi32>
          %parallel_loop3A_131 = arith.constant 0 : i32
          %parallel_loop3A_132 = vector.broadcast %parallel_loop3A_131 : i32 to vector<16xi32>
          %parallel_loop3A_133 = arith.addi %parallel_loop3A_130, %parallel_loop3A_132 : vector<16xi32>
          %parallel_loop3A_134 = tpu.vector_load_idx %arg9[%parallel_loop3A_133] : memref<32xf32, #tpu.memory_space<vmem>>[vector<16xi32>], vector<16xf32>,
          %parallel_loop3A_135 = arith.constant 16 : i32
          %parallel_loop3A_136 = arith.muli %parallel_loop3A_121, %parallel_loop3A_135 : i32
          %parallel_loop3A_137 = arith.constant 3 : i32
          %parallel_loop3A_138 = arith.constant 0 : i32
          %parallel_loop3A_139 = arith.index_cast %parallel_loop3A_137 : i32 to index
          %parallel_loop3A_140 = arith.index_cast %parallel_loop3A_138 : i32 to index
          %parallel_loop3A_141 = arith.index_cast %parallel_loop3A_136 : i32 to index
          %parallel_loop3A_142 = tpu.vector_load %arg8[%parallel_loop3A_139, %parallel_loop3A_140, %parallel_loop3A_141] {strides = array<i32>} : memref<8x4x512xf32, #tpu.memory_space<vmem>>, vector<16xf32>,
          tpu.vector_store %arg8[%parallel_loop3A_139, %parallel_loop3A_140, %parallel_loop3A_141], %parallel_loop3A_134 {strides = array<i32>} : memref<8x4x512xf32, #tpu.memory_space<vmem>>, vector<16xf32>,
          %parallel_loop3A_143 = arith.constant 1 : i32
          %parallel_loop3A_144 = vector.broadcast %parallel_loop3A_143 : i32 to vector<16xi32>
          %parallel_loop3A_145 = arith.addi %parallel_loop3A_130, %parallel_loop3A_144 : vector<16xi32>
          %parallel_loop3A_146 = tpu.vector_load_idx %arg9[%parallel_loop3A_145] : memref<32xf32, #tpu.memory_space<vmem>>[vector<16xi32>], vector<16xf32>,
          %parallel_loop3A_147 = arith.constant 16 : i32
          %parallel_loop3A_148 = arith.muli %parallel_loop3A_121, %parallel_loop3A_147 : i32
          %parallel_loop3A_149 = arith.constant 3 : i32
          %parallel_loop3A_150 = arith.constant 1 : i32
          %parallel_loop3A_151 = arith.index_cast %parallel_loop3A_149 : i32 to index
          %parallel_loop3A_152 = arith.index_cast %parallel_loop3A_150 : i32 to index
          %parallel_loop3A_153 = arith.index_cast %parallel_loop3A_148 : i32 to index
          %parallel_loop3A_154 = tpu.vector_load %arg8[%parallel_loop3A_151, %parallel_loop3A_152, %parallel_loop3A_153] {strides = array<i32>} : memref<8x4x512xf32, #tpu.memory_space<vmem>>, vector<16xf32>,
          tpu.vector_store %arg8[%parallel_loop3A_151, %parallel_loop3A_152, %parallel_loop3A_153], %parallel_loop3A_146 {strides = array<i32>} : memref<8x4x512xf32, #tpu.memory_space<vmem>>, vector<16xf32>,
          %parallel_loop3A_155 = arith.constant 2 : i32
          %parallel_loop3A_156 = vector.broadcast %parallel_loop3A_155 : i32 to vector<16xi32>
          %parallel_loop3A_157 = arith.addi %parallel_loop3A_130, %parallel_loop3A_156 : vector<16xi32>
          %parallel_loop3A_158 = tpu.vector_load_idx %arg9[%parallel_loop3A_157] : memref<32xf32, #tpu.memory_space<vmem>>[vector<16xi32>], vector<16xf32>,
          %parallel_loop3A_159 = arith.constant 16 : i32
          %parallel_loop3A_160 = arith.muli %parallel_loop3A_121, %parallel_loop3A_159 : i32
          %parallel_loop3A_161 = arith.constant 3 : i32
          %parallel_loop3A_162 = arith.constant 2 : i32
          %parallel_loop3A_163 = arith.index_cast %parallel_loop3A_161 : i32 to index
          %parallel_loop3A_164 = arith.index_cast %parallel_loop3A_162 : i32 to index
          %parallel_loop3A_165 = arith.index_cast %parallel_loop3A_160 : i32 to index
          %parallel_loop3A_166 = tpu.vector_load %arg8[%parallel_loop3A_163, %parallel_loop3A_164, %parallel_loop3A_165] {strides = array<i32>} : memref<8x4x512xf32, #tpu.memory_space<vmem>>, vector<16xf32>,
          tpu.vector_store %arg8[%parallel_loop3A_163, %parallel_loop3A_164, %parallel_loop3A_165], %parallel_loop3A_158 {strides = array<i32>} : memref<8x4x512xf32, #tpu.memory_space<vmem>>, vector<16xf32>,
          %parallel_loop3A_167 = arith.constant 3 : i32
          %parallel_loop3A_168 = vector.broadcast %parallel_loop3A_167 : i32 to vector<16xi32>
          %parallel_loop3A_169 = arith.addi %parallel_loop3A_130, %parallel_loop3A_168 : vector<16xi32>
          %parallel_loop3A_170 = tpu.vector_load_idx %arg9[%parallel_loop3A_169] : memref<32xf32, #tpu.memory_space<vmem>>[vector<16xi32>], vector<16xf32>,
          %parallel_loop3A_171 = arith.constant 16 : i32
          %parallel_loop3A_172 = arith.muli %parallel_loop3A_121, %parallel_loop3A_171 : i32
          %parallel_loop3A_173 = arith.constant 3 : i32
          %parallel_loop3A_174 = arith.constant 3 : i32
          %parallel_loop3A_175 = arith.index_cast %parallel_loop3A_173 : i32 to index
          %parallel_loop3A_176 = arith.index_cast %parallel_loop3A_174 : i32 to index
          %parallel_loop3A_177 = arith.index_cast %parallel_loop3A_172 : i32 to index
          %parallel_loop3A_178 = tpu.vector_load %arg8[%parallel_loop3A_175, %parallel_loop3A_176, %parallel_loop3A_177] {strides = array<i32>} : memref<8x4x512xf32, #tpu.memory_space<vmem>>, vector<16xf32>,
          tpu.vector_store %arg8[%parallel_loop3A_175, %parallel_loop3A_176, %parallel_loop3A_177], %parallel_loop3A_170 {strides = array<i32>} : memref<8x4x512xf32, #tpu.memory_space<vmem>>, vector<16xf32>,
        } {sc.loop_unroll_factor = 8 : i64, sc.parallel_access}
        %parallel_loop3A_103 = arith.constant 0 : i32
        %parallel_loop3A_104 = arith.constant 32 : i32
        %parallel_loop3A_105 = arith.constant 1 : i32
        scf.for %parallel_loop3A_121 = %parallel_loop3A_103 to %parallel_loop3A_104 step %parallel_loop3A_105  : i32 {
          %parallel_loop3A_122 = arith.constant 16 : i32
          %parallel_loop3A_123 = arith.muli %parallel_loop3A_121, %parallel_loop3A_122 : i32
          %parallel_loop3A_124 = arith.constant 4 : i32
          %parallel_loop3A_125 = arith.index_cast %parallel_loop3A_124 : i32 to index
          %parallel_loop3A_126 = arith.index_cast %parallel_loop3A_123 : i32 to index
          %parallel_loop3A_127 = tpu.vector_load %arg6[%parallel_loop3A_125, %parallel_loop3A_126] {strides = array<i32>} : memref<8x512xi32, #tpu.memory_space<vmem>>, vector<16xi32>,
          %parallel_loop3A_128 = arith.constant 4 : i32
          %parallel_loop3A_129 = vector.broadcast %parallel_loop3A_128 : i32 to vector<16xi32>
          %parallel_loop3A_130 = arith.muli %parallel_loop3A_127, %parallel_loop3A_129 : vector<16xi32>
          %parallel_loop3A_131 = arith.constant 0 : i32
          %parallel_loop3A_132 = vector.broadcast %parallel_loop3A_131 : i32 to vector<16xi32>
          %parallel_loop3A_133 = arith.addi %parallel_loop3A_130, %parallel_loop3A_132 : vector<16xi32>
          %parallel_loop3A_134 = tpu.vector_load_idx %arg9[%parallel_loop3A_133] : memref<32xf32, #tpu.memory_space<vmem>>[vector<16xi32>], vector<16xf32>,
          %parallel_loop3A_135 = arith.constant 16 : i32
          %parallel_loop3A_136 = arith.muli %parallel_loop3A_121, %parallel_loop3A_135 : i32
          %parallel_loop3A_137 = arith.constant 4 : i32
          %parallel_loop3A_138 = arith.constant 0 : i32
          %parallel_loop3A_139 = arith.index_cast %parallel_loop3A_137 : i32 to index
          %parallel_loop3A_140 = arith.index_cast %parallel_loop3A_138 : i32 to index
          %parallel_loop3A_141 = arith.index_cast %parallel_loop3A_136 : i32 to index
          %parallel_loop3A_142 = tpu.vector_load %arg8[%parallel_loop3A_139, %parallel_loop3A_140, %parallel_loop3A_141] {strides = array<i32>} : memref<8x4x512xf32, #tpu.memory_space<vmem>>, vector<16xf32>,
          tpu.vector_store %arg8[%parallel_loop3A_139, %parallel_loop3A_140, %parallel_loop3A_141], %parallel_loop3A_134 {strides = array<i32>} : memref<8x4x512xf32, #tpu.memory_space<vmem>>, vector<16xf32>,
          %parallel_loop3A_143 = arith.constant 1 : i32
          %parallel_loop3A_144 = vector.broadcast %parallel_loop3A_143 : i32 to vector<16xi32>
          %parallel_loop3A_145 = arith.addi %parallel_loop3A_130, %parallel_loop3A_144 : vector<16xi32>
          %parallel_loop3A_146 = tpu.vector_load_idx %arg9[%parallel_loop3A_145] : memref<32xf32, #tpu.memory_space<vmem>>[vector<16xi32>], vector<16xf32>,
          %parallel_loop3A_147 = arith.constant 16 : i32
          %parallel_loop3A_148 = arith.muli %parallel_loop3A_121, %parallel_loop3A_147 : i32
          %parallel_loop3A_149 = arith.constant 4 : i32
          %parallel_loop3A_150 = arith.constant 1 : i32
          %parallel_loop3A_151 = arith.index_cast %parallel_loop3A_149 : i32 to index
          %parallel_loop3A_152 = arith.index_cast %parallel_loop3A_150 : i32 to index
          %parallel_loop3A_153 = arith.index_cast %parallel_loop3A_148 : i32 to index
          %parallel_loop3A_154 = tpu.vector_load %arg8[%parallel_loop3A_151, %parallel_loop3A_152, %parallel_loop3A_153] {strides = array<i32>} : memref<8x4x512xf32, #tpu.memory_space<vmem>>, vector<16xf32>,
          tpu.vector_store %arg8[%parallel_loop3A_151, %parallel_loop3A_152, %parallel_loop3A_153], %parallel_loop3A_146 {strides = array<i32>} : memref<8x4x512xf32, #tpu.memory_space<vmem>>, vector<16xf32>,
          %parallel_loop3A_155 = arith.constant 2 : i32
          %parallel_loop3A_156 = vector.broadcast %parallel_loop3A_155 : i32 to vector<16xi32>
          %parallel_loop3A_157 = arith.addi %parallel_loop3A_130, %parallel_loop3A_156 : vector<16xi32>
          %parallel_loop3A_158 = tpu.vector_load_idx %arg9[%parallel_loop3A_157] : memref<32xf32, #tpu.memory_space<vmem>>[vector<16xi32>], vector<16xf32>,
          %parallel_loop3A_159 = arith.constant 16 : i32
          %parallel_loop3A_160 = arith.muli %parallel_loop3A_121, %parallel_loop3A_159 : i32
          %parallel_loop3A_161 = arith.constant 4 : i32
          %parallel_loop3A_162 = arith.constant 2 : i32
          %parallel_loop3A_163 = arith.index_cast %parallel_loop3A_161 : i32 to index
          %parallel_loop3A_164 = arith.index_cast %parallel_loop3A_162 : i32 to index
          %parallel_loop3A_165 = arith.index_cast %parallel_loop3A_160 : i32 to index
          %parallel_loop3A_166 = tpu.vector_load %arg8[%parallel_loop3A_163, %parallel_loop3A_164, %parallel_loop3A_165] {strides = array<i32>} : memref<8x4x512xf32, #tpu.memory_space<vmem>>, vector<16xf32>,
          tpu.vector_store %arg8[%parallel_loop3A_163, %parallel_loop3A_164, %parallel_loop3A_165], %parallel_loop3A_158 {strides = array<i32>} : memref<8x4x512xf32, #tpu.memory_space<vmem>>, vector<16xf32>,
          %parallel_loop3A_167 = arith.constant 3 : i32
          %parallel_loop3A_168 = vector.broadcast %parallel_loop3A_167 : i32 to vector<16xi32>
          %parallel_loop3A_169 = arith.addi %parallel_loop3A_130, %parallel_loop3A_168 : vector<16xi32>
          %parallel_loop3A_170 = tpu.vector_load_idx %arg9[%parallel_loop3A_169] : memref<32xf32, #tpu.memory_space<vmem>>[vector<16xi32>], vector<16xf32>,
          %parallel_loop3A_171 = arith.constant 16 : i32
          %parallel_loop3A_172 = arith.muli %parallel_loop3A_121, %parallel_loop3A_171 : i32
          %parallel_loop3A_173 = arith.constant 4 : i32
          %parallel_loop3A_174 = arith.constant 3 : i32
          %parallel_loop3A_175 = arith.index_cast %parallel_loop3A_173 : i32 to index
          %parallel_loop3A_176 = arith.index_cast %parallel_loop3A_174 : i32 to index
          %parallel_loop3A_177 = arith.index_cast %parallel_loop3A_172 : i32 to index
          %parallel_loop3A_178 = tpu.vector_load %arg8[%parallel_loop3A_175, %parallel_loop3A_176, %parallel_loop3A_177] {strides = array<i32>} : memref<8x4x512xf32, #tpu.memory_space<vmem>>, vector<16xf32>,
          tpu.vector_store %arg8[%parallel_loop3A_175, %parallel_loop3A_176, %parallel_loop3A_177], %parallel_loop3A_170 {strides = array<i32>} : memref<8x4x512xf32, #tpu.memory_space<vmem>>, vector<16xf32>,
        } {sc.loop_unroll_factor = 8 : i64, sc.parallel_access}
        %parallel_loop3A_106 = arith.constant 0 : i32
        %parallel_loop3A_107 = arith.constant 32 : i32
        %parallel_loop3A_108 = arith.constant 1 : i32
        scf.for %parallel_loop3A_121 = %parallel_loop3A_106 to %parallel_loop3A_107 step %parallel_loop3A_108  : i32 {
          %parallel_loop3A_122 = arith.constant 16 : i32
          %parallel_loop3A_123 = arith.muli %parallel_loop3A_121, %parallel_loop3A_122 : i32
          %parallel_loop3A_124 = arith.constant 5 : i32
          %parallel_loop3A_125 = arith.index_cast %parallel_loop3A_124 : i32 to index
          %parallel_loop3A_126 = arith.index_cast %parallel_loop3A_123 : i32 to index
          %parallel_loop3A_127 = tpu.vector_load %arg6[%parallel_loop3A_125, %parallel_loop3A_126] {strides = array<i32>} : memref<8x512xi32, #tpu.memory_space<vmem>>, vector<16xi32>,
          %parallel_loop3A_128 = arith.constant 4 : i32
          %parallel_loop3A_129 = vector.broadcast %parallel_loop3A_128 : i32 to vector<16xi32>
          %parallel_loop3A_130 = arith.muli %parallel_loop3A_127, %parallel_loop3A_129 : vector<16xi32>
          %parallel_loop3A_131 = arith.constant 0 : i32
          %parallel_loop3A_132 = vector.broadcast %parallel_loop3A_131 : i32 to vector<16xi32>
          %parallel_loop3A_133 = arith.addi %parallel_loop3A_130, %parallel_loop3A_132 : vector<16xi32>
          %parallel_loop3A_134 = tpu.vector_load_idx %arg9[%parallel_loop3A_133] : memref<32xf32, #tpu.memory_space<vmem>>[vector<16xi32>], vector<16xf32>,
          %parallel_loop3A_135 = arith.constant 16 : i32
          %parallel_loop3A_136 = arith.muli %parallel_loop3A_121, %parallel_loop3A_135 : i32
          %parallel_loop3A_137 = arith.constant 5 : i32
          %parallel_loop3A_138 = arith.constant 0 : i32
          %parallel_loop3A_139 = arith.index_cast %parallel_loop3A_137 : i32 to index
          %parallel_loop3A_140 = arith.index_cast %parallel_loop3A_138 : i32 to index
          %parallel_loop3A_141 = arith.index_cast %parallel_loop3A_136 : i32 to index
          %parallel_loop3A_142 = tpu.vector_load %arg8[%parallel_loop3A_139, %parallel_loop3A_140, %parallel_loop3A_141] {strides = array<i32>} : memref<8x4x512xf32, #tpu.memory_space<vmem>>, vector<16xf32>,
          tpu.vector_store %arg8[%parallel_loop3A_139, %parallel_loop3A_140, %parallel_loop3A_141], %parallel_loop3A_134 {strides = array<i32>} : memref<8x4x512xf32, #tpu.memory_space<vmem>>, vector<16xf32>,
          %parallel_loop3A_143 = arith.constant 1 : i32
          %parallel_loop3A_144 = vector.broadcast %parallel_loop3A_143 : i32 to vector<16xi32>
          %parallel_loop3A_145 = arith.addi %parallel_loop3A_130, %parallel_loop3A_144 : vector<16xi32>
          %parallel_loop3A_146 = tpu.vector_load_idx %arg9[%parallel_loop3A_145] : memref<32xf32, #tpu.memory_space<vmem>>[vector<16xi32>], vector<16xf32>,
          %parallel_loop3A_147 = arith.constant 16 : i32
          %parallel_loop3A_148 = arith.muli %parallel_loop3A_121, %parallel_loop3A_147 : i32
          %parallel_loop3A_149 = arith.constant 5 : i32
          %parallel_loop3A_150 = arith.constant 1 : i32
          %parallel_loop3A_151 = arith.index_cast %parallel_loop3A_149 : i32 to index
          %parallel_loop3A_152 = arith.index_cast %parallel_loop3A_150 : i32 to index
          %parallel_loop3A_153 = arith.index_cast %parallel_loop3A_148 : i32 to index
          %parallel_loop3A_154 = tpu.vector_load %arg8[%parallel_loop3A_151, %parallel_loop3A_152, %parallel_loop3A_153] {strides = array<i32>} : memref<8x4x512xf32, #tpu.memory_space<vmem>>, vector<16xf32>,
          tpu.vector_store %arg8[%parallel_loop3A_151, %parallel_loop3A_152, %parallel_loop3A_153], %parallel_loop3A_146 {strides = array<i32>} : memref<8x4x512xf32, #tpu.memory_space<vmem>>, vector<16xf32>,
          %parallel_loop3A_155 = arith.constant 2 : i32
          %parallel_loop3A_156 = vector.broadcast %parallel_loop3A_155 : i32 to vector<16xi32>
          %parallel_loop3A_157 = arith.addi %parallel_loop3A_130, %parallel_loop3A_156 : vector<16xi32>
          %parallel_loop3A_158 = tpu.vector_load_idx %arg9[%parallel_loop3A_157] : memref<32xf32, #tpu.memory_space<vmem>>[vector<16xi32>], vector<16xf32>,
          %parallel_loop3A_159 = arith.constant 16 : i32
          %parallel_loop3A_160 = arith.muli %parallel_loop3A_121, %parallel_loop3A_159 : i32
          %parallel_loop3A_161 = arith.constant 5 : i32
          %parallel_loop3A_162 = arith.constant 2 : i32
          %parallel_loop3A_163 = arith.index_cast %parallel_loop3A_161 : i32 to index
          %parallel_loop3A_164 = arith.index_cast %parallel_loop3A_162 : i32 to index
          %parallel_loop3A_165 = arith.index_cast %parallel_loop3A_160 : i32 to index
          %parallel_loop3A_166 = tpu.vector_load %arg8[%parallel_loop3A_163, %parallel_loop3A_164, %parallel_loop3A_165] {strides = array<i32>} : memref<8x4x512xf32, #tpu.memory_space<vmem>>, vector<16xf32>,
          tpu.vector_store %arg8[%parallel_loop3A_163, %parallel_loop3A_164, %parallel_loop3A_165], %parallel_loop3A_158 {strides = array<i32>} : memref<8x4x512xf32, #tpu.memory_space<vmem>>, vector<16xf32>,
          %parallel_loop3A_167 = arith.constant 3 : i32
          %parallel_loop3A_168 = vector.broadcast %parallel_loop3A_167 : i32 to vector<16xi32>
          %parallel_loop3A_169 = arith.addi %parallel_loop3A_130, %parallel_loop3A_168 : vector<16xi32>
          %parallel_loop3A_170 = tpu.vector_load_idx %arg9[%parallel_loop3A_169] : memref<32xf32, #tpu.memory_space<vmem>>[vector<16xi32>], vector<16xf32>,
          %parallel_loop3A_171 = arith.constant 16 : i32
          %parallel_loop3A_172 = arith.muli %parallel_loop3A_121, %parallel_loop3A_171 : i32
          %parallel_loop3A_173 = arith.constant 5 : i32
          %parallel_loop3A_174 = arith.constant 3 : i32
          %parallel_loop3A_175 = arith.index_cast %parallel_loop3A_173 : i32 to index
          %parallel_loop3A_176 = arith.index_cast %parallel_loop3A_174 : i32 to index
          %parallel_loop3A_177 = arith.index_cast %parallel_loop3A_172 : i32 to index
          %parallel_loop3A_178 = tpu.vector_load %arg8[%parallel_loop3A_175, %parallel_loop3A_176, %parallel_loop3A_177] {strides = array<i32>} : memref<8x4x512xf32, #tpu.memory_space<vmem>>, vector<16xf32>,
          tpu.vector_store %arg8[%parallel_loop3A_175, %parallel_loop3A_176, %parallel_loop3A_177], %parallel_loop3A_170 {strides = array<i32>} : memref<8x4x512xf32, #tpu.memory_space<vmem>>, vector<16xf32>,
        } {sc.loop_unroll_factor = 8 : i64, sc.parallel_access}
        %parallel_loop3A_109 = arith.constant 0 : i32
        %parallel_loop3A_110 = arith.constant 32 : i32
        %parallel_loop3A_111 = arith.constant 1 : i32
        scf.for %parallel_loop3A_121 = %parallel_loop3A_109 to %parallel_loop3A_110 step %parallel_loop3A_111  : i32 {
          %parallel_loop3A_122 = arith.constant 16 : i32
          %parallel_loop3A_123 = arith.muli %parallel_loop3A_121, %parallel_loop3A_122 : i32
          %parallel_loop3A_124 = arith.constant 6 : i32
          %parallel_loop3A_125 = arith.index_cast %parallel_loop3A_124 : i32 to index
          %parallel_loop3A_126 = arith.index_cast %parallel_loop3A_123 : i32 to index
          %parallel_loop3A_127 = tpu.vector_load %arg6[%parallel_loop3A_125, %parallel_loop3A_126] {strides = array<i32>} : memref<8x512xi32, #tpu.memory_space<vmem>>, vector<16xi32>,
          %parallel_loop3A_128 = arith.constant 4 : i32
          %parallel_loop3A_129 = vector.broadcast %parallel_loop3A_128 : i32 to vector<16xi32>
          %parallel_loop3A_130 = arith.muli %parallel_loop3A_127, %parallel_loop3A_129 : vector<16xi32>
          %parallel_loop3A_131 = arith.constant 0 : i32
          %parallel_loop3A_132 = vector.broadcast %parallel_loop3A_131 : i32 to vector<16xi32>
          %parallel_loop3A_133 = arith.addi %parallel_loop3A_130, %parallel_loop3A_132 : vector<16xi32>
          %parallel_loop3A_134 = tpu.vector_load_idx %arg9[%parallel_loop3A_133] : memref<32xf32, #tpu.memory_space<vmem>>[vector<16xi32>], vector<16xf32>,
          %parallel_loop3A_135 = arith.constant 16 : i32
          %parallel_loop3A_136 = arith.muli %parallel_loop3A_121, %parallel_loop3A_135 : i32
          %parallel_loop3A_137 = arith.constant 6 : i32
          %parallel_loop3A_138 = arith.constant 0 : i32
          %parallel_loop3A_139 = arith.index_cast %parallel_loop3A_137 : i32 to index
          %parallel_loop3A_140 = arith.index_cast %parallel_loop3A_138 : i32 to index
          %parallel_loop3A_141 = arith.index_cast %parallel_loop3A_136 : i32 to index
          %parallel_loop3A_142 = tpu.vector_load %arg8[%parallel_loop3A_139, %parallel_loop3A_140, %parallel_loop3A_141] {strides = array<i32>} : memref<8x4x512xf32, #tpu.memory_space<vmem>>, vector<16xf32>,
          tpu.vector_store %arg8[%parallel_loop3A_139, %parallel_loop3A_140, %parallel_loop3A_141], %parallel_loop3A_134 {strides = array<i32>} : memref<8x4x512xf32, #tpu.memory_space<vmem>>, vector<16xf32>,
          %parallel_loop3A_143 = arith.constant 1 : i32
          %parallel_loop3A_144 = vector.broadcast %parallel_loop3A_143 : i32 to vector<16xi32>
          %parallel_loop3A_145 = arith.addi %parallel_loop3A_130, %parallel_loop3A_144 : vector<16xi32>
          %parallel_loop3A_146 = tpu.vector_load_idx %arg9[%parallel_loop3A_145] : memref<32xf32, #tpu.memory_space<vmem>>[vector<16xi32>], vector<16xf32>,
          %parallel_loop3A_147 = arith.constant 16 : i32
          %parallel_loop3A_148 = arith.muli %parallel_loop3A_121, %parallel_loop3A_147 : i32
          %parallel_loop3A_149 = arith.constant 6 : i32
          %parallel_loop3A_150 = arith.constant 1 : i32
          %parallel_loop3A_151 = arith.index_cast %parallel_loop3A_149 : i32 to index
          %parallel_loop3A_152 = arith.index_cast %parallel_loop3A_150 : i32 to index
          %parallel_loop3A_153 = arith.index_cast %parallel_loop3A_148 : i32 to index
          %parallel_loop3A_154 = tpu.vector_load %arg8[%parallel_loop3A_151, %parallel_loop3A_152, %parallel_loop3A_153] {strides = array<i32>} : memref<8x4x512xf32, #tpu.memory_space<vmem>>, vector<16xf32>,
          tpu.vector_store %arg8[%parallel_loop3A_151, %parallel_loop3A_152, %parallel_loop3A_153], %parallel_loop3A_146 {strides = array<i32>} : memref<8x4x512xf32, #tpu.memory_space<vmem>>, vector<16xf32>,
          %parallel_loop3A_155 = arith.constant 2 : i32
          %parallel_loop3A_156 = vector.broadcast %parallel_loop3A_155 : i32 to vector<16xi32>
          %parallel_loop3A_157 = arith.addi %parallel_loop3A_130, %parallel_loop3A_156 : vector<16xi32>
          %parallel_loop3A_158 = tpu.vector_load_idx %arg9[%parallel_loop3A_157] : memref<32xf32, #tpu.memory_space<vmem>>[vector<16xi32>], vector<16xf32>,
          %parallel_loop3A_159 = arith.constant 16 : i32
          %parallel_loop3A_160 = arith.muli %parallel_loop3A_121, %parallel_loop3A_159 : i32
          %parallel_loop3A_161 = arith.constant 6 : i32
          %parallel_loop3A_162 = arith.constant 2 : i32
          %parallel_loop3A_163 = arith.index_cast %parallel_loop3A_161 : i32 to index
          %parallel_loop3A_164 = arith.index_cast %parallel_loop3A_162 : i32 to index
          %parallel_loop3A_165 = arith.index_cast %parallel_loop3A_160 : i32 to index
          %parallel_loop3A_166 = tpu.vector_load %arg8[%parallel_loop3A_163, %parallel_loop3A_164, %parallel_loop3A_165] {strides = array<i32>} : memref<8x4x512xf32, #tpu.memory_space<vmem>>, vector<16xf32>,
          tpu.vector_store %arg8[%parallel_loop3A_163, %parallel_loop3A_164, %parallel_loop3A_165], %parallel_loop3A_158 {strides = array<i32>} : memref<8x4x512xf32, #tpu.memory_space<vmem>>, vector<16xf32>,
          %parallel_loop3A_167 = arith.constant 3 : i32
          %parallel_loop3A_168 = vector.broadcast %parallel_loop3A_167 : i32 to vector<16xi32>
          %parallel_loop3A_169 = arith.addi %parallel_loop3A_130, %parallel_loop3A_168 : vector<16xi32>
          %parallel_loop3A_170 = tpu.vector_load_idx %arg9[%parallel_loop3A_169] : memref<32xf32, #tpu.memory_space<vmem>>[vector<16xi32>], vector<16xf32>,
          %parallel_loop3A_171 = arith.constant 16 : i32
          %parallel_loop3A_172 = arith.muli %parallel_loop3A_121, %parallel_loop3A_171 : i32
          %parallel_loop3A_173 = arith.constant 6 : i32
          %parallel_loop3A_174 = arith.constant 3 : i32
          %parallel_loop3A_175 = arith.index_cast %parallel_loop3A_173 : i32 to index
          %parallel_loop3A_176 = arith.index_cast %parallel_loop3A_174 : i32 to index
          %parallel_loop3A_177 = arith.index_cast %parallel_loop3A_172 : i32 to index
          %parallel_loop3A_178 = tpu.vector_load %arg8[%parallel_loop3A_175, %parallel_loop3A_176, %parallel_loop3A_177] {strides = array<i32>} : memref<8x4x512xf32, #tpu.memory_space<vmem>>, vector<16xf32>,
          tpu.vector_store %arg8[%parallel_loop3A_175, %parallel_loop3A_176, %parallel_loop3A_177], %parallel_loop3A_170 {strides = array<i32>} : memref<8x4x512xf32, #tpu.memory_space<vmem>>, vector<16xf32>,
        } {sc.loop_unroll_factor = 8 : i64, sc.parallel_access}
        %parallel_loop3A_112 = arith.constant 0 : i32
        %parallel_loop3A_113 = arith.constant 32 : i32
        %parallel_loop3A_114 = arith.constant 1 : i32
        scf.for %parallel_loop3A_121 = %parallel_loop3A_112 to %parallel_loop3A_113 step %parallel_loop3A_114  : i32 {
          %parallel_loop3A_122 = arith.constant 16 : i32
          %parallel_loop3A_123 = arith.muli %parallel_loop3A_121, %parallel_loop3A_122 : i32
          %parallel_loop3A_124 = arith.constant 7 : i32
          %parallel_loop3A_125 = arith.index_cast %parallel_loop3A_124 : i32 to index
          %parallel_loop3A_126 = arith.index_cast %parallel_loop3A_123 : i32 to index
          %parallel_loop3A_127 = tpu.vector_load %arg6[%parallel_loop3A_125, %parallel_loop3A_126] {strides = array<i32>} : memref<8x512xi32, #tpu.memory_space<vmem>>, vector<16xi32>,
          %parallel_loop3A_128 = arith.constant 4 : i32
          %parallel_loop3A_129 = vector.broadcast %parallel_loop3A_128 : i32 to vector<16xi32>
          %parallel_loop3A_130 = arith.muli %parallel_loop3A_127, %parallel_loop3A_129 : vector<16xi32>
          %parallel_loop3A_131 = arith.constant 0 : i32
          %parallel_loop3A_132 = vector.broadcast %parallel_loop3A_131 : i32 to vector<16xi32>
          %parallel_loop3A_133 = arith.addi %parallel_loop3A_130, %parallel_loop3A_132 : vector<16xi32>
          %parallel_loop3A_134 = tpu.vector_load_idx %arg9[%parallel_loop3A_133] : memref<32xf32, #tpu.memory_space<vmem>>[vector<16xi32>], vector<16xf32>,
          %parallel_loop3A_135 = arith.constant 16 : i32
          %parallel_loop3A_136 = arith.muli %parallel_loop3A_121, %parallel_loop3A_135 : i32
          %parallel_loop3A_137 = arith.constant 7 : i32
          %parallel_loop3A_138 = arith.constant 0 : i32
          %parallel_loop3A_139 = arith.index_cast %parallel_loop3A_137 : i32 to index
          %parallel_loop3A_140 = arith.index_cast %parallel_loop3A_138 : i32 to index
          %parallel_loop3A_141 = arith.index_cast %parallel_loop3A_136 : i32 to index
          %parallel_loop3A_142 = tpu.vector_load %arg8[%parallel_loop3A_139, %parallel_loop3A_140, %parallel_loop3A_141] {strides = array<i32>} : memref<8x4x512xf32, #tpu.memory_space<vmem>>, vector<16xf32>,
          tpu.vector_store %arg8[%parallel_loop3A_139, %parallel_loop3A_140, %parallel_loop3A_141], %parallel_loop3A_134 {strides = array<i32>} : memref<8x4x512xf32, #tpu.memory_space<vmem>>, vector<16xf32>,
          %parallel_loop3A_143 = arith.constant 1 : i32
          %parallel_loop3A_144 = vector.broadcast %parallel_loop3A_143 : i32 to vector<16xi32>
          %parallel_loop3A_145 = arith.addi %parallel_loop3A_130, %parallel_loop3A_144 : vector<16xi32>
          %parallel_loop3A_146 = tpu.vector_load_idx %arg9[%parallel_loop3A_145] : memref<32xf32, #tpu.memory_space<vmem>>[vector<16xi32>], vector<16xf32>,
          %parallel_loop3A_147 = arith.constant 16 : i32
          %parallel_loop3A_148 = arith.muli %parallel_loop3A_121, %parallel_loop3A_147 : i32
          %parallel_loop3A_149 = arith.constant 7 : i32
          %parallel_loop3A_150 = arith.constant 1 : i32
          %parallel_loop3A_151 = arith.index_cast %parallel_loop3A_149 : i32 to index
          %parallel_loop3A_152 = arith.index_cast %parallel_loop3A_150 : i32 to index
          %parallel_loop3A_153 = arith.index_cast %parallel_loop3A_148 : i32 to index
          %parallel_loop3A_154 = tpu.vector_load %arg8[%parallel_loop3A_151, %parallel_loop3A_152, %parallel_loop3A_153] {strides = array<i32>} : memref<8x4x512xf32, #tpu.memory_space<vmem>>, vector<16xf32>,
          tpu.vector_store %arg8[%parallel_loop3A_151, %parallel_loop3A_152, %parallel_loop3A_153], %parallel_loop3A_146 {strides = array<i32>} : memref<8x4x512xf32, #tpu.memory_space<vmem>>, vector<16xf32>,
          %parallel_loop3A_155 = arith.constant 2 : i32
          %parallel_loop3A_156 = vector.broadcast %parallel_loop3A_155 : i32 to vector<16xi32>
          %parallel_loop3A_157 = arith.addi %parallel_loop3A_130, %parallel_loop3A_156 : vector<16xi32>
          %parallel_loop3A_158 = tpu.vector_load_idx %arg9[%parallel_loop3A_157] : memref<32xf32, #tpu.memory_space<vmem>>[vector<16xi32>], vector<16xf32>,
          %parallel_loop3A_159 = arith.constant 16 : i32
          %parallel_loop3A_160 = arith.muli %parallel_loop3A_121, %parallel_loop3A_159 : i32
          %parallel_loop3A_161 = arith.constant 7 : i32
          %parallel_loop3A_162 = arith.constant 2 : i32
          %parallel_loop3A_163 = arith.index_cast %parallel_loop3A_161 : i32 to index
          %parallel_loop3A_164 = arith.index_cast %parallel_loop3A_162 : i32 to index
          %parallel_loop3A_165 = arith.index_cast %parallel_loop3A_160 : i32 to index
          %parallel_loop3A_166 = tpu.vector_load %arg8[%parallel_loop3A_163, %parallel_loop3A_164, %parallel_loop3A_165] {strides = array<i32>} : memref<8x4x512xf32, #tpu.memory_space<vmem>>, vector<16xf32>,
          tpu.vector_store %arg8[%parallel_loop3A_163, %parallel_loop3A_164, %parallel_loop3A_165], %parallel_loop3A_158 {strides = array<i32>} : memref<8x4x512xf32, #tpu.memory_space<vmem>>, vector<16xf32>,
          %parallel_loop3A_167 = arith.constant 3 : i32
          %parallel_loop3A_168 = vector.broadcast %parallel_loop3A_167 : i32 to vector<16xi32>
          %parallel_loop3A_169 = arith.addi %parallel_loop3A_130, %parallel_loop3A_168 : vector<16xi32>
          %parallel_loop3A_170 = tpu.vector_load_idx %arg9[%parallel_loop3A_169] : memref<32xf32, #tpu.memory_space<vmem>>[vector<16xi32>], vector<16xf32>,
          %parallel_loop3A_171 = arith.constant 16 : i32
          %parallel_loop3A_172 = arith.muli %parallel_loop3A_121, %parallel_loop3A_171 : i32
          %parallel_loop3A_173 = arith.constant 7 : i32
          %parallel_loop3A_174 = arith.constant 3 : i32
          %parallel_loop3A_175 = arith.index_cast %parallel_loop3A_173 : i32 to index
          %parallel_loop3A_176 = arith.index_cast %parallel_loop3A_174 : i32 to index
          %parallel_loop3A_177 = arith.index_cast %parallel_loop3A_172 : i32 to index
          %parallel_loop3A_178 = tpu.vector_load %arg8[%parallel_loop3A_175, %parallel_loop3A_176, %parallel_loop3A_177] {strides = array<i32>} : memref<8x4x512xf32, #tpu.memory_space<vmem>>, vector<16xf32>,
          tpu.vector_store %arg8[%parallel_loop3A_175, %parallel_loop3A_176, %parallel_loop3A_177], %parallel_loop3A_170 {strides = array<i32>} : memref<8x4x512xf32, #tpu.memory_space<vmem>>, vector<16xf32>,
        } {sc.loop_unroll_factor = 8 : i64, sc.parallel_access}
        %mul3A_115 = arith.constant 8 : i32
        %mul3A_116 = arith.muli %add3A_74, %mul3A_115 : i32
        %dma_start3A_117 = arith.constant 0 : i32
        %dma_start3A_118 = tpu.memref_slice %arg4[%mul3A_116, %dma_start3A_117, %mul3A_2] : memref<200x4x16384xf32, #tpu.memory_space<hbm>> -> memref<8x4x512xf32, #tpu.memory_space<hbm>>
        %dma_start3A_119 = arith.constant 0 : i32
        %dma_start3A_120 = tpu.memref_slice %arg4[%mul3A_116, %dma_start3A_119, %mul3A_2] : memref<200x4x16384xf32, #tpu.memory_space<hbm>> -> memref<8x4x512xf32, #tpu.memory_space<hbm>>
        tpu.enqueue_dma source(%arg8 : memref<8x4x512xf32, #tpu.memory_space<vmem>>) target(%dma_start3A_120 : memref<8x4x512xf32, #tpu.memory_space<hbm>>) target_semaphore(%arg13 : memref<!tpu.dma_semaphore, #tpu.memory_space<semaphore_mem>>)
      } else {
      }
    }
    %scan3A_10 = arith.constant 13 : i32
    %dma_wait3A = arith.constant 192 : i32
    %dma_wait3A_11 = arith.constant 0 : i32
    %dma_wait3A_12 = tpu.memref_slice %arg4[%dma_wait3A, %dma_wait3A_11, %mul3A_2] : memref<200x4x16384xf32, #tpu.memory_space<hbm>> -> memref<8x4x512xf32, #tpu.memory_space<hbm>>
    %dma_wait3A_13 = arith.constant 192 : i32
    %dma_wait3A_14 = arith.constant 0 : i32
    %dma_wait3A_15 = tpu.memref_slice %arg4[%dma_wait3A_13, %dma_wait3A_14, %mul3A_2] : memref<200x4x16384xf32, #tpu.memory_space<hbm>> -> memref<8x4x512xf32, #tpu.memory_space<hbm>>
    tpu.wait_dma2 semaphore(%arg12 : memref<!tpu.dma_semaphore, #tpu.memory_space<semaphore_mem>>) src(%arg7 : memref<8x4x512xf32, #tpu.memory_space<vmem>>) dst(%dma_wait3A_15 : memref<8x4x512xf32, #tpu.memory_space<hbm>>)
    %dma_wait3A_16 = arith.constant 184 : i32
    %dma_wait3A_17 = arith.constant 0 : i32
    %dma_wait3A_18 = tpu.memref_slice %arg4[%dma_wait3A_16, %dma_wait3A_17, %mul3A_2] : memref<200x4x16384xf32, #tpu.memory_space<hbm>> -> memref<8x4x512xf32, #tpu.memory_space<hbm>>
    %dma_wait3A_19 = arith.constant 184 : i32
    %dma_wait3A_20 = arith.constant 0 : i32
    %dma_wait3A_21 = tpu.memref_slice %arg4[%dma_wait3A_19, %dma_wait3A_20, %mul3A_2] : memref<200x4x16384xf32, #tpu.memory_space<hbm>> -> memref<8x4x512xf32, #tpu.memory_space<hbm>>
    tpu.wait_dma2 semaphore(%arg13 : memref<!tpu.dma_semaphore, #tpu.memory_space<semaphore_mem>>) src(%arg8 : memref<8x4x512xf32, #tpu.memory_space<vmem>>) dst(%dma_wait3A_21 : memref<8x4x512xf32, #tpu.memory_space<hbm>>)
    return
  }
}

</mosaic_0001>

<sc_bundles>
// kernel: kernel.3.cloned.1.call-start
scs
__scs_entry_jumppad:
0x0: {  	(pc) =	sbr.rel $0x88, $3  }
0x1: {  	(tag) =	ssettag $0x0;
	lr =	simm.s32 $0x1  }
0x2: {  	[smem:$0x3F9F] =	sst lr;
	_ =	strace $0xD0000000  }
0x3: {  	_ = 	snop  }
0x4: {  	_ = 	snop  }
0x5: {  	_ = 	snop  }
0x6: {  	_ = 	snop  }
0x7: {  	_ = 	snop  }
__scs_overlays_trampoline_lowered:
0x8: {  	[smem:$0x3FAE] =	sst s0  }
0x9: {  	[smem:$0x3FAF] =	sst s1  }
0xa: {  	[smem:$0x3FB0] =	sst s2  }
0xb: {  	[smem:$0x3FB1] =	sst s3  }
0xc: {  	[smem:$0x3FB2] =	sst s4  }
0xd: {  	[smem:$0x3FB3] =	sst s5  }
0xe: {  	[smem:$0x3FB4] =	sst s6  }
0xf: {  	[smem:$0x3FB5] =	sst s7  }
0x10: {  	[smem:$0x3FB6] =	sst s8  }
0x11: {  	[smem:$0x3FB7] =	sst s9;
	s0 =	simm.s32 @!p0 $0x0  }
0x12: {  	s1 =	sld [smem:$0x3F9D];
	s0 =	simm.s32 @p0 $0x1  }
0x13: {  	[smem:$0x3FB8] =	sst s0;
	s0 =	simm.s32 @!p1 $0x0  }
0x14: {  	s2 =	sld [smem:$0x3F9C];
	s0 =	simm.s32 @p1 $0x1  }
0x15: {  	[smem:$0x3FB9] =	sst s0;
	s0 =	simm.s32 @!p2 $0x0  }
0x16: {  	s3 =	sld [smem:$0x3FDB];
	s0 =	simm.s32 @p2 $0x1  }
0x17: {  	s4 =	simm.s32 $0x1BF5;
	[smem:$0x3FBB] =	sst s0  }
0x18: {  	s0 =	sld [smem:$0x3F9E];
	_ =	swait.ge [sflag:s4], $0x0  }
0x19: {  	s7 =	sld [smem:$0x3F9F]  }
0x1a: {  	s8 =	sadd.s32 $0xFFFFE003, lr  }
0x1b: {  	s9 =	sadd.s32 $0xFFFFFEF7, lr;
	s5 =	simm.s32 $0xFFFFFFFF;
	p2 =	slt.u32 s8, $0xFFFFF086  }
0x1c: {  	p1 =	slt.u32 s9, $0xF7A;
	s5 =	simm.s32 @!p2 $0x0  }
0x1d: {  	s5 =	simm.s32 @p1 $0x1;
	p0 =	seq.s32 s7, s2  }
0x1e: {  	s7 =	smul.u32 @!p0 $0xF7A, s2;
	p2 =	seq.s32 @!p0 s5, $0x0  }
0x1f: {  	s9 =	smul.u32 $0xF7A, s1;
	s8 =	simm.s32 @!p0 $0x1BF5;
	p2 =	por !p2, p0  }
0x20: {  	[sflag:s8] =	ssyncset.s32 @!p0 $0xFFFFF086;
	s6 =	sadd.s32 @!p0 s3, s7;
	s7 =	simm.s32 @!p0 $0x108  }
0x21: {  	s3 =	sadd.s32 s3, s9;
	s6 =	sadd.s32 @!p0 $0x88, s6;
	s7 =	simm.s32 @p2 $0x1082  }
0x22: {  	[simem:s7], [sflag:s8] =	dma.local @!p0 [hbm:s6], $0xF7A  }
0x23: {  	s9 =	sor.u32 $0xD0000000, s2;
	s6 =	simm.s32 $0x108;
	_ =	swait.ge @!p0 [sflag:s8], $0x0  }
0x24: {  	s3 =	sadd.s32 $0x88, s3;
	s6 =	simm.s32 @!p1 $0x1082;
	[sflag:s4] =	ssyncset.s32 $0xFFFFF086  }
0x25: {  	[simem:s6], [sflag:s4] =	dma.local [hbm:s3], $0xF7A  }
0x26: {  	[smem:$0x3F9F] =	sst s1;
	(tag) =	ssettag s2;
	_ =	strace s9  }
0x27: {  	s1 =	sld [smem:$0x3FAF]  }
0x28: {  	s2 =	sld [smem:$0x3FB0]  }
0x29: {  	s4 =	sld [smem:$0x3FB2]  }
0x2a: {  	p0 =	seq.s32 s5, $0x0;
	s5 =	sld [smem:$0x3FB3]  }
0x2b: {  	s6 =	sld [smem:$0x3FB4]  }
0x2c: {  	s7 =	sld [smem:$0x3FB5]  }
0x2d: {  	s3 =	simm.s32 $0x108;
	s8 =	sld [smem:$0x3FB6]  }
0x2e: {  	s3 =	simm.s32 @!p0 $0x1082;
	s9 =	sld [smem:$0x3FB7]  }
0x2f: {  	lr =	sadd.s32 s0, s3;
	s0 =	sld [smem:$0x3FAE]  }
0x30: {  	s3 =	sld [smem:$0x3FB1]  }
0x31: {  	[smem:$0x3FBA] =	sst s10  }
0x32: {  	s10 =	sld [smem:$0x3FB8];
	_ =	sdelay $0x3  }
0x33: {  	p0 =	seq.s32 s10, $0x1;
	s10 =	sld [smem:$0x3FBA];
	_ =	sdelay $0x3  }
0x34: {  	[smem:$0x3FBA] =	sst s10  }
0x35: {  	s10 =	sld [smem:$0x3FB9];
	_ =	sdelay $0x3  }
0x36: {  	p1 =	seq.s32 s10, $0x1;
	s10 =	sld [smem:$0x3FBA];
	_ =	sdelay $0x3  }
0x37: {  	[smem:$0x3FBA] =	sst s10  }
0x38: {  	s10 =	sld [smem:$0x3FBB]  }
0x39: {  	_ = 	snop;
	(pc) =	sbr.ind lr, $3  }
0x3a: {  	_ = 	snop  }
0x3b: {  	_ = 	snop  }
0x3c: {  	p2 =	seq.s32 s10, $0x1;
	s10 =	sld [smem:$0x3FBA]  }
0x3d: {  	_ =	shalt  }
0x3e: {  	_ =	shalt  }
0x3f: {  	_ =	shalt  }
0x40: {  	_ =	shalt  }
0x41: {  	_ =	shalt  }
0x42: {  	_ =	shalt  }
0x43: {  	_ =	shalt  }
0x44: {  	_ =	shalt  }
0x45: {  	_ =	shalt  }
0x46: {  	_ =	shalt  }
0x47: {  	_ =	shalt  }
0x48: {  	_ =	shalt  }
0x49: {  	_ =	shalt  }
0x4a: {  	_ =	shalt  }
0x4b: {  	_ =	shalt  }
0x4c: {  	_ =	shalt  }
0x4d: {  	_ =	shalt  }
0x4e: {  	_ =	shalt  }
0x4f: {  	_ =	shalt  }
0x50: {  	_ =	shalt  }
0x51: {  	_ =	shalt  }
0x52: {  	_ =	shalt  }
0x53: {  	_ =	shalt  }
0x54: {  	_ =	shalt  }
0x55: {  	_ =	shalt  }
0x56: {  	_ =	shalt  }
0x57: {  	_ =	shalt  }
0x58: {  	_ =	shalt  }
0x59: {  	_ =	shalt  }
0x5a: {  	_ =	shalt  }
0x5b: {  	_ =	shalt  }
0x5c: {  	_ =	shalt  }
0x5d: {  	_ =	shalt  }
0x5e: {  	_ =	shalt  }
0x5f: {  	_ =	shalt  }
0x60: {  	_ =	shalt  }
0x61: {  	_ =	shalt  }
0x62: {  	_ =	shalt  }
0x63: {  	_ =	shalt  }
0x64: {  	_ =	shalt  }
0x65: {  	_ =	shalt  }
0x66: {  	_ =	shalt  }
0x67: {  	_ =	shalt  }
0x68: {  	_ =	shalt  }
0x69: {  	_ =	shalt  }
0x6a: {  	_ =	shalt  }
0x6b: {  	_ =	shalt  }
0x6c: {  	_ =	shalt  }
0x6d: {  	_ =	shalt  }
0x6e: {  	_ =	shalt  }
0x6f: {  	_ =	shalt  }
0x70: {  	_ =	shalt  }
0x71: {  	_ =	shalt  }
0x72: {  	_ =	shalt  }
0x73: {  	_ =	shalt  }
0x74: {  	_ =	shalt  }
0x75: {  	_ =	shalt  }
0x76: {  	_ =	shalt  }
0x77: {  	_ =	shalt  }
0x78: {  	_ =	shalt  }
0x79: {  	_ =	shalt  }
0x7a: {  	_ =	shalt  }
0x7b: {  	_ =	shalt  }
0x7c: {  	_ =	shalt  }
0x7d: {  	_ =	shalt  }
0x7e: {  	_ =	shalt  }
0x7f: {  	_ =	shalt  }
0x80: {  	_ =	shalt  }
0x81: {  	_ =	shalt  }
0x82: {  	_ =	shalt  }
0x83: {  	_ =	shalt  }
0x84: {  	_ =	shalt  }
0x85: {  	_ =	shalt  }
0x86: {  	_ =	shalt  }
0x87: {  	_ =	shalt  }
.Lfunc_end0:
.L_simem_size_0:
called_computation_lowered:
.L_overlay_start_0:
0x88: {  	s2 =	sld [smem:$0x3FD9]  }
0x89: {  	s3 =	sld [smem:$0x3FFE];
	_ =	sdelay $0x1  }
0x8a: {  	s1 =	srdreg.scid  }
0x8b: {  	s0 =	sand.u32 $0x1, s1  }
0x8c: {  	s17 =	sshll.u32 s0, $0xA;
	s2 =	sadd.s32 s3, s2  }
0x8d: {  	s2 =	sadd.s32 s2, s17  }
0x8e: {  	[smem:$0x3FC6] =	sst s2  }
0x8f: {  	_ = 	snop  }
0x90: {  	s2 =	sld [smem:$0x3FC9]  }
0x91: {  	s18 =	sld [smem:$0x3FD0];
	(tm) =	ssettm $0x1  }
0x92: {  	s4 =	sld [smem:$0x3FFB];
	_ =	sdelay $0x3  }
0x93: {  	_ =	strace s4  }
0x94: {  	s4 =	sld [smem:$0x3FFC];
	_ =	sdelay $0x3  }
0x95: {  	_ =	strace s4  }
0x96: {  	s4 =	sld [smem:$0x3FFD];
	_ =	sdelay $0x3  }
0x97: {  	_ =	strace s4  }
0x98: {  	_ =	strace $0x8FFFFFFF  }
0x99: {  	s19 =	sld [smem:$0x3FDB];
	_ =	sdelay $0x1  }
0x9a: {  	s5 =	simm.s32 $_scs_section_size  }
0x9b: {  	s6 =	simm.s32 $_size__tile_overlayer_lowered;
	s7 =	simm.s32 $_tile_overlayer_lowered  }
0x9c: {  	s22 =	simm.s32 $0x1BFF;
	s21 =	sshll.u32 s7, $0x1;
	s4 =	sadd.s32 s5, s19  }
0x9d: {  	s8 =	simm.s32 $0x0;
	s20 =	sshll.u32 s6, $0x1;
	s6 =	sadd.s32 s21, s4  }
0x9e: {  	[timem:s8], [sflag:s22] =	dma.local [hbm:s6], s20  }
0x9f: {  	_ =	swait.ge [sflag:s22], s20  }
0xa0: {  	s5 =	ssub.s32 $0x0, s20;
	[sflag:s22] =	ssyncset.done $0x0  }
0xa1: {  	[sflag:s22] =	ssyncadd.s32 s5;
	_ =	sdelay $0x1  }
0xa2: {  	s23 =	simm.s32 $0x1B8B  }
0xa3: {  	_ =	swait.ge [sflag:s23], $0x1  }
0xa4: {  	[sflag:s23] =	ssyncset.done $0x0  }
0xa5: {  	s25 =	simm.s32 $0x1B8E;
	s24 =	sld [smem:$0x3FFE];
	[sflag:s23] =	ssyncadd.s32 $0xFFFFFFFF  }
0xa6: {  	s26 =	simm.s32 $execute0_lowered;
	[smem:$0x3FD2] =	sst s25  }
0xa7: {  	s6 =	sshll.u32 s26, $0x1;
	_ =	strace $0x80000046;
	[dreg:$0x1] =	wrdreg $0xFFFFFFFF  }
0xa8: {  	s28 =	simm.s32 $_size_execute0_lowered;
	s4 =	sadd.s32 s4, s6;
	[dreg:$0x0] =	wrdreg $0x0  }
0xa9: {  	s6 =	sshll.u32 s28, $0x1;
	[dreg:$0x2] =	wrdreg s4  }
0xaa: {  	[dreg:$0x3] =	wrdreg s6  }
0xab: {  	[dreg:$0x4] =	wrdreg $0xC0  }
0xac: {  	_ =	task [dreg:s8], $0x5FFFF  }
0xad: {  	[dreg:$0x1] =	wrdreg $0xFFFFFFFF  }
0xae: {  	[dreg:$0x0] =	wrdreg $0x60  }
0xaf: {  	[dreg:$0x2] =	wrdreg s2  }
0xb0: {  	[dreg:$0x3] =	wrdreg s24  }
0xb1: {  	[dreg:$0x4] =	wrdreg s18  }
0xb2: {  	[dreg:$0x5] =	wrdreg $0x9  }
0xb3: {  	_ =	task.clear_ibuf [dreg:s8], $0x6FFFF;
	_ =	strace $0x90000046  }
0xb4: {  	s29 =	simm.s32 $0x9;
	_ =	strace $0x80000048  }
0xb5: {  	_ =	swait.ge [sflag:s29], $0x1  }
0xb6: {  	[sflag:s29] =	ssyncadd.s32 $0xFFFFFFFF  }
0xb7: {  	_ =	strace $0x90000048  }
0xb8: {  	_ =	sfence  }
0xb9: {  	s30 =	sld [smem:$0x0];
	_ =	sdelay $0x2  }
0xba: {  	s31 =	sshll.u32 s1, $0xD;
	s1 =	sshrl.u32 s1, $0x2  }
0xbb: {  	s3 =	sand.u32 $0x4000, s31;
	s1 =	sadd.s32 s1, s30  }
0xbc: {  	s0 =	sor.u32 s3, s0;
	s1 =	sshll.u32 s1, $0x11  }
0xbd: {  	s0 =	sor.u32 s1, s0  }
0xbe: {  	s0 =	sadd.s32 $0x8F2B, s0  }
0xbf: {  	[sflag:s0] =	ssyncadd.remote.s32 $0x1  }
0xc0: {  	_ =	sfence.sel $0xFFFF  }
0xc1: {  	[dreg:$0x0] =	wrdreg $0xFFFFFFFF;
	(pc) =	sbr.abs _section_cstart, $3  }
0xc2: {  	[dreg:$0x1] =	wrdreg $0xFFFFFFFF  }
0xc3: {  	_ =	task.clear_ibuf [dreg:s8], $0x2FFFF;
	_ =	strace $0x9FFFFFFF  }
0xc4: {  	(tm) =	ssettm $0x7FFFFFFF  }
0xc5: {  	_ =	shalt  }
tec
execute0_lowered:
.L_overlay_start_1:
0x0: {  	(tag) =	ssettag $0x1  }
0x1: {  	s5 =	rddreg [dreg:$0x0]  }
0x2: {  	s4 =	rddreg [dreg:$0x1]  }
0x3: {  	s2 =	rddreg [dreg:$0x2]  }
0x4: {  	s0 =	rddreg [dreg:$0x3];
	s6 =	srdreg.scid;
	s3 =	simm.s32 $0x0  }
0x5: {  	s1 =	stileid.u32;
	s9 =	simm.s32 $0xA000;
	s10 =	simm.s32 $0x5  }
0x6: {  	s11 =	simm.s32 $0x1;
	s12 =	simm.s32 $0x800;
	s13 =	simm.s32 $0x10000  }
0x7: {  	s14 =	simm.s32 $0x2000;
	s15 =	simm.s32 $0x2;
	s16 =	simm.s32 $0x6000  }
0x8: {  	s17 =	simm.s32 $0x3;
	s18 =	simm.s32 $0x4;
	s19 =	simm.s32 $0x0  }
.Ltmp0:
0x9: {  	s6 =	sand.u32 $0x1, s6;
	[smem:$0x7FF] =	sst s3;
	(pc) =	sbr.rel .LBB2_1-.Ltmp0, $4  }
0xa: {  	s7 =	sshll.u32 s1, $0xA;
	s8 =	sshll.u32 s6, $0x9;
	s6 =	ssub.s32 $0x2, s6  }
0xb: {  	s4 =	sadd.s32 $0x400, s4;
	s7 =	sor.u32 s8, s7;
	s31 =	sshrl.u32 s6, $0x1  }
0xc: {  	_ =	strace $0x80000047;
	s5 =	sadd.s32 s5, s7;
	s8 =	ssub.s32 s6, s31  }
0xd: {  	s6 =	sshll.u32 s7, $0x2;
	s7 =	sadd.s32 $0x8000, s5;
	s8 =	smax.u32 s8, $0x1  }
.LBB2_37:
0xe: {  	s19 =	sadd.s32 $0x1, s19  }
0xf: {  	_ =	swait.ge [sflag:s17], $0x4000;
	p0 =	sne.s32 s19, s8  }
.Ltmp1:
0x10: {  	[sflag:s17] =	ssyncset.done $0x0;
	(pc) =	sbr.rel @!p0 .LBB2_38-.Ltmp1, $4  }
0x11: {  	[sflag:s17] =	ssyncadd.s32 $0xFFFFC000  }
0x12: {  	_ =	swait.ge [sflag:s18], $0x4000  }
0x13: {  	[sflag:s18] =	ssyncset.done $0x0  }
0x14: {  	[sflag:s18] =	ssyncadd.s32 $0xFFFFC000  }
.LBB2_1:
0x15: {  	[tilespmem:s3], [sflag:$0x1] =	stream.linear.gather [hbm4b:s5+s3], $0x1000, $0x38;
	[tilespmem:$0xA080] =	vst v63  }
.Ltmp2:
0x16: {  	_ = 	snop;
	(pc) =	sbr.rel .LBB2_2-.Ltmp2, $4  }
0x17: {  	[tilespmem:s9], [sflag:$0x5] =	stream.linear.gather [hbm4b:s4+s3], $0x80, $0x38;
	[tilespmem:$0xA080] =	vst v63  }
0x18: {  	_ =	swait.ge [sflag:s10], $0x80  }
0x19: {  	[sflag:s10] =	ssyncset.done $0x0  }
0x1a: {  	s20 =	simm.s32 $0x0;
	[sflag:s10] =	ssyncadd.s32 $0xFFFFFF80  }
.LBB2_36:
0x1b: {  	s20 =	sadd.s32 $0x1, s20  }
0x1c: {  	p0 =	sne.s32 s20, $0xD  }
.Ltmp3:
0x1d: {  	_ = 	snop;
	(pc) =	sbr.rel @!p0 .LBB2_37-.Ltmp3, $1  }
0x1e: {  	_ =	sdelay $0x3  }
.LBB2_2:
0x1f: {  	_ =	swait.ge [sflag:s11], $0x1000;
	s21 =	sshllo.u32 s20, $0x1  }
0x20: {  	[sflag:s11] =	ssyncset.done $0x0;
	p1 =	sgt.u32 s21, $0x18  }
0x21: {  	p0 =	seq.s32 s20, $0x0;
	[sflag:s11] =	ssyncadd.s32 $0xFFFFF000;
	s22 =	sshll.u32 @!p1 s21, $0xE  }
0x22: {  	s23 =	simm.s32 @!p1 $0x0;
	s24 =	simm.s32 @!p1 $0x1000;
	s22 =	sadd.s32 @!p1 s22, s5  }
0x23: {  	[tilespmem:s24], [sflag:$0x2] =	stream.linear.gather @!p1 [hbm4b:s22+s23], $0x1000, $0x38;
	[tilespmem:$0xA080] =	vst v63  }
0x24: {  	s22 =	simm.s32 @!p0 $0x3  }
0x25: {  	_ =	swait.ge @!p0 [sflag:s22], $0x4000  }
0x26: {  	[sflag:s22] =	ssyncset.done @!p0 $0x0  }
0x27: {  	s31 =	simm.s32 $0x40;
	[sflag:s22] =	ssyncadd.s32 @!p0 $0xFFFFC000  }
0x28: {  	v0 =	vld [tilespmem:s31+$0x30]  }
0x29: {  	v1 =	vld [tilespmem:s31+$0xFFFFFFD0]  }
0x2a: {  	v2 =	vld [tilespmem:s31+$0xFFFFFFE0]  }
0x2b: {  	v3 =	vld [tilespmem:s31+$0xFFFFFFF0]  }
0x2c: {  	v4 =	vld [tilespmem:s31+$0x0]  }
0x2d: {  	v5 =	vld [tilespmem:s31+$0x10];
	v0 =	vshll.u32 v0, $0x2  }
0x2e: {  	v6 =	vld [tilespmem:s31+$0x20];
	v1 =	vshll.u32 v1, $0x2  }
0x2f: {  	v7 =	vld [tilespmem:s31+$0xFFFFFFC0];
	v2 =	vshll.u32 v2, $0x2  }
0x30: {  	v3 =	vshll.u32 v3, $0x2  }
0x31: {  	v4 =	vshll.u32 v4, $0x2  }
0x32: {  	v8 =	vshll.u32 v5, $0x2;
	v5 =	vld.idx.msk [tilespmem:v0+s9+$0x0], $0xffff  }
0x33: {  	v10 =	vshll.u32 v6, $0x2;
	v9 =	vld.idx.msk [tilespmem:v1+s9+$0x0], $0xffff  }
0x34: {  	v7 =	vshll.u32 v7, $0x2;
	v6 =	vld.idx.msk [tilespmem:v2+s9+$0x0], $0xffff  }
0x35: {  	v11 =	vor.u32 $0x1, v0;
	v12 =	vld.idx.msk [tilespmem:v3+s9+$0x0], $0xffff  }
0x36: {  	v13 =	vor.u32 $0x1, v1;
	v14 =	vld.idx.msk [tilespmem:v4+s9+$0x0], $0xffff  }
0x37: {  	s23 =	simm.s32 $0x2100;
	v15 =	vor.u32 $0x1, v2;
	v16 =	vld.idx.msk [tilespmem:v8+s9+$0x0], $0xffff  }
0x38: {  	v17 =	vor.u32 $0x1, v3;
	v18 =	vld.idx.msk [tilespmem:v10+s9+$0x0], $0xffff;
	[tilespmem:s23+$0xFFFFFF70] =	vst v5  }
0x39: {  	v48 =	vor.u32 $0x1, v8;
	v19 =	vld.idx.msk [tilespmem:v7+s9+$0x0], $0xffff;
	[tilespmem:s23+$0xFFFFFF10] =	vst v9  }
0x3a: {  	v50 =	vor.u32 $0x1, v7;
	[tilespmem:s23+$0xFFFFFF20] =	vst v6;
	v47 =	vld.idx.msk [tilespmem:v11+s9+$0x0], $0xffff  }
0x3b: {  	v5 =	vor.u32 $0x1, v4;
	[tilespmem:s23+$0xFFFFFF30] =	vst v12;
	v6 =	vld.idx.msk [tilespmem:v13+s9+$0x0], $0xffff  }
0x3c: {  	v51 =	vor.u32 $0x1, v10;
	[tilespmem:s23+$0xFFFFFF40] =	vst v14;
	v15 =	vld.idx.msk [tilespmem:v15+s9+$0x0], $0xffff  }
0x3d: {  	v49 =	vor.u32 $0x2, v0;
	[tilespmem:s23+$0xFFFFFF50] =	vst v16;
	v17 =	vld.idx.msk [tilespmem:v17+s9+$0x0], $0xffff  }
0x3e: {  	v52 =	vor.u32 $0x2, v1;
	[tilespmem:s23+$0xFFFFFF00] =	vst v19;
	v11 =	vld.idx.msk [tilespmem:v48+s9+$0x0], $0xffff  }
0x3f: {  	v53 =	vor.u32 $0x2, v2;
	[tilespmem:s23+$0xFFFFFF60] =	vst v18;
	v13 =	vld.idx.msk [tilespmem:v50+s9+$0x0], $0xffff  }
0x40: {  	v54 =	vor.u32 $0x2, v3;
	v5 =	vld.idx.msk [tilespmem:v5+s9+$0x0], $0xffff;
	[tilespmem:s23+$0xFFFFFFF0] =	vst v47  }
0x41: {  	v56 =	vor.u32 $0x2, v7;
	[tilespmem:s23+$0xFFFFFF90] =	vst v6;
	v6 =	vld.idx.msk [tilespmem:v51+s9+$0x0], $0xffff  }
0x42: {  	v58 =	vor.u32 $0x2, v8;
	[tilespmem:s23+$0xFFFFFFA0] =	vst v15;
	v12 =	vld.idx.msk [tilespmem:v49+s9+$0x0], $0xffff  }
0x43: {  	v55 =	vor.u32 $0x2, v4;
	[tilespmem:s23+$0xFFFFFFB0] =	vst v17;
	v57 =	vld.idx.msk [tilespmem:v52+s9+$0x0], $0xffff  }
0x44: {  	v0 =	vor.u32 $0x3, v0;
	[tilespmem:s23+$0xFFFFFFD0] =	vst v11;
	v59 =	vld.idx.msk [tilespmem:v53+s9+$0x0], $0xffff  }
0x45: {  	v1 =	vor.u32 $0x3, v1;
	[tilespmem:s23+$0xFFFFFF80] =	vst v13;
	v9 =	vld.idx.msk [tilespmem:v54+s9+$0x0], $0xffff  }
0x46: {  	v14 =	vld.idx.msk [tilespmem:v56+s9+$0x0], $0xffff;
	[tilespmem:s23+$0xFFFFFFC0] =	vst v5;
	v5 =	vor.u32 $0x2, v10  }
0x47: {  	v61 =	vor.u32 $0x3, v2;
	v63 =	vld.idx.msk [tilespmem:v58+s9+$0x0], $0xffff;
	[tilespmem:s23+$0xFFFFFFE0] =	vst v6  }
0x48: {  	v62 =	vor.u32 $0x3, v3;
	v60 =	vld.idx.msk [tilespmem:v55+s9+$0x0], $0xffff;
	[tilespmem:s23+$0x70] =	vst v12  }
0x49: {  	v7 =	vor.u32 $0x3, v7;
	[tilespmem:s23+$0x10] =	vst v57;
	v0 =	vld.idx.msk [tilespmem:v0+s9+$0x0], $0xffff  }
0x4a: {  	v6 =	vor.u32 $0x3, v4;
	[tilespmem:s23+$0x20] =	vst v59;
	v2 =	vld.idx.msk [tilespmem:v1+s9+$0x0], $0xffff  }
0x4b: {  	[tilespmem:s23+$0x30] =	vst v9;
	v5 =	vld.idx.msk [tilespmem:v5+s9+$0x0], $0xffff  }
0x4c: {  	[tilespmem:s23+$0x0] =	vst v14;
	v3 =	vld.idx.msk [tilespmem:v61+s9+$0x0], $0xffff  }
0x4d: {  	[tilespmem:s23+$0x50] =	vst v63;
	v4 =	vld.idx.msk [tilespmem:v62+s9+$0x0], $0xffff  }
0x4e: {  	s25 =	simm.s32 $0x0;
	v7 =	vld.idx.msk [tilespmem:v7+s9+$0x0], $0xffff;
	[tilespmem:s23+$0x40] =	vst v60  }
0x4f: {  	s26 =	simm.s32 $0x440;
	s24 =	simm.s32 $0xF0;
	s22 =	simm.s32 $0x29F0;
	v1 =	vor.u32 $0x3, v8;
	v6 =	vld.idx.msk [tilespmem:v6+s9+$0x0], $0xffff;
	[tilespmem:s23+$0xF0] =	vst v0;
	v0 =	vor.u32 $0x3, v10  }
.LBB2_3:
0x50: {  	v8 =	vld [tilespmem:s26+$0x30];
	s25 =	sadd.s32 $0x8, s25;
	[tilespmem:s23+$0x60] =	vst v5  }
0x51: {  	v5 =	vld [tilespmem:s26+$0xFFFFFFD0];
	p2 =	slt.u32 s25, $0x18;
	[tilespmem:s23+$0x90] =	vst v2  }
0x52: {  	v2 =	vld [tilespmem:s26+$0xFFFFFFE0];
	[tilespmem:s23+$0xA0] =	vst v3  }
0x53: {  	v3 =	vld [tilespmem:s26+$0xFFFFFFF0];
	[tilespmem:s23+$0xB0] =	vst v4  }
0x54: {  	v4 =	vld [tilespmem:s26+$0x0];
	[tilespmem:s23+$0xC0] =	vst v6  }
0x55: {  	v6 =	vld [tilespmem:s26+$0x10];
	v8 =	vshll.u32 v8, $0x2;
	[tilespmem:s23+$0x80] =	vst v7  }
0x56: {  	v5 =	vshll.u32 v5, $0x2;
	v7 =	vld [tilespmem:s26+$0x20]  }
0x57: {  	v9 =	vld [tilespmem:s26+$0xFFFFFFC0];
	v10 =	vor.u32 $0x1, v5;
	v11 =	vor.u32 $0x2, v5;
	v2 =	vshll.u32 v2, $0x2  }
0x58: {  	v12 =	vor.u32 $0x1, v2;
	v13 =	vor.u32 $0x2, v2;
	v3 =	vshll.u32 v3, $0x2;
	v1 =	vld.idx.msk [tilespmem:v1+s9+$0x0], $0xffff  }
0x59: {  	v14 =	vor.u32 $0x1, v3;
	v15 =	vor.u32 $0x2, v3;
	v4 =	vshll.u32 v4, $0x2;
	v0 =	vld.idx.msk [tilespmem:v0+s9+$0x0], $0xffff  }
0x5a: {  	v16 =	vor.u32 $0x1, v4;
	v17 =	vor.u32 $0x2, v4;
	v6 =	vshll.u32 v6, $0x2;
	v18 =	vld.idx.msk [tilespmem:v8+s9+$0x0], $0xffff  }
0x5b: {  	v19 =	vld.idx.msk [tilespmem:v5+s9+$0x0], $0xffff;
	v20 =	vor.u32 $0x1, v6;
	v21 =	vor.u32 $0x2, v6;
	v7 =	vshll.u32 v7, $0x2  }
0x5c: {  	v24 =	vor.u32 $0x1, v8;
	v9 =	vshll.u32 v9, $0x2;
	v22 =	vld.idx.msk [tilespmem:v2+s9+$0x0], $0xffff;
	v23 =	vor.u32 $0x1, v7  }
0x5d: {  	v28 =	vor.u32 $0x2, v7;
	v25 =	vor.u32 $0x1, v9;
	v26 =	vor.u32 $0x2, v9;
	v27 =	vld.idx.msk [tilespmem:v3+s9+$0x0], $0xffff  }
0x5e: {  	v30 =	vor.u32 $0x3, v5;
	v31 =	vor.u32 $0x3, v2;
	v29 =	vor.u32 $0x3, v9;
	v2 =	vld.idx.msk [tilespmem:v4+s9+$0x0], $0xffff;
	[tilespmem:s23+$0xD0] =	vst v1  }
0x5f: {  	v32 =	vor.u32 $0x3, v3;
	v33 =	vor.u32 $0x3, v4;
	v1 =	vor.u32 $0x3, v6;
	v3 =	vld.idx.msk [tilespmem:v6+s9+$0x0], $0xffff;
	[tilespmem:s23+$0xE0] =	vst v0;
	s23 =	sadd.s32 $0x200, s23  }
0x60: {  	v0 =	vor.u32 $0x3, v7;
	v4 =	vld.idx.msk [tilespmem:v7+s9+$0x0], $0xffff;
	[tilespmem:s23+$0xFFFFFF70] =	vst v18  }
0x61: {  	[tilespmem:s23+$0xFFFFFF10] =	vst v19;
	v5 =	vld.idx.msk [tilespmem:v24+s9+$0x0], $0xffff  }
0x62: {  	v6 =	vld.idx.msk [tilespmem:v9+s9+$0x0], $0xffff;
	[tilespmem:s23+$0xFFFFFF20] =	vst v22  }
0x63: {  	v9 =	vor.u32 $0x2, v8;
	v7 =	vld.idx.msk [tilespmem:v10+s9+$0x0], $0xffff;
	[tilespmem:s23+$0xFFFFFF30] =	vst v27  }
0x64: {  	v10 =	vld.idx.msk [tilespmem:v12+s9+$0x0], $0xffff;
	[tilespmem:s23+$0xFFFFFF40] =	vst v2  }
0x65: {  	v2 =	vld.idx.msk [tilespmem:v14+s9+$0x0], $0xffff;
	[tilespmem:s23+$0xFFFFFF50] =	vst v3  }
0x66: {  	v3 =	vld.idx.msk [tilespmem:v16+s9+$0x0], $0xffff;
	[tilespmem:s23+$0xFFFFFF60] =	vst v4  }
0x67: {  	v4 =	vld.idx.msk [tilespmem:v20+s9+$0x0], $0xffff;
	[tilespmem:s23+$0xFFFFFFF0] =	vst v5  }
0x68: {  	[tilespmem:s23+$0xFFFFFF00] =	vst v6;
	v5 =	vld.idx.msk [tilespmem:v9+s9+$0x0], $0xffff  }
0x69: {  	v6 =	vld.idx.msk [tilespmem:v25+s9+$0x0], $0xffff;
	[tilespmem:s23+$0xFFFFFF90] =	vst v7  }
0x6a: {  	v8 =	vor.u32 $0x3, v8;
	[tilespmem:s23+$0xFFFFFFA0] =	vst v10;
	v7 =	vld.idx.msk [tilespmem:v23+s9+$0x0], $0xffff  }
0x6b: {  	v9 =	vld.idx.msk [tilespmem:v11+s9+$0x0], $0xffff;
	[tilespmem:s23+$0xFFFFFFB0] =	vst v2  }
0x6c: {  	v2 =	vld.idx.msk [tilespmem:v13+s9+$0x0], $0xffff;
	[tilespmem:s23+$0xFFFFFFC0] =	vst v3  }
0x6d: {  	v3 =	vld.idx.msk [tilespmem:v15+s9+$0x0], $0xffff;
	[tilespmem:s23+$0xFFFFFFD0] =	vst v4  }
0x6e: {  	v4 =	vld.idx.msk [tilespmem:v17+s9+$0x0], $0xffff;
	[tilespmem:s23+$0x70] =	vst v5  }
0x6f: {  	[tilespmem:s23+$0xFFFFFF80] =	vst v6;
	v6 =	vld.idx.msk [tilespmem:v8+s9+$0x0], $0xffff  }
0x70: {  	v8 =	vld.idx.msk [tilespmem:v26+s9+$0x0], $0xffff;
	[tilespmem:s23+$0xFFFFFFE0] =	vst v7  }
0x71: {  	[tilespmem:s23+$0x10] =	vst v9;
	v9 =	vld.idx.msk [tilespmem:v21+s9+$0x0], $0xffff  }
0x72: {  	[tilespmem:s23+$0x20] =	vst v2;
	v5 =	vld.idx.msk [tilespmem:v28+s9+$0x0], $0xffff  }
.Ltmp4:
0x73: {  	v2 =	vld.idx.msk [tilespmem:v30+s9+$0x0], $0xffff;
	[tilespmem:s23+$0x30] =	vst v3;
	(pc) =	sbr.rel @p2 .LBB2_3-.Ltmp4, $4  }
0x74: {  	v3 =	vld.idx.msk [tilespmem:v31+s9+$0x0], $0xffff;
	[tilespmem:s23+$0x40] =	vst v4  }
0x75: {  	v4 =	vld.idx.msk [tilespmem:v32+s9+$0x0], $0xffff;
	[tilespmem:s23+$0xF0] =	vst v6  }
0x76: {  	[tilespmem:s23+$0x0] =	vst v8;
	v6 =	vld.idx.msk [tilespmem:v33+s9+$0x0], $0xffff  }
0x77: {  	s26 =	sadd.s32 $0x400, s26;
	v7 =	vld.idx.msk [tilespmem:v29+s9+$0x0], $0xffff;
	[tilespmem:s23+$0x50] =	vst v9  }
0x78: {  	_ =	sdelay $0x2  }
0x79: {  	[tilespmem:s23+$0x60] =	vst v5  }
0x7a: {  	[tilespmem:s23+$0x90] =	vst v2;
	v1 =	vld.idx.msk [tilespmem:v1+s9+$0x0], $0xffff  }
0x7b: {  	[tilespmem:s23+$0xA0] =	vst v3;
	v0 =	vld.idx.msk [tilespmem:v0+s9+$0x0], $0xffff  }
0x7c: {  	[tilespmem:s23+$0xB0] =	vst v4  }
0x7d: {  	[tilespmem:s23+$0xC0] =	vst v6  }
0x7e: {  	[tilespmem:s23+$0x80] =	vst v7  }
0x7f: {  	[tilespmem:s23+$0xD0] =	vst v1  }
0x80: {  	[tilespmem:s23+$0xE0] =	vst v0  }
0x81: {  	v0 =	vld [tilespmem:s24+$0x0]  }
0x82: {  	v1 =	vld [tilespmem:s24+$0xFFFFFFA0]  }
0x83: {  	v2 =	vld [tilespmem:s24+$0xFFFFFFB0]  }
0x84: {  	v3 =	vld [tilespmem:s24+$0xFFFFFFC0]  }
0x85: {  	v4 =	vld [tilespmem:s24+$0xFFFFFFD0]  }
0x86: {  	v5 =	vld [tilespmem:s24+$0xFFFFFFE0];
	v0 =	vshll.u32 v0, $0x2  }
0x87: {  	v6 =	vld [tilespmem:s24+$0xFFFFFFF0];
	v1 =	vshll.u32 v1, $0x2  }
0x88: {  	v7 =	vld [tilespmem:s24+$0xFFFFFF90];
	v2 =	vshll.u32 v2, $0x2  }
0x89: {  	v3 =	vshll.u32 v3, $0x2  }
0x8a: {  	v4 =	vshll.u32 v4, $0x2  }
0x8b: {  	v8 =	vshll.u32 v5, $0x2;
	v5 =	vld.idx.msk [tilespmem:v0+s9+$0x0], $0xffff  }
0x8c: {  	v10 =	vshll.u32 v6, $0x2;
	v9 =	vld.idx.msk [tilespmem:v1+s9+$0x0], $0xffff  }
0x8d: {  	v7 =	vshll.u32 v7, $0x2;
	v6 =	vld.idx.msk [tilespmem:v2+s9+$0x0], $0xffff  }
0x8e: {  	v11 =	vor.u32 $0x1, v0;
	v12 =	vld.idx.msk [tilespmem:v3+s9+$0x0], $0xffff  }
0x8f: {  	v13 =	vor.u32 $0x1, v1;
	v14 =	vld.idx.msk [tilespmem:v4+s9+$0x0], $0xffff  }
0x90: {  	v15 =	vor.u32 $0x1, v2;
	v16 =	vld.idx.msk [tilespmem:v8+s9+$0x0], $0xffff  }
0x91: {  	v17 =	vor.u32 $0x1, v3;
	v18 =	vld.idx.msk [tilespmem:v10+s9+$0x0], $0xffff;
	[tilespmem:s22+$0xFFFFFE80] =	vst v5  }
0x92: {  	v48 =	vor.u32 $0x1, v8;
	v19 =	vld.idx.msk [tilespmem:v7+s9+$0x0], $0xffff;
	[tilespmem:s22+$0xFFFFFE20] =	vst v9  }
0x93: {  	v50 =	vor.u32 $0x1, v7;
	[tilespmem:s22+$0xFFFFFE30] =	vst v6;
	v47 =	vld.idx.msk [tilespmem:v11+s9+$0x0], $0xffff  }
0x94: {  	v5 =	vor.u32 $0x1, v4;
	[tilespmem:s22+$0xFFFFFE40] =	vst v12;
	v6 =	vld.idx.msk [tilespmem:v13+s9+$0x0], $0xffff  }
0x95: {  	v51 =	vor.u32 $0x1, v10;
	[tilespmem:s22+$0xFFFFFE50] =	vst v14;
	v15 =	vld.idx.msk [tilespmem:v15+s9+$0x0], $0xffff  }
0x96: {  	v49 =	vor.u32 $0x2, v0;
	[tilespmem:s22+$0xFFFFFE60] =	vst v16;
	v17 =	vld.idx.msk [tilespmem:v17+s9+$0x0], $0xffff  }
0x97: {  	v52 =	vor.u32 $0x2, v1;
	[tilespmem:s22+$0xFFFFFE10] =	vst v19;
	v11 =	vld.idx.msk [tilespmem:v48+s9+$0x0], $0xffff  }
0x98: {  	v53 =	vor.u32 $0x2, v2;
	[tilespmem:s22+$0xFFFFFE70] =	vst v18;
	v13 =	vld.idx.msk [tilespmem:v50+s9+$0x0], $0xffff  }
0x99: {  	v54 =	vor.u32 $0x2, v3;
	v5 =	vld.idx.msk [tilespmem:v5+s9+$0x0], $0xffff;
	[tilespmem:s22+$0xFFFFFF00] =	vst v47  }
0x9a: {  	v56 =	vor.u32 $0x2, v7;
	[tilespmem:s22+$0xFFFFFEA0] =	vst v6;
	v6 =	vld.idx.msk [tilespmem:v51+s9+$0x0], $0xffff  }
0x9b: {  	v58 =	vor.u32 $0x2, v8;
	[tilespmem:s22+$0xFFFFFEB0] =	vst v15;
	v12 =	vld.idx.msk [tilespmem:v49+s9+$0x0], $0xffff  }
0x9c: {  	v55 =	vor.u32 $0x2, v4;
	[tilespmem:s22+$0xFFFFFEC0] =	vst v17;
	v57 =	vld.idx.msk [tilespmem:v52+s9+$0x0], $0xffff  }
0x9d: {  	v0 =	vor.u32 $0x3, v0;
	[tilespmem:s22+$0xFFFFFEE0] =	vst v11;
	v59 =	vld.idx.msk [tilespmem:v53+s9+$0x0], $0xffff  }
0x9e: {  	v1 =	vor.u32 $0x3, v1;
	[tilespmem:s22+$0xFFFFFE90] =	vst v13;
	v9 =	vld.idx.msk [tilespmem:v54+s9+$0x0], $0xffff  }
0x9f: {  	v14 =	vld.idx.msk [tilespmem:v56+s9+$0x0], $0xffff;
	[tilespmem:s22+$0xFFFFFED0] =	vst v5;
	v5 =	vor.u32 $0x2, v10  }
0xa0: {  	v61 =	vor.u32 $0x3, v2;
	v63 =	vld.idx.msk [tilespmem:v58+s9+$0x0], $0xffff;
	[tilespmem:s22+$0xFFFFFEF0] =	vst v6  }
0xa1: {  	v62 =	vor.u32 $0x3, v3;
	v60 =	vld.idx.msk [tilespmem:v55+s9+$0x0], $0xffff;
	[tilespmem:s22+$0xFFFFFF80] =	vst v12  }
0xa2: {  	v7 =	vor.u32 $0x3, v7;
	[tilespmem:s22+$0xFFFFFF20] =	vst v57;
	v0 =	vld.idx.msk [tilespmem:v0+s9+$0x0], $0xffff  }
0xa3: {  	v6 =	vor.u32 $0x3, v4;
	[tilespmem:s22+$0xFFFFFF30] =	vst v59;
	v2 =	vld.idx.msk [tilespmem:v1+s9+$0x0], $0xffff  }
0xa4: {  	[tilespmem:s22+$0xFFFFFF40] =	vst v9;
	v5 =	vld.idx.msk [tilespmem:v5+s9+$0x0], $0xffff  }
0xa5: {  	[tilespmem:s22+$0xFFFFFF10] =	vst v14;
	v3 =	vld.idx.msk [tilespmem:v61+s9+$0x0], $0xffff  }
0xa6: {  	[tilespmem:s22+$0xFFFFFF60] =	vst v63;
	v4 =	vld.idx.msk [tilespmem:v62+s9+$0x0], $0xffff  }
0xa7: {  	s25 =	simm.s32 $0x0;
	v7 =	vld.idx.msk [tilespmem:v7+s9+$0x0], $0xffff;
	[tilespmem:s22+$0xFFFFFF50] =	vst v60  }
0xa8: {  	s26 =	simm.s32 $0x4F0;
	s23 =	simm.s32 $0x31F0;
	s24 =	simm.s32 $0x170;
	v1 =	vor.u32 $0x3, v8;
	v6 =	vld.idx.msk [tilespmem:v6+s9+$0x0], $0xffff;
	[tilespmem:s22+$0x0] =	vst v0;
	v0 =	vor.u32 $0x3, v10  }
.LBB2_5:
0xa9: {  	v8 =	vld [tilespmem:s26+$0x0];
	s25 =	sadd.s32 $0x8, s25;
	[tilespmem:s22+$0xFFFFFF70] =	vst v5  }
0xaa: {  	v5 =	vld [tilespmem:s26+$0xFFFFFFA0];
	p2 =	slt.u32 s25, $0x18;
	[tilespmem:s22+$0xFFFFFFA0] =	vst v2  }
0xab: {  	v2 =	vld [tilespmem:s26+$0xFFFFFFB0];
	[tilespmem:s22+$0xFFFFFFB0] =	vst v3  }
0xac: {  	v3 =	vld [tilespmem:s26+$0xFFFFFFC0];
	[tilespmem:s22+$0xFFFFFFC0] =	vst v4  }
0xad: {  	v4 =	vld [tilespmem:s26+$0xFFFFFFD0];
	[tilespmem:s22+$0xFFFFFFD0] =	vst v6  }
0xae: {  	v6 =	vld [tilespmem:s26+$0xFFFFFFE0];
	v8 =	vshll.u32 v8, $0x2;
	[tilespmem:s22+$0xFFFFFF90] =	vst v7  }
0xaf: {  	v5 =	vshll.u32 v5, $0x2;
	v7 =	vld [tilespmem:s26+$0xFFFFFFF0]  }
0xb0: {  	v9 =	vld [tilespmem:s26+$0xFFFFFF90];
	v10 =	vor.u32 $0x1, v5;
	v11 =	vor.u32 $0x2, v5;
	v2 =	vshll.u32 v2, $0x2  }
0xb1: {  	v12 =	vor.u32 $0x1, v2;
	v13 =	vor.u32 $0x2, v2;
	v3 =	vshll.u32 v3, $0x2;
	v1 =	vld.idx.msk [tilespmem:v1+s9+$0x0], $0xffff  }
0xb2: {  	v14 =	vor.u32 $0x1, v3;
	v15 =	vor.u32 $0x2, v3;
	v4 =	vshll.u32 v4, $0x2;
	v0 =	vld.idx.msk [tilespmem:v0+s9+$0x0], $0xffff  }
0xb3: {  	v16 =	vor.u32 $0x1, v4;
	v17 =	vor.u32 $0x2, v4;
	v6 =	vshll.u32 v6, $0x2;
	v18 =	vld.idx.msk [tilespmem:v8+s9+$0x0], $0xffff  }
0xb4: {  	v19 =	vld.idx.msk [tilespmem:v5+s9+$0x0], $0xffff;
	v20 =	vor.u32 $0x1, v6;
	v21 =	vor.u32 $0x2, v6;
	v7 =	vshll.u32 v7, $0x2  }
0xb5: {  	v24 =	vor.u32 $0x1, v8;
	v9 =	vshll.u32 v9, $0x2;
	v22 =	vld.idx.msk [tilespmem:v2+s9+$0x0], $0xffff;
	v23 =	vor.u32 $0x1, v7  }
0xb6: {  	v28 =	vor.u32 $0x2, v7;
	v25 =	vor.u32 $0x1, v9;
	v26 =	vor.u32 $0x2, v9;
	v27 =	vld.idx.msk [tilespmem:v3+s9+$0x0], $0xffff  }
0xb7: {  	v30 =	vor.u32 $0x3, v5;
	v31 =	vor.u32 $0x3, v2;
	v29 =	vor.u32 $0x3, v9;
	v2 =	vld.idx.msk [tilespmem:v4+s9+$0x0], $0xffff;
	[tilespmem:s22+$0xFFFFFFE0] =	vst v1  }
0xb8: {  	v32 =	vor.u32 $0x3, v3;
	v33 =	vor.u32 $0x3, v4;
	v1 =	vor.u32 $0x3, v6;
	v3 =	vld.idx.msk [tilespmem:v6+s9+$0x0], $0xffff;
	[tilespmem:s22+$0xFFFFFFF0] =	vst v0;
	s22 =	sadd.s32 $0x200, s22  }
0xb9: {  	v0 =	vor.u32 $0x3, v7;
	v4 =	vld.idx.msk [tilespmem:v7+s9+$0x0], $0xffff;
	[tilespmem:s22+$0xFFFFFE80] =	vst v18  }
0xba: {  	[tilespmem:s22+$0xFFFFFE20] =	vst v19;
	v5 =	vld.idx.msk [tilespmem:v24+s9+$0x0], $0xffff  }
0xbb: {  	v6 =	vld.idx.msk [tilespmem:v9+s9+$0x0], $0xffff;
	[tilespmem:s22+$0xFFFFFE30] =	vst v22  }
0xbc: {  	v9 =	vor.u32 $0x2, v8;
	v7 =	vld.idx.msk [tilespmem:v10+s9+$0x0], $0xffff;
	[tilespmem:s22+$0xFFFFFE40] =	vst v27  }
0xbd: {  	v10 =	vld.idx.msk [tilespmem:v12+s9+$0x0], $0xffff;
	[tilespmem:s22+$0xFFFFFE50] =	vst v2  }
0xbe: {  	v2 =	vld.idx.msk [tilespmem:v14+s9+$0x0], $0xffff;
	[tilespmem:s22+$0xFFFFFE60] =	vst v3  }
0xbf: {  	v3 =	vld.idx.msk [tilespmem:v16+s9+$0x0], $0xffff;
	[tilespmem:s22+$0xFFFFFE70] =	vst v4  }
0xc0: {  	v4 =	vld.idx.msk [tilespmem:v20+s9+$0x0], $0xffff;
	[tilespmem:s22+$0xFFFFFF00] =	vst v5  }
0xc1: {  	[tilespmem:s22+$0xFFFFFE10] =	vst v6;
	v5 =	vld.idx.msk [tilespmem:v9+s9+$0x0], $0xffff  }
0xc2: {  	v6 =	vld.idx.msk [tilespmem:v25+s9+$0x0], $0xffff;
	[tilespmem:s22+$0xFFFFFEA0] =	vst v7  }
0xc3: {  	v8 =	vor.u32 $0x3, v8;
	[tilespmem:s22+$0xFFFFFEB0] =	vst v10;
	v7 =	vld.idx.msk [tilespmem:v23+s9+$0x0], $0xffff  }
0xc4: {  	v9 =	vld.idx.msk [tilespmem:v11+s9+$0x0], $0xffff;
	[tilespmem:s22+$0xFFFFFEC0] =	vst v2  }
0xc5: {  	v2 =	vld.idx.msk [tilespmem:v13+s9+$0x0], $0xffff;
	[tilespmem:s22+$0xFFFFFED0] =	vst v3  }
0xc6: {  	v3 =	vld.idx.msk [tilespmem:v15+s9+$0x0], $0xffff;
	[tilespmem:s22+$0xFFFFFEE0] =	vst v4  }
0xc7: {  	v4 =	vld.idx.msk [tilespmem:v17+s9+$0x0], $0xffff;
	[tilespmem:s22+$0xFFFFFF80] =	vst v5  }
0xc8: {  	[tilespmem:s22+$0xFFFFFE90] =	vst v6;
	v6 =	vld.idx.msk [tilespmem:v8+s9+$0x0], $0xffff  }
0xc9: {  	v8 =	vld.idx.msk [tilespmem:v26+s9+$0x0], $0xffff;
	[tilespmem:s22+$0xFFFFFEF0] =	vst v7  }
0xca: {  	[tilespmem:s22+$0xFFFFFF20] =	vst v9;
	v9 =	vld.idx.msk [tilespmem:v21+s9+$0x0], $0xffff  }
0xcb: {  	[tilespmem:s22+$0xFFFFFF30] =	vst v2;
	v5 =	vld.idx.msk [tilespmem:v28+s9+$0x0], $0xffff  }
.Ltmp5:
0xcc: {  	v2 =	vld.idx.msk [tilespmem:v30+s9+$0x0], $0xffff;
	[tilespmem:s22+$0xFFFFFF40] =	vst v3;
	(pc) =	sbr.rel @p2 .LBB2_5-.Ltmp5, $4  }
0xcd: {  	v3 =	vld.idx.msk [tilespmem:v31+s9+$0x0], $0xffff;
	[tilespmem:s22+$0xFFFFFF50] =	vst v4  }
0xce: {  	v4 =	vld.idx.msk [tilespmem:v32+s9+$0x0], $0xffff;
	[tilespmem:s22+$0x0] =	vst v6  }
0xcf: {  	[tilespmem:s22+$0xFFFFFF10] =	vst v8;
	v6 =	vld.idx.msk [tilespmem:v33+s9+$0x0], $0xffff  }
0xd0: {  	s26 =	sadd.s32 $0x400, s26;
	v7 =	vld.idx.msk [tilespmem:v29+s9+$0x0], $0xffff;
	[tilespmem:s22+$0xFFFFFF60] =	vst v9  }
0xd1: {  	_ =	sdelay $0x2  }
0xd2: {  	[tilespmem:s22+$0xFFFFFF70] =	vst v5  }
0xd3: {  	[tilespmem:s22+$0xFFFFFFA0] =	vst v2;
	v1 =	vld.idx.msk [tilespmem:v1+s9+$0x0], $0xffff  }
0xd4: {  	[tilespmem:s22+$0xFFFFFFB0] =	vst v3;
	v0 =	vld.idx.msk [tilespmem:v0+s9+$0x0], $0xffff  }
0xd5: {  	[tilespmem:s22+$0xFFFFFFC0] =	vst v4  }
0xd6: {  	[tilespmem:s22+$0xFFFFFFD0] =	vst v6  }
0xd7: {  	[tilespmem:s22+$0xFFFFFF90] =	vst v7  }
0xd8: {  	[tilespmem:s22+$0xFFFFFFE0] =	vst v1  }
0xd9: {  	[tilespmem:s22+$0xFFFFFFF0] =	vst v0  }
0xda: {  	v0 =	vld [tilespmem:s24+$0x0]  }
0xdb: {  	v1 =	vld [tilespmem:s24+$0xFFFFFFA0]  }
0xdc: {  	v2 =	vld [tilespmem:s24+$0xFFFFFFB0]  }
0xdd: {  	v3 =	vld [tilespmem:s24+$0xFFFFFFC0]  }
0xde: {  	v4 =	vld [tilespmem:s24+$0xFFFFFFD0]  }
0xdf: {  	v5 =	vld [tilespmem:s24+$0xFFFFFFE0];
	v0 =	vshll.u32 v0, $0x2  }
0xe0: {  	v6 =	vld [tilespmem:s24+$0xFFFFFFF0];
	v1 =	vshll.u32 v1, $0x2  }
0xe1: {  	v7 =	vld [tilespmem:s24+$0xFFFFFF90];
	v2 =	vshll.u32 v2, $0x2  }
0xe2: {  	v3 =	vshll.u32 v3, $0x2  }
0xe3: {  	v4 =	vshll.u32 v4, $0x2  }
0xe4: {  	v8 =	vshll.u32 v5, $0x2;
	v5 =	vld.idx.msk [tilespmem:v0+s9+$0x0], $0xffff  }
0xe5: {  	v10 =	vshll.u32 v6, $0x2;
	v9 =	vld.idx.msk [tilespmem:v1+s9+$0x0], $0xffff  }
0xe6: {  	v7 =	vshll.u32 v7, $0x2;
	v6 =	vld.idx.msk [tilespmem:v2+s9+$0x0], $0xffff  }
0xe7: {  	v11 =	vor.u32 $0x1, v0;
	v12 =	vld.idx.msk [tilespmem:v3+s9+$0x0], $0xffff  }
0xe8: {  	v13 =	vor.u32 $0x1, v1;
	v14 =	vld.idx.msk [tilespmem:v4+s9+$0x0], $0xffff  }
0xe9: {  	v15 =	vor.u32 $0x1, v2;
	v16 =	vld.idx.msk [tilespmem:v8+s9+$0x0], $0xffff  }
0xea: {  	v17 =	vor.u32 $0x1, v3;
	v18 =	vld.idx.msk [tilespmem:v10+s9+$0x0], $0xffff;
	[tilespmem:s23+$0xFFFFFE80] =	vst v5  }
0xeb: {  	v48 =	vor.u32 $0x1, v8;
	v19 =	vld.idx.msk [tilespmem:v7+s9+$0x0], $0xffff;
	[tilespmem:s23+$0xFFFFFE20] =	vst v9  }
0xec: {  	v50 =	vor.u32 $0x1, v7;
	[tilespmem:s23+$0xFFFFFE30] =	vst v6;
	v47 =	vld.idx.msk [tilespmem:v11+s9+$0x0], $0xffff  }
0xed: {  	v5 =	vor.u32 $0x1, v4;
	[tilespmem:s23+$0xFFFFFE40] =	vst v12;
	v6 =	vld.idx.msk [tilespmem:v13+s9+$0x0], $0xffff  }
0xee: {  	v51 =	vor.u32 $0x1, v10;
	[tilespmem:s23+$0xFFFFFE50] =	vst v14;
	v15 =	vld.idx.msk [tilespmem:v15+s9+$0x0], $0xffff  }
0xef: {  	v49 =	vor.u32 $0x2, v0;
	[tilespmem:s23+$0xFFFFFE60] =	vst v16;
	v17 =	vld.idx.msk [tilespmem:v17+s9+$0x0], $0xffff  }
0xf0: {  	v52 =	vor.u32 $0x2, v1;
	[tilespmem:s23+$0xFFFFFE10] =	vst v19;
	v11 =	vld.idx.msk [tilespmem:v48+s9+$0x0], $0xffff  }
0xf1: {  	v53 =	vor.u32 $0x2, v2;
	[tilespmem:s23+$0xFFFFFE70] =	vst v18;
	v13 =	vld.idx.msk [tilespmem:v50+s9+$0x0], $0xffff  }
0xf2: {  	v54 =	vor.u32 $0x2, v3;
	v5 =	vld.idx.msk [tilespmem:v5+s9+$0x0], $0xffff;
	[tilespmem:s23+$0xFFFFFF00] =	vst v47  }
0xf3: {  	v56 =	vor.u32 $0x2, v7;
	[tilespmem:s23+$0xFFFFFEA0] =	vst v6;
	v6 =	vld.idx.msk [tilespmem:v51+s9+$0x0], $0xffff  }
0xf4: {  	v58 =	vor.u32 $0x2, v8;
	[tilespmem:s23+$0xFFFFFEB0] =	vst v15;
	v12 =	vld.idx.msk [tilespmem:v49+s9+$0x0], $0xffff  }
0xf5: {  	v55 =	vor.u32 $0x2, v4;
	[tilespmem:s23+$0xFFFFFEC0] =	vst v17;
	v57 =	vld.idx.msk [tilespmem:v52+s9+$0x0], $0xffff  }
0xf6: {  	v0 =	vor.u32 $0x3, v0;
	[tilespmem:s23+$0xFFFFFEE0] =	vst v11;
	v59 =	vld.idx.msk [tilespmem:v53+s9+$0x0], $0xffff  }
0xf7: {  	v1 =	vor.u32 $0x3, v1;
	[tilespmem:s23+$0xFFFFFE90] =	vst v13;
	v9 =	vld.idx.msk [tilespmem:v54+s9+$0x0], $0xffff  }
0xf8: {  	v14 =	vld.idx.msk [tilespmem:v56+s9+$0x0], $0xffff;
	[tilespmem:s23+$0xFFFFFED0] =	vst v5;
	v5 =	vor.u32 $0x2, v10  }
0xf9: {  	v61 =	vor.u32 $0x3, v2;
	v63 =	vld.idx.msk [tilespmem:v58+s9+$0x0], $0xffff;
	[tilespmem:s23+$0xFFFFFEF0] =	vst v6  }
0xfa: {  	v62 =	vor.u32 $0x3, v3;
	v60 =	vld.idx.msk [tilespmem:v55+s9+$0x0], $0xffff;
	[tilespmem:s23+$0xFFFFFF80] =	vst v12  }
0xfb: {  	v7 =	vor.u32 $0x3, v7;
	[tilespmem:s23+$0xFFFFFF20] =	vst v57;
	v0 =	vld.idx.msk [tilespmem:v0+s9+$0x0], $0xffff  }
0xfc: {  	v6 =	vor.u32 $0x3, v4;
	[tilespmem:s23+$0xFFFFFF30] =	vst v59;
	v2 =	vld.idx.msk [tilespmem:v1+s9+$0x0], $0xffff  }
0xfd: {  	[tilespmem:s23+$0xFFFFFF40] =	vst v9;
	v5 =	vld.idx.msk [tilespmem:v5+s9+$0x0], $0xffff  }
0xfe: {  	[tilespmem:s23+$0xFFFFFF10] =	vst v14;
	v3 =	vld.idx.msk [tilespmem:v61+s9+$0x0], $0xffff  }
0xff: {  	[tilespmem:s23+$0xFFFFFF60] =	vst v63;
	v4 =	vld.idx.msk [tilespmem:v62+s9+$0x0], $0xffff  }
0x100: {  	s25 =	simm.s32 $0x0;
	v7 =	vld.idx.msk [tilespmem:v7+s9+$0x0], $0xffff;
	[tilespmem:s23+$0xFFFFFF50] =	vst v60  }
0x101: {  	s26 =	simm.s32 $0x570;
	s22 =	simm.s32 $0x39F0;
	s24 =	simm.s32 $0x1F0;
	v1 =	vor.u32 $0x3, v8;
	v6 =	vld.idx.msk [tilespmem:v6+s9+$0x0], $0xffff;
	[tilespmem:s23+$0x0] =	vst v0;
	v0 =	vor.u32 $0x3, v10  }
.LBB2_7:
0x102: {  	v8 =	vld [tilespmem:s26+$0x0];
	s25 =	sadd.s32 $0x8, s25;
	[tilespmem:s23+$0xFFFFFF70] =	vst v5  }
0x103: {  	v5 =	vld [tilespmem:s26+$0xFFFFFFA0];
	p2 =	slt.u32 s25, $0x18;
	[tilespmem:s23+$0xFFFFFFA0] =	vst v2  }
0x104: {  	v2 =	vld [tilespmem:s26+$0xFFFFFFB0];
	[tilespmem:s23+$0xFFFFFFB0] =	vst v3  }
0x105: {  	v3 =	vld [tilespmem:s26+$0xFFFFFFC0];
	[tilespmem:s23+$0xFFFFFFC0] =	vst v4  }
0x106: {  	v4 =	vld [tilespmem:s26+$0xFFFFFFD0];
	[tilespmem:s23+$0xFFFFFFD0] =	vst v6  }
0x107: {  	v6 =	vld [tilespmem:s26+$0xFFFFFFE0];
	v8 =	vshll.u32 v8, $0x2;
	[tilespmem:s23+$0xFFFFFF90] =	vst v7  }
0x108: {  	v5 =	vshll.u32 v5, $0x2;
	v7 =	vld [tilespmem:s26+$0xFFFFFFF0]  }
0x109: {  	v9 =	vld [tilespmem:s26+$0xFFFFFF90];
	v10 =	vor.u32 $0x1, v5;
	v11 =	vor.u32 $0x2, v5;
	v2 =	vshll.u32 v2, $0x2  }
0x10a: {  	v12 =	vor.u32 $0x1, v2;
	v13 =	vor.u32 $0x2, v2;
	v3 =	vshll.u32 v3, $0x2;
	v1 =	vld.idx.msk [tilespmem:v1+s9+$0x0], $0xffff  }
0x10b: {  	v14 =	vor.u32 $0x1, v3;
	v15 =	vor.u32 $0x2, v3;
	v4 =	vshll.u32 v4, $0x2;
	v0 =	vld.idx.msk [tilespmem:v0+s9+$0x0], $0xffff  }
0x10c: {  	v16 =	vor.u32 $0x1, v4;
	v17 =	vor.u32 $0x2, v4;
	v6 =	vshll.u32 v6, $0x2;
	v18 =	vld.idx.msk [tilespmem:v8+s9+$0x0], $0xffff  }
0x10d: {  	v19 =	vld.idx.msk [tilespmem:v5+s9+$0x0], $0xffff;
	v20 =	vor.u32 $0x1, v6;
	v21 =	vor.u32 $0x2, v6;
	v7 =	vshll.u32 v7, $0x2  }
0x10e: {  	v24 =	vor.u32 $0x1, v8;
	v9 =	vshll.u32 v9, $0x2;
	v22 =	vld.idx.msk [tilespmem:v2+s9+$0x0], $0xffff;
	v23 =	vor.u32 $0x1, v7  }
0x10f: {  	v28 =	vor.u32 $0x2, v7;
	v25 =	vor.u32 $0x1, v9;
	v26 =	vor.u32 $0x2, v9;
	v27 =	vld.idx.msk [tilespmem:v3+s9+$0x0], $0xffff  }
0x110: {  	v30 =	vor.u32 $0x3, v5;
	v31 =	vor.u32 $0x3, v2;
	v29 =	vor.u32 $0x3, v9;
	v2 =	vld.idx.msk [tilespmem:v4+s9+$0x0], $0xffff;
	[tilespmem:s23+$0xFFFFFFE0] =	vst v1  }
0x111: {  	v32 =	vor.u32 $0x3, v3;
	v33 =	vor.u32 $0x3, v4;
	v1 =	vor.u32 $0x3, v6;
	v3 =	vld.idx.msk [tilespmem:v6+s9+$0x0], $0xffff;
	[tilespmem:s23+$0xFFFFFFF0] =	vst v0;
	s23 =	sadd.s32 $0x200, s23  }
0x112: {  	v0 =	vor.u32 $0x3, v7;
	v4 =	vld.idx.msk [tilespmem:v7+s9+$0x0], $0xffff;
	[tilespmem:s23+$0xFFFFFE80] =	vst v18  }
0x113: {  	[tilespmem:s23+$0xFFFFFE20] =	vst v19;
	v5 =	vld.idx.msk [tilespmem:v24+s9+$0x0], $0xffff  }
0x114: {  	v6 =	vld.idx.msk [tilespmem:v9+s9+$0x0], $0xffff;
	[tilespmem:s23+$0xFFFFFE30] =	vst v22  }
0x115: {  	v9 =	vor.u32 $0x2, v8;
	v7 =	vld.idx.msk [tilespmem:v10+s9+$0x0], $0xffff;
	[tilespmem:s23+$0xFFFFFE40] =	vst v27  }
0x116: {  	v10 =	vld.idx.msk [tilespmem:v12+s9+$0x0], $0xffff;
	[tilespmem:s23+$0xFFFFFE50] =	vst v2  }
0x117: {  	v2 =	vld.idx.msk [tilespmem:v14+s9+$0x0], $0xffff;
	[tilespmem:s23+$0xFFFFFE60] =	vst v3  }
0x118: {  	v3 =	vld.idx.msk [tilespmem:v16+s9+$0x0], $0xffff;
	[tilespmem:s23+$0xFFFFFE70] =	vst v4  }
0x119: {  	v4 =	vld.idx.msk [tilespmem:v20+s9+$0x0], $0xffff;
	[tilespmem:s23+$0xFFFFFF00] =	vst v5  }
0x11a: {  	[tilespmem:s23+$0xFFFFFE10] =	vst v6;
	v5 =	vld.idx.msk [tilespmem:v9+s9+$0x0], $0xffff  }
0x11b: {  	v6 =	vld.idx.msk [tilespmem:v25+s9+$0x0], $0xffff;
	[tilespmem:s23+$0xFFFFFEA0] =	vst v7  }
0x11c: {  	v8 =	vor.u32 $0x3, v8;
	[tilespmem:s23+$0xFFFFFEB0] =	vst v10;
	v7 =	vld.idx.msk [tilespmem:v23+s9+$0x0], $0xffff  }
0x11d: {  	v9 =	vld.idx.msk [tilespmem:v11+s9+$0x0], $0xffff;
	[tilespmem:s23+$0xFFFFFEC0] =	vst v2  }
0x11e: {  	v2 =	vld.idx.msk [tilespmem:v13+s9+$0x0], $0xffff;
	[tilespmem:s23+$0xFFFFFED0] =	vst v3  }
0x11f: {  	v3 =	vld.idx.msk [tilespmem:v15+s9+$0x0], $0xffff;
	[tilespmem:s23+$0xFFFFFEE0] =	vst v4  }
0x120: {  	v4 =	vld.idx.msk [tilespmem:v17+s9+$0x0], $0xffff;
	[tilespmem:s23+$0xFFFFFF80] =	vst v5  }
0x121: {  	[tilespmem:s23+$0xFFFFFE90] =	vst v6;
	v6 =	vld.idx.msk [tilespmem:v8+s9+$0x0], $0xffff  }
0x122: {  	v8 =	vld.idx.msk [tilespmem:v26+s9+$0x0], $0xffff;
	[tilespmem:s23+$0xFFFFFEF0] =	vst v7  }
0x123: {  	[tilespmem:s23+$0xFFFFFF20] =	vst v9;
	v9 =	vld.idx.msk [tilespmem:v21+s9+$0x0], $0xffff  }
0x124: {  	[tilespmem:s23+$0xFFFFFF30] =	vst v2;
	v5 =	vld.idx.msk [tilespmem:v28+s9+$0x0], $0xffff  }
.Ltmp6:
0x125: {  	v2 =	vld.idx.msk [tilespmem:v30+s9+$0x0], $0xffff;
	[tilespmem:s23+$0xFFFFFF40] =	vst v3;
	(pc) =	sbr.rel @p2 .LBB2_7-.Ltmp6, $4  }
0x126: {  	v3 =	vld.idx.msk [tilespmem:v31+s9+$0x0], $0xffff;
	[tilespmem:s23+$0xFFFFFF50] =	vst v4  }
0x127: {  	v4 =	vld.idx.msk [tilespmem:v32+s9+$0x0], $0xffff;
	[tilespmem:s23+$0x0] =	vst v6  }
0x128: {  	[tilespmem:s23+$0xFFFFFF10] =	vst v8;
	v6 =	vld.idx.msk [tilespmem:v33+s9+$0x0], $0xffff  }
0x129: {  	s26 =	sadd.s32 $0x400, s26;
	v7 =	vld.idx.msk [tilespmem:v29+s9+$0x0], $0xffff;
	[tilespmem:s23+$0xFFFFFF60] =	vst v9  }
0x12a: {  	_ =	sdelay $0x2  }
0x12b: {  	[tilespmem:s23+$0xFFFFFF70] =	vst v5  }
0x12c: {  	[tilespmem:s23+$0xFFFFFFA0] =	vst v2;
	v1 =	vld.idx.msk [tilespmem:v1+s9+$0x0], $0xffff  }
0x12d: {  	[tilespmem:s23+$0xFFFFFFB0] =	vst v3;
	v0 =	vld.idx.msk [tilespmem:v0+s9+$0x0], $0xffff  }
0x12e: {  	[tilespmem:s23+$0xFFFFFFC0] =	vst v4  }
0x12f: {  	[tilespmem:s23+$0xFFFFFFD0] =	vst v6  }
0x130: {  	[tilespmem:s23+$0xFFFFFF90] =	vst v7  }
0x131: {  	[tilespmem:s23+$0xFFFFFFE0] =	vst v1  }
0x132: {  	[tilespmem:s23+$0xFFFFFFF0] =	vst v0  }
0x133: {  	v0 =	vld [tilespmem:s24+$0x0]  }
0x134: {  	v1 =	vld [tilespmem:s24+$0xFFFFFFA0]  }
0x135: {  	v2 =	vld [tilespmem:s24+$0xFFFFFFB0]  }
0x136: {  	v3 =	vld [tilespmem:s24+$0xFFFFFFC0]  }
0x137: {  	v4 =	vld [tilespmem:s24+$0xFFFFFFD0]  }
0x138: {  	v5 =	vld [tilespmem:s24+$0xFFFFFFE0];
	v0 =	vshll.u32 v0, $0x2  }
0x139: {  	v6 =	vld [tilespmem:s24+$0xFFFFFFF0];
	v1 =	vshll.u32 v1, $0x2  }
0x13a: {  	v7 =	vld [tilespmem:s24+$0xFFFFFF90];
	v2 =	vshll.u32 v2, $0x2  }
0x13b: {  	v3 =	vshll.u32 v3, $0x2  }
0x13c: {  	v4 =	vshll.u32 v4, $0x2  }
0x13d: {  	v8 =	vshll.u32 v5, $0x2;
	v5 =	vld.idx.msk [tilespmem:v0+s9+$0x0], $0xffff  }
0x13e: {  	v10 =	vshll.u32 v6, $0x2;
	v9 =	vld.idx.msk [tilespmem:v1+s9+$0x0], $0xffff  }
0x13f: {  	v7 =	vshll.u32 v7, $0x2;
	v6 =	vld.idx.msk [tilespmem:v2+s9+$0x0], $0xffff  }
0x140: {  	v11 =	vor.u32 $0x1, v0;
	v12 =	vld.idx.msk [tilespmem:v3+s9+$0x0], $0xffff  }
0x141: {  	v13 =	vor.u32 $0x1, v1;
	v14 =	vld.idx.msk [tilespmem:v4+s9+$0x0], $0xffff  }
0x142: {  	v15 =	vor.u32 $0x1, v2;
	v16 =	vld.idx.msk [tilespmem:v8+s9+$0x0], $0xffff  }
0x143: {  	v17 =	vor.u32 $0x1, v3;
	v18 =	vld.idx.msk [tilespmem:v10+s9+$0x0], $0xffff;
	[tilespmem:s22+$0xFFFFFE80] =	vst v5  }
0x144: {  	v48 =	vor.u32 $0x1, v8;
	v19 =	vld.idx.msk [tilespmem:v7+s9+$0x0], $0xffff;
	[tilespmem:s22+$0xFFFFFE20] =	vst v9  }
0x145: {  	v50 =	vor.u32 $0x1, v7;
	[tilespmem:s22+$0xFFFFFE30] =	vst v6;
	v47 =	vld.idx.msk [tilespmem:v11+s9+$0x0], $0xffff  }
0x146: {  	v5 =	vor.u32 $0x1, v4;
	[tilespmem:s22+$0xFFFFFE40] =	vst v12;
	v6 =	vld.idx.msk [tilespmem:v13+s9+$0x0], $0xffff  }
0x147: {  	v51 =	vor.u32 $0x1, v10;
	[tilespmem:s22+$0xFFFFFE50] =	vst v14;
	v15 =	vld.idx.msk [tilespmem:v15+s9+$0x0], $0xffff  }
0x148: {  	v49 =	vor.u32 $0x2, v0;
	[tilespmem:s22+$0xFFFFFE60] =	vst v16;
	v17 =	vld.idx.msk [tilespmem:v17+s9+$0x0], $0xffff  }
0x149: {  	v52 =	vor.u32 $0x2, v1;
	[tilespmem:s22+$0xFFFFFE10] =	vst v19;
	v11 =	vld.idx.msk [tilespmem:v48+s9+$0x0], $0xffff  }
0x14a: {  	v53 =	vor.u32 $0x2, v2;
	[tilespmem:s22+$0xFFFFFE70] =	vst v18;
	v13 =	vld.idx.msk [tilespmem:v50+s9+$0x0], $0xffff  }
0x14b: {  	v54 =	vor.u32 $0x2, v3;
	v5 =	vld.idx.msk [tilespmem:v5+s9+$0x0], $0xffff;
	[tilespmem:s22+$0xFFFFFF00] =	vst v47  }
0x14c: {  	v56 =	vor.u32 $0x2, v7;
	[tilespmem:s22+$0xFFFFFEA0] =	vst v6;
	v6 =	vld.idx.msk [tilespmem:v51+s9+$0x0], $0xffff  }
0x14d: {  	v58 =	vor.u32 $0x2, v8;
	[tilespmem:s22+$0xFFFFFEB0] =	vst v15;
	v12 =	vld.idx.msk [tilespmem:v49+s9+$0x0], $0xffff  }
0x14e: {  	v55 =	vor.u32 $0x2, v4;
	[tilespmem:s22+$0xFFFFFEC0] =	vst v17;
	v57 =	vld.idx.msk [tilespmem:v52+s9+$0x0], $0xffff  }
0x14f: {  	v0 =	vor.u32 $0x3, v0;
	[tilespmem:s22+$0xFFFFFEE0] =	vst v11;
	v59 =	vld.idx.msk [tilespmem:v53+s9+$0x0], $0xffff  }
0x150: {  	v1 =	vor.u32 $0x3, v1;
	[tilespmem:s22+$0xFFFFFE90] =	vst v13;
	v9 =	vld.idx.msk [tilespmem:v54+s9+$0x0], $0xffff  }
0x151: {  	v14 =	vld.idx.msk [tilespmem:v56+s9+$0x0], $0xffff;
	[tilespmem:s22+$0xFFFFFED0] =	vst v5;
	v5 =	vor.u32 $0x2, v10  }
0x152: {  	v61 =	vor.u32 $0x3, v2;
	v63 =	vld.idx.msk [tilespmem:v58+s9+$0x0], $0xffff;
	[tilespmem:s22+$0xFFFFFEF0] =	vst v6  }
0x153: {  	v62 =	vor.u32 $0x3, v3;
	v60 =	vld.idx.msk [tilespmem:v55+s9+$0x0], $0xffff;
	[tilespmem:s22+$0xFFFFFF80] =	vst v12  }
0x154: {  	v7 =	vor.u32 $0x3, v7;
	[tilespmem:s22+$0xFFFFFF20] =	vst v57;
	v0 =	vld.idx.msk [tilespmem:v0+s9+$0x0], $0xffff  }
0x155: {  	v6 =	vor.u32 $0x3, v4;
	[tilespmem:s22+$0xFFFFFF30] =	vst v59;
	v2 =	vld.idx.msk [tilespmem:v1+s9+$0x0], $0xffff  }
0x156: {  	[tilespmem:s22+$0xFFFFFF40] =	vst v9;
	v5 =	vld.idx.msk [tilespmem:v5+s9+$0x0], $0xffff  }
0x157: {  	[tilespmem:s22+$0xFFFFFF10] =	vst v14;
	v3 =	vld.idx.msk [tilespmem:v61+s9+$0x0], $0xffff  }
0x158: {  	[tilespmem:s22+$0xFFFFFF60] =	vst v63;
	v4 =	vld.idx.msk [tilespmem:v62+s9+$0x0], $0xffff  }
0x159: {  	s25 =	simm.s32 $0x0;
	v7 =	vld.idx.msk [tilespmem:v7+s9+$0x0], $0xffff;
	[tilespmem:s22+$0xFFFFFF50] =	vst v60  }
0x15a: {  	s26 =	simm.s32 $0x5F0;
	s23 =	simm.s32 $0x41F0;
	s24 =	simm.s32 $0x270;
	v1 =	vor.u32 $0x3, v8;
	v6 =	vld.idx.msk [tilespmem:v6+s9+$0x0], $0xffff;
	[tilespmem:s22+$0x0] =	vst v0;
	v0 =	vor.u32 $0x3, v10  }
.LBB2_9:
0x15b: {  	v8 =	vld [tilespmem:s26+$0x0];
	s25 =	sadd.s32 $0x8, s25;
	[tilespmem:s22+$0xFFFFFF70] =	vst v5  }
0x15c: {  	v5 =	vld [tilespmem:s26+$0xFFFFFFA0];
	p2 =	slt.u32 s25, $0x18;
	[tilespmem:s22+$0xFFFFFFA0] =	vst v2  }
0x15d: {  	v2 =	vld [tilespmem:s26+$0xFFFFFFB0];
	[tilespmem:s22+$0xFFFFFFB0] =	vst v3  }
0x15e: {  	v3 =	vld [tilespmem:s26+$0xFFFFFFC0];
	[tilespmem:s22+$0xFFFFFFC0] =	vst v4  }
0x15f: {  	v4 =	vld [tilespmem:s26+$0xFFFFFFD0];
	[tilespmem:s22+$0xFFFFFFD0] =	vst v6  }
0x160: {  	v6 =	vld [tilespmem:s26+$0xFFFFFFE0];
	v8 =	vshll.u32 v8, $0x2;
	[tilespmem:s22+$0xFFFFFF90] =	vst v7  }
0x161: {  	v5 =	vshll.u32 v5, $0x2;
	v7 =	vld [tilespmem:s26+$0xFFFFFFF0]  }
0x162: {  	v9 =	vld [tilespmem:s26+$0xFFFFFF90];
	v10 =	vor.u32 $0x1, v5;
	v11 =	vor.u32 $0x2, v5;
	v2 =	vshll.u32 v2, $0x2  }
0x163: {  	v12 =	vor.u32 $0x1, v2;
	v13 =	vor.u32 $0x2, v2;
	v3 =	vshll.u32 v3, $0x2;
	v1 =	vld.idx.msk [tilespmem:v1+s9+$0x0], $0xffff  }
0x164: {  	v14 =	vor.u32 $0x1, v3;
	v15 =	vor.u32 $0x2, v3;
	v4 =	vshll.u32 v4, $0x2;
	v0 =	vld.idx.msk [tilespmem:v0+s9+$0x0], $0xffff  }
0x165: {  	v16 =	vor.u32 $0x1, v4;
	v17 =	vor.u32 $0x2, v4;
	v6 =	vshll.u32 v6, $0x2;
	v18 =	vld.idx.msk [tilespmem:v8+s9+$0x0], $0xffff  }
0x166: {  	v19 =	vld.idx.msk [tilespmem:v5+s9+$0x0], $0xffff;
	v20 =	vor.u32 $0x1, v6;
	v21 =	vor.u32 $0x2, v6;
	v7 =	vshll.u32 v7, $0x2  }
0x167: {  	v24 =	vor.u32 $0x1, v8;
	v9 =	vshll.u32 v9, $0x2;
	v22 =	vld.idx.msk [tilespmem:v2+s9+$0x0], $0xffff;
	v23 =	vor.u32 $0x1, v7  }
0x168: {  	v28 =	vor.u32 $0x2, v7;
	v25 =	vor.u32 $0x1, v9;
	v26 =	vor.u32 $0x2, v9;
	v27 =	vld.idx.msk [tilespmem:v3+s9+$0x0], $0xffff  }
0x169: {  	v30 =	vor.u32 $0x3, v5;
	v31 =	vor.u32 $0x3, v2;
	v29 =	vor.u32 $0x3, v9;
	v2 =	vld.idx.msk [tilespmem:v4+s9+$0x0], $0xffff;
	[tilespmem:s22+$0xFFFFFFE0] =	vst v1  }
0x16a: {  	v32 =	vor.u32 $0x3, v3;
	v33 =	vor.u32 $0x3, v4;
	v1 =	vor.u32 $0x3, v6;
	v3 =	vld.idx.msk [tilespmem:v6+s9+$0x0], $0xffff;
	[tilespmem:s22+$0xFFFFFFF0] =	vst v0;
	s22 =	sadd.s32 $0x200, s22  }
0x16b: {  	v0 =	vor.u32 $0x3, v7;
	v4 =	vld.idx.msk [tilespmem:v7+s9+$0x0], $0xffff;
	[tilespmem:s22+$0xFFFFFE80] =	vst v18  }
0x16c: {  	[tilespmem:s22+$0xFFFFFE20] =	vst v19;
	v5 =	vld.idx.msk [tilespmem:v24+s9+$0x0], $0xffff  }
0x16d: {  	v6 =	vld.idx.msk [tilespmem:v9+s9+$0x0], $0xffff;
	[tilespmem:s22+$0xFFFFFE30] =	vst v22  }
0x16e: {  	v9 =	vor.u32 $0x2, v8;
	v7 =	vld.idx.msk [tilespmem:v10+s9+$0x0], $0xffff;
	[tilespmem:s22+$0xFFFFFE40] =	vst v27  }
0x16f: {  	v10 =	vld.idx.msk [tilespmem:v12+s9+$0x0], $0xffff;
	[tilespmem:s22+$0xFFFFFE50] =	vst v2  }
0x170: {  	v2 =	vld.idx.msk [tilespmem:v14+s9+$0x0], $0xffff;
	[tilespmem:s22+$0xFFFFFE60] =	vst v3  }
0x171: {  	v3 =	vld.idx.msk [tilespmem:v16+s9+$0x0], $0xffff;
	[tilespmem:s22+$0xFFFFFE70] =	vst v4  }
0x172: {  	v4 =	vld.idx.msk [tilespmem:v20+s9+$0x0], $0xffff;
	[tilespmem:s22+$0xFFFFFF00] =	vst v5  }
0x173: {  	[tilespmem:s22+$0xFFFFFE10] =	vst v6;
	v5 =	vld.idx.msk [tilespmem:v9+s9+$0x0], $0xffff  }
0x174: {  	v6 =	vld.idx.msk [tilespmem:v25+s9+$0x0], $0xffff;
	[tilespmem:s22+$0xFFFFFEA0] =	vst v7  }
0x175: {  	v8 =	vor.u32 $0x3, v8;
	[tilespmem:s22+$0xFFFFFEB0] =	vst v10;
	v7 =	vld.idx.msk [tilespmem:v23+s9+$0x0], $0xffff  }
0x176: {  	v9 =	vld.idx.msk [tilespmem:v11+s9+$0x0], $0xffff;
	[tilespmem:s22+$0xFFFFFEC0] =	vst v2  }
0x177: {  	v2 =	vld.idx.msk [tilespmem:v13+s9+$0x0], $0xffff;
	[tilespmem:s22+$0xFFFFFED0] =	vst v3  }
0x178: {  	v3 =	vld.idx.msk [tilespmem:v15+s9+$0x0], $0xffff;
	[tilespmem:s22+$0xFFFFFEE0] =	vst v4  }
0x179: {  	v4 =	vld.idx.msk [tilespmem:v17+s9+$0x0], $0xffff;
	[tilespmem:s22+$0xFFFFFF80] =	vst v5  }
0x17a: {  	[tilespmem:s22+$0xFFFFFE90] =	vst v6;
	v6 =	vld.idx.msk [tilespmem:v8+s9+$0x0], $0xffff  }
0x17b: {  	v8 =	vld.idx.msk [tilespmem:v26+s9+$0x0], $0xffff;
	[tilespmem:s22+$0xFFFFFEF0] =	vst v7  }
0x17c: {  	[tilespmem:s22+$0xFFFFFF20] =	vst v9;
	v9 =	vld.idx.msk [tilespmem:v21+s9+$0x0], $0xffff  }
0x17d: {  	[tilespmem:s22+$0xFFFFFF30] =	vst v2;
	v5 =	vld.idx.msk [tilespmem:v28+s9+$0x0], $0xffff  }
.Ltmp7:
0x17e: {  	v2 =	vld.idx.msk [tilespmem:v30+s9+$0x0], $0xffff;
	[tilespmem:s22+$0xFFFFFF40] =	vst v3;
	(pc) =	sbr.rel @p2 .LBB2_9-.Ltmp7, $4  }
0x17f: {  	v3 =	vld.idx.msk [tilespmem:v31+s9+$0x0], $0xffff;
	[tilespmem:s22+$0xFFFFFF50] =	vst v4  }
0x180: {  	v4 =	vld.idx.msk [tilespmem:v32+s9+$0x0], $0xffff;
	[tilespmem:s22+$0x0] =	vst v6  }
0x181: {  	[tilespmem:s22+$0xFFFFFF10] =	vst v8;
	v6 =	vld.idx.msk [tilespmem:v33+s9+$0x0], $0xffff  }
0x182: {  	s26 =	sadd.s32 $0x400, s26;
	v7 =	vld.idx.msk [tilespmem:v29+s9+$0x0], $0xffff;
	[tilespmem:s22+$0xFFFFFF60] =	vst v9  }
0x183: {  	_ =	sdelay $0x2  }
0x184: {  	[tilespmem:s22+$0xFFFFFF70] =	vst v5  }
0x185: {  	[tilespmem:s22+$0xFFFFFFA0] =	vst v2;
	v1 =	vld.idx.msk [tilespmem:v1+s9+$0x0], $0xffff  }
0x186: {  	[tilespmem:s22+$0xFFFFFFB0] =	vst v3;
	v0 =	vld.idx.msk [tilespmem:v0+s9+$0x0], $0xffff  }
0x187: {  	[tilespmem:s22+$0xFFFFFFC0] =	vst v4  }
0x188: {  	[tilespmem:s22+$0xFFFFFFD0] =	vst v6  }
0x189: {  	[tilespmem:s22+$0xFFFFFF90] =	vst v7  }
0x18a: {  	[tilespmem:s22+$0xFFFFFFE0] =	vst v1  }
0x18b: {  	[tilespmem:s22+$0xFFFFFFF0] =	vst v0  }
0x18c: {  	v0 =	vld [tilespmem:s24+$0x0]  }
0x18d: {  	v1 =	vld [tilespmem:s24+$0xFFFFFFA0]  }
0x18e: {  	v2 =	vld [tilespmem:s24+$0xFFFFFFB0]  }
0x18f: {  	v3 =	vld [tilespmem:s24+$0xFFFFFFC0]  }
0x190: {  	v4 =	vld [tilespmem:s24+$0xFFFFFFD0]  }
0x191: {  	v5 =	vld [tilespmem:s24+$0xFFFFFFE0];
	v0 =	vshll.u32 v0, $0x2  }
0x192: {  	v6 =	vld [tilespmem:s24+$0xFFFFFFF0];
	v1 =	vshll.u32 v1, $0x2  }
0x193: {  	v7 =	vld [tilespmem:s24+$0xFFFFFF90];
	v2 =	vshll.u32 v2, $0x2  }
0x194: {  	v3 =	vshll.u32 v3, $0x2  }
0x195: {  	v4 =	vshll.u32 v4, $0x2  }
0x196: {  	v8 =	vshll.u32 v5, $0x2;
	v5 =	vld.idx.msk [tilespmem:v0+s9+$0x0], $0xffff  }
0x197: {  	v10 =	vshll.u32 v6, $0x2;
	v9 =	vld.idx.msk [tilespmem:v1+s9+$0x0], $0xffff  }
0x198: {  	v7 =	vshll.u32 v7, $0x2;
	v6 =	vld.idx.msk [tilespmem:v2+s9+$0x0], $0xffff  }
0x199: {  	v11 =	vor.u32 $0x1, v0;
	v12 =	vld.idx.msk [tilespmem:v3+s9+$0x0], $0xffff  }
0x19a: {  	v13 =	vor.u32 $0x1, v1;
	v14 =	vld.idx.msk [tilespmem:v4+s9+$0x0], $0xffff  }
0x19b: {  	v15 =	vor.u32 $0x1, v2;
	v16 =	vld.idx.msk [tilespmem:v8+s9+$0x0], $0xffff  }
0x19c: {  	v17 =	vor.u32 $0x1, v3;
	v18 =	vld.idx.msk [tilespmem:v10+s9+$0x0], $0xffff;
	[tilespmem:s23+$0xFFFFFE80] =	vst v5  }
0x19d: {  	v48 =	vor.u32 $0x1, v8;
	v19 =	vld.idx.msk [tilespmem:v7+s9+$0x0], $0xffff;
	[tilespmem:s23+$0xFFFFFE20] =	vst v9  }
0x19e: {  	v50 =	vor.u32 $0x1, v7;
	[tilespmem:s23+$0xFFFFFE30] =	vst v6;
	v47 =	vld.idx.msk [tilespmem:v11+s9+$0x0], $0xffff  }
0x19f: {  	v5 =	vor.u32 $0x1, v4;
	[tilespmem:s23+$0xFFFFFE40] =	vst v12;
	v6 =	vld.idx.msk [tilespmem:v13+s9+$0x0], $0xffff  }
0x1a0: {  	v51 =	vor.u32 $0x1, v10;
	[tilespmem:s23+$0xFFFFFE50] =	vst v14;
	v15 =	vld.idx.msk [tilespmem:v15+s9+$0x0], $0xffff  }
0x1a1: {  	v49 =	vor.u32 $0x2, v0;
	[tilespmem:s23+$0xFFFFFE60] =	vst v16;
	v17 =	vld.idx.msk [tilespmem:v17+s9+$0x0], $0xffff  }
0x1a2: {  	v52 =	vor.u32 $0x2, v1;
	[tilespmem:s23+$0xFFFFFE10] =	vst v19;
	v11 =	vld.idx.msk [tilespmem:v48+s9+$0x0], $0xffff  }
0x1a3: {  	v53 =	vor.u32 $0x2, v2;
	[tilespmem:s23+$0xFFFFFE70] =	vst v18;
	v13 =	vld.idx.msk [tilespmem:v50+s9+$0x0], $0xffff  }
0x1a4: {  	v54 =	vor.u32 $0x2, v3;
	v5 =	vld.idx.msk [tilespmem:v5+s9+$0x0], $0xffff;
	[tilespmem:s23+$0xFFFFFF00] =	vst v47  }
0x1a5: {  	v56 =	vor.u32 $0x2, v7;
	[tilespmem:s23+$0xFFFFFEA0] =	vst v6;
	v6 =	vld.idx.msk [tilespmem:v51+s9+$0x0], $0xffff  }
0x1a6: {  	v58 =	vor.u32 $0x2, v8;
	[tilespmem:s23+$0xFFFFFEB0] =	vst v15;
	v12 =	vld.idx.msk [tilespmem:v49+s9+$0x0], $0xffff  }
0x1a7: {  	v55 =	vor.u32 $0x2, v4;
	[tilespmem:s23+$0xFFFFFEC0] =	vst v17;
	v57 =	vld.idx.msk [tilespmem:v52+s9+$0x0], $0xffff  }
0x1a8: {  	v0 =	vor.u32 $0x3, v0;
	[tilespmem:s23+$0xFFFFFEE0] =	vst v11;
	v59 =	vld.idx.msk [tilespmem:v53+s9+$0x0], $0xffff  }
0x1a9: {  	v1 =	vor.u32 $0x3, v1;
	[tilespmem:s23+$0xFFFFFE90] =	vst v13;
	v9 =	vld.idx.msk [tilespmem:v54+s9+$0x0], $0xffff  }
0x1aa: {  	v14 =	vld.idx.msk [tilespmem:v56+s9+$0x0], $0xffff;
	[tilespmem:s23+$0xFFFFFED0] =	vst v5;
	v5 =	vor.u32 $0x2, v10  }
0x1ab: {  	v61 =	vor.u32 $0x3, v2;
	v63 =	vld.idx.msk [tilespmem:v58+s9+$0x0], $0xffff;
	[tilespmem:s23+$0xFFFFFEF0] =	vst v6  }
0x1ac: {  	v62 =	vor.u32 $0x3, v3;
	v60 =	vld.idx.msk [tilespmem:v55+s9+$0x0], $0xffff;
	[tilespmem:s23+$0xFFFFFF80] =	vst v12  }
0x1ad: {  	v7 =	vor.u32 $0x3, v7;
	[tilespmem:s23+$0xFFFFFF20] =	vst v57;
	v0 =	vld.idx.msk [tilespmem:v0+s9+$0x0], $0xffff  }
0x1ae: {  	v6 =	vor.u32 $0x3, v4;
	[tilespmem:s23+$0xFFFFFF30] =	vst v59;
	v2 =	vld.idx.msk [tilespmem:v1+s9+$0x0], $0xffff  }
0x1af: {  	[tilespmem:s23+$0xFFFFFF40] =	vst v9;
	v5 =	vld.idx.msk [tilespmem:v5+s9+$0x0], $0xffff  }
0x1b0: {  	[tilespmem:s23+$0xFFFFFF10] =	vst v14;
	v3 =	vld.idx.msk [tilespmem:v61+s9+$0x0], $0xffff  }
0x1b1: {  	[tilespmem:s23+$0xFFFFFF60] =	vst v63;
	v4 =	vld.idx.msk [tilespmem:v62+s9+$0x0], $0xffff  }
0x1b2: {  	s25 =	simm.s32 $0x0;
	v7 =	vld.idx.msk [tilespmem:v7+s9+$0x0], $0xffff;
	[tilespmem:s23+$0xFFFFFF50] =	vst v60  }
0x1b3: {  	s26 =	simm.s32 $0x670;
	s22 =	simm.s32 $0x49F0;
	s24 =	simm.s32 $0x2F0;
	v1 =	vor.u32 $0x3, v8;
	v6 =	vld.idx.msk [tilespmem:v6+s9+$0x0], $0xffff;
	[tilespmem:s23+$0x0] =	vst v0;
	v0 =	vor.u32 $0x3, v10  }
.LBB2_11:
0x1b4: {  	v8 =	vld [tilespmem:s26+$0x0];
	s25 =	sadd.s32 $0x8, s25;
	[tilespmem:s23+$0xFFFFFF70] =	vst v5  }
0x1b5: {  	v5 =	vld [tilespmem:s26+$0xFFFFFFA0];
	p2 =	slt.u32 s25, $0x18;
	[tilespmem:s23+$0xFFFFFFA0] =	vst v2  }
0x1b6: {  	v2 =	vld [tilespmem:s26+$0xFFFFFFB0];
	[tilespmem:s23+$0xFFFFFFB0] =	vst v3  }
0x1b7: {  	v3 =	vld [tilespmem:s26+$0xFFFFFFC0];
	[tilespmem:s23+$0xFFFFFFC0] =	vst v4  }
0x1b8: {  	v4 =	vld [tilespmem:s26+$0xFFFFFFD0];
	[tilespmem:s23+$0xFFFFFFD0] =	vst v6  }
0x1b9: {  	v6 =	vld [tilespmem:s26+$0xFFFFFFE0];
	v8 =	vshll.u32 v8, $0x2;
	[tilespmem:s23+$0xFFFFFF90] =	vst v7  }
0x1ba: {  	v5 =	vshll.u32 v5, $0x2;
	v7 =	vld [tilespmem:s26+$0xFFFFFFF0]  }
0x1bb: {  	v9 =	vld [tilespmem:s26+$0xFFFFFF90];
	v10 =	vor.u32 $0x1, v5;
	v11 =	vor.u32 $0x2, v5;
	v2 =	vshll.u32 v2, $0x2  }
0x1bc: {  	v12 =	vor.u32 $0x1, v2;
	v13 =	vor.u32 $0x2, v2;
	v3 =	vshll.u32 v3, $0x2;
	v1 =	vld.idx.msk [tilespmem:v1+s9+$0x0], $0xffff  }
0x1bd: {  	v14 =	vor.u32 $0x1, v3;
	v15 =	vor.u32 $0x2, v3;
	v4 =	vshll.u32 v4, $0x2;
	v0 =	vld.idx.msk [tilespmem:v0+s9+$0x0], $0xffff  }
0x1be: {  	v16 =	vor.u32 $0x1, v4;
	v17 =	vor.u32 $0x2, v4;
	v6 =	vshll.u32 v6, $0x2;
	v18 =	vld.idx.msk [tilespmem:v8+s9+$0x0], $0xffff  }
0x1bf: {  	v19 =	vld.idx.msk [tilespmem:v5+s9+$0x0], $0xffff;
	v20 =	vor.u32 $0x1, v6;
	v21 =	vor.u32 $0x2, v6;
	v7 =	vshll.u32 v7, $0x2  }
0x1c0: {  	v24 =	vor.u32 $0x1, v8;
	v9 =	vshll.u32 v9, $0x2;
	v22 =	vld.idx.msk [tilespmem:v2+s9+$0x0], $0xffff;
	v23 =	vor.u32 $0x1, v7  }
0x1c1: {  	v28 =	vor.u32 $0x2, v7;
	v25 =	vor.u32 $0x1, v9;
	v26 =	vor.u32 $0x2, v9;
	v27 =	vld.idx.msk [tilespmem:v3+s9+$0x0], $0xffff  }
0x1c2: {  	v30 =	vor.u32 $0x3, v5;
	v31 =	vor.u32 $0x3, v2;
	v29 =	vor.u32 $0x3, v9;
	v2 =	vld.idx.msk [tilespmem:v4+s9+$0x0], $0xffff;
	[tilespmem:s23+$0xFFFFFFE0] =	vst v1  }
0x1c3: {  	v32 =	vor.u32 $0x3, v3;
	v33 =	vor.u32 $0x3, v4;
	v1 =	vor.u32 $0x3, v6;
	v3 =	vld.idx.msk [tilespmem:v6+s9+$0x0], $0xffff;
	[tilespmem:s23+$0xFFFFFFF0] =	vst v0;
	s23 =	sadd.s32 $0x200, s23  }
0x1c4: {  	v0 =	vor.u32 $0x3, v7;
	v4 =	vld.idx.msk [tilespmem:v7+s9+$0x0], $0xffff;
	[tilespmem:s23+$0xFFFFFE80] =	vst v18  }
0x1c5: {  	[tilespmem:s23+$0xFFFFFE20] =	vst v19;
	v5 =	vld.idx.msk [tilespmem:v24+s9+$0x0], $0xffff  }
0x1c6: {  	v6 =	vld.idx.msk [tilespmem:v9+s9+$0x0], $0xffff;
	[tilespmem:s23+$0xFFFFFE30] =	vst v22  }
0x1c7: {  	v9 =	vor.u32 $0x2, v8;
	v7 =	vld.idx.msk [tilespmem:v10+s9+$0x0], $0xffff;
	[tilespmem:s23+$0xFFFFFE40] =	vst v27  }
0x1c8: {  	v10 =	vld.idx.msk [tilespmem:v12+s9+$0x0], $0xffff;
	[tilespmem:s23+$0xFFFFFE50] =	vst v2  }
0x1c9: {  	v2 =	vld.idx.msk [tilespmem:v14+s9+$0x0], $0xffff;
	[tilespmem:s23+$0xFFFFFE60] =	vst v3  }
0x1ca: {  	v3 =	vld.idx.msk [tilespmem:v16+s9+$0x0], $0xffff;
	[tilespmem:s23+$0xFFFFFE70] =	vst v4  }
0x1cb: {  	v4 =	vld.idx.msk [tilespmem:v20+s9+$0x0], $0xffff;
	[tilespmem:s23+$0xFFFFFF00] =	vst v5  }
0x1cc: {  	[tilespmem:s23+$0xFFFFFE10] =	vst v6;
	v5 =	vld.idx.msk [tilespmem:v9+s9+$0x0], $0xffff  }
0x1cd: {  	v6 =	vld.idx.msk [tilespmem:v25+s9+$0x0], $0xffff;
	[tilespmem:s23+$0xFFFFFEA0] =	vst v7  }
0x1ce: {  	v8 =	vor.u32 $0x3, v8;
	[tilespmem:s23+$0xFFFFFEB0] =	vst v10;
	v7 =	vld.idx.msk [tilespmem:v23+s9+$0x0], $0xffff  }
0x1cf: {  	v9 =	vld.idx.msk [tilespmem:v11+s9+$0x0], $0xffff;
	[tilespmem:s23+$0xFFFFFEC0] =	vst v2  }
0x1d0: {  	v2 =	vld.idx.msk [tilespmem:v13+s9+$0x0], $0xffff;
	[tilespmem:s23+$0xFFFFFED0] =	vst v3  }
0x1d1: {  	v3 =	vld.idx.msk [tilespmem:v15+s9+$0x0], $0xffff;
	[tilespmem:s23+$0xFFFFFEE0] =	vst v4  }
0x1d2: {  	v4 =	vld.idx.msk [tilespmem:v17+s9+$0x0], $0xffff;
	[tilespmem:s23+$0xFFFFFF80] =	vst v5  }
0x1d3: {  	[tilespmem:s23+$0xFFFFFE90] =	vst v6;
	v6 =	vld.idx.msk [tilespmem:v8+s9+$0x0], $0xffff  }
0x1d4: {  	v8 =	vld.idx.msk [tilespmem:v26+s9+$0x0], $0xffff;
	[tilespmem:s23+$0xFFFFFEF0] =	vst v7  }
0x1d5: {  	[tilespmem:s23+$0xFFFFFF20] =	vst v9;
	v9 =	vld.idx.msk [tilespmem:v21+s9+$0x0], $0xffff  }
0x1d6: {  	[tilespmem:s23+$0xFFFFFF30] =	vst v2;
	v5 =	vld.idx.msk [tilespmem:v28+s9+$0x0], $0xffff  }
.Ltmp8:
0x1d7: {  	v2 =	vld.idx.msk [tilespmem:v30+s9+$0x0], $0xffff;
	[tilespmem:s23+$0xFFFFFF40] =	vst v3;
	(pc) =	sbr.rel @p2 .LBB2_11-.Ltmp8, $4  }
0x1d8: {  	v3 =	vld.idx.msk [tilespmem:v31+s9+$0x0], $0xffff;
	[tilespmem:s23+$0xFFFFFF50] =	vst v4  }
0x1d9: {  	v4 =	vld.idx.msk [tilespmem:v32+s9+$0x0], $0xffff;
	[tilespmem:s23+$0x0] =	vst v6  }
0x1da: {  	[tilespmem:s23+$0xFFFFFF10] =	vst v8;
	v6 =	vld.idx.msk [tilespmem:v33+s9+$0x0], $0xffff  }
0x1db: {  	s26 =	sadd.s32 $0x400, s26;
	v7 =	vld.idx.msk [tilespmem:v29+s9+$0x0], $0xffff;
	[tilespmem:s23+$0xFFFFFF60] =	vst v9  }
0x1dc: {  	_ =	sdelay $0x2  }
0x1dd: {  	[tilespmem:s23+$0xFFFFFF70] =	vst v5  }
0x1de: {  	[tilespmem:s23+$0xFFFFFFA0] =	vst v2;
	v1 =	vld.idx.msk [tilespmem:v1+s9+$0x0], $0xffff  }
0x1df: {  	[tilespmem:s23+$0xFFFFFFB0] =	vst v3;
	v0 =	vld.idx.msk [tilespmem:v0+s9+$0x0], $0xffff  }
0x1e0: {  	[tilespmem:s23+$0xFFFFFFC0] =	vst v4  }
0x1e1: {  	[tilespmem:s23+$0xFFFFFFD0] =	vst v6  }
0x1e2: {  	[tilespmem:s23+$0xFFFFFF90] =	vst v7  }
0x1e3: {  	[tilespmem:s23+$0xFFFFFFE0] =	vst v1  }
0x1e4: {  	[tilespmem:s23+$0xFFFFFFF0] =	vst v0  }
0x1e5: {  	v0 =	vld [tilespmem:s24+$0x0]  }
0x1e6: {  	v1 =	vld [tilespmem:s24+$0xFFFFFFA0]  }
0x1e7: {  	v2 =	vld [tilespmem:s24+$0xFFFFFFB0]  }
0x1e8: {  	v3 =	vld [tilespmem:s24+$0xFFFFFFC0]  }
0x1e9: {  	v4 =	vld [tilespmem:s24+$0xFFFFFFD0]  }
0x1ea: {  	v5 =	vld [tilespmem:s24+$0xFFFFFFE0];
	v0 =	vshll.u32 v0, $0x2  }
0x1eb: {  	v6 =	vld [tilespmem:s24+$0xFFFFFFF0];
	v1 =	vshll.u32 v1, $0x2  }
0x1ec: {  	v7 =	vld [tilespmem:s24+$0xFFFFFF90];
	v2 =	vshll.u32 v2, $0x2  }
0x1ed: {  	v3 =	vshll.u32 v3, $0x2  }
0x1ee: {  	v4 =	vshll.u32 v4, $0x2  }
0x1ef: {  	v8 =	vshll.u32 v5, $0x2;
	v5 =	vld.idx.msk [tilespmem:v0+s9+$0x0], $0xffff  }
0x1f0: {  	v10 =	vshll.u32 v6, $0x2;
	v9 =	vld.idx.msk [tilespmem:v1+s9+$0x0], $0xffff  }
0x1f1: {  	v7 =	vshll.u32 v7, $0x2;
	v6 =	vld.idx.msk [tilespmem:v2+s9+$0x0], $0xffff  }
0x1f2: {  	v11 =	vor.u32 $0x1, v0;
	v12 =	vld.idx.msk [tilespmem:v3+s9+$0x0], $0xffff  }
0x1f3: {  	v13 =	vor.u32 $0x1, v1;
	v14 =	vld.idx.msk [tilespmem:v4+s9+$0x0], $0xffff  }
0x1f4: {  	v15 =	vor.u32 $0x1, v2;
	v16 =	vld.idx.msk [tilespmem:v8+s9+$0x0], $0xffff  }
0x1f5: {  	v17 =	vor.u32 $0x1, v3;
	v18 =	vld.idx.msk [tilespmem:v10+s9+$0x0], $0xffff;
	[tilespmem:s22+$0xFFFFFE80] =	vst v5  }
0x1f6: {  	v48 =	vor.u32 $0x1, v8;
	v19 =	vld.idx.msk [tilespmem:v7+s9+$0x0], $0xffff;
	[tilespmem:s22+$0xFFFFFE20] =	vst v9  }
0x1f7: {  	v50 =	vor.u32 $0x1, v7;
	[tilespmem:s22+$0xFFFFFE30] =	vst v6;
	v47 =	vld.idx.msk [tilespmem:v11+s9+$0x0], $0xffff  }
0x1f8: {  	v5 =	vor.u32 $0x1, v4;
	[tilespmem:s22+$0xFFFFFE40] =	vst v12;
	v6 =	vld.idx.msk [tilespmem:v13+s9+$0x0], $0xffff  }
0x1f9: {  	v51 =	vor.u32 $0x1, v10;
	[tilespmem:s22+$0xFFFFFE50] =	vst v14;
	v15 =	vld.idx.msk [tilespmem:v15+s9+$0x0], $0xffff  }
0x1fa: {  	v49 =	vor.u32 $0x2, v0;
	[tilespmem:s22+$0xFFFFFE60] =	vst v16;
	v17 =	vld.idx.msk [tilespmem:v17+s9+$0x0], $0xffff  }
0x1fb: {  	v52 =	vor.u32 $0x2, v1;
	[tilespmem:s22+$0xFFFFFE10] =	vst v19;
	v11 =	vld.idx.msk [tilespmem:v48+s9+$0x0], $0xffff  }
0x1fc: {  	v53 =	vor.u32 $0x2, v2;
	[tilespmem:s22+$0xFFFFFE70] =	vst v18;
	v13 =	vld.idx.msk [tilespmem:v50+s9+$0x0], $0xffff  }
0x1fd: {  	v54 =	vor.u32 $0x2, v3;
	v5 =	vld.idx.msk [tilespmem:v5+s9+$0x0], $0xffff;
	[tilespmem:s22+$0xFFFFFF00] =	vst v47  }
0x1fe: {  	v56 =	vor.u32 $0x2, v7;
	[tilespmem:s22+$0xFFFFFEA0] =	vst v6;
	v6 =	vld.idx.msk [tilespmem:v51+s9+$0x0], $0xffff  }
0x1ff: {  	v58 =	vor.u32 $0x2, v8;
	[tilespmem:s22+$0xFFFFFEB0] =	vst v15;
	v12 =	vld.idx.msk [tilespmem:v49+s9+$0x0], $0xffff  }
0x200: {  	v55 =	vor.u32 $0x2, v4;
	[tilespmem:s22+$0xFFFFFEC0] =	vst v17;
	v57 =	vld.idx.msk [tilespmem:v52+s9+$0x0], $0xffff  }
0x201: {  	v0 =	vor.u32 $0x3, v0;
	[tilespmem:s22+$0xFFFFFEE0] =	vst v11;
	v59 =	vld.idx.msk [tilespmem:v53+s9+$0x0], $0xffff  }
0x202: {  	v1 =	vor.u32 $0x3, v1;
	[tilespmem:s22+$0xFFFFFE90] =	vst v13;
	v9 =	vld.idx.msk [tilespmem:v54+s9+$0x0], $0xffff  }
0x203: {  	v14 =	vld.idx.msk [tilespmem:v56+s9+$0x0], $0xffff;
	[tilespmem:s22+$0xFFFFFED0] =	vst v5;
	v5 =	vor.u32 $0x2, v10  }
0x204: {  	v61 =	vor.u32 $0x3, v2;
	v63 =	vld.idx.msk [tilespmem:v58+s9+$0x0], $0xffff;
	[tilespmem:s22+$0xFFFFFEF0] =	vst v6  }
0x205: {  	v62 =	vor.u32 $0x3, v3;
	v60 =	vld.idx.msk [tilespmem:v55+s9+$0x0], $0xffff;
	[tilespmem:s22+$0xFFFFFF80] =	vst v12  }
0x206: {  	v7 =	vor.u32 $0x3, v7;
	[tilespmem:s22+$0xFFFFFF20] =	vst v57;
	v0 =	vld.idx.msk [tilespmem:v0+s9+$0x0], $0xffff  }
0x207: {  	v6 =	vor.u32 $0x3, v4;
	[tilespmem:s22+$0xFFFFFF30] =	vst v59;
	v2 =	vld.idx.msk [tilespmem:v1+s9+$0x0], $0xffff  }
0x208: {  	[tilespmem:s22+$0xFFFFFF40] =	vst v9;
	v5 =	vld.idx.msk [tilespmem:v5+s9+$0x0], $0xffff  }
0x209: {  	[tilespmem:s22+$0xFFFFFF10] =	vst v14;
	v3 =	vld.idx.msk [tilespmem:v61+s9+$0x0], $0xffff  }
0x20a: {  	[tilespmem:s22+$0xFFFFFF60] =	vst v63;
	v4 =	vld.idx.msk [tilespmem:v62+s9+$0x0], $0xffff  }
0x20b: {  	s25 =	simm.s32 $0x0;
	v7 =	vld.idx.msk [tilespmem:v7+s9+$0x0], $0xffff;
	[tilespmem:s22+$0xFFFFFF50] =	vst v60  }
0x20c: {  	s26 =	simm.s32 $0x6F0;
	s23 =	simm.s32 $0x51F0;
	s24 =	simm.s32 $0x370;
	v1 =	vor.u32 $0x3, v8;
	v6 =	vld.idx.msk [tilespmem:v6+s9+$0x0], $0xffff;
	[tilespmem:s22+$0x0] =	vst v0;
	v0 =	vor.u32 $0x3, v10  }
.LBB2_13:
0x20d: {  	v8 =	vld [tilespmem:s26+$0x0];
	s25 =	sadd.s32 $0x8, s25;
	[tilespmem:s22+$0xFFFFFF70] =	vst v5  }
0x20e: {  	v5 =	vld [tilespmem:s26+$0xFFFFFFA0];
	p2 =	slt.u32 s25, $0x18;
	[tilespmem:s22+$0xFFFFFFA0] =	vst v2  }
0x20f: {  	v2 =	vld [tilespmem:s26+$0xFFFFFFB0];
	[tilespmem:s22+$0xFFFFFFB0] =	vst v3  }
0x210: {  	v3 =	vld [tilespmem:s26+$0xFFFFFFC0];
	[tilespmem:s22+$0xFFFFFFC0] =	vst v4  }
0x211: {  	v4 =	vld [tilespmem:s26+$0xFFFFFFD0];
	[tilespmem:s22+$0xFFFFFFD0] =	vst v6  }
0x212: {  	v6 =	vld [tilespmem:s26+$0xFFFFFFE0];
	v8 =	vshll.u32 v8, $0x2;
	[tilespmem:s22+$0xFFFFFF90] =	vst v7  }
0x213: {  	v5 =	vshll.u32 v5, $0x2;
	v7 =	vld [tilespmem:s26+$0xFFFFFFF0]  }
0x214: {  	v9 =	vld [tilespmem:s26+$0xFFFFFF90];
	v10 =	vor.u32 $0x1, v5;
	v11 =	vor.u32 $0x2, v5;
	v2 =	vshll.u32 v2, $0x2  }
0x215: {  	v12 =	vor.u32 $0x1, v2;
	v13 =	vor.u32 $0x2, v2;
	v3 =	vshll.u32 v3, $0x2;
	v1 =	vld.idx.msk [tilespmem:v1+s9+$0x0], $0xffff  }
0x216: {  	v14 =	vor.u32 $0x1, v3;
	v15 =	vor.u32 $0x2, v3;
	v4 =	vshll.u32 v4, $0x2;
	v0 =	vld.idx.msk [tilespmem:v0+s9+$0x0], $0xffff  }
0x217: {  	v16 =	vor.u32 $0x1, v4;
	v17 =	vor.u32 $0x2, v4;
	v6 =	vshll.u32 v6, $0x2;
	v18 =	vld.idx.msk [tilespmem:v8+s9+$0x0], $0xffff  }
0x218: {  	v19 =	vld.idx.msk [tilespmem:v5+s9+$0x0], $0xffff;
	v20 =	vor.u32 $0x1, v6;
	v21 =	vor.u32 $0x2, v6;
	v7 =	vshll.u32 v7, $0x2  }
0x219: {  	v24 =	vor.u32 $0x1, v8;
	v9 =	vshll.u32 v9, $0x2;
	v22 =	vld.idx.msk [tilespmem:v2+s9+$0x0], $0xffff;
	v23 =	vor.u32 $0x1, v7  }
0x21a: {  	v28 =	vor.u32 $0x2, v7;
	v25 =	vor.u32 $0x1, v9;
	v26 =	vor.u32 $0x2, v9;
	v27 =	vld.idx.msk [tilespmem:v3+s9+$0x0], $0xffff  }
0x21b: {  	v30 =	vor.u32 $0x3, v5;
	v31 =	vor.u32 $0x3, v2;
	v29 =	vor.u32 $0x3, v9;
	v2 =	vld.idx.msk [tilespmem:v4+s9+$0x0], $0xffff;
	[tilespmem:s22+$0xFFFFFFE0] =	vst v1  }
0x21c: {  	v32 =	vor.u32 $0x3, v3;
	v33 =	vor.u32 $0x3, v4;
	v1 =	vor.u32 $0x3, v6;
	v3 =	vld.idx.msk [tilespmem:v6+s9+$0x0], $0xffff;
	[tilespmem:s22+$0xFFFFFFF0] =	vst v0;
	s22 =	sadd.s32 $0x200, s22  }
0x21d: {  	v0 =	vor.u32 $0x3, v7;
	v4 =	vld.idx.msk [tilespmem:v7+s9+$0x0], $0xffff;
	[tilespmem:s22+$0xFFFFFE80] =	vst v18  }
0x21e: {  	[tilespmem:s22+$0xFFFFFE20] =	vst v19;
	v5 =	vld.idx.msk [tilespmem:v24+s9+$0x0], $0xffff  }
0x21f: {  	v6 =	vld.idx.msk [tilespmem:v9+s9+$0x0], $0xffff;
	[tilespmem:s22+$0xFFFFFE30] =	vst v22  }
0x220: {  	v9 =	vor.u32 $0x2, v8;
	v7 =	vld.idx.msk [tilespmem:v10+s9+$0x0], $0xffff;
	[tilespmem:s22+$0xFFFFFE40] =	vst v27  }
0x221: {  	v10 =	vld.idx.msk [tilespmem:v12+s9+$0x0], $0xffff;
	[tilespmem:s22+$0xFFFFFE50] =	vst v2  }
0x222: {  	v2 =	vld.idx.msk [tilespmem:v14+s9+$0x0], $0xffff;
	[tilespmem:s22+$0xFFFFFE60] =	vst v3  }
0x223: {  	v3 =	vld.idx.msk [tilespmem:v16+s9+$0x0], $0xffff;
	[tilespmem:s22+$0xFFFFFE70] =	vst v4  }
0x224: {  	v4 =	vld.idx.msk [tilespmem:v20+s9+$0x0], $0xffff;
	[tilespmem:s22+$0xFFFFFF00] =	vst v5  }
0x225: {  	[tilespmem:s22+$0xFFFFFE10] =	vst v6;
	v5 =	vld.idx.msk [tilespmem:v9+s9+$0x0], $0xffff  }
0x226: {  	v6 =	vld.idx.msk [tilespmem:v25+s9+$0x0], $0xffff;
	[tilespmem:s22+$0xFFFFFEA0] =	vst v7  }
0x227: {  	v8 =	vor.u32 $0x3, v8;
	[tilespmem:s22+$0xFFFFFEB0] =	vst v10;
	v7 =	vld.idx.msk [tilespmem:v23+s9+$0x0], $0xffff  }
0x228: {  	v9 =	vld.idx.msk [tilespmem:v11+s9+$0x0], $0xffff;
	[tilespmem:s22+$0xFFFFFEC0] =	vst v2  }
0x229: {  	v2 =	vld.idx.msk [tilespmem:v13+s9+$0x0], $0xffff;
	[tilespmem:s22+$0xFFFFFED0] =	vst v3  }
0x22a: {  	v3 =	vld.idx.msk [tilespmem:v15+s9+$0x0], $0xffff;
	[tilespmem:s22+$0xFFFFFEE0] =	vst v4  }
0x22b: {  	v4 =	vld.idx.msk [tilespmem:v17+s9+$0x0], $0xffff;
	[tilespmem:s22+$0xFFFFFF80] =	vst v5  }
0x22c: {  	[tilespmem:s22+$0xFFFFFE90] =	vst v6;
	v6 =	vld.idx.msk [tilespmem:v8+s9+$0x0], $0xffff  }
0x22d: {  	v8 =	vld.idx.msk [tilespmem:v26+s9+$0x0], $0xffff;
	[tilespmem:s22+$0xFFFFFEF0] =	vst v7  }
0x22e: {  	[tilespmem:s22+$0xFFFFFF20] =	vst v9;
	v9 =	vld.idx.msk [tilespmem:v21+s9+$0x0], $0xffff  }
0x22f: {  	[tilespmem:s22+$0xFFFFFF30] =	vst v2;
	v5 =	vld.idx.msk [tilespmem:v28+s9+$0x0], $0xffff  }
.Ltmp9:
0x230: {  	v2 =	vld.idx.msk [tilespmem:v30+s9+$0x0], $0xffff;
	[tilespmem:s22+$0xFFFFFF40] =	vst v3;
	(pc) =	sbr.rel @p2 .LBB2_13-.Ltmp9, $4  }
0x231: {  	v3 =	vld.idx.msk [tilespmem:v31+s9+$0x0], $0xffff;
	[tilespmem:s22+$0xFFFFFF50] =	vst v4  }
0x232: {  	v4 =	vld.idx.msk [tilespmem:v32+s9+$0x0], $0xffff;
	[tilespmem:s22+$0x0] =	vst v6  }
0x233: {  	[tilespmem:s22+$0xFFFFFF10] =	vst v8;
	v6 =	vld.idx.msk [tilespmem:v33+s9+$0x0], $0xffff  }
0x234: {  	s26 =	sadd.s32 $0x400, s26;
	v7 =	vld.idx.msk [tilespmem:v29+s9+$0x0], $0xffff;
	[tilespmem:s22+$0xFFFFFF60] =	vst v9  }
0x235: {  	_ =	sdelay $0x2  }
0x236: {  	[tilespmem:s22+$0xFFFFFF70] =	vst v5  }
0x237: {  	[tilespmem:s22+$0xFFFFFFA0] =	vst v2;
	v1 =	vld.idx.msk [tilespmem:v1+s9+$0x0], $0xffff  }
0x238: {  	[tilespmem:s22+$0xFFFFFFB0] =	vst v3;
	v0 =	vld.idx.msk [tilespmem:v0+s9+$0x0], $0xffff  }
0x239: {  	[tilespmem:s22+$0xFFFFFFC0] =	vst v4  }
0x23a: {  	[tilespmem:s22+$0xFFFFFFD0] =	vst v6  }
0x23b: {  	[tilespmem:s22+$0xFFFFFF90] =	vst v7  }
0x23c: {  	[tilespmem:s22+$0xFFFFFFE0] =	vst v1  }
0x23d: {  	[tilespmem:s22+$0xFFFFFFF0] =	vst v0  }
0x23e: {  	v0 =	vld [tilespmem:s24+$0x0]  }
0x23f: {  	v1 =	vld [tilespmem:s24+$0xFFFFFFA0]  }
0x240: {  	v2 =	vld [tilespmem:s24+$0xFFFFFFB0]  }
0x241: {  	v3 =	vld [tilespmem:s24+$0xFFFFFFC0]  }
0x242: {  	v4 =	vld [tilespmem:s24+$0xFFFFFFD0]  }
0x243: {  	v5 =	vld [tilespmem:s24+$0xFFFFFFE0];
	v0 =	vshll.u32 v0, $0x2  }
0x244: {  	v6 =	vld [tilespmem:s24+$0xFFFFFFF0];
	v1 =	vshll.u32 v1, $0x2  }
0x245: {  	v7 =	vld [tilespmem:s24+$0xFFFFFF90];
	v2 =	vshll.u32 v2, $0x2  }
0x246: {  	v3 =	vshll.u32 v3, $0x2  }
0x247: {  	v4 =	vshll.u32 v4, $0x2  }
0x248: {  	v8 =	vshll.u32 v5, $0x2;
	v5 =	vld.idx.msk [tilespmem:v0+s9+$0x0], $0xffff  }
0x249: {  	v10 =	vshll.u32 v6, $0x2;
	v9 =	vld.idx.msk [tilespmem:v1+s9+$0x0], $0xffff  }
0x24a: {  	v7 =	vshll.u32 v7, $0x2;
	v6 =	vld.idx.msk [tilespmem:v2+s9+$0x0], $0xffff  }
0x24b: {  	v11 =	vor.u32 $0x1, v0;
	v12 =	vld.idx.msk [tilespmem:v3+s9+$0x0], $0xffff  }
0x24c: {  	v13 =	vor.u32 $0x1, v1;
	v14 =	vld.idx.msk [tilespmem:v4+s9+$0x0], $0xffff  }
0x24d: {  	v15 =	vor.u32 $0x1, v2;
	v16 =	vld.idx.msk [tilespmem:v8+s9+$0x0], $0xffff  }
0x24e: {  	v17 =	vor.u32 $0x1, v3;
	v18 =	vld.idx.msk [tilespmem:v10+s9+$0x0], $0xffff;
	[tilespmem:s23+$0xFFFFFE80] =	vst v5  }
0x24f: {  	v48 =	vor.u32 $0x1, v8;
	v19 =	vld.idx.msk [tilespmem:v7+s9+$0x0], $0xffff;
	[tilespmem:s23+$0xFFFFFE20] =	vst v9  }
0x250: {  	v50 =	vor.u32 $0x1, v7;
	[tilespmem:s23+$0xFFFFFE30] =	vst v6;
	v47 =	vld.idx.msk [tilespmem:v11+s9+$0x0], $0xffff  }
0x251: {  	v5 =	vor.u32 $0x1, v4;
	[tilespmem:s23+$0xFFFFFE40] =	vst v12;
	v6 =	vld.idx.msk [tilespmem:v13+s9+$0x0], $0xffff  }
0x252: {  	v51 =	vor.u32 $0x1, v10;
	[tilespmem:s23+$0xFFFFFE50] =	vst v14;
	v15 =	vld.idx.msk [tilespmem:v15+s9+$0x0], $0xffff  }
0x253: {  	v49 =	vor.u32 $0x2, v0;
	[tilespmem:s23+$0xFFFFFE60] =	vst v16;
	v17 =	vld.idx.msk [tilespmem:v17+s9+$0x0], $0xffff  }
0x254: {  	v52 =	vor.u32 $0x2, v1;
	[tilespmem:s23+$0xFFFFFE10] =	vst v19;
	v11 =	vld.idx.msk [tilespmem:v48+s9+$0x0], $0xffff  }
0x255: {  	v53 =	vor.u32 $0x2, v2;
	[tilespmem:s23+$0xFFFFFE70] =	vst v18;
	v13 =	vld.idx.msk [tilespmem:v50+s9+$0x0], $0xffff  }
0x256: {  	v54 =	vor.u32 $0x2, v3;
	v5 =	vld.idx.msk [tilespmem:v5+s9+$0x0], $0xffff;
	[tilespmem:s23+$0xFFFFFF00] =	vst v47  }
0x257: {  	v56 =	vor.u32 $0x2, v7;
	[tilespmem:s23+$0xFFFFFEA0] =	vst v6;
	v6 =	vld.idx.msk [tilespmem:v51+s9+$0x0], $0xffff  }
0x258: {  	v58 =	vor.u32 $0x2, v8;
	[tilespmem:s23+$0xFFFFFEB0] =	vst v15;
	v12 =	vld.idx.msk [tilespmem:v49+s9+$0x0], $0xffff  }
0x259: {  	v55 =	vor.u32 $0x2, v4;
	[tilespmem:s23+$0xFFFFFEC0] =	vst v17;
	v57 =	vld.idx.msk [tilespmem:v52+s9+$0x0], $0xffff  }
0x25a: {  	v0 =	vor.u32 $0x3, v0;
	[tilespmem:s23+$0xFFFFFEE0] =	vst v11;
	v59 =	vld.idx.msk [tilespmem:v53+s9+$0x0], $0xffff  }
0x25b: {  	v1 =	vor.u32 $0x3, v1;
	[tilespmem:s23+$0xFFFFFE90] =	vst v13;
	v9 =	vld.idx.msk [tilespmem:v54+s9+$0x0], $0xffff  }
0x25c: {  	v14 =	vld.idx.msk [tilespmem:v56+s9+$0x0], $0xffff;
	[tilespmem:s23+$0xFFFFFED0] =	vst v5;
	v5 =	vor.u32 $0x2, v10  }
0x25d: {  	v61 =	vor.u32 $0x3, v2;
	v63 =	vld.idx.msk [tilespmem:v58+s9+$0x0], $0xffff;
	[tilespmem:s23+$0xFFFFFEF0] =	vst v6  }
0x25e: {  	v62 =	vor.u32 $0x3, v3;
	v60 =	vld.idx.msk [tilespmem:v55+s9+$0x0], $0xffff;
	[tilespmem:s23+$0xFFFFFF80] =	vst v12  }
0x25f: {  	v7 =	vor.u32 $0x3, v7;
	[tilespmem:s23+$0xFFFFFF20] =	vst v57;
	v0 =	vld.idx.msk [tilespmem:v0+s9+$0x0], $0xffff  }
0x260: {  	v6 =	vor.u32 $0x3, v4;
	[tilespmem:s23+$0xFFFFFF30] =	vst v59;
	v2 =	vld.idx.msk [tilespmem:v1+s9+$0x0], $0xffff  }
0x261: {  	[tilespmem:s23+$0xFFFFFF40] =	vst v9;
	v5 =	vld.idx.msk [tilespmem:v5+s9+$0x0], $0xffff  }
0x262: {  	[tilespmem:s23+$0xFFFFFF10] =	vst v14;
	v3 =	vld.idx.msk [tilespmem:v61+s9+$0x0], $0xffff  }
0x263: {  	[tilespmem:s23+$0xFFFFFF60] =	vst v63;
	v4 =	vld.idx.msk [tilespmem:v62+s9+$0x0], $0xffff  }
0x264: {  	s25 =	simm.s32 $0x0;
	v7 =	vld.idx.msk [tilespmem:v7+s9+$0x0], $0xffff;
	[tilespmem:s23+$0xFFFFFF50] =	vst v60  }
0x265: {  	s26 =	simm.s32 $0x770;
	s22 =	simm.s32 $0x59F0;
	s24 =	simm.s32 $0x3F0;
	v1 =	vor.u32 $0x3, v8;
	v6 =	vld.idx.msk [tilespmem:v6+s9+$0x0], $0xffff;
	[tilespmem:s23+$0x0] =	vst v0;
	v0 =	vor.u32 $0x3, v10  }
.LBB2_15:
0x266: {  	v8 =	vld [tilespmem:s26+$0x0];
	s25 =	sadd.s32 $0x8, s25;
	[tilespmem:s23+$0xFFFFFF70] =	vst v5  }
0x267: {  	v5 =	vld [tilespmem:s26+$0xFFFFFFA0];
	p2 =	slt.u32 s25, $0x18;
	[tilespmem:s23+$0xFFFFFFA0] =	vst v2  }
0x268: {  	v2 =	vld [tilespmem:s26+$0xFFFFFFB0];
	[tilespmem:s23+$0xFFFFFFB0] =	vst v3  }
0x269: {  	v3 =	vld [tilespmem:s26+$0xFFFFFFC0];
	[tilespmem:s23+$0xFFFFFFC0] =	vst v4  }
0x26a: {  	v4 =	vld [tilespmem:s26+$0xFFFFFFD0];
	[tilespmem:s23+$0xFFFFFFD0] =	vst v6  }
0x26b: {  	v6 =	vld [tilespmem:s26+$0xFFFFFFE0];
	v8 =	vshll.u32 v8, $0x2;
	[tilespmem:s23+$0xFFFFFF90] =	vst v7  }
0x26c: {  	v5 =	vshll.u32 v5, $0x2;
	v7 =	vld [tilespmem:s26+$0xFFFFFFF0]  }
0x26d: {  	v9 =	vld [tilespmem:s26+$0xFFFFFF90];
	v10 =	vor.u32 $0x1, v5;
	v11 =	vor.u32 $0x2, v5;
	v2 =	vshll.u32 v2, $0x2  }
0x26e: {  	v12 =	vor.u32 $0x1, v2;
	v13 =	vor.u32 $0x2, v2;
	v3 =	vshll.u32 v3, $0x2;
	v1 =	vld.idx.msk [tilespmem:v1+s9+$0x0], $0xffff  }
0x26f: {  	v14 =	vor.u32 $0x1, v3;
	v15 =	vor.u32 $0x2, v3;
	v4 =	vshll.u32 v4, $0x2;
	v0 =	vld.idx.msk [tilespmem:v0+s9+$0x0], $0xffff  }
0x270: {  	v16 =	vor.u32 $0x1, v4;
	v17 =	vor.u32 $0x2, v4;
	v6 =	vshll.u32 v6, $0x2;
	v18 =	vld.idx.msk [tilespmem:v8+s9+$0x0], $0xffff  }
0x271: {  	v19 =	vld.idx.msk [tilespmem:v5+s9+$0x0], $0xffff;
	v20 =	vor.u32 $0x1, v6;
	v21 =	vor.u32 $0x2, v6;
	v7 =	vshll.u32 v7, $0x2  }
0x272: {  	v24 =	vor.u32 $0x1, v8;
	v9 =	vshll.u32 v9, $0x2;
	v22 =	vld.idx.msk [tilespmem:v2+s9+$0x0], $0xffff;
	v23 =	vor.u32 $0x1, v7  }
0x273: {  	v28 =	vor.u32 $0x2, v7;
	v25 =	vor.u32 $0x1, v9;
	v26 =	vor.u32 $0x2, v9;
	v27 =	vld.idx.msk [tilespmem:v3+s9+$0x0], $0xffff  }
0x274: {  	v30 =	vor.u32 $0x3, v5;
	v31 =	vor.u32 $0x3, v2;
	v29 =	vor.u32 $0x3, v9;
	v2 =	vld.idx.msk [tilespmem:v4+s9+$0x0], $0xffff;
	[tilespmem:s23+$0xFFFFFFE0] =	vst v1  }
0x275: {  	v32 =	vor.u32 $0x3, v3;
	v33 =	vor.u32 $0x3, v4;
	v1 =	vor.u32 $0x3, v6;
	v3 =	vld.idx.msk [tilespmem:v6+s9+$0x0], $0xffff;
	[tilespmem:s23+$0xFFFFFFF0] =	vst v0;
	s23 =	sadd.s32 $0x200, s23  }
0x276: {  	v0 =	vor.u32 $0x3, v7;
	v4 =	vld.idx.msk [tilespmem:v7+s9+$0x0], $0xffff;
	[tilespmem:s23+$0xFFFFFE80] =	vst v18  }
0x277: {  	[tilespmem:s23+$0xFFFFFE20] =	vst v19;
	v5 =	vld.idx.msk [tilespmem:v24+s9+$0x0], $0xffff  }
0x278: {  	v6 =	vld.idx.msk [tilespmem:v9+s9+$0x0], $0xffff;
	[tilespmem:s23+$0xFFFFFE30] =	vst v22  }
0x279: {  	v9 =	vor.u32 $0x2, v8;
	v7 =	vld.idx.msk [tilespmem:v10+s9+$0x0], $0xffff;
	[tilespmem:s23+$0xFFFFFE40] =	vst v27  }
0x27a: {  	v10 =	vld.idx.msk [tilespmem:v12+s9+$0x0], $0xffff;
	[tilespmem:s23+$0xFFFFFE50] =	vst v2  }
0x27b: {  	v2 =	vld.idx.msk [tilespmem:v14+s9+$0x0], $0xffff;
	[tilespmem:s23+$0xFFFFFE60] =	vst v3  }
0x27c: {  	v3 =	vld.idx.msk [tilespmem:v16+s9+$0x0], $0xffff;
	[tilespmem:s23+$0xFFFFFE70] =	vst v4  }
0x27d: {  	v4 =	vld.idx.msk [tilespmem:v20+s9+$0x0], $0xffff;
	[tilespmem:s23+$0xFFFFFF00] =	vst v5  }
0x27e: {  	[tilespmem:s23+$0xFFFFFE10] =	vst v6;
	v5 =	vld.idx.msk [tilespmem:v9+s9+$0x0], $0xffff  }
0x27f: {  	v6 =	vld.idx.msk [tilespmem:v25+s9+$0x0], $0xffff;
	[tilespmem:s23+$0xFFFFFEA0] =	vst v7  }
0x280: {  	v8 =	vor.u32 $0x3, v8;
	[tilespmem:s23+$0xFFFFFEB0] =	vst v10;
	v7 =	vld.idx.msk [tilespmem:v23+s9+$0x0], $0xffff  }
0x281: {  	v9 =	vld.idx.msk [tilespmem:v11+s9+$0x0], $0xffff;
	[tilespmem:s23+$0xFFFFFEC0] =	vst v2  }
0x282: {  	v2 =	vld.idx.msk [tilespmem:v13+s9+$0x0], $0xffff;
	[tilespmem:s23+$0xFFFFFED0] =	vst v3  }
0x283: {  	v3 =	vld.idx.msk [tilespmem:v15+s9+$0x0], $0xffff;
	[tilespmem:s23+$0xFFFFFEE0] =	vst v4  }
0x284: {  	v4 =	vld.idx.msk [tilespmem:v17+s9+$0x0], $0xffff;
	[tilespmem:s23+$0xFFFFFF80] =	vst v5  }
0x285: {  	[tilespmem:s23+$0xFFFFFE90] =	vst v6;
	v6 =	vld.idx.msk [tilespmem:v8+s9+$0x0], $0xffff  }
0x286: {  	v8 =	vld.idx.msk [tilespmem:v26+s9+$0x0], $0xffff;
	[tilespmem:s23+$0xFFFFFEF0] =	vst v7  }
0x287: {  	[tilespmem:s23+$0xFFFFFF20] =	vst v9;
	v9 =	vld.idx.msk [tilespmem:v21+s9+$0x0], $0xffff  }
0x288: {  	[tilespmem:s23+$0xFFFFFF30] =	vst v2;
	v5 =	vld.idx.msk [tilespmem:v28+s9+$0x0], $0xffff  }
.Ltmp10:
0x289: {  	v2 =	vld.idx.msk [tilespmem:v30+s9+$0x0], $0xffff;
	[tilespmem:s23+$0xFFFFFF40] =	vst v3;
	(pc) =	sbr.rel @p2 .LBB2_15-.Ltmp10, $4  }
0x28a: {  	v3 =	vld.idx.msk [tilespmem:v31+s9+$0x0], $0xffff;
	[tilespmem:s23+$0xFFFFFF50] =	vst v4  }
0x28b: {  	v4 =	vld.idx.msk [tilespmem:v32+s9+$0x0], $0xffff;
	[tilespmem:s23+$0x0] =	vst v6  }
0x28c: {  	[tilespmem:s23+$0xFFFFFF10] =	vst v8;
	v6 =	vld.idx.msk [tilespmem:v33+s9+$0x0], $0xffff  }
0x28d: {  	s26 =	sadd.s32 $0x400, s26;
	v7 =	vld.idx.msk [tilespmem:v29+s9+$0x0], $0xffff;
	[tilespmem:s23+$0xFFFFFF60] =	vst v9  }
0x28e: {  	_ =	sdelay $0x2  }
0x28f: {  	[tilespmem:s23+$0xFFFFFF70] =	vst v5  }
0x290: {  	[tilespmem:s23+$0xFFFFFFA0] =	vst v2;
	v1 =	vld.idx.msk [tilespmem:v1+s9+$0x0], $0xffff  }
0x291: {  	[tilespmem:s23+$0xFFFFFFB0] =	vst v3;
	v0 =	vld.idx.msk [tilespmem:v0+s9+$0x0], $0xffff  }
0x292: {  	[tilespmem:s23+$0xFFFFFFC0] =	vst v4  }
0x293: {  	[tilespmem:s23+$0xFFFFFFD0] =	vst v6  }
0x294: {  	[tilespmem:s23+$0xFFFFFF90] =	vst v7  }
0x295: {  	[tilespmem:s23+$0xFFFFFFE0] =	vst v1  }
0x296: {  	[tilespmem:s23+$0xFFFFFFF0] =	vst v0  }
0x297: {  	v0 =	vld [tilespmem:s24+$0x0]  }
0x298: {  	v1 =	vld [tilespmem:s24+$0xFFFFFFA0]  }
0x299: {  	v2 =	vld [tilespmem:s24+$0xFFFFFFB0]  }
0x29a: {  	v3 =	vld [tilespmem:s24+$0xFFFFFFC0]  }
0x29b: {  	v4 =	vld [tilespmem:s24+$0xFFFFFFD0]  }
0x29c: {  	v5 =	vld [tilespmem:s24+$0xFFFFFFE0];
	v0 =	vshll.u32 v0, $0x2  }
0x29d: {  	v6 =	vld [tilespmem:s24+$0xFFFFFFF0];
	v1 =	vshll.u32 v1, $0x2  }
0x29e: {  	v7 =	vld [tilespmem:s24+$0xFFFFFF90];
	v2 =	vshll.u32 v2, $0x2  }
0x29f: {  	v3 =	vshll.u32 v3, $0x2  }
0x2a0: {  	v4 =	vshll.u32 v4, $0x2  }
0x2a1: {  	v8 =	vshll.u32 v5, $0x2;
	v5 =	vld.idx.msk [tilespmem:v0+s9+$0x0], $0xffff  }
0x2a2: {  	v10 =	vshll.u32 v6, $0x2;
	v9 =	vld.idx.msk [tilespmem:v1+s9+$0x0], $0xffff  }
0x2a3: {  	v7 =	vshll.u32 v7, $0x2;
	v6 =	vld.idx.msk [tilespmem:v2+s9+$0x0], $0xffff  }
0x2a4: {  	v11 =	vor.u32 $0x1, v0;
	v12 =	vld.idx.msk [tilespmem:v3+s9+$0x0], $0xffff  }
0x2a5: {  	v13 =	vor.u32 $0x1, v1;
	v14 =	vld.idx.msk [tilespmem:v4+s9+$0x0], $0xffff  }
0x2a6: {  	v15 =	vor.u32 $0x1, v2;
	v16 =	vld.idx.msk [tilespmem:v8+s9+$0x0], $0xffff  }
0x2a7: {  	v17 =	vor.u32 $0x1, v3;
	v18 =	vld.idx.msk [tilespmem:v10+s9+$0x0], $0xffff;
	[tilespmem:s22+$0xFFFFFE80] =	vst v5  }
0x2a8: {  	v48 =	vor.u32 $0x1, v8;
	v19 =	vld.idx.msk [tilespmem:v7+s9+$0x0], $0xffff;
	[tilespmem:s22+$0xFFFFFE20] =	vst v9  }
0x2a9: {  	v50 =	vor.u32 $0x1, v7;
	[tilespmem:s22+$0xFFFFFE30] =	vst v6;
	v47 =	vld.idx.msk [tilespmem:v11+s9+$0x0], $0xffff  }
0x2aa: {  	v5 =	vor.u32 $0x1, v4;
	[tilespmem:s22+$0xFFFFFE40] =	vst v12;
	v6 =	vld.idx.msk [tilespmem:v13+s9+$0x0], $0xffff  }
0x2ab: {  	v51 =	vor.u32 $0x1, v10;
	[tilespmem:s22+$0xFFFFFE50] =	vst v14;
	v15 =	vld.idx.msk [tilespmem:v15+s9+$0x0], $0xffff  }
0x2ac: {  	v49 =	vor.u32 $0x2, v0;
	[tilespmem:s22+$0xFFFFFE60] =	vst v16;
	v17 =	vld.idx.msk [tilespmem:v17+s9+$0x0], $0xffff  }
0x2ad: {  	v52 =	vor.u32 $0x2, v1;
	[tilespmem:s22+$0xFFFFFE10] =	vst v19;
	v11 =	vld.idx.msk [tilespmem:v48+s9+$0x0], $0xffff  }
0x2ae: {  	v53 =	vor.u32 $0x2, v2;
	[tilespmem:s22+$0xFFFFFE70] =	vst v18;
	v13 =	vld.idx.msk [tilespmem:v50+s9+$0x0], $0xffff  }
0x2af: {  	v54 =	vor.u32 $0x2, v3;
	v5 =	vld.idx.msk [tilespmem:v5+s9+$0x0], $0xffff;
	[tilespmem:s22+$0xFFFFFF00] =	vst v47  }
0x2b0: {  	v56 =	vor.u32 $0x2, v7;
	[tilespmem:s22+$0xFFFFFEA0] =	vst v6;
	v6 =	vld.idx.msk [tilespmem:v51+s9+$0x0], $0xffff  }
0x2b1: {  	v58 =	vor.u32 $0x2, v8;
	[tilespmem:s22+$0xFFFFFEB0] =	vst v15;
	v12 =	vld.idx.msk [tilespmem:v49+s9+$0x0], $0xffff  }
0x2b2: {  	v55 =	vor.u32 $0x2, v4;
	[tilespmem:s22+$0xFFFFFEC0] =	vst v17;
	v57 =	vld.idx.msk [tilespmem:v52+s9+$0x0], $0xffff  }
0x2b3: {  	v0 =	vor.u32 $0x3, v0;
	[tilespmem:s22+$0xFFFFFEE0] =	vst v11;
	v59 =	vld.idx.msk [tilespmem:v53+s9+$0x0], $0xffff  }
0x2b4: {  	v1 =	vor.u32 $0x3, v1;
	[tilespmem:s22+$0xFFFFFE90] =	vst v13;
	v9 =	vld.idx.msk [tilespmem:v54+s9+$0x0], $0xffff  }
0x2b5: {  	v14 =	vld.idx.msk [tilespmem:v56+s9+$0x0], $0xffff;
	[tilespmem:s22+$0xFFFFFED0] =	vst v5;
	v5 =	vor.u32 $0x2, v10  }
0x2b6: {  	v61 =	vor.u32 $0x3, v2;
	v63 =	vld.idx.msk [tilespmem:v58+s9+$0x0], $0xffff;
	[tilespmem:s22+$0xFFFFFEF0] =	vst v6  }
0x2b7: {  	v62 =	vor.u32 $0x3, v3;
	v60 =	vld.idx.msk [tilespmem:v55+s9+$0x0], $0xffff;
	[tilespmem:s22+$0xFFFFFF80] =	vst v12  }
0x2b8: {  	v7 =	vor.u32 $0x3, v7;
	[tilespmem:s22+$0xFFFFFF20] =	vst v57;
	v0 =	vld.idx.msk [tilespmem:v0+s9+$0x0], $0xffff  }
0x2b9: {  	v6 =	vor.u32 $0x3, v4;
	[tilespmem:s22+$0xFFFFFF30] =	vst v59;
	v2 =	vld.idx.msk [tilespmem:v1+s9+$0x0], $0xffff  }
0x2ba: {  	[tilespmem:s22+$0xFFFFFF40] =	vst v9;
	v5 =	vld.idx.msk [tilespmem:v5+s9+$0x0], $0xffff  }
0x2bb: {  	[tilespmem:s22+$0xFFFFFF10] =	vst v14;
	v3 =	vld.idx.msk [tilespmem:v61+s9+$0x0], $0xffff  }
0x2bc: {  	[tilespmem:s22+$0xFFFFFF60] =	vst v63;
	v4 =	vld.idx.msk [tilespmem:v62+s9+$0x0], $0xffff  }
0x2bd: {  	v7 =	vld.idx.msk [tilespmem:v7+s9+$0x0], $0xffff;
	[tilespmem:s22+$0xFFFFFF50] =	vst v60  }
0x2be: {  	s23 =	simm.s32 $0x0;
	s24 =	simm.s32 $0x7F0;
	v1 =	vor.u32 $0x3, v8;
	v6 =	vld.idx.msk [tilespmem:v6+s9+$0x0], $0xffff;
	[tilespmem:s22+$0x0] =	vst v0;
	v0 =	vor.u32 $0x3, v10  }
.LBB2_17:
0x2bf: {  	v8 =	vld [tilespmem:s24+$0x0];
	s23 =	sadd.s32 $0x8, s23;
	[tilespmem:s22+$0xFFFFFF70] =	vst v5  }
0x2c0: {  	v5 =	vld [tilespmem:s24+$0xFFFFFFA0];
	p2 =	slt.u32 s23, $0x18;
	[tilespmem:s22+$0xFFFFFFA0] =	vst v2  }
0x2c1: {  	v2 =	vld [tilespmem:s24+$0xFFFFFFB0];
	[tilespmem:s22+$0xFFFFFFB0] =	vst v3  }
0x2c2: {  	v3 =	vld [tilespmem:s24+$0xFFFFFFC0];
	[tilespmem:s22+$0xFFFFFFC0] =	vst v4  }
0x2c3: {  	v4 =	vld [tilespmem:s24+$0xFFFFFFD0];
	[tilespmem:s22+$0xFFFFFFD0] =	vst v6  }
0x2c4: {  	v6 =	vld [tilespmem:s24+$0xFFFFFFE0];
	v8 =	vshll.u32 v8, $0x2;
	[tilespmem:s22+$0xFFFFFF90] =	vst v7  }
0x2c5: {  	v5 =	vshll.u32 v5, $0x2;
	v7 =	vld [tilespmem:s24+$0xFFFFFFF0]  }
0x2c6: {  	v9 =	vld [tilespmem:s24+$0xFFFFFF90];
	v10 =	vor.u32 $0x1, v5;
	v11 =	vor.u32 $0x2, v5;
	v2 =	vshll.u32 v2, $0x2  }
0x2c7: {  	v12 =	vor.u32 $0x1, v2;
	v13 =	vor.u32 $0x2, v2;
	v3 =	vshll.u32 v3, $0x2;
	v1 =	vld.idx.msk [tilespmem:v1+s9+$0x0], $0xffff  }
0x2c8: {  	v14 =	vor.u32 $0x1, v3;
	v15 =	vor.u32 $0x2, v3;
	v4 =	vshll.u32 v4, $0x2;
	v0 =	vld.idx.msk [tilespmem:v0+s9+$0x0], $0xffff  }
0x2c9: {  	v16 =	vor.u32 $0x1, v4;
	v17 =	vor.u32 $0x2, v4;
	v6 =	vshll.u32 v6, $0x2;
	v18 =	vld.idx.msk [tilespmem:v8+s9+$0x0], $0xffff  }
0x2ca: {  	v19 =	vld.idx.msk [tilespmem:v5+s9+$0x0], $0xffff;
	v20 =	vor.u32 $0x1, v6;
	v21 =	vor.u32 $0x2, v6;
	v7 =	vshll.u32 v7, $0x2  }
0x2cb: {  	v24 =	vor.u32 $0x1, v8;
	v9 =	vshll.u32 v9, $0x2;
	v22 =	vld.idx.msk [tilespmem:v2+s9+$0x0], $0xffff;
	v23 =	vor.u32 $0x1, v7  }
0x2cc: {  	v28 =	vor.u32 $0x2, v7;
	v25 =	vor.u32 $0x1, v9;
	v26 =	vor.u32 $0x2, v9;
	v27 =	vld.idx.msk [tilespmem:v3+s9+$0x0], $0xffff  }
0x2cd: {  	v30 =	vor.u32 $0x3, v5;
	v31 =	vor.u32 $0x3, v2;
	v29 =	vor.u32 $0x3, v9;
	v2 =	vld.idx.msk [tilespmem:v4+s9+$0x0], $0xffff;
	[tilespmem:s22+$0xFFFFFFE0] =	vst v1  }
0x2ce: {  	v32 =	vor.u32 $0x3, v3;
	v33 =	vor.u32 $0x3, v4;
	v1 =	vor.u32 $0x3, v6;
	v3 =	vld.idx.msk [tilespmem:v6+s9+$0x0], $0xffff;
	[tilespmem:s22+$0xFFFFFFF0] =	vst v0;
	s22 =	sadd.s32 $0x200, s22  }
0x2cf: {  	v0 =	vor.u32 $0x3, v7;
	v4 =	vld.idx.msk [tilespmem:v7+s9+$0x0], $0xffff;
	[tilespmem:s22+$0xFFFFFE80] =	vst v18  }
0x2d0: {  	[tilespmem:s22+$0xFFFFFE20] =	vst v19;
	v5 =	vld.idx.msk [tilespmem:v24+s9+$0x0], $0xffff  }
0x2d1: {  	v6 =	vld.idx.msk [tilespmem:v9+s9+$0x0], $0xffff;
	[tilespmem:s22+$0xFFFFFE30] =	vst v22  }
0x2d2: {  	v9 =	vor.u32 $0x2, v8;
	v7 =	vld.idx.msk [tilespmem:v10+s9+$0x0], $0xffff;
	[tilespmem:s22+$0xFFFFFE40] =	vst v27  }
0x2d3: {  	v10 =	vld.idx.msk [tilespmem:v12+s9+$0x0], $0xffff;
	[tilespmem:s22+$0xFFFFFE50] =	vst v2  }
0x2d4: {  	v2 =	vld.idx.msk [tilespmem:v14+s9+$0x0], $0xffff;
	[tilespmem:s22+$0xFFFFFE60] =	vst v3  }
0x2d5: {  	v3 =	vld.idx.msk [tilespmem:v16+s9+$0x0], $0xffff;
	[tilespmem:s22+$0xFFFFFE70] =	vst v4  }
0x2d6: {  	v4 =	vld.idx.msk [tilespmem:v20+s9+$0x0], $0xffff;
	[tilespmem:s22+$0xFFFFFF00] =	vst v5  }
0x2d7: {  	[tilespmem:s22+$0xFFFFFE10] =	vst v6;
	v5 =	vld.idx.msk [tilespmem:v9+s9+$0x0], $0xffff  }
0x2d8: {  	v6 =	vld.idx.msk [tilespmem:v25+s9+$0x0], $0xffff;
	[tilespmem:s22+$0xFFFFFEA0] =	vst v7  }
0x2d9: {  	v8 =	vor.u32 $0x3, v8;
	[tilespmem:s22+$0xFFFFFEB0] =	vst v10;
	v7 =	vld.idx.msk [tilespmem:v23+s9+$0x0], $0xffff  }
0x2da: {  	v9 =	vld.idx.msk [tilespmem:v11+s9+$0x0], $0xffff;
	[tilespmem:s22+$0xFFFFFEC0] =	vst v2  }
0x2db: {  	v2 =	vld.idx.msk [tilespmem:v13+s9+$0x0], $0xffff;
	[tilespmem:s22+$0xFFFFFED0] =	vst v3  }
0x2dc: {  	v3 =	vld.idx.msk [tilespmem:v15+s9+$0x0], $0xffff;
	[tilespmem:s22+$0xFFFFFEE0] =	vst v4  }
0x2dd: {  	v4 =	vld.idx.msk [tilespmem:v17+s9+$0x0], $0xffff;
	[tilespmem:s22+$0xFFFFFF80] =	vst v5  }
0x2de: {  	[tilespmem:s22+$0xFFFFFE90] =	vst v6;
	v6 =	vld.idx.msk [tilespmem:v8+s9+$0x0], $0xffff  }
0x2df: {  	v8 =	vld.idx.msk [tilespmem:v26+s9+$0x0], $0xffff;
	[tilespmem:s22+$0xFFFFFEF0] =	vst v7  }
0x2e0: {  	[tilespmem:s22+$0xFFFFFF20] =	vst v9;
	v9 =	vld.idx.msk [tilespmem:v21+s9+$0x0], $0xffff  }
0x2e1: {  	[tilespmem:s22+$0xFFFFFF30] =	vst v2;
	v5 =	vld.idx.msk [tilespmem:v28+s9+$0x0], $0xffff  }
.Ltmp11:
0x2e2: {  	v2 =	vld.idx.msk [tilespmem:v30+s9+$0x0], $0xffff;
	[tilespmem:s22+$0xFFFFFF40] =	vst v3;
	(pc) =	sbr.rel @p2 .LBB2_17-.Ltmp11, $4  }
0x2e3: {  	v3 =	vld.idx.msk [tilespmem:v31+s9+$0x0], $0xffff;
	[tilespmem:s22+$0xFFFFFF50] =	vst v4  }
0x2e4: {  	v4 =	vld.idx.msk [tilespmem:v32+s9+$0x0], $0xffff;
	[tilespmem:s22+$0x0] =	vst v6  }
0x2e5: {  	[tilespmem:s22+$0xFFFFFF10] =	vst v8;
	v6 =	vld.idx.msk [tilespmem:v33+s9+$0x0], $0xffff  }
0x2e6: {  	s24 =	sadd.s32 $0x400, s24;
	v7 =	vld.idx.msk [tilespmem:v29+s9+$0x0], $0xffff;
	[tilespmem:s22+$0xFFFFFF60] =	vst v9  }
0x2e7: {  	_ =	sdelay $0x2  }
0x2e8: {  	[tilespmem:s22+$0xFFFFFF70] =	vst v5  }
0x2e9: {  	[tilespmem:s22+$0xFFFFFFA0] =	vst v2;
	v1 =	vld.idx.msk [tilespmem:v1+s9+$0x0], $0xffff  }
0x2ea: {  	[tilespmem:s22+$0xFFFFFFB0] =	vst v3;
	v0 =	vld.idx.msk [tilespmem:v0+s9+$0x0], $0xffff  }
0x2eb: {  	[tilespmem:s22+$0xFFFFFFC0] =	vst v4  }
.Ltmp12:
0x2ec: {  	s23 =	sshll.u32 s20, $0x14;
	[tilespmem:s22+$0xFFFFFFD0] =	vst v6;
	(pc) =	sbr.rel @p1 .LBB2_36-.Ltmp12, $4  }
0x2ed: {  	s23 =	sor.u32 s6, s23;
	[tilespmem:s22+$0xFFFFFF90] =	vst v7  }
0x2ee: {  	s23 =	sshrl.u32 s23, $0x3;
	[tilespmem:s22+$0xFFFFFFE0] =	vst v1  }
0x2ef: {  	s31 =	sadd.s32 s2, s23;
	[tilespmem:s22+$0xFFFFFFF0] =	vst v0  }
0x2f0: {  	[hbm4b:s31+s12] =	stream.strided.scatter [tilespmem:s14], [sflag:$0x3], $0x4000, s13, s12, $0x38;
	[tilespmem:$0xA080] =	vst v63  }
0x2f1: {  	_ =	swait.ge [sflag:s15], $0x1000  }
0x2f2: {  	s22 =	sshll.u32 s20, $0xF;
	[sflag:s15] =	ssyncset.done $0x0  }
0x2f3: {  	s22 =	sadd.s32 s22, s7;
	[sflag:s15] =	ssyncadd.s32 $0xFFFFF000  }
0x2f4: {  	[tilespmem:s3], [sflag:$0x1] =	stream.linear.gather [hbm4b:s22+s3], $0x1000, $0x38;
	[tilespmem:$0xA080] =	vst v63  }
0x2f5: {  	s22 =	simm.s32 @!p0 $0x4  }
0x2f6: {  	_ =	swait.ge @!p0 [sflag:s22], $0x4000  }
0x2f7: {  	[sflag:s22] =	ssyncset.done @!p0 $0x0  }
0x2f8: {  	s31 =	simm.s32 $0x1040;
	[sflag:s22] =	ssyncadd.s32 @!p0 $0xFFFFC000  }
0x2f9: {  	v0 =	vld [tilespmem:s31+$0x30]  }
0x2fa: {  	v1 =	vld [tilespmem:s31+$0xFFFFFFD0]  }
0x2fb: {  	v2 =	vld [tilespmem:s31+$0xFFFFFFE0]  }
0x2fc: {  	v3 =	vld [tilespmem:s31+$0xFFFFFFF0]  }
0x2fd: {  	v4 =	vld [tilespmem:s31+$0x0]  }
0x2fe: {  	v5 =	vld [tilespmem:s31+$0x10];
	v0 =	vshll.u32 v0, $0x2  }
0x2ff: {  	v6 =	vld [tilespmem:s31+$0x20];
	v1 =	vshll.u32 v1, $0x2  }
0x300: {  	v7 =	vld [tilespmem:s31+$0xFFFFFFC0];
	v2 =	vshll.u32 v2, $0x2  }
0x301: {  	v3 =	vshll.u32 v3, $0x2  }
0x302: {  	v4 =	vshll.u32 v4, $0x2  }
0x303: {  	v8 =	vshll.u32 v5, $0x2;
	v5 =	vld.idx.msk [tilespmem:v0+s9+$0x0], $0xffff  }
0x304: {  	v10 =	vshll.u32 v6, $0x2;
	v9 =	vld.idx.msk [tilespmem:v1+s9+$0x0], $0xffff  }
0x305: {  	v7 =	vshll.u32 v7, $0x2;
	v6 =	vld.idx.msk [tilespmem:v2+s9+$0x0], $0xffff  }
0x306: {  	v11 =	vor.u32 $0x1, v0;
	v12 =	vld.idx.msk [tilespmem:v3+s9+$0x0], $0xffff  }
0x307: {  	v13 =	vor.u32 $0x1, v1;
	v14 =	vld.idx.msk [tilespmem:v4+s9+$0x0], $0xffff  }
0x308: {  	s23 =	simm.s32 $0x6100;
	v15 =	vor.u32 $0x1, v2;
	v16 =	vld.idx.msk [tilespmem:v8+s9+$0x0], $0xffff  }
0x309: {  	v17 =	vor.u32 $0x1, v3;
	v18 =	vld.idx.msk [tilespmem:v10+s9+$0x0], $0xffff;
	[tilespmem:s23+$0xFFFFFF70] =	vst v5  }
0x30a: {  	v48 =	vor.u32 $0x1, v8;
	v19 =	vld.idx.msk [tilespmem:v7+s9+$0x0], $0xffff;
	[tilespmem:s23+$0xFFFFFF10] =	vst v9  }
0x30b: {  	v50 =	vor.u32 $0x1, v7;
	[tilespmem:s23+$0xFFFFFF20] =	vst v6;
	v47 =	vld.idx.msk [tilespmem:v11+s9+$0x0], $0xffff  }
0x30c: {  	v5 =	vor.u32 $0x1, v4;
	[tilespmem:s23+$0xFFFFFF30] =	vst v12;
	v6 =	vld.idx.msk [tilespmem:v13+s9+$0x0], $0xffff  }
0x30d: {  	v51 =	vor.u32 $0x1, v10;
	[tilespmem:s23+$0xFFFFFF40] =	vst v14;
	v15 =	vld.idx.msk [tilespmem:v15+s9+$0x0], $0xffff  }
0x30e: {  	v49 =	vor.u32 $0x2, v0;
	[tilespmem:s23+$0xFFFFFF50] =	vst v16;
	v17 =	vld.idx.msk [tilespmem:v17+s9+$0x0], $0xffff  }
0x30f: {  	v52 =	vor.u32 $0x2, v1;
	[tilespmem:s23+$0xFFFFFF00] =	vst v19;
	v11 =	vld.idx.msk [tilespmem:v48+s9+$0x0], $0xffff  }
0x310: {  	v53 =	vor.u32 $0x2, v2;
	[tilespmem:s23+$0xFFFFFF60] =	vst v18;
	v13 =	vld.idx.msk [tilespmem:v50+s9+$0x0], $0xffff  }
0x311: {  	v54 =	vor.u32 $0x2, v3;
	v5 =	vld.idx.msk [tilespmem:v5+s9+$0x0], $0xffff;
	[tilespmem:s23+$0xFFFFFFF0] =	vst v47  }
0x312: {  	v56 =	vor.u32 $0x2, v7;
	[tilespmem:s23+$0xFFFFFF90] =	vst v6;
	v6 =	vld.idx.msk [tilespmem:v51+s9+$0x0], $0xffff  }
0x313: {  	v58 =	vor.u32 $0x2, v8;
	[tilespmem:s23+$0xFFFFFFA0] =	vst v15;
	v12 =	vld.idx.msk [tilespmem:v49+s9+$0x0], $0xffff  }
0x314: {  	v55 =	vor.u32 $0x2, v4;
	[tilespmem:s23+$0xFFFFFFB0] =	vst v17;
	v57 =	vld.idx.msk [tilespmem:v52+s9+$0x0], $0xffff  }
0x315: {  	v0 =	vor.u32 $0x3, v0;
	[tilespmem:s23+$0xFFFFFFD0] =	vst v11;
	v59 =	vld.idx.msk [tilespmem:v53+s9+$0x0], $0xffff  }
0x316: {  	v1 =	vor.u32 $0x3, v1;
	[tilespmem:s23+$0xFFFFFF80] =	vst v13;
	v9 =	vld.idx.msk [tilespmem:v54+s9+$0x0], $0xffff  }
0x317: {  	v14 =	vld.idx.msk [tilespmem:v56+s9+$0x0], $0xffff;
	[tilespmem:s23+$0xFFFFFFC0] =	vst v5;
	v5 =	vor.u32 $0x2, v10  }
0x318: {  	v61 =	vor.u32 $0x3, v2;
	v63 =	vld.idx.msk [tilespmem:v58+s9+$0x0], $0xffff;
	[tilespmem:s23+$0xFFFFFFE0] =	vst v6  }
0x319: {  	v62 =	vor.u32 $0x3, v3;
	v60 =	vld.idx.msk [tilespmem:v55+s9+$0x0], $0xffff;
	[tilespmem:s23+$0x70] =	vst v12  }
0x31a: {  	v7 =	vor.u32 $0x3, v7;
	[tilespmem:s23+$0x10] =	vst v57;
	v0 =	vld.idx.msk [tilespmem:v0+s9+$0x0], $0xffff  }
0x31b: {  	v6 =	vor.u32 $0x3, v4;
	[tilespmem:s23+$0x20] =	vst v59;
	v2 =	vld.idx.msk [tilespmem:v1+s9+$0x0], $0xffff  }
0x31c: {  	[tilespmem:s23+$0x30] =	vst v9;
	v5 =	vld.idx.msk [tilespmem:v5+s9+$0x0], $0xffff  }
0x31d: {  	[tilespmem:s23+$0x0] =	vst v14;
	v3 =	vld.idx.msk [tilespmem:v61+s9+$0x0], $0xffff  }
0x31e: {  	[tilespmem:s23+$0x50] =	vst v63;
	v4 =	vld.idx.msk [tilespmem:v62+s9+$0x0], $0xffff  }
0x31f: {  	s25 =	simm.s32 $0x0;
	v7 =	vld.idx.msk [tilespmem:v7+s9+$0x0], $0xffff;
	[tilespmem:s23+$0x40] =	vst v60  }
0x320: {  	s24 =	simm.s32 $0x10F0;
	s26 =	simm.s32 $0x1440;
	s22 =	simm.s32 $0x69F0;
	v1 =	vor.u32 $0x3, v8;
	v6 =	vld.idx.msk [tilespmem:v6+s9+$0x0], $0xffff;
	[tilespmem:s23+$0xF0] =	vst v0;
	v0 =	vor.u32 $0x3, v10  }
.LBB2_20:
0x321: {  	v8 =	vld [tilespmem:s26+$0x30];
	s25 =	sadd.s32 $0x8, s25;
	[tilespmem:s23+$0x60] =	vst v5  }
0x322: {  	v5 =	vld [tilespmem:s26+$0xFFFFFFD0];
	p0 =	slt.u32 s25, $0x18;
	[tilespmem:s23+$0x90] =	vst v2  }
0x323: {  	v2 =	vld [tilespmem:s26+$0xFFFFFFE0];
	[tilespmem:s23+$0xA0] =	vst v3  }
0x324: {  	v3 =	vld [tilespmem:s26+$0xFFFFFFF0];
	[tilespmem:s23+$0xB0] =	vst v4  }
0x325: {  	v4 =	vld [tilespmem:s26+$0x0];
	[tilespmem:s23+$0xC0] =	vst v6  }
0x326: {  	v6 =	vld [tilespmem:s26+$0x10];
	v8 =	vshll.u32 v8, $0x2;
	[tilespmem:s23+$0x80] =	vst v7  }
0x327: {  	v5 =	vshll.u32 v5, $0x2;
	v7 =	vld [tilespmem:s26+$0x20]  }
0x328: {  	v9 =	vld [tilespmem:s26+$0xFFFFFFC0];
	v10 =	vor.u32 $0x1, v5;
	v11 =	vor.u32 $0x2, v5;
	v2 =	vshll.u32 v2, $0x2  }
0x329: {  	v12 =	vor.u32 $0x1, v2;
	v13 =	vor.u32 $0x2, v2;
	v3 =	vshll.u32 v3, $0x2;
	v1 =	vld.idx.msk [tilespmem:v1+s9+$0x0], $0xffff  }
0x32a: {  	v14 =	vor.u32 $0x1, v3;
	v15 =	vor.u32 $0x2, v3;
	v4 =	vshll.u32 v4, $0x2;
	v0 =	vld.idx.msk [tilespmem:v0+s9+$0x0], $0xffff  }
0x32b: {  	v16 =	vor.u32 $0x1, v4;
	v17 =	vor.u32 $0x2, v4;
	v6 =	vshll.u32 v6, $0x2;
	v18 =	vld.idx.msk [tilespmem:v8+s9+$0x0], $0xffff  }
0x32c: {  	v19 =	vld.idx.msk [tilespmem:v5+s9+$0x0], $0xffff;
	v20 =	vor.u32 $0x1, v6;
	v21 =	vor.u32 $0x2, v6;
	v7 =	vshll.u32 v7, $0x2  }
0x32d: {  	v24 =	vor.u32 $0x1, v8;
	v9 =	vshll.u32 v9, $0x2;
	v22 =	vld.idx.msk [tilespmem:v2+s9+$0x0], $0xffff;
	v23 =	vor.u32 $0x1, v7  }
0x32e: {  	v28 =	vor.u32 $0x2, v7;
	v25 =	vor.u32 $0x1, v9;
	v26 =	vor.u32 $0x2, v9;
	v27 =	vld.idx.msk [tilespmem:v3+s9+$0x0], $0xffff  }
0x32f: {  	v30 =	vor.u32 $0x3, v5;
	v31 =	vor.u32 $0x3, v2;
	v29 =	vor.u32 $0x3, v9;
	v2 =	vld.idx.msk [tilespmem:v4+s9+$0x0], $0xffff;
	[tilespmem:s23+$0xD0] =	vst v1  }
0x330: {  	v32 =	vor.u32 $0x3, v3;
	v33 =	vor.u32 $0x3, v4;
	v1 =	vor.u32 $0x3, v6;
	v3 =	vld.idx.msk [tilespmem:v6+s9+$0x0], $0xffff;
	[tilespmem:s23+$0xE0] =	vst v0;
	s23 =	sadd.s32 $0x200, s23  }
0x331: {  	v0 =	vor.u32 $0x3, v7;
	v4 =	vld.idx.msk [tilespmem:v7+s9+$0x0], $0xffff;
	[tilespmem:s23+$0xFFFFFF70] =	vst v18  }
0x332: {  	[tilespmem:s23+$0xFFFFFF10] =	vst v19;
	v5 =	vld.idx.msk [tilespmem:v24+s9+$0x0], $0xffff  }
0x333: {  	v6 =	vld.idx.msk [tilespmem:v9+s9+$0x0], $0xffff;
	[tilespmem:s23+$0xFFFFFF20] =	vst v22  }
0x334: {  	v9 =	vor.u32 $0x2, v8;
	v7 =	vld.idx.msk [tilespmem:v10+s9+$0x0], $0xffff;
	[tilespmem:s23+$0xFFFFFF30] =	vst v27  }
0x335: {  	v10 =	vld.idx.msk [tilespmem:v12+s9+$0x0], $0xffff;
	[tilespmem:s23+$0xFFFFFF40] =	vst v2  }
0x336: {  	v2 =	vld.idx.msk [tilespmem:v14+s9+$0x0], $0xffff;
	[tilespmem:s23+$0xFFFFFF50] =	vst v3  }
0x337: {  	v3 =	vld.idx.msk [tilespmem:v16+s9+$0x0], $0xffff;
	[tilespmem:s23+$0xFFFFFF60] =	vst v4  }
0x338: {  	v4 =	vld.idx.msk [tilespmem:v20+s9+$0x0], $0xffff;
	[tilespmem:s23+$0xFFFFFFF0] =	vst v5  }
0x339: {  	[tilespmem:s23+$0xFFFFFF00] =	vst v6;
	v5 =	vld.idx.msk [tilespmem:v9+s9+$0x0], $0xffff  }
0x33a: {  	v6 =	vld.idx.msk [tilespmem:v25+s9+$0x0], $0xffff;
	[tilespmem:s23+$0xFFFFFF90] =	vst v7  }
0x33b: {  	v8 =	vor.u32 $0x3, v8;
	[tilespmem:s23+$0xFFFFFFA0] =	vst v10;
	v7 =	vld.idx.msk [tilespmem:v23+s9+$0x0], $0xffff  }
0x33c: {  	v9 =	vld.idx.msk [tilespmem:v11+s9+$0x0], $0xffff;
	[tilespmem:s23+$0xFFFFFFB0] =	vst v2  }
0x33d: {  	v2 =	vld.idx.msk [tilespmem:v13+s9+$0x0], $0xffff;
	[tilespmem:s23+$0xFFFFFFC0] =	vst v3  }
0x33e: {  	v3 =	vld.idx.msk [tilespmem:v15+s9+$0x0], $0xffff;
	[tilespmem:s23+$0xFFFFFFD0] =	vst v4  }
0x33f: {  	v4 =	vld.idx.msk [tilespmem:v17+s9+$0x0], $0xffff;
	[tilespmem:s23+$0x70] =	vst v5  }
0x340: {  	[tilespmem:s23+$0xFFFFFF80] =	vst v6;
	v6 =	vld.idx.msk [tilespmem:v8+s9+$0x0], $0xffff  }
0x341: {  	v8 =	vld.idx.msk [tilespmem:v26+s9+$0x0], $0xffff;
	[tilespmem:s23+$0xFFFFFFE0] =	vst v7  }
0x342: {  	[tilespmem:s23+$0x10] =	vst v9;
	v9 =	vld.idx.msk [tilespmem:v21+s9+$0x0], $0xffff  }
0x343: {  	[tilespmem:s23+$0x20] =	vst v2;
	v5 =	vld.idx.msk [tilespmem:v28+s9+$0x0], $0xffff  }
.Ltmp13:
0x344: {  	v2 =	vld.idx.msk [tilespmem:v30+s9+$0x0], $0xffff;
	[tilespmem:s23+$0x30] =	vst v3;
	(pc) =	sbr.rel @p0 .LBB2_20-.Ltmp13, $4  }
0x345: {  	v3 =	vld.idx.msk [tilespmem:v31+s9+$0x0], $0xffff;
	[tilespmem:s23+$0x40] =	vst v4  }
0x346: {  	v4 =	vld.idx.msk [tilespmem:v32+s9+$0x0], $0xffff;
	[tilespmem:s23+$0xF0] =	vst v6  }
0x347: {  	[tilespmem:s23+$0x0] =	vst v8;
	v6 =	vld.idx.msk [tilespmem:v33+s9+$0x0], $0xffff  }
0x348: {  	s26 =	sadd.s32 $0x400, s26;
	v7 =	vld.idx.msk [tilespmem:v29+s9+$0x0], $0xffff;
	[tilespmem:s23+$0x50] =	vst v9  }
0x349: {  	_ =	sdelay $0x2  }
0x34a: {  	[tilespmem:s23+$0x60] =	vst v5  }
0x34b: {  	[tilespmem:s23+$0x90] =	vst v2;
	v1 =	vld.idx.msk [tilespmem:v1+s9+$0x0], $0xffff  }
0x34c: {  	[tilespmem:s23+$0xA0] =	vst v3;
	v0 =	vld.idx.msk [tilespmem:v0+s9+$0x0], $0xffff  }
0x34d: {  	[tilespmem:s23+$0xB0] =	vst v4  }
0x34e: {  	[tilespmem:s23+$0xC0] =	vst v6  }
0x34f: {  	[tilespmem:s23+$0x80] =	vst v7  }
0x350: {  	[tilespmem:s23+$0xD0] =	vst v1  }
0x351: {  	[tilespmem:s23+$0xE0] =	vst v0  }
0x352: {  	v0 =	vld [tilespmem:s24+$0x0]  }
0x353: {  	v1 =	vld [tilespmem:s24+$0xFFFFFFA0]  }
0x354: {  	v2 =	vld [tilespmem:s24+$0xFFFFFFB0]  }
0x355: {  	v3 =	vld [tilespmem:s24+$0xFFFFFFC0]  }
0x356: {  	v4 =	vld [tilespmem:s24+$0xFFFFFFD0]  }
0x357: {  	v5 =	vld [tilespmem:s24+$0xFFFFFFE0];
	v0 =	vshll.u32 v0, $0x2  }
0x358: {  	v6 =	vld [tilespmem:s24+$0xFFFFFFF0];
	v1 =	vshll.u32 v1, $0x2  }
0x359: {  	v7 =	vld [tilespmem:s24+$0xFFFFFF90];
	v2 =	vshll.u32 v2, $0x2  }
0x35a: {  	v3 =	vshll.u32 v3, $0x2  }
0x35b: {  	v4 =	vshll.u32 v4, $0x2  }
0x35c: {  	v8 =	vshll.u32 v5, $0x2;
	v5 =	vld.idx.msk [tilespmem:v0+s9+$0x0], $0xffff  }
0x35d: {  	v10 =	vshll.u32 v6, $0x2;
	v9 =	vld.idx.msk [tilespmem:v1+s9+$0x0], $0xffff  }
0x35e: {  	v7 =	vshll.u32 v7, $0x2;
	v6 =	vld.idx.msk [tilespmem:v2+s9+$0x0], $0xffff  }
0x35f: {  	v11 =	vor.u32 $0x1, v0;
	v12 =	vld.idx.msk [tilespmem:v3+s9+$0x0], $0xffff  }
0x360: {  	v13 =	vor.u32 $0x1, v1;
	v14 =	vld.idx.msk [tilespmem:v4+s9+$0x0], $0xffff  }
0x361: {  	v15 =	vor.u32 $0x1, v2;
	v16 =	vld.idx.msk [tilespmem:v8+s9+$0x0], $0xffff  }
0x362: {  	v17 =	vor.u32 $0x1, v3;
	v18 =	vld.idx.msk [tilespmem:v10+s9+$0x0], $0xffff;
	[tilespmem:s22+$0xFFFFFE80] =	vst v5  }
0x363: {  	v48 =	vor.u32 $0x1, v8;
	v19 =	vld.idx.msk [tilespmem:v7+s9+$0x0], $0xffff;
	[tilespmem:s22+$0xFFFFFE20] =	vst v9  }
0x364: {  	v50 =	vor.u32 $0x1, v7;
	[tilespmem:s22+$0xFFFFFE30] =	vst v6;
	v47 =	vld.idx.msk [tilespmem:v11+s9+$0x0], $0xffff  }
0x365: {  	v5 =	vor.u32 $0x1, v4;
	[tilespmem:s22+$0xFFFFFE40] =	vst v12;
	v6 =	vld.idx.msk [tilespmem:v13+s9+$0x0], $0xffff  }
0x366: {  	v51 =	vor.u32 $0x1, v10;
	[tilespmem:s22+$0xFFFFFE50] =	vst v14;
	v15 =	vld.idx.msk [tilespmem:v15+s9+$0x0], $0xffff  }
0x367: {  	v49 =	vor.u32 $0x2, v0;
	[tilespmem:s22+$0xFFFFFE60] =	vst v16;
	v17 =	vld.idx.msk [tilespmem:v17+s9+$0x0], $0xffff  }
0x368: {  	v52 =	vor.u32 $0x2, v1;
	[tilespmem:s22+$0xFFFFFE10] =	vst v19;
	v11 =	vld.idx.msk [tilespmem:v48+s9+$0x0], $0xffff  }
0x369: {  	v53 =	vor.u32 $0x2, v2;
	[tilespmem:s22+$0xFFFFFE70] =	vst v18;
	v13 =	vld.idx.msk [tilespmem:v50+s9+$0x0], $0xffff  }
0x36a: {  	v54 =	vor.u32 $0x2, v3;
	v5 =	vld.idx.msk [tilespmem:v5+s9+$0x0], $0xffff;
	[tilespmem:s22+$0xFFFFFF00] =	vst v47  }
0x36b: {  	v56 =	vor.u32 $0x2, v7;
	[tilespmem:s22+$0xFFFFFEA0] =	vst v6;
	v6 =	vld.idx.msk [tilespmem:v51+s9+$0x0], $0xffff  }
0x36c: {  	v58 =	vor.u32 $0x2, v8;
	[tilespmem:s22+$0xFFFFFEB0] =	vst v15;
	v12 =	vld.idx.msk [tilespmem:v49+s9+$0x0], $0xffff  }
0x36d: {  	v55 =	vor.u32 $0x2, v4;
	[tilespmem:s22+$0xFFFFFEC0] =	vst v17;
	v57 =	vld.idx.msk [tilespmem:v52+s9+$0x0], $0xffff  }
0x36e: {  	v0 =	vor.u32 $0x3, v0;
	[tilespmem:s22+$0xFFFFFEE0] =	vst v11;
	v59 =	vld.idx.msk [tilespmem:v53+s9+$0x0], $0xffff  }
0x36f: {  	v1 =	vor.u32 $0x3, v1;
	[tilespmem:s22+$0xFFFFFE90] =	vst v13;
	v9 =	vld.idx.msk [tilespmem:v54+s9+$0x0], $0xffff  }
0x370: {  	v14 =	vld.idx.msk [tilespmem:v56+s9+$0x0], $0xffff;
	[tilespmem:s22+$0xFFFFFED0] =	vst v5;
	v5 =	vor.u32 $0x2, v10  }
0x371: {  	v61 =	vor.u32 $0x3, v2;
	v63 =	vld.idx.msk [tilespmem:v58+s9+$0x0], $0xffff;
	[tilespmem:s22+$0xFFFFFEF0] =	vst v6  }
0x372: {  	v62 =	vor.u32 $0x3, v3;
	v60 =	vld.idx.msk [tilespmem:v55+s9+$0x0], $0xffff;
	[tilespmem:s22+$0xFFFFFF80] =	vst v12  }
0x373: {  	v7 =	vor.u32 $0x3, v7;
	[tilespmem:s22+$0xFFFFFF20] =	vst v57;
	v0 =	vld.idx.msk [tilespmem:v0+s9+$0x0], $0xffff  }
0x374: {  	v6 =	vor.u32 $0x3, v4;
	[tilespmem:s22+$0xFFFFFF30] =	vst v59;
	v2 =	vld.idx.msk [tilespmem:v1+s9+$0x0], $0xffff  }
0x375: {  	[tilespmem:s22+$0xFFFFFF40] =	vst v9;
	v5 =	vld.idx.msk [tilespmem:v5+s9+$0x0], $0xffff  }
0x376: {  	[tilespmem:s22+$0xFFFFFF10] =	vst v14;
	v3 =	vld.idx.msk [tilespmem:v61+s9+$0x0], $0xffff  }
0x377: {  	[tilespmem:s22+$0xFFFFFF60] =	vst v63;
	v4 =	vld.idx.msk [tilespmem:v62+s9+$0x0], $0xffff  }
0x378: {  	s25 =	simm.s32 $0x0;
	v7 =	vld.idx.msk [tilespmem:v7+s9+$0x0], $0xffff;
	[tilespmem:s22+$0xFFFFFF50] =	vst v60  }
0x379: {  	s26 =	simm.s32 $0x14F0;
	s23 =	simm.s32 $0x71F0;
	s24 =	simm.s32 $0x1170;
	v1 =	vor.u32 $0x3, v8;
	v6 =	vld.idx.msk [tilespmem:v6+s9+$0x0], $0xffff;
	[tilespmem:s22+$0x0] =	vst v0;
	v0 =	vor.u32 $0x3, v10  }
.LBB2_22:
0x37a: {  	v8 =	vld [tilespmem:s26+$0x0];
	s25 =	sadd.s32 $0x8, s25;
	[tilespmem:s22+$0xFFFFFF70] =	vst v5  }
0x37b: {  	v5 =	vld [tilespmem:s26+$0xFFFFFFA0];
	p0 =	slt.u32 s25, $0x18;
	[tilespmem:s22+$0xFFFFFFA0] =	vst v2  }
0x37c: {  	v2 =	vld [tilespmem:s26+$0xFFFFFFB0];
	[tilespmem:s22+$0xFFFFFFB0] =	vst v3  }
0x37d: {  	v3 =	vld [tilespmem:s26+$0xFFFFFFC0];
	[tilespmem:s22+$0xFFFFFFC0] =	vst v4  }
0x37e: {  	v4 =	vld [tilespmem:s26+$0xFFFFFFD0];
	[tilespmem:s22+$0xFFFFFFD0] =	vst v6  }
0x37f: {  	v6 =	vld [tilespmem:s26+$0xFFFFFFE0];
	v8 =	vshll.u32 v8, $0x2;
	[tilespmem:s22+$0xFFFFFF90] =	vst v7  }
0x380: {  	v5 =	vshll.u32 v5, $0x2;
	v7 =	vld [tilespmem:s26+$0xFFFFFFF0]  }
0x381: {  	v9 =	vld [tilespmem:s26+$0xFFFFFF90];
	v10 =	vor.u32 $0x1, v5;
	v11 =	vor.u32 $0x2, v5;
	v2 =	vshll.u32 v2, $0x2  }
0x382: {  	v12 =	vor.u32 $0x1, v2;
	v13 =	vor.u32 $0x2, v2;
	v3 =	vshll.u32 v3, $0x2;
	v1 =	vld.idx.msk [tilespmem:v1+s9+$0x0], $0xffff  }
0x383: {  	v14 =	vor.u32 $0x1, v3;
	v15 =	vor.u32 $0x2, v3;
	v4 =	vshll.u32 v4, $0x2;
	v0 =	vld.idx.msk [tilespmem:v0+s9+$0x0], $0xffff  }
0x384: {  	v16 =	vor.u32 $0x1, v4;
	v17 =	vor.u32 $0x2, v4;
	v6 =	vshll.u32 v6, $0x2;
	v18 =	vld.idx.msk [tilespmem:v8+s9+$0x0], $0xffff  }
0x385: {  	v19 =	vld.idx.msk [tilespmem:v5+s9+$0x0], $0xffff;
	v20 =	vor.u32 $0x1, v6;
	v21 =	vor.u32 $0x2, v6;
	v7 =	vshll.u32 v7, $0x2  }
0x386: {  	v24 =	vor.u32 $0x1, v8;
	v9 =	vshll.u32 v9, $0x2;
	v22 =	vld.idx.msk [tilespmem:v2+s9+$0x0], $0xffff;
	v23 =	vor.u32 $0x1, v7  }
0x387: {  	v28 =	vor.u32 $0x2, v7;
	v25 =	vor.u32 $0x1, v9;
	v26 =	vor.u32 $0x2, v9;
	v27 =	vld.idx.msk [tilespmem:v3+s9+$0x0], $0xffff  }
0x388: {  	v30 =	vor.u32 $0x3, v5;
	v31 =	vor.u32 $0x3, v2;
	v29 =	vor.u32 $0x3, v9;
	v2 =	vld.idx.msk [tilespmem:v4+s9+$0x0], $0xffff;
	[tilespmem:s22+$0xFFFFFFE0] =	vst v1  }
0x389: {  	v32 =	vor.u32 $0x3, v3;
	v33 =	vor.u32 $0x3, v4;
	v1 =	vor.u32 $0x3, v6;
	v3 =	vld.idx.msk [tilespmem:v6+s9+$0x0], $0xffff;
	[tilespmem:s22+$0xFFFFFFF0] =	vst v0;
	s22 =	sadd.s32 $0x200, s22  }
0x38a: {  	v0 =	vor.u32 $0x3, v7;
	v4 =	vld.idx.msk [tilespmem:v7+s9+$0x0], $0xffff;
	[tilespmem:s22+$0xFFFFFE80] =	vst v18  }
0x38b: {  	[tilespmem:s22+$0xFFFFFE20] =	vst v19;
	v5 =	vld.idx.msk [tilespmem:v24+s9+$0x0], $0xffff  }
0x38c: {  	v6 =	vld.idx.msk [tilespmem:v9+s9+$0x0], $0xffff;
	[tilespmem:s22+$0xFFFFFE30] =	vst v22  }
0x38d: {  	v9 =	vor.u32 $0x2, v8;
	v7 =	vld.idx.msk [tilespmem:v10+s9+$0x0], $0xffff;
	[tilespmem:s22+$0xFFFFFE40] =	vst v27  }
0x38e: {  	v10 =	vld.idx.msk [tilespmem:v12+s9+$0x0], $0xffff;
	[tilespmem:s22+$0xFFFFFE50] =	vst v2  }
0x38f: {  	v2 =	vld.idx.msk [tilespmem:v14+s9+$0x0], $0xffff;
	[tilespmem:s22+$0xFFFFFE60] =	vst v3  }
0x390: {  	v3 =	vld.idx.msk [tilespmem:v16+s9+$0x0], $0xffff;
	[tilespmem:s22+$0xFFFFFE70] =	vst v4  }
0x391: {  	v4 =	vld.idx.msk [tilespmem:v20+s9+$0x0], $0xffff;
	[tilespmem:s22+$0xFFFFFF00] =	vst v5  }
0x392: {  	[tilespmem:s22+$0xFFFFFE10] =	vst v6;
	v5 =	vld.idx.msk [tilespmem:v9+s9+$0x0], $0xffff  }
0x393: {  	v6 =	vld.idx.msk [tilespmem:v25+s9+$0x0], $0xffff;
	[tilespmem:s22+$0xFFFFFEA0] =	vst v7  }
0x394: {  	v8 =	vor.u32 $0x3, v8;
	[tilespmem:s22+$0xFFFFFEB0] =	vst v10;
	v7 =	vld.idx.msk [tilespmem:v23+s9+$0x0], $0xffff  }
0x395: {  	v9 =	vld.idx.msk [tilespmem:v11+s9+$0x0], $0xffff;
	[tilespmem:s22+$0xFFFFFEC0] =	vst v2  }
0x396: {  	v2 =	vld.idx.msk [tilespmem:v13+s9+$0x0], $0xffff;
	[tilespmem:s22+$0xFFFFFED0] =	vst v3  }
0x397: {  	v3 =	vld.idx.msk [tilespmem:v15+s9+$0x0], $0xffff;
	[tilespmem:s22+$0xFFFFFEE0] =	vst v4  }
0x398: {  	v4 =	vld.idx.msk [tilespmem:v17+s9+$0x0], $0xffff;
	[tilespmem:s22+$0xFFFFFF80] =	vst v5  }
0x399: {  	[tilespmem:s22+$0xFFFFFE90] =	vst v6;
	v6 =	vld.idx.msk [tilespmem:v8+s9+$0x0], $0xffff  }
0x39a: {  	v8 =	vld.idx.msk [tilespmem:v26+s9+$0x0], $0xffff;
	[tilespmem:s22+$0xFFFFFEF0] =	vst v7  }
0x39b: {  	[tilespmem:s22+$0xFFFFFF20] =	vst v9;
	v9 =	vld.idx.msk [tilespmem:v21+s9+$0x0], $0xffff  }
0x39c: {  	[tilespmem:s22+$0xFFFFFF30] =	vst v2;
	v5 =	vld.idx.msk [tilespmem:v28+s9+$0x0], $0xffff  }
.Ltmp14:
0x39d: {  	v2 =	vld.idx.msk [tilespmem:v30+s9+$0x0], $0xffff;
	[tilespmem:s22+$0xFFFFFF40] =	vst v3;
	(pc) =	sbr.rel @p0 .LBB2_22-.Ltmp14, $4  }
0x39e: {  	v3 =	vld.idx.msk [tilespmem:v31+s9+$0x0], $0xffff;
	[tilespmem:s22+$0xFFFFFF50] =	vst v4  }
0x39f: {  	v4 =	vld.idx.msk [tilespmem:v32+s9+$0x0], $0xffff;
	[tilespmem:s22+$0x0] =	vst v6  }
0x3a0: {  	[tilespmem:s22+$0xFFFFFF10] =	vst v8;
	v6 =	vld.idx.msk [tilespmem:v33+s9+$0x0], $0xffff  }
0x3a1: {  	s26 =	sadd.s32 $0x400, s26;
	v7 =	vld.idx.msk [tilespmem:v29+s9+$0x0], $0xffff;
	[tilespmem:s22+$0xFFFFFF60] =	vst v9  }
0x3a2: {  	_ =	sdelay $0x2  }
0x3a3: {  	[tilespmem:s22+$0xFFFFFF70] =	vst v5  }
0x3a4: {  	[tilespmem:s22+$0xFFFFFFA0] =	vst v2;
	v1 =	vld.idx.msk [tilespmem:v1+s9+$0x0], $0xffff  }
0x3a5: {  	[tilespmem:s22+$0xFFFFFFB0] =	vst v3;
	v0 =	vld.idx.msk [tilespmem:v0+s9+$0x0], $0xffff  }
0x3a6: {  	[tilespmem:s22+$0xFFFFFFC0] =	vst v4  }
0x3a7: {  	[tilespmem:s22+$0xFFFFFFD0] =	vst v6  }
0x3a8: {  	[tilespmem:s22+$0xFFFFFF90] =	vst v7  }
0x3a9: {  	[tilespmem:s22+$0xFFFFFFE0] =	vst v1  }
0x3aa: {  	[tilespmem:s22+$0xFFFFFFF0] =	vst v0  }
0x3ab: {  	v0 =	vld [tilespmem:s24+$0x0]  }
0x3ac: {  	v1 =	vld [tilespmem:s24+$0xFFFFFFA0]  }
0x3ad: {  	v2 =	vld [tilespmem:s24+$0xFFFFFFB0]  }
0x3ae: {  	v3 =	vld [tilespmem:s24+$0xFFFFFFC0]  }
0x3af: {  	v4 =	vld [tilespmem:s24+$0xFFFFFFD0]  }
0x3b0: {  	v5 =	vld [tilespmem:s24+$0xFFFFFFE0];
	v0 =	vshll.u32 v0, $0x2  }
0x3b1: {  	v6 =	vld [tilespmem:s24+$0xFFFFFFF0];
	v1 =	vshll.u32 v1, $0x2  }
0x3b2: {  	v7 =	vld [tilespmem:s24+$0xFFFFFF90];
	v2 =	vshll.u32 v2, $0x2  }
0x3b3: {  	v3 =	vshll.u32 v3, $0x2  }
0x3b4: {  	v4 =	vshll.u32 v4, $0x2  }
0x3b5: {  	v8 =	vshll.u32 v5, $0x2;
	v5 =	vld.idx.msk [tilespmem:v0+s9+$0x0], $0xffff  }
0x3b6: {  	v10 =	vshll.u32 v6, $0x2;
	v9 =	vld.idx.msk [tilespmem:v1+s9+$0x0], $0xffff  }
0x3b7: {  	v7 =	vshll.u32 v7, $0x2;
	v6 =	vld.idx.msk [tilespmem:v2+s9+$0x0], $0xffff  }
0x3b8: {  	v11 =	vor.u32 $0x1, v0;
	v12 =	vld.idx.msk [tilespmem:v3+s9+$0x0], $0xffff  }
0x3b9: {  	v13 =	vor.u32 $0x1, v1;
	v14 =	vld.idx.msk [tilespmem:v4+s9+$0x0], $0xffff  }
0x3ba: {  	v15 =	vor.u32 $0x1, v2;
	v16 =	vld.idx.msk [tilespmem:v8+s9+$0x0], $0xffff  }
0x3bb: {  	v17 =	vor.u32 $0x1, v3;
	v18 =	vld.idx.msk [tilespmem:v10+s9+$0x0], $0xffff;
	[tilespmem:s23+$0xFFFFFE80] =	vst v5  }
0x3bc: {  	v48 =	vor.u32 $0x1, v8;
	v19 =	vld.idx.msk [tilespmem:v7+s9+$0x0], $0xffff;
	[tilespmem:s23+$0xFFFFFE20] =	vst v9  }
0x3bd: {  	v50 =	vor.u32 $0x1, v7;
	[tilespmem:s23+$0xFFFFFE30] =	vst v6;
	v47 =	vld.idx.msk [tilespmem:v11+s9+$0x0], $0xffff  }
0x3be: {  	v5 =	vor.u32 $0x1, v4;
	[tilespmem:s23+$0xFFFFFE40] =	vst v12;
	v6 =	vld.idx.msk [tilespmem:v13+s9+$0x0], $0xffff  }
0x3bf: {  	v51 =	vor.u32 $0x1, v10;
	[tilespmem:s23+$0xFFFFFE50] =	vst v14;
	v15 =	vld.idx.msk [tilespmem:v15+s9+$0x0], $0xffff  }
0x3c0: {  	v49 =	vor.u32 $0x2, v0;
	[tilespmem:s23+$0xFFFFFE60] =	vst v16;
	v17 =	vld.idx.msk [tilespmem:v17+s9+$0x0], $0xffff  }
0x3c1: {  	v52 =	vor.u32 $0x2, v1;
	[tilespmem:s23+$0xFFFFFE10] =	vst v19;
	v11 =	vld.idx.msk [tilespmem:v48+s9+$0x0], $0xffff  }
0x3c2: {  	v53 =	vor.u32 $0x2, v2;
	[tilespmem:s23+$0xFFFFFE70] =	vst v18;
	v13 =	vld.idx.msk [tilespmem:v50+s9+$0x0], $0xffff  }
0x3c3: {  	v54 =	vor.u32 $0x2, v3;
	v5 =	vld.idx.msk [tilespmem:v5+s9+$0x0], $0xffff;
	[tilespmem:s23+$0xFFFFFF00] =	vst v47  }
0x3c4: {  	v56 =	vor.u32 $0x2, v7;
	[tilespmem:s23+$0xFFFFFEA0] =	vst v6;
	v6 =	vld.idx.msk [tilespmem:v51+s9+$0x0], $0xffff  }
0x3c5: {  	v58 =	vor.u32 $0x2, v8;
	[tilespmem:s23+$0xFFFFFEB0] =	vst v15;
	v12 =	vld.idx.msk [tilespmem:v49+s9+$0x0], $0xffff  }
0x3c6: {  	v55 =	vor.u32 $0x2, v4;
	[tilespmem:s23+$0xFFFFFEC0] =	vst v17;
	v57 =	vld.idx.msk [tilespmem:v52+s9+$0x0], $0xffff  }
0x3c7: {  	v0 =	vor.u32 $0x3, v0;
	[tilespmem:s23+$0xFFFFFEE0] =	vst v11;
	v59 =	vld.idx.msk [tilespmem:v53+s9+$0x0], $0xffff  }
0x3c8: {  	v1 =	vor.u32 $0x3, v1;
	[tilespmem:s23+$0xFFFFFE90] =	vst v13;
	v9 =	vld.idx.msk [tilespmem:v54+s9+$0x0], $0xffff  }
0x3c9: {  	v14 =	vld.idx.msk [tilespmem:v56+s9+$0x0], $0xffff;
	[tilespmem:s23+$0xFFFFFED0] =	vst v5;
	v5 =	vor.u32 $0x2, v10  }
0x3ca: {  	v61 =	vor.u32 $0x3, v2;
	v63 =	vld.idx.msk [tilespmem:v58+s9+$0x0], $0xffff;
	[tilespmem:s23+$0xFFFFFEF0] =	vst v6  }
0x3cb: {  	v62 =	vor.u32 $0x3, v3;
	v60 =	vld.idx.msk [tilespmem:v55+s9+$0x0], $0xffff;
	[tilespmem:s23+$0xFFFFFF80] =	vst v12  }
0x3cc: {  	v7 =	vor.u32 $0x3, v7;
	[tilespmem:s23+$0xFFFFFF20] =	vst v57;
	v0 =	vld.idx.msk [tilespmem:v0+s9+$0x0], $0xffff  }
0x3cd: {  	v6 =	vor.u32 $0x3, v4;
	[tilespmem:s23+$0xFFFFFF30] =	vst v59;
	v2 =	vld.idx.msk [tilespmem:v1+s9+$0x0], $0xffff  }
0x3ce: {  	[tilespmem:s23+$0xFFFFFF40] =	vst v9;
	v5 =	vld.idx.msk [tilespmem:v5+s9+$0x0], $0xffff  }
0x3cf: {  	[tilespmem:s23+$0xFFFFFF10] =	vst v14;
	v3 =	vld.idx.msk [tilespmem:v61+s9+$0x0], $0xffff  }
0x3d0: {  	[tilespmem:s23+$0xFFFFFF60] =	vst v63;
	v4 =	vld.idx.msk [tilespmem:v62+s9+$0x0], $0xffff  }
0x3d1: {  	s25 =	simm.s32 $0x0;
	v7 =	vld.idx.msk [tilespmem:v7+s9+$0x0], $0xffff;
	[tilespmem:s23+$0xFFFFFF50] =	vst v60  }
0x3d2: {  	s26 =	simm.s32 $0x1570;
	s22 =	simm.s32 $0x79F0;
	s24 =	simm.s32 $0x11F0;
	v1 =	vor.u32 $0x3, v8;
	v6 =	vld.idx.msk [tilespmem:v6+s9+$0x0], $0xffff;
	[tilespmem:s23+$0x0] =	vst v0;
	v0 =	vor.u32 $0x3, v10  }
.LBB2_24:
0x3d3: {  	v8 =	vld [tilespmem:s26+$0x0];
	s25 =	sadd.s32 $0x8, s25;
	[tilespmem:s23+$0xFFFFFF70] =	vst v5  }
0x3d4: {  	v5 =	vld [tilespmem:s26+$0xFFFFFFA0];
	p0 =	slt.u32 s25, $0x18;
	[tilespmem:s23+$0xFFFFFFA0] =	vst v2  }
0x3d5: {  	v2 =	vld [tilespmem:s26+$0xFFFFFFB0];
	[tilespmem:s23+$0xFFFFFFB0] =	vst v3  }
0x3d6: {  	v3 =	vld [tilespmem:s26+$0xFFFFFFC0];
	[tilespmem:s23+$0xFFFFFFC0] =	vst v4  }
0x3d7: {  	v4 =	vld [tilespmem:s26+$0xFFFFFFD0];
	[tilespmem:s23+$0xFFFFFFD0] =	vst v6  }
0x3d8: {  	v6 =	vld [tilespmem:s26+$0xFFFFFFE0];
	v8 =	vshll.u32 v8, $0x2;
	[tilespmem:s23+$0xFFFFFF90] =	vst v7  }
0x3d9: {  	v5 =	vshll.u32 v5, $0x2;
	v7 =	vld [tilespmem:s26+$0xFFFFFFF0]  }
0x3da: {  	v9 =	vld [tilespmem:s26+$0xFFFFFF90];
	v10 =	vor.u32 $0x1, v5;
	v11 =	vor.u32 $0x2, v5;
	v2 =	vshll.u32 v2, $0x2  }
0x3db: {  	v12 =	vor.u32 $0x1, v2;
	v13 =	vor.u32 $0x2, v2;
	v3 =	vshll.u32 v3, $0x2;
	v1 =	vld.idx.msk [tilespmem:v1+s9+$0x0], $0xffff  }
0x3dc: {  	v14 =	vor.u32 $0x1, v3;
	v15 =	vor.u32 $0x2, v3;
	v4 =	vshll.u32 v4, $0x2;
	v0 =	vld.idx.msk [tilespmem:v0+s9+$0x0], $0xffff  }
0x3dd: {  	v16 =	vor.u32 $0x1, v4;
	v17 =	vor.u32 $0x2, v4;
	v6 =	vshll.u32 v6, $0x2;
	v18 =	vld.idx.msk [tilespmem:v8+s9+$0x0], $0xffff  }
0x3de: {  	v19 =	vld.idx.msk [tilespmem:v5+s9+$0x0], $0xffff;
	v20 =	vor.u32 $0x1, v6;
	v21 =	vor.u32 $0x2, v6;
	v7 =	vshll.u32 v7, $0x2  }
0x3df: {  	v24 =	vor.u32 $0x1, v8;
	v9 =	vshll.u32 v9, $0x2;
	v22 =	vld.idx.msk [tilespmem:v2+s9+$0x0], $0xffff;
	v23 =	vor.u32 $0x1, v7  }
0x3e0: {  	v28 =	vor.u32 $0x2, v7;
	v25 =	vor.u32 $0x1, v9;
	v26 =	vor.u32 $0x2, v9;
	v27 =	vld.idx.msk [tilespmem:v3+s9+$0x0], $0xffff  }
0x3e1: {  	v30 =	vor.u32 $0x3, v5;
	v31 =	vor.u32 $0x3, v2;
	v29 =	vor.u32 $0x3, v9;
	v2 =	vld.idx.msk [tilespmem:v4+s9+$0x0], $0xffff;
	[tilespmem:s23+$0xFFFFFFE0] =	vst v1  }
0x3e2: {  	v32 =	vor.u32 $0x3, v3;
	v33 =	vor.u32 $0x3, v4;
	v1 =	vor.u32 $0x3, v6;
	v3 =	vld.idx.msk [tilespmem:v6+s9+$0x0], $0xffff;
	[tilespmem:s23+$0xFFFFFFF0] =	vst v0;
	s23 =	sadd.s32 $0x200, s23  }
0x3e3: {  	v0 =	vor.u32 $0x3, v7;
	v4 =	vld.idx.msk [tilespmem:v7+s9+$0x0], $0xffff;
	[tilespmem:s23+$0xFFFFFE80] =	vst v18  }
0x3e4: {  	[tilespmem:s23+$0xFFFFFE20] =	vst v19;
	v5 =	vld.idx.msk [tilespmem:v24+s9+$0x0], $0xffff  }
0x3e5: {  	v6 =	vld.idx.msk [tilespmem:v9+s9+$0x0], $0xffff;
	[tilespmem:s23+$0xFFFFFE30] =	vst v22  }
0x3e6: {  	v9 =	vor.u32 $0x2, v8;
	v7 =	vld.idx.msk [tilespmem:v10+s9+$0x0], $0xffff;
	[tilespmem:s23+$0xFFFFFE40] =	vst v27  }
0x3e7: {  	v10 =	vld.idx.msk [tilespmem:v12+s9+$0x0], $0xffff;
	[tilespmem:s23+$0xFFFFFE50] =	vst v2  }
0x3e8: {  	v2 =	vld.idx.msk [tilespmem:v14+s9+$0x0], $0xffff;
	[tilespmem:s23+$0xFFFFFE60] =	vst v3  }
0x3e9: {  	v3 =	vld.idx.msk [tilespmem:v16+s9+$0x0], $0xffff;
	[tilespmem:s23+$0xFFFFFE70] =	vst v4  }
0x3ea: {  	v4 =	vld.idx.msk [tilespmem:v20+s9+$0x0], $0xffff;
	[tilespmem:s23+$0xFFFFFF00] =	vst v5  }
0x3eb: {  	[tilespmem:s23+$0xFFFFFE10] =	vst v6;
	v5 =	vld.idx.msk [tilespmem:v9+s9+$0x0], $0xffff  }
0x3ec: {  	v6 =	vld.idx.msk [tilespmem:v25+s9+$0x0], $0xffff;
	[tilespmem:s23+$0xFFFFFEA0] =	vst v7  }
0x3ed: {  	v8 =	vor.u32 $0x3, v8;
	[tilespmem:s23+$0xFFFFFEB0] =	vst v10;
	v7 =	vld.idx.msk [tilespmem:v23+s9+$0x0], $0xffff  }
0x3ee: {  	v9 =	vld.idx.msk [tilespmem:v11+s9+$0x0], $0xffff;
	[tilespmem:s23+$0xFFFFFEC0] =	vst v2  }
0x3ef: {  	v2 =	vld.idx.msk [tilespmem:v13+s9+$0x0], $0xffff;
	[tilespmem:s23+$0xFFFFFED0] =	vst v3  }
0x3f0: {  	v3 =	vld.idx.msk [tilespmem:v15+s9+$0x0], $0xffff;
	[tilespmem:s23+$0xFFFFFEE0] =	vst v4  }
0x3f1: {  	v4 =	vld.idx.msk [tilespmem:v17+s9+$0x0], $0xffff;
	[tilespmem:s23+$0xFFFFFF80] =	vst v5  }
0x3f2: {  	[tilespmem:s23+$0xFFFFFE90] =	vst v6;
	v6 =	vld.idx.msk [tilespmem:v8+s9+$0x0], $0xffff  }
0x3f3: {  	v8 =	vld.idx.msk [tilespmem:v26+s9+$0x0], $0xffff;
	[tilespmem:s23+$0xFFFFFEF0] =	vst v7  }
0x3f4: {  	[tilespmem:s23+$0xFFFFFF20] =	vst v9;
	v9 =	vld.idx.msk [tilespmem:v21+s9+$0x0], $0xffff  }
0x3f5: {  	[tilespmem:s23+$0xFFFFFF30] =	vst v2;
	v5 =	vld.idx.msk [tilespmem:v28+s9+$0x0], $0xffff  }
.Ltmp15:
0x3f6: {  	v2 =	vld.idx.msk [tilespmem:v30+s9+$0x0], $0xffff;
	[tilespmem:s23+$0xFFFFFF40] =	vst v3;
	(pc) =	sbr.rel @p0 .LBB2_24-.Ltmp15, $4  }
0x3f7: {  	v3 =	vld.idx.msk [tilespmem:v31+s9+$0x0], $0xffff;
	[tilespmem:s23+$0xFFFFFF50] =	vst v4  }
0x3f8: {  	v4 =	vld.idx.msk [tilespmem:v32+s9+$0x0], $0xffff;
	[tilespmem:s23+$0x0] =	vst v6  }
0x3f9: {  	[tilespmem:s23+$0xFFFFFF10] =	vst v8;
	v6 =	vld.idx.msk [tilespmem:v33+s9+$0x0], $0xffff  }
0x3fa: {  	s26 =	sadd.s32 $0x400, s26;
	v7 =	vld.idx.msk [tilespmem:v29+s9+$0x0], $0xffff;
	[tilespmem:s23+$0xFFFFFF60] =	vst v9  }
0x3fb: {  	_ =	sdelay $0x2  }
0x3fc: {  	[tilespmem:s23+$0xFFFFFF70] =	vst v5  }
0x3fd: {  	[tilespmem:s23+$0xFFFFFFA0] =	vst v2;
	v1 =	vld.idx.msk [tilespmem:v1+s9+$0x0], $0xffff  }
0x3fe: {  	[tilespmem:s23+$0xFFFFFFB0] =	vst v3;
	v0 =	vld.idx.msk [tilespmem:v0+s9+$0x0], $0xffff  }
0x3ff: {  	[tilespmem:s23+$0xFFFFFFC0] =	vst v4  }
0x400: {  	[tilespmem:s23+$0xFFFFFFD0] =	vst v6  }
0x401: {  	[tilespmem:s23+$0xFFFFFF90] =	vst v7  }
0x402: {  	[tilespmem:s23+$0xFFFFFFE0] =	vst v1  }
0x403: {  	[tilespmem:s23+$0xFFFFFFF0] =	vst v0  }
0x404: {  	v0 =	vld [tilespmem:s24+$0x0]  }
0x405: {  	v1 =	vld [tilespmem:s24+$0xFFFFFFA0]  }
0x406: {  	v2 =	vld [tilespmem:s24+$0xFFFFFFB0]  }
0x407: {  	v3 =	vld [tilespmem:s24+$0xFFFFFFC0]  }
0x408: {  	v4 =	vld [tilespmem:s24+$0xFFFFFFD0]  }
0x409: {  	v5 =	vld [tilespmem:s24+$0xFFFFFFE0];
	v0 =	vshll.u32 v0, $0x2  }
0x40a: {  	v6 =	vld [tilespmem:s24+$0xFFFFFFF0];
	v1 =	vshll.u32 v1, $0x2  }
0x40b: {  	v7 =	vld [tilespmem:s24+$0xFFFFFF90];
	v2 =	vshll.u32 v2, $0x2  }
0x40c: {  	v3 =	vshll.u32 v3, $0x2  }
0x40d: {  	v4 =	vshll.u32 v4, $0x2  }
0x40e: {  	v8 =	vshll.u32 v5, $0x2;
	v5 =	vld.idx.msk [tilespmem:v0+s9+$0x0], $0xffff  }
0x40f: {  	v10 =	vshll.u32 v6, $0x2;
	v9 =	vld.idx.msk [tilespmem:v1+s9+$0x0], $0xffff  }
0x410: {  	v7 =	vshll.u32 v7, $0x2;
	v6 =	vld.idx.msk [tilespmem:v2+s9+$0x0], $0xffff  }
0x411: {  	v11 =	vor.u32 $0x1, v0;
	v12 =	vld.idx.msk [tilespmem:v3+s9+$0x0], $0xffff  }
0x412: {  	v13 =	vor.u32 $0x1, v1;
	v14 =	vld.idx.msk [tilespmem:v4+s9+$0x0], $0xffff  }
0x413: {  	v15 =	vor.u32 $0x1, v2;
	v16 =	vld.idx.msk [tilespmem:v8+s9+$0x0], $0xffff  }
0x414: {  	v17 =	vor.u32 $0x1, v3;
	v18 =	vld.idx.msk [tilespmem:v10+s9+$0x0], $0xffff;
	[tilespmem:s22+$0xFFFFFE80] =	vst v5  }
0x415: {  	v48 =	vor.u32 $0x1, v8;
	v19 =	vld.idx.msk [tilespmem:v7+s9+$0x0], $0xffff;
	[tilespmem:s22+$0xFFFFFE20] =	vst v9  }
0x416: {  	v50 =	vor.u32 $0x1, v7;
	[tilespmem:s22+$0xFFFFFE30] =	vst v6;
	v47 =	vld.idx.msk [tilespmem:v11+s9+$0x0], $0xffff  }
0x417: {  	v5 =	vor.u32 $0x1, v4;
	[tilespmem:s22+$0xFFFFFE40] =	vst v12;
	v6 =	vld.idx.msk [tilespmem:v13+s9+$0x0], $0xffff  }
0x418: {  	v51 =	vor.u32 $0x1, v10;
	[tilespmem:s22+$0xFFFFFE50] =	vst v14;
	v15 =	vld.idx.msk [tilespmem:v15+s9+$0x0], $0xffff  }
0x419: {  	v49 =	vor.u32 $0x2, v0;
	[tilespmem:s22+$0xFFFFFE60] =	vst v16;
	v17 =	vld.idx.msk [tilespmem:v17+s9+$0x0], $0xffff  }
0x41a: {  	v52 =	vor.u32 $0x2, v1;
	[tilespmem:s22+$0xFFFFFE10] =	vst v19;
	v11 =	vld.idx.msk [tilespmem:v48+s9+$0x0], $0xffff  }
0x41b: {  	v53 =	vor.u32 $0x2, v2;
	[tilespmem:s22+$0xFFFFFE70] =	vst v18;
	v13 =	vld.idx.msk [tilespmem:v50+s9+$0x0], $0xffff  }
0x41c: {  	v54 =	vor.u32 $0x2, v3;
	v5 =	vld.idx.msk [tilespmem:v5+s9+$0x0], $0xffff;
	[tilespmem:s22+$0xFFFFFF00] =	vst v47  }
0x41d: {  	v56 =	vor.u32 $0x2, v7;
	[tilespmem:s22+$0xFFFFFEA0] =	vst v6;
	v6 =	vld.idx.msk [tilespmem:v51+s9+$0x0], $0xffff  }
0x41e: {  	v58 =	vor.u32 $0x2, v8;
	[tilespmem:s22+$0xFFFFFEB0] =	vst v15;
	v12 =	vld.idx.msk [tilespmem:v49+s9+$0x0], $0xffff  }
0x41f: {  	v55 =	vor.u32 $0x2, v4;
	[tilespmem:s22+$0xFFFFFEC0] =	vst v17;
	v57 =	vld.idx.msk [tilespmem:v52+s9+$0x0], $0xffff  }
0x420: {  	v0 =	vor.u32 $0x3, v0;
	[tilespmem:s22+$0xFFFFFEE0] =	vst v11;
	v59 =	vld.idx.msk [tilespmem:v53+s9+$0x0], $0xffff  }
0x421: {  	v1 =	vor.u32 $0x3, v1;
	[tilespmem:s22+$0xFFFFFE90] =	vst v13;
	v9 =	vld.idx.msk [tilespmem:v54+s9+$0x0], $0xffff  }
0x422: {  	v14 =	vld.idx.msk [tilespmem:v56+s9+$0x0], $0xffff;
	[tilespmem:s22+$0xFFFFFED0] =	vst v5;
	v5 =	vor.u32 $0x2, v10  }
0x423: {  	v61 =	vor.u32 $0x3, v2;
	v63 =	vld.idx.msk [tilespmem:v58+s9+$0x0], $0xffff;
	[tilespmem:s22+$0xFFFFFEF0] =	vst v6  }
0x424: {  	v62 =	vor.u32 $0x3, v3;
	v60 =	vld.idx.msk [tilespmem:v55+s9+$0x0], $0xffff;
	[tilespmem:s22+$0xFFFFFF80] =	vst v12  }
0x425: {  	v7 =	vor.u32 $0x3, v7;
	[tilespmem:s22+$0xFFFFFF20] =	vst v57;
	v0 =	vld.idx.msk [tilespmem:v0+s9+$0x0], $0xffff  }
0x426: {  	v6 =	vor.u32 $0x3, v4;
	[tilespmem:s22+$0xFFFFFF30] =	vst v59;
	v2 =	vld.idx.msk [tilespmem:v1+s9+$0x0], $0xffff  }
0x427: {  	[tilespmem:s22+$0xFFFFFF40] =	vst v9;
	v5 =	vld.idx.msk [tilespmem:v5+s9+$0x0], $0xffff  }
0x428: {  	[tilespmem:s22+$0xFFFFFF10] =	vst v14;
	v3 =	vld.idx.msk [tilespmem:v61+s9+$0x0], $0xffff  }
0x429: {  	[tilespmem:s22+$0xFFFFFF60] =	vst v63;
	v4 =	vld.idx.msk [tilespmem:v62+s9+$0x0], $0xffff  }
0x42a: {  	s25 =	simm.s32 $0x0;
	v7 =	vld.idx.msk [tilespmem:v7+s9+$0x0], $0xffff;
	[tilespmem:s22+$0xFFFFFF50] =	vst v60  }
0x42b: {  	s26 =	simm.s32 $0x15F0;
	s23 =	simm.s32 $0x81F0;
	s24 =	simm.s32 $0x1270;
	v1 =	vor.u32 $0x3, v8;
	v6 =	vld.idx.msk [tilespmem:v6+s9+$0x0], $0xffff;
	[tilespmem:s22+$0x0] =	vst v0;
	v0 =	vor.u32 $0x3, v10  }
.LBB2_26:
0x42c: {  	v8 =	vld [tilespmem:s26+$0x0];
	s25 =	sadd.s32 $0x8, s25;
	[tilespmem:s22+$0xFFFFFF70] =	vst v5  }
0x42d: {  	v5 =	vld [tilespmem:s26+$0xFFFFFFA0];
	p0 =	slt.u32 s25, $0x18;
	[tilespmem:s22+$0xFFFFFFA0] =	vst v2  }
0x42e: {  	v2 =	vld [tilespmem:s26+$0xFFFFFFB0];
	[tilespmem:s22+$0xFFFFFFB0] =	vst v3  }
0x42f: {  	v3 =	vld [tilespmem:s26+$0xFFFFFFC0];
	[tilespmem:s22+$0xFFFFFFC0] =	vst v4  }
0x430: {  	v4 =	vld [tilespmem:s26+$0xFFFFFFD0];
	[tilespmem:s22+$0xFFFFFFD0] =	vst v6  }
0x431: {  	v6 =	vld [tilespmem:s26+$0xFFFFFFE0];
	v8 =	vshll.u32 v8, $0x2;
	[tilespmem:s22+$0xFFFFFF90] =	vst v7  }
0x432: {  	v5 =	vshll.u32 v5, $0x2;
	v7 =	vld [tilespmem:s26+$0xFFFFFFF0]  }
0x433: {  	v9 =	vld [tilespmem:s26+$0xFFFFFF90];
	v10 =	vor.u32 $0x1, v5;
	v11 =	vor.u32 $0x2, v5;
	v2 =	vshll.u32 v2, $0x2  }
0x434: {  	v12 =	vor.u32 $0x1, v2;
	v13 =	vor.u32 $0x2, v2;
	v3 =	vshll.u32 v3, $0x2;
	v1 =	vld.idx.msk [tilespmem:v1+s9+$0x0], $0xffff  }
0x435: {  	v14 =	vor.u32 $0x1, v3;
	v15 =	vor.u32 $0x2, v3;
	v4 =	vshll.u32 v4, $0x2;
	v0 =	vld.idx.msk [tilespmem:v0+s9+$0x0], $0xffff  }
0x436: {  	v16 =	vor.u32 $0x1, v4;
	v17 =	vor.u32 $0x2, v4;
	v6 =	vshll.u32 v6, $0x2;
	v18 =	vld.idx.msk [tilespmem:v8+s9+$0x0], $0xffff  }
0x437: {  	v19 =	vld.idx.msk [tilespmem:v5+s9+$0x0], $0xffff;
	v20 =	vor.u32 $0x1, v6;
	v21 =	vor.u32 $0x2, v6;
	v7 =	vshll.u32 v7, $0x2  }
0x438: {  	v24 =	vor.u32 $0x1, v8;
	v9 =	vshll.u32 v9, $0x2;
	v22 =	vld.idx.msk [tilespmem:v2+s9+$0x0], $0xffff;
	v23 =	vor.u32 $0x1, v7  }
0x439: {  	v28 =	vor.u32 $0x2, v7;
	v25 =	vor.u32 $0x1, v9;
	v26 =	vor.u32 $0x2, v9;
	v27 =	vld.idx.msk [tilespmem:v3+s9+$0x0], $0xffff  }
0x43a: {  	v30 =	vor.u32 $0x3, v5;
	v31 =	vor.u32 $0x3, v2;
	v29 =	vor.u32 $0x3, v9;
	v2 =	vld.idx.msk [tilespmem:v4+s9+$0x0], $0xffff;
	[tilespmem:s22+$0xFFFFFFE0] =	vst v1  }
0x43b: {  	v32 =	vor.u32 $0x3, v3;
	v33 =	vor.u32 $0x3, v4;
	v1 =	vor.u32 $0x3, v6;
	v3 =	vld.idx.msk [tilespmem:v6+s9+$0x0], $0xffff;
	[tilespmem:s22+$0xFFFFFFF0] =	vst v0;
	s22 =	sadd.s32 $0x200, s22  }
0x43c: {  	v0 =	vor.u32 $0x3, v7;
	v4 =	vld.idx.msk [tilespmem:v7+s9+$0x0], $0xffff;
	[tilespmem:s22+$0xFFFFFE80] =	vst v18  }
0x43d: {  	[tilespmem:s22+$0xFFFFFE20] =	vst v19;
	v5 =	vld.idx.msk [tilespmem:v24+s9+$0x0], $0xffff  }
0x43e: {  	v6 =	vld.idx.msk [tilespmem:v9+s9+$0x0], $0xffff;
	[tilespmem:s22+$0xFFFFFE30] =	vst v22  }
0x43f: {  	v9 =	vor.u32 $0x2, v8;
	v7 =	vld.idx.msk [tilespmem:v10+s9+$0x0], $0xffff;
	[tilespmem:s22+$0xFFFFFE40] =	vst v27  }
0x440: {  	v10 =	vld.idx.msk [tilespmem:v12+s9+$0x0], $0xffff;
	[tilespmem:s22+$0xFFFFFE50] =	vst v2  }
0x441: {  	v2 =	vld.idx.msk [tilespmem:v14+s9+$0x0], $0xffff;
	[tilespmem:s22+$0xFFFFFE60] =	vst v3  }
0x442: {  	v3 =	vld.idx.msk [tilespmem:v16+s9+$0x0], $0xffff;
	[tilespmem:s22+$0xFFFFFE70] =	vst v4  }
0x443: {  	v4 =	vld.idx.msk [tilespmem:v20+s9+$0x0], $0xffff;
	[tilespmem:s22+$0xFFFFFF00] =	vst v5  }
0x444: {  	[tilespmem:s22+$0xFFFFFE10] =	vst v6;
	v5 =	vld.idx.msk [tilespmem:v9+s9+$0x0], $0xffff  }
0x445: {  	v6 =	vld.idx.msk [tilespmem:v25+s9+$0x0], $0xffff;
	[tilespmem:s22+$0xFFFFFEA0] =	vst v7  }
0x446: {  	v8 =	vor.u32 $0x3, v8;
	[tilespmem:s22+$0xFFFFFEB0] =	vst v10;
	v7 =	vld.idx.msk [tilespmem:v23+s9+$0x0], $0xffff  }
0x447: {  	v9 =	vld.idx.msk [tilespmem:v11+s9+$0x0], $0xffff;
	[tilespmem:s22+$0xFFFFFEC0] =	vst v2  }
0x448: {  	v2 =	vld.idx.msk [tilespmem:v13+s9+$0x0], $0xffff;
	[tilespmem:s22+$0xFFFFFED0] =	vst v3  }
0x449: {  	v3 =	vld.idx.msk [tilespmem:v15+s9+$0x0], $0xffff;
	[tilespmem:s22+$0xFFFFFEE0] =	vst v4  }
0x44a: {  	v4 =	vld.idx.msk [tilespmem:v17+s9+$0x0], $0xffff;
	[tilespmem:s22+$0xFFFFFF80] =	vst v5  }
0x44b: {  	[tilespmem:s22+$0xFFFFFE90] =	vst v6;
	v6 =	vld.idx.msk [tilespmem:v8+s9+$0x0], $0xffff  }
0x44c: {  	v8 =	vld.idx.msk [tilespmem:v26+s9+$0x0], $0xffff;
	[tilespmem:s22+$0xFFFFFEF0] =	vst v7  }
0x44d: {  	[tilespmem:s22+$0xFFFFFF20] =	vst v9;
	v9 =	vld.idx.msk [tilespmem:v21+s9+$0x0], $0xffff  }
0x44e: {  	[tilespmem:s22+$0xFFFFFF30] =	vst v2;
	v5 =	vld.idx.msk [tilespmem:v28+s9+$0x0], $0xffff  }
.Ltmp16:
0x44f: {  	v2 =	vld.idx.msk [tilespmem:v30+s9+$0x0], $0xffff;
	[tilespmem:s22+$0xFFFFFF40] =	vst v3;
	(pc) =	sbr.rel @p0 .LBB2_26-.Ltmp16, $4  }
0x450: {  	v3 =	vld.idx.msk [tilespmem:v31+s9+$0x0], $0xffff;
	[tilespmem:s22+$0xFFFFFF50] =	vst v4  }
0x451: {  	v4 =	vld.idx.msk [tilespmem:v32+s9+$0x0], $0xffff;
	[tilespmem:s22+$0x0] =	vst v6  }
0x452: {  	[tilespmem:s22+$0xFFFFFF10] =	vst v8;
	v6 =	vld.idx.msk [tilespmem:v33+s9+$0x0], $0xffff  }
0x453: {  	s26 =	sadd.s32 $0x400, s26;
	v7 =	vld.idx.msk [tilespmem:v29+s9+$0x0], $0xffff;
	[tilespmem:s22+$0xFFFFFF60] =	vst v9  }
0x454: {  	_ =	sdelay $0x2  }
0x455: {  	[tilespmem:s22+$0xFFFFFF70] =	vst v5  }
0x456: {  	[tilespmem:s22+$0xFFFFFFA0] =	vst v2;
	v1 =	vld.idx.msk [tilespmem:v1+s9+$0x0], $0xffff  }
0x457: {  	[tilespmem:s22+$0xFFFFFFB0] =	vst v3;
	v0 =	vld.idx.msk [tilespmem:v0+s9+$0x0], $0xffff  }
0x458: {  	[tilespmem:s22+$0xFFFFFFC0] =	vst v4  }
0x459: {  	[tilespmem:s22+$0xFFFFFFD0] =	vst v6  }
0x45a: {  	[tilespmem:s22+$0xFFFFFF90] =	vst v7  }
0x45b: {  	[tilespmem:s22+$0xFFFFFFE0] =	vst v1  }
0x45c: {  	[tilespmem:s22+$0xFFFFFFF0] =	vst v0  }
0x45d: {  	v0 =	vld [tilespmem:s24+$0x0]  }
0x45e: {  	v1 =	vld [tilespmem:s24+$0xFFFFFFA0]  }
0x45f: {  	v2 =	vld [tilespmem:s24+$0xFFFFFFB0]  }
0x460: {  	v3 =	vld [tilespmem:s24+$0xFFFFFFC0]  }
0x461: {  	v4 =	vld [tilespmem:s24+$0xFFFFFFD0]  }
0x462: {  	v5 =	vld [tilespmem:s24+$0xFFFFFFE0];
	v0 =	vshll.u32 v0, $0x2  }
0x463: {  	v6 =	vld [tilespmem:s24+$0xFFFFFFF0];
	v1 =	vshll.u32 v1, $0x2  }
0x464: {  	v7 =	vld [tilespmem:s24+$0xFFFFFF90];
	v2 =	vshll.u32 v2, $0x2  }
0x465: {  	v3 =	vshll.u32 v3, $0x2  }
0x466: {  	v4 =	vshll.u32 v4, $0x2  }
0x467: {  	v8 =	vshll.u32 v5, $0x2;
	v5 =	vld.idx.msk [tilespmem:v0+s9+$0x0], $0xffff  }
0x468: {  	v10 =	vshll.u32 v6, $0x2;
	v9 =	vld.idx.msk [tilespmem:v1+s9+$0x0], $0xffff  }
0x469: {  	v7 =	vshll.u32 v7, $0x2;
	v6 =	vld.idx.msk [tilespmem:v2+s9+$0x0], $0xffff  }
0x46a: {  	v11 =	vor.u32 $0x1, v0;
	v12 =	vld.idx.msk [tilespmem:v3+s9+$0x0], $0xffff  }
0x46b: {  	v13 =	vor.u32 $0x1, v1;
	v14 =	vld.idx.msk [tilespmem:v4+s9+$0x0], $0xffff  }
0x46c: {  	v15 =	vor.u32 $0x1, v2;
	v16 =	vld.idx.msk [tilespmem:v8+s9+$0x0], $0xffff  }
0x46d: {  	v17 =	vor.u32 $0x1, v3;
	v18 =	vld.idx.msk [tilespmem:v10+s9+$0x0], $0xffff;
	[tilespmem:s23+$0xFFFFFE80] =	vst v5  }
0x46e: {  	v48 =	vor.u32 $0x1, v8;
	v19 =	vld.idx.msk [tilespmem:v7+s9+$0x0], $0xffff;
	[tilespmem:s23+$0xFFFFFE20] =	vst v9  }
0x46f: {  	v50 =	vor.u32 $0x1, v7;
	[tilespmem:s23+$0xFFFFFE30] =	vst v6;
	v47 =	vld.idx.msk [tilespmem:v11+s9+$0x0], $0xffff  }
0x470: {  	v5 =	vor.u32 $0x1, v4;
	[tilespmem:s23+$0xFFFFFE40] =	vst v12;
	v6 =	vld.idx.msk [tilespmem:v13+s9+$0x0], $0xffff  }
0x471: {  	v51 =	vor.u32 $0x1, v10;
	[tilespmem:s23+$0xFFFFFE50] =	vst v14;
	v15 =	vld.idx.msk [tilespmem:v15+s9+$0x0], $0xffff  }
0x472: {  	v49 =	vor.u32 $0x2, v0;
	[tilespmem:s23+$0xFFFFFE60] =	vst v16;
	v17 =	vld.idx.msk [tilespmem:v17+s9+$0x0], $0xffff  }
0x473: {  	v52 =	vor.u32 $0x2, v1;
	[tilespmem:s23+$0xFFFFFE10] =	vst v19;
	v11 =	vld.idx.msk [tilespmem:v48+s9+$0x0], $0xffff  }
0x474: {  	v53 =	vor.u32 $0x2, v2;
	[tilespmem:s23+$0xFFFFFE70] =	vst v18;
	v13 =	vld.idx.msk [tilespmem:v50+s9+$0x0], $0xffff  }
0x475: {  	v54 =	vor.u32 $0x2, v3;
	v5 =	vld.idx.msk [tilespmem:v5+s9+$0x0], $0xffff;
	[tilespmem:s23+$0xFFFFFF00] =	vst v47  }
0x476: {  	v56 =	vor.u32 $0x2, v7;
	[tilespmem:s23+$0xFFFFFEA0] =	vst v6;
	v6 =	vld.idx.msk [tilespmem:v51+s9+$0x0], $0xffff  }
0x477: {  	v58 =	vor.u32 $0x2, v8;
	[tilespmem:s23+$0xFFFFFEB0] =	vst v15;
	v12 =	vld.idx.msk [tilespmem:v49+s9+$0x0], $0xffff  }
0x478: {  	v55 =	vor.u32 $0x2, v4;
	[tilespmem:s23+$0xFFFFFEC0] =	vst v17;
	v57 =	vld.idx.msk [tilespmem:v52+s9+$0x0], $0xffff  }
0x479: {  	v0 =	vor.u32 $0x3, v0;
	[tilespmem:s23+$0xFFFFFEE0] =	vst v11;
	v59 =	vld.idx.msk [tilespmem:v53+s9+$0x0], $0xffff  }
0x47a: {  	v1 =	vor.u32 $0x3, v1;
	[tilespmem:s23+$0xFFFFFE90] =	vst v13;
	v9 =	vld.idx.msk [tilespmem:v54+s9+$0x0], $0xffff  }
0x47b: {  	v14 =	vld.idx.msk [tilespmem:v56+s9+$0x0], $0xffff;
	[tilespmem:s23+$0xFFFFFED0] =	vst v5;
	v5 =	vor.u32 $0x2, v10  }
0x47c: {  	v61 =	vor.u32 $0x3, v2;
	v63 =	vld.idx.msk [tilespmem:v58+s9+$0x0], $0xffff;
	[tilespmem:s23+$0xFFFFFEF0] =	vst v6  }
0x47d: {  	v62 =	vor.u32 $0x3, v3;
	v60 =	vld.idx.msk [tilespmem:v55+s9+$0x0], $0xffff;
	[tilespmem:s23+$0xFFFFFF80] =	vst v12  }
0x47e: {  	v7 =	vor.u32 $0x3, v7;
	[tilespmem:s23+$0xFFFFFF20] =	vst v57;
	v0 =	vld.idx.msk [tilespmem:v0+s9+$0x0], $0xffff  }
0x47f: {  	v6 =	vor.u32 $0x3, v4;
	[tilespmem:s23+$0xFFFFFF30] =	vst v59;
	v2 =	vld.idx.msk [tilespmem:v1+s9+$0x0], $0xffff  }
0x480: {  	[tilespmem:s23+$0xFFFFFF40] =	vst v9;
	v5 =	vld.idx.msk [tilespmem:v5+s9+$0x0], $0xffff  }
0x481: {  	[tilespmem:s23+$0xFFFFFF10] =	vst v14;
	v3 =	vld.idx.msk [tilespmem:v61+s9+$0x0], $0xffff  }
0x482: {  	[tilespmem:s23+$0xFFFFFF60] =	vst v63;
	v4 =	vld.idx.msk [tilespmem:v62+s9+$0x0], $0xffff  }
0x483: {  	s25 =	simm.s32 $0x0;
	v7 =	vld.idx.msk [tilespmem:v7+s9+$0x0], $0xffff;
	[tilespmem:s23+$0xFFFFFF50] =	vst v60  }
0x484: {  	s26 =	simm.s32 $0x1670;
	s22 =	simm.s32 $0x89F0;
	s24 =	simm.s32 $0x12F0;
	v1 =	vor.u32 $0x3, v8;
	v6 =	vld.idx.msk [tilespmem:v6+s9+$0x0], $0xffff;
	[tilespmem:s23+$0x0] =	vst v0;
	v0 =	vor.u32 $0x3, v10  }
.LBB2_28:
0x485: {  	v8 =	vld [tilespmem:s26+$0x0];
	s25 =	sadd.s32 $0x8, s25;
	[tilespmem:s23+$0xFFFFFF70] =	vst v5  }
0x486: {  	v5 =	vld [tilespmem:s26+$0xFFFFFFA0];
	p0 =	slt.u32 s25, $0x18;
	[tilespmem:s23+$0xFFFFFFA0] =	vst v2  }
0x487: {  	v2 =	vld [tilespmem:s26+$0xFFFFFFB0];
	[tilespmem:s23+$0xFFFFFFB0] =	vst v3  }
0x488: {  	v3 =	vld [tilespmem:s26+$0xFFFFFFC0];
	[tilespmem:s23+$0xFFFFFFC0] =	vst v4  }
0x489: {  	v4 =	vld [tilespmem:s26+$0xFFFFFFD0];
	[tilespmem:s23+$0xFFFFFFD0] =	vst v6  }
0x48a: {  	v6 =	vld [tilespmem:s26+$0xFFFFFFE0];
	v8 =	vshll.u32 v8, $0x2;
	[tilespmem:s23+$0xFFFFFF90] =	vst v7  }
0x48b: {  	v5 =	vshll.u32 v5, $0x2;
	v7 =	vld [tilespmem:s26+$0xFFFFFFF0]  }
0x48c: {  	v9 =	vld [tilespmem:s26+$0xFFFFFF90];
	v10 =	vor.u32 $0x1, v5;
	v11 =	vor.u32 $0x2, v5;
	v2 =	vshll.u32 v2, $0x2  }
0x48d: {  	v12 =	vor.u32 $0x1, v2;
	v13 =	vor.u32 $0x2, v2;
	v3 =	vshll.u32 v3, $0x2;
	v1 =	vld.idx.msk [tilespmem:v1+s9+$0x0], $0xffff  }
0x48e: {  	v14 =	vor.u32 $0x1, v3;
	v15 =	vor.u32 $0x2, v3;
	v4 =	vshll.u32 v4, $0x2;
	v0 =	vld.idx.msk [tilespmem:v0+s9+$0x0], $0xffff  }
0x48f: {  	v16 =	vor.u32 $0x1, v4;
	v17 =	vor.u32 $0x2, v4;
	v6 =	vshll.u32 v6, $0x2;
	v18 =	vld.idx.msk [tilespmem:v8+s9+$0x0], $0xffff  }
0x490: {  	v19 =	vld.idx.msk [tilespmem:v5+s9+$0x0], $0xffff;
	v20 =	vor.u32 $0x1, v6;
	v21 =	vor.u32 $0x2, v6;
	v7 =	vshll.u32 v7, $0x2  }
0x491: {  	v24 =	vor.u32 $0x1, v8;
	v9 =	vshll.u32 v9, $0x2;
	v22 =	vld.idx.msk [tilespmem:v2+s9+$0x0], $0xffff;
	v23 =	vor.u32 $0x1, v7  }
0x492: {  	v28 =	vor.u32 $0x2, v7;
	v25 =	vor.u32 $0x1, v9;
	v26 =	vor.u32 $0x2, v9;
	v27 =	vld.idx.msk [tilespmem:v3+s9+$0x0], $0xffff  }
0x493: {  	v30 =	vor.u32 $0x3, v5;
	v31 =	vor.u32 $0x3, v2;
	v29 =	vor.u32 $0x3, v9;
	v2 =	vld.idx.msk [tilespmem:v4+s9+$0x0], $0xffff;
	[tilespmem:s23+$0xFFFFFFE0] =	vst v1  }
0x494: {  	v32 =	vor.u32 $0x3, v3;
	v33 =	vor.u32 $0x3, v4;
	v1 =	vor.u32 $0x3, v6;
	v3 =	vld.idx.msk [tilespmem:v6+s9+$0x0], $0xffff;
	[tilespmem:s23+$0xFFFFFFF0] =	vst v0;
	s23 =	sadd.s32 $0x200, s23  }
0x495: {  	v0 =	vor.u32 $0x3, v7;
	v4 =	vld.idx.msk [tilespmem:v7+s9+$0x0], $0xffff;
	[tilespmem:s23+$0xFFFFFE80] =	vst v18  }
0x496: {  	[tilespmem:s23+$0xFFFFFE20] =	vst v19;
	v5 =	vld.idx.msk [tilespmem:v24+s9+$0x0], $0xffff  }
0x497: {  	v6 =	vld.idx.msk [tilespmem:v9+s9+$0x0], $0xffff;
	[tilespmem:s23+$0xFFFFFE30] =	vst v22  }
0x498: {  	v9 =	vor.u32 $0x2, v8;
	v7 =	vld.idx.msk [tilespmem:v10+s9+$0x0], $0xffff;
	[tilespmem:s23+$0xFFFFFE40] =	vst v27  }
0x499: {  	v10 =	vld.idx.msk [tilespmem:v12+s9+$0x0], $0xffff;
	[tilespmem:s23+$0xFFFFFE50] =	vst v2  }
0x49a: {  	v2 =	vld.idx.msk [tilespmem:v14+s9+$0x0], $0xffff;
	[tilespmem:s23+$0xFFFFFE60] =	vst v3  }
0x49b: {  	v3 =	vld.idx.msk [tilespmem:v16+s9+$0x0], $0xffff;
	[tilespmem:s23+$0xFFFFFE70] =	vst v4  }
0x49c: {  	v4 =	vld.idx.msk [tilespmem:v20+s9+$0x0], $0xffff;
	[tilespmem:s23+$0xFFFFFF00] =	vst v5  }
0x49d: {  	[tilespmem:s23+$0xFFFFFE10] =	vst v6;
	v5 =	vld.idx.msk [tilespmem:v9+s9+$0x0], $0xffff  }
0x49e: {  	v6 =	vld.idx.msk [tilespmem:v25+s9+$0x0], $0xffff;
	[tilespmem:s23+$0xFFFFFEA0] =	vst v7  }
0x49f: {  	v8 =	vor.u32 $0x3, v8;
	[tilespmem:s23+$0xFFFFFEB0] =	vst v10;
	v7 =	vld.idx.msk [tilespmem:v23+s9+$0x0], $0xffff  }
0x4a0: {  	v9 =	vld.idx.msk [tilespmem:v11+s9+$0x0], $0xffff;
	[tilespmem:s23+$0xFFFFFEC0] =	vst v2  }
0x4a1: {  	v2 =	vld.idx.msk [tilespmem:v13+s9+$0x0], $0xffff;
	[tilespmem:s23+$0xFFFFFED0] =	vst v3  }
0x4a2: {  	v3 =	vld.idx.msk [tilespmem:v15+s9+$0x0], $0xffff;
	[tilespmem:s23+$0xFFFFFEE0] =	vst v4  }
0x4a3: {  	v4 =	vld.idx.msk [tilespmem:v17+s9+$0x0], $0xffff;
	[tilespmem:s23+$0xFFFFFF80] =	vst v5  }
0x4a4: {  	[tilespmem:s23+$0xFFFFFE90] =	vst v6;
	v6 =	vld.idx.msk [tilespmem:v8+s9+$0x0], $0xffff  }
0x4a5: {  	v8 =	vld.idx.msk [tilespmem:v26+s9+$0x0], $0xffff;
	[tilespmem:s23+$0xFFFFFEF0] =	vst v7  }
0x4a6: {  	[tilespmem:s23+$0xFFFFFF20] =	vst v9;
	v9 =	vld.idx.msk [tilespmem:v21+s9+$0x0], $0xffff  }
0x4a7: {  	[tilespmem:s23+$0xFFFFFF30] =	vst v2;
	v5 =	vld.idx.msk [tilespmem:v28+s9+$0x0], $0xffff  }
.Ltmp17:
0x4a8: {  	v2 =	vld.idx.msk [tilespmem:v30+s9+$0x0], $0xffff;
	[tilespmem:s23+$0xFFFFFF40] =	vst v3;
	(pc) =	sbr.rel @p0 .LBB2_28-.Ltmp17, $4  }
0x4a9: {  	v3 =	vld.idx.msk [tilespmem:v31+s9+$0x0], $0xffff;
	[tilespmem:s23+$0xFFFFFF50] =	vst v4  }
0x4aa: {  	v4 =	vld.idx.msk [tilespmem:v32+s9+$0x0], $0xffff;
	[tilespmem:s23+$0x0] =	vst v6  }
0x4ab: {  	[tilespmem:s23+$0xFFFFFF10] =	vst v8;
	v6 =	vld.idx.msk [tilespmem:v33+s9+$0x0], $0xffff  }
0x4ac: {  	s26 =	sadd.s32 $0x400, s26;
	v7 =	vld.idx.msk [tilespmem:v29+s9+$0x0], $0xffff;
	[tilespmem:s23+$0xFFFFFF60] =	vst v9  }
0x4ad: {  	_ =	sdelay $0x2  }
0x4ae: {  	[tilespmem:s23+$0xFFFFFF70] =	vst v5  }
0x4af: {  	[tilespmem:s23+$0xFFFFFFA0] =	vst v2;
	v1 =	vld.idx.msk [tilespmem:v1+s9+$0x0], $0xffff  }
0x4b0: {  	[tilespmem:s23+$0xFFFFFFB0] =	vst v3;
	v0 =	vld.idx.msk [tilespmem:v0+s9+$0x0], $0xffff  }
0x4b1: {  	[tilespmem:s23+$0xFFFFFFC0] =	vst v4  }
0x4b2: {  	[tilespmem:s23+$0xFFFFFFD0] =	vst v6  }
0x4b3: {  	[tilespmem:s23+$0xFFFFFF90] =	vst v7  }
0x4b4: {  	[tilespmem:s23+$0xFFFFFFE0] =	vst v1  }
0x4b5: {  	[tilespmem:s23+$0xFFFFFFF0] =	vst v0  }
0x4b6: {  	v0 =	vld [tilespmem:s24+$0x0]  }
0x4b7: {  	v1 =	vld [tilespmem:s24+$0xFFFFFFA0]  }
0x4b8: {  	v2 =	vld [tilespmem:s24+$0xFFFFFFB0]  }
0x4b9: {  	v3 =	vld [tilespmem:s24+$0xFFFFFFC0]  }
0x4ba: {  	v4 =	vld [tilespmem:s24+$0xFFFFFFD0]  }
0x4bb: {  	v5 =	vld [tilespmem:s24+$0xFFFFFFE0];
	v0 =	vshll.u32 v0, $0x2  }
0x4bc: {  	v6 =	vld [tilespmem:s24+$0xFFFFFFF0];
	v1 =	vshll.u32 v1, $0x2  }
0x4bd: {  	v7 =	vld [tilespmem:s24+$0xFFFFFF90];
	v2 =	vshll.u32 v2, $0x2  }
0x4be: {  	v3 =	vshll.u32 v3, $0x2  }
0x4bf: {  	v4 =	vshll.u32 v4, $0x2  }
0x4c0: {  	v8 =	vshll.u32 v5, $0x2;
	v5 =	vld.idx.msk [tilespmem:v0+s9+$0x0], $0xffff  }
0x4c1: {  	v10 =	vshll.u32 v6, $0x2;
	v9 =	vld.idx.msk [tilespmem:v1+s9+$0x0], $0xffff  }
0x4c2: {  	v7 =	vshll.u32 v7, $0x2;
	v6 =	vld.idx.msk [tilespmem:v2+s9+$0x0], $0xffff  }
0x4c3: {  	v11 =	vor.u32 $0x1, v0;
	v12 =	vld.idx.msk [tilespmem:v3+s9+$0x0], $0xffff  }
0x4c4: {  	v13 =	vor.u32 $0x1, v1;
	v14 =	vld.idx.msk [tilespmem:v4+s9+$0x0], $0xffff  }
0x4c5: {  	v15 =	vor.u32 $0x1, v2;
	v16 =	vld.idx.msk [tilespmem:v8+s9+$0x0], $0xffff  }
0x4c6: {  	v17 =	vor.u32 $0x1, v3;
	v18 =	vld.idx.msk [tilespmem:v10+s9+$0x0], $0xffff;
	[tilespmem:s22+$0xFFFFFE80] =	vst v5  }
0x4c7: {  	v48 =	vor.u32 $0x1, v8;
	v19 =	vld.idx.msk [tilespmem:v7+s9+$0x0], $0xffff;
	[tilespmem:s22+$0xFFFFFE20] =	vst v9  }
0x4c8: {  	v50 =	vor.u32 $0x1, v7;
	[tilespmem:s22+$0xFFFFFE30] =	vst v6;
	v47 =	vld.idx.msk [tilespmem:v11+s9+$0x0], $0xffff  }
0x4c9: {  	v5 =	vor.u32 $0x1, v4;
	[tilespmem:s22+$0xFFFFFE40] =	vst v12;
	v6 =	vld.idx.msk [tilespmem:v13+s9+$0x0], $0xffff  }
0x4ca: {  	v51 =	vor.u32 $0x1, v10;
	[tilespmem:s22+$0xFFFFFE50] =	vst v14;
	v15 =	vld.idx.msk [tilespmem:v15+s9+$0x0], $0xffff  }
0x4cb: {  	v49 =	vor.u32 $0x2, v0;
	[tilespmem:s22+$0xFFFFFE60] =	vst v16;
	v17 =	vld.idx.msk [tilespmem:v17+s9+$0x0], $0xffff  }
0x4cc: {  	v52 =	vor.u32 $0x2, v1;
	[tilespmem:s22+$0xFFFFFE10] =	vst v19;
	v11 =	vld.idx.msk [tilespmem:v48+s9+$0x0], $0xffff  }
0x4cd: {  	v53 =	vor.u32 $0x2, v2;
	[tilespmem:s22+$0xFFFFFE70] =	vst v18;
	v13 =	vld.idx.msk [tilespmem:v50+s9+$0x0], $0xffff  }
0x4ce: {  	v54 =	vor.u32 $0x2, v3;
	v5 =	vld.idx.msk [tilespmem:v5+s9+$0x0], $0xffff;
	[tilespmem:s22+$0xFFFFFF00] =	vst v47  }
0x4cf: {  	v56 =	vor.u32 $0x2, v7;
	[tilespmem:s22+$0xFFFFFEA0] =	vst v6;
	v6 =	vld.idx.msk [tilespmem:v51+s9+$0x0], $0xffff  }
0x4d0: {  	v58 =	vor.u32 $0x2, v8;
	[tilespmem:s22+$0xFFFFFEB0] =	vst v15;
	v12 =	vld.idx.msk [tilespmem:v49+s9+$0x0], $0xffff  }
0x4d1: {  	v55 =	vor.u32 $0x2, v4;
	[tilespmem:s22+$0xFFFFFEC0] =	vst v17;
	v57 =	vld.idx.msk [tilespmem:v52+s9+$0x0], $0xffff  }
0x4d2: {  	v0 =	vor.u32 $0x3, v0;
	[tilespmem:s22+$0xFFFFFEE0] =	vst v11;
	v59 =	vld.idx.msk [tilespmem:v53+s9+$0x0], $0xffff  }
0x4d3: {  	v1 =	vor.u32 $0x3, v1;
	[tilespmem:s22+$0xFFFFFE90] =	vst v13;
	v9 =	vld.idx.msk [tilespmem:v54+s9+$0x0], $0xffff  }
0x4d4: {  	v14 =	vld.idx.msk [tilespmem:v56+s9+$0x0], $0xffff;
	[tilespmem:s22+$0xFFFFFED0] =	vst v5;
	v5 =	vor.u32 $0x2, v10  }
0x4d5: {  	v61 =	vor.u32 $0x3, v2;
	v63 =	vld.idx.msk [tilespmem:v58+s9+$0x0], $0xffff;
	[tilespmem:s22+$0xFFFFFEF0] =	vst v6  }
0x4d6: {  	v62 =	vor.u32 $0x3, v3;
	v60 =	vld.idx.msk [tilespmem:v55+s9+$0x0], $0xffff;
	[tilespmem:s22+$0xFFFFFF80] =	vst v12  }
0x4d7: {  	v7 =	vor.u32 $0x3, v7;
	[tilespmem:s22+$0xFFFFFF20] =	vst v57;
	v0 =	vld.idx.msk [tilespmem:v0+s9+$0x0], $0xffff  }
0x4d8: {  	v6 =	vor.u32 $0x3, v4;
	[tilespmem:s22+$0xFFFFFF30] =	vst v59;
	v2 =	vld.idx.msk [tilespmem:v1+s9+$0x0], $0xffff  }
0x4d9: {  	[tilespmem:s22+$0xFFFFFF40] =	vst v9;
	v5 =	vld.idx.msk [tilespmem:v5+s9+$0x0], $0xffff  }
0x4da: {  	[tilespmem:s22+$0xFFFFFF10] =	vst v14;
	v3 =	vld.idx.msk [tilespmem:v61+s9+$0x0], $0xffff  }
0x4db: {  	[tilespmem:s22+$0xFFFFFF60] =	vst v63;
	v4 =	vld.idx.msk [tilespmem:v62+s9+$0x0], $0xffff  }
0x4dc: {  	s25 =	simm.s32 $0x0;
	v7 =	vld.idx.msk [tilespmem:v7+s9+$0x0], $0xffff;
	[tilespmem:s22+$0xFFFFFF50] =	vst v60  }
0x4dd: {  	s26 =	simm.s32 $0x16F0;
	s23 =	simm.s32 $0x91F0;
	s24 =	simm.s32 $0x1370;
	v1 =	vor.u32 $0x3, v8;
	v6 =	vld.idx.msk [tilespmem:v6+s9+$0x0], $0xffff;
	[tilespmem:s22+$0x0] =	vst v0;
	v0 =	vor.u32 $0x3, v10  }
.LBB2_30:
0x4de: {  	v8 =	vld [tilespmem:s26+$0x0];
	s25 =	sadd.s32 $0x8, s25;
	[tilespmem:s22+$0xFFFFFF70] =	vst v5  }
0x4df: {  	v5 =	vld [tilespmem:s26+$0xFFFFFFA0];
	p0 =	slt.u32 s25, $0x18;
	[tilespmem:s22+$0xFFFFFFA0] =	vst v2  }
0x4e0: {  	v2 =	vld [tilespmem:s26+$0xFFFFFFB0];
	[tilespmem:s22+$0xFFFFFFB0] =	vst v3  }
0x4e1: {  	v3 =	vld [tilespmem:s26+$0xFFFFFFC0];
	[tilespmem:s22+$0xFFFFFFC0] =	vst v4  }
0x4e2: {  	v4 =	vld [tilespmem:s26+$0xFFFFFFD0];
	[tilespmem:s22+$0xFFFFFFD0] =	vst v6  }
0x4e3: {  	v6 =	vld [tilespmem:s26+$0xFFFFFFE0];
	v8 =	vshll.u32 v8, $0x2;
	[tilespmem:s22+$0xFFFFFF90] =	vst v7  }
0x4e4: {  	v5 =	vshll.u32 v5, $0x2;
	v7 =	vld [tilespmem:s26+$0xFFFFFFF0]  }
0x4e5: {  	v9 =	vld [tilespmem:s26+$0xFFFFFF90];
	v10 =	vor.u32 $0x1, v5;
	v11 =	vor.u32 $0x2, v5;
	v2 =	vshll.u32 v2, $0x2  }
0x4e6: {  	v12 =	vor.u32 $0x1, v2;
	v13 =	vor.u32 $0x2, v2;
	v3 =	vshll.u32 v3, $0x2;
	v1 =	vld.idx.msk [tilespmem:v1+s9+$0x0], $0xffff  }
0x4e7: {  	v14 =	vor.u32 $0x1, v3;
	v15 =	vor.u32 $0x2, v3;
	v4 =	vshll.u32 v4, $0x2;
	v0 =	vld.idx.msk [tilespmem:v0+s9+$0x0], $0xffff  }
0x4e8: {  	v16 =	vor.u32 $0x1, v4;
	v17 =	vor.u32 $0x2, v4;
	v6 =	vshll.u32 v6, $0x2;
	v18 =	vld.idx.msk [tilespmem:v8+s9+$0x0], $0xffff  }
0x4e9: {  	v19 =	vld.idx.msk [tilespmem:v5+s9+$0x0], $0xffff;
	v20 =	vor.u32 $0x1, v6;
	v21 =	vor.u32 $0x2, v6;
	v7 =	vshll.u32 v7, $0x2  }
0x4ea: {  	v24 =	vor.u32 $0x1, v8;
	v9 =	vshll.u32 v9, $0x2;
	v22 =	vld.idx.msk [tilespmem:v2+s9+$0x0], $0xffff;
	v23 =	vor.u32 $0x1, v7  }
0x4eb: {  	v28 =	vor.u32 $0x2, v7;
	v25 =	vor.u32 $0x1, v9;
	v26 =	vor.u32 $0x2, v9;
	v27 =	vld.idx.msk [tilespmem:v3+s9+$0x0], $0xffff  }
0x4ec: {  	v30 =	vor.u32 $0x3, v5;
	v31 =	vor.u32 $0x3, v2;
	v29 =	vor.u32 $0x3, v9;
	v2 =	vld.idx.msk [tilespmem:v4+s9+$0x0], $0xffff;
	[tilespmem:s22+$0xFFFFFFE0] =	vst v1  }
0x4ed: {  	v32 =	vor.u32 $0x3, v3;
	v33 =	vor.u32 $0x3, v4;
	v1 =	vor.u32 $0x3, v6;
	v3 =	vld.idx.msk [tilespmem:v6+s9+$0x0], $0xffff;
	[tilespmem:s22+$0xFFFFFFF0] =	vst v0;
	s22 =	sadd.s32 $0x200, s22  }
0x4ee: {  	v0 =	vor.u32 $0x3, v7;
	v4 =	vld.idx.msk [tilespmem:v7+s9+$0x0], $0xffff;
	[tilespmem:s22+$0xFFFFFE80] =	vst v18  }
0x4ef: {  	[tilespmem:s22+$0xFFFFFE20] =	vst v19;
	v5 =	vld.idx.msk [tilespmem:v24+s9+$0x0], $0xffff  }
0x4f0: {  	v6 =	vld.idx.msk [tilespmem:v9+s9+$0x0], $0xffff;
	[tilespmem:s22+$0xFFFFFE30] =	vst v22  }
0x4f1: {  	v9 =	vor.u32 $0x2, v8;
	v7 =	vld.idx.msk [tilespmem:v10+s9+$0x0], $0xffff;
	[tilespmem:s22+$0xFFFFFE40] =	vst v27  }
0x4f2: {  	v10 =	vld.idx.msk [tilespmem:v12+s9+$0x0], $0xffff;
	[tilespmem:s22+$0xFFFFFE50] =	vst v2  }
0x4f3: {  	v2 =	vld.idx.msk [tilespmem:v14+s9+$0x0], $0xffff;
	[tilespmem:s22+$0xFFFFFE60] =	vst v3  }
0x4f4: {  	v3 =	vld.idx.msk [tilespmem:v16+s9+$0x0], $0xffff;
	[tilespmem:s22+$0xFFFFFE70] =	vst v4  }
0x4f5: {  	v4 =	vld.idx.msk [tilespmem:v20+s9+$0x0], $0xffff;
	[tilespmem:s22+$0xFFFFFF00] =	vst v5  }
0x4f6: {  	[tilespmem:s22+$0xFFFFFE10] =	vst v6;
	v5 =	vld.idx.msk [tilespmem:v9+s9+$0x0], $0xffff  }
0x4f7: {  	v6 =	vld.idx.msk [tilespmem:v25+s9+$0x0], $0xffff;
	[tilespmem:s22+$0xFFFFFEA0] =	vst v7  }
0x4f8: {  	v8 =	vor.u32 $0x3, v8;
	[tilespmem:s22+$0xFFFFFEB0] =	vst v10;
	v7 =	vld.idx.msk [tilespmem:v23+s9+$0x0], $0xffff  }
0x4f9: {  	v9 =	vld.idx.msk [tilespmem:v11+s9+$0x0], $0xffff;
	[tilespmem:s22+$0xFFFFFEC0] =	vst v2  }
0x4fa: {  	v2 =	vld.idx.msk [tilespmem:v13+s9+$0x0], $0xffff;
	[tilespmem:s22+$0xFFFFFED0] =	vst v3  }
0x4fb: {  	v3 =	vld.idx.msk [tilespmem:v15+s9+$0x0], $0xffff;
	[tilespmem:s22+$0xFFFFFEE0] =	vst v4  }
0x4fc: {  	v4 =	vld.idx.msk [tilespmem:v17+s9+$0x0], $0xffff;
	[tilespmem:s22+$0xFFFFFF80] =	vst v5  }
0x4fd: {  	[tilespmem:s22+$0xFFFFFE90] =	vst v6;
	v6 =	vld.idx.msk [tilespmem:v8+s9+$0x0], $0xffff  }
0x4fe: {  	v8 =	vld.idx.msk [tilespmem:v26+s9+$0x0], $0xffff;
	[tilespmem:s22+$0xFFFFFEF0] =	vst v7  }
0x4ff: {  	[tilespmem:s22+$0xFFFFFF20] =	vst v9;
	v9 =	vld.idx.msk [tilespmem:v21+s9+$0x0], $0xffff  }
0x500: {  	[tilespmem:s22+$0xFFFFFF30] =	vst v2;
	v5 =	vld.idx.msk [tilespmem:v28+s9+$0x0], $0xffff  }
.Ltmp18:
0x501: {  	v2 =	vld.idx.msk [tilespmem:v30+s9+$0x0], $0xffff;
	[tilespmem:s22+$0xFFFFFF40] =	vst v3;
	(pc) =	sbr.rel @p0 .LBB2_30-.Ltmp18, $4  }
0x502: {  	v3 =	vld.idx.msk [tilespmem:v31+s9+$0x0], $0xffff;
	[tilespmem:s22+$0xFFFFFF50] =	vst v4  }
0x503: {  	v4 =	vld.idx.msk [tilespmem:v32+s9+$0x0], $0xffff;
	[tilespmem:s22+$0x0] =	vst v6  }
0x504: {  	[tilespmem:s22+$0xFFFFFF10] =	vst v8;
	v6 =	vld.idx.msk [tilespmem:v33+s9+$0x0], $0xffff  }
0x505: {  	s26 =	sadd.s32 $0x400, s26;
	v7 =	vld.idx.msk [tilespmem:v29+s9+$0x0], $0xffff;
	[tilespmem:s22+$0xFFFFFF60] =	vst v9  }
0x506: {  	_ =	sdelay $0x2  }
0x507: {  	[tilespmem:s22+$0xFFFFFF70] =	vst v5  }
0x508: {  	[tilespmem:s22+$0xFFFFFFA0] =	vst v2;
	v1 =	vld.idx.msk [tilespmem:v1+s9+$0x0], $0xffff  }
0x509: {  	[tilespmem:s22+$0xFFFFFFB0] =	vst v3;
	v0 =	vld.idx.msk [tilespmem:v0+s9+$0x0], $0xffff  }
0x50a: {  	[tilespmem:s22+$0xFFFFFFC0] =	vst v4  }
0x50b: {  	[tilespmem:s22+$0xFFFFFFD0] =	vst v6  }
0x50c: {  	[tilespmem:s22+$0xFFFFFF90] =	vst v7  }
0x50d: {  	[tilespmem:s22+$0xFFFFFFE0] =	vst v1  }
0x50e: {  	[tilespmem:s22+$0xFFFFFFF0] =	vst v0  }
0x50f: {  	v0 =	vld [tilespmem:s24+$0x0]  }
0x510: {  	v1 =	vld [tilespmem:s24+$0xFFFFFFA0]  }
0x511: {  	v2 =	vld [tilespmem:s24+$0xFFFFFFB0]  }
0x512: {  	v3 =	vld [tilespmem:s24+$0xFFFFFFC0]  }
0x513: {  	v4 =	vld [tilespmem:s24+$0xFFFFFFD0]  }
0x514: {  	v5 =	vld [tilespmem:s24+$0xFFFFFFE0];
	v0 =	vshll.u32 v0, $0x2  }
0x515: {  	v6 =	vld [tilespmem:s24+$0xFFFFFFF0];
	v1 =	vshll.u32 v1, $0x2  }
0x516: {  	v7 =	vld [tilespmem:s24+$0xFFFFFF90];
	v2 =	vshll.u32 v2, $0x2  }
0x517: {  	v3 =	vshll.u32 v3, $0x2  }
0x518: {  	v4 =	vshll.u32 v4, $0x2  }
0x519: {  	v8 =	vshll.u32 v5, $0x2;
	v5 =	vld.idx.msk [tilespmem:v0+s9+$0x0], $0xffff  }
0x51a: {  	v10 =	vshll.u32 v6, $0x2;
	v9 =	vld.idx.msk [tilespmem:v1+s9+$0x0], $0xffff  }
0x51b: {  	v7 =	vshll.u32 v7, $0x2;
	v6 =	vld.idx.msk [tilespmem:v2+s9+$0x0], $0xffff  }
0x51c: {  	v11 =	vor.u32 $0x1, v0;
	v12 =	vld.idx.msk [tilespmem:v3+s9+$0x0], $0xffff  }
0x51d: {  	v13 =	vor.u32 $0x1, v1;
	v14 =	vld.idx.msk [tilespmem:v4+s9+$0x0], $0xffff  }
0x51e: {  	v15 =	vor.u32 $0x1, v2;
	v16 =	vld.idx.msk [tilespmem:v8+s9+$0x0], $0xffff  }
0x51f: {  	v17 =	vor.u32 $0x1, v3;
	v18 =	vld.idx.msk [tilespmem:v10+s9+$0x0], $0xffff;
	[tilespmem:s23+$0xFFFFFE80] =	vst v5  }
0x520: {  	v48 =	vor.u32 $0x1, v8;
	v19 =	vld.idx.msk [tilespmem:v7+s9+$0x0], $0xffff;
	[tilespmem:s23+$0xFFFFFE20] =	vst v9  }
0x521: {  	v50 =	vor.u32 $0x1, v7;
	[tilespmem:s23+$0xFFFFFE30] =	vst v6;
	v47 =	vld.idx.msk [tilespmem:v11+s9+$0x0], $0xffff  }
0x522: {  	v5 =	vor.u32 $0x1, v4;
	[tilespmem:s23+$0xFFFFFE40] =	vst v12;
	v6 =	vld.idx.msk [tilespmem:v13+s9+$0x0], $0xffff  }
0x523: {  	v51 =	vor.u32 $0x1, v10;
	[tilespmem:s23+$0xFFFFFE50] =	vst v14;
	v15 =	vld.idx.msk [tilespmem:v15+s9+$0x0], $0xffff  }
0x524: {  	v49 =	vor.u32 $0x2, v0;
	[tilespmem:s23+$0xFFFFFE60] =	vst v16;
	v17 =	vld.idx.msk [tilespmem:v17+s9+$0x0], $0xffff  }
0x525: {  	v52 =	vor.u32 $0x2, v1;
	[tilespmem:s23+$0xFFFFFE10] =	vst v19;
	v11 =	vld.idx.msk [tilespmem:v48+s9+$0x0], $0xffff  }
0x526: {  	v53 =	vor.u32 $0x2, v2;
	[tilespmem:s23+$0xFFFFFE70] =	vst v18;
	v13 =	vld.idx.msk [tilespmem:v50+s9+$0x0], $0xffff  }
0x527: {  	v54 =	vor.u32 $0x2, v3;
	v5 =	vld.idx.msk [tilespmem:v5+s9+$0x0], $0xffff;
	[tilespmem:s23+$0xFFFFFF00] =	vst v47  }
0x528: {  	v56 =	vor.u32 $0x2, v7;
	[tilespmem:s23+$0xFFFFFEA0] =	vst v6;
	v6 =	vld.idx.msk [tilespmem:v51+s9+$0x0], $0xffff  }
0x529: {  	v58 =	vor.u32 $0x2, v8;
	[tilespmem:s23+$0xFFFFFEB0] =	vst v15;
	v12 =	vld.idx.msk [tilespmem:v49+s9+$0x0], $0xffff  }
0x52a: {  	v55 =	vor.u32 $0x2, v4;
	[tilespmem:s23+$0xFFFFFEC0] =	vst v17;
	v57 =	vld.idx.msk [tilespmem:v52+s9+$0x0], $0xffff  }
0x52b: {  	v0 =	vor.u32 $0x3, v0;
	[tilespmem:s23+$0xFFFFFEE0] =	vst v11;
	v59 =	vld.idx.msk [tilespmem:v53+s9+$0x0], $0xffff  }
0x52c: {  	v1 =	vor.u32 $0x3, v1;
	[tilespmem:s23+$0xFFFFFE90] =	vst v13;
	v9 =	vld.idx.msk [tilespmem:v54+s9+$0x0], $0xffff  }
0x52d: {  	v14 =	vld.idx.msk [tilespmem:v56+s9+$0x0], $0xffff;
	[tilespmem:s23+$0xFFFFFED0] =	vst v5;
	v5 =	vor.u32 $0x2, v10  }
0x52e: {  	v61 =	vor.u32 $0x3, v2;
	v63 =	vld.idx.msk [tilespmem:v58+s9+$0x0], $0xffff;
	[tilespmem:s23+$0xFFFFFEF0] =	vst v6  }
0x52f: {  	v62 =	vor.u32 $0x3, v3;
	v60 =	vld.idx.msk [tilespmem:v55+s9+$0x0], $0xffff;
	[tilespmem:s23+$0xFFFFFF80] =	vst v12  }
0x530: {  	v7 =	vor.u32 $0x3, v7;
	[tilespmem:s23+$0xFFFFFF20] =	vst v57;
	v0 =	vld.idx.msk [tilespmem:v0+s9+$0x0], $0xffff  }
0x531: {  	v6 =	vor.u32 $0x3, v4;
	[tilespmem:s23+$0xFFFFFF30] =	vst v59;
	v2 =	vld.idx.msk [tilespmem:v1+s9+$0x0], $0xffff  }
0x532: {  	[tilespmem:s23+$0xFFFFFF40] =	vst v9;
	v5 =	vld.idx.msk [tilespmem:v5+s9+$0x0], $0xffff  }
0x533: {  	[tilespmem:s23+$0xFFFFFF10] =	vst v14;
	v3 =	vld.idx.msk [tilespmem:v61+s9+$0x0], $0xffff  }
0x534: {  	[tilespmem:s23+$0xFFFFFF60] =	vst v63;
	v4 =	vld.idx.msk [tilespmem:v62+s9+$0x0], $0xffff  }
0x535: {  	s25 =	simm.s32 $0x0;
	v7 =	vld.idx.msk [tilespmem:v7+s9+$0x0], $0xffff;
	[tilespmem:s23+$0xFFFFFF50] =	vst v60  }
0x536: {  	s26 =	simm.s32 $0x1770;
	s22 =	simm.s32 $0x99F0;
	s24 =	simm.s32 $0x13F0;
	v1 =	vor.u32 $0x3, v8;
	v6 =	vld.idx.msk [tilespmem:v6+s9+$0x0], $0xffff;
	[tilespmem:s23+$0x0] =	vst v0;
	v0 =	vor.u32 $0x3, v10  }
.LBB2_32:
0x537: {  	v8 =	vld [tilespmem:s26+$0x0];
	s25 =	sadd.s32 $0x8, s25;
	[tilespmem:s23+$0xFFFFFF70] =	vst v5  }
0x538: {  	v5 =	vld [tilespmem:s26+$0xFFFFFFA0];
	p0 =	slt.u32 s25, $0x18;
	[tilespmem:s23+$0xFFFFFFA0] =	vst v2  }
0x539: {  	v2 =	vld [tilespmem:s26+$0xFFFFFFB0];
	[tilespmem:s23+$0xFFFFFFB0] =	vst v3  }
0x53a: {  	v3 =	vld [tilespmem:s26+$0xFFFFFFC0];
	[tilespmem:s23+$0xFFFFFFC0] =	vst v4  }
0x53b: {  	v4 =	vld [tilespmem:s26+$0xFFFFFFD0];
	[tilespmem:s23+$0xFFFFFFD0] =	vst v6  }
0x53c: {  	v6 =	vld [tilespmem:s26+$0xFFFFFFE0];
	v8 =	vshll.u32 v8, $0x2;
	[tilespmem:s23+$0xFFFFFF90] =	vst v7  }
0x53d: {  	v5 =	vshll.u32 v5, $0x2;
	v7 =	vld [tilespmem:s26+$0xFFFFFFF0]  }
0x53e: {  	v9 =	vld [tilespmem:s26+$0xFFFFFF90];
	v10 =	vor.u32 $0x1, v5;
	v11 =	vor.u32 $0x2, v5;
	v2 =	vshll.u32 v2, $0x2  }
0x53f: {  	v12 =	vor.u32 $0x1, v2;
	v13 =	vor.u32 $0x2, v2;
	v3 =	vshll.u32 v3, $0x2;
	v1 =	vld.idx.msk [tilespmem:v1+s9+$0x0], $0xffff  }
0x540: {  	v14 =	vor.u32 $0x1, v3;
	v15 =	vor.u32 $0x2, v3;
	v4 =	vshll.u32 v4, $0x2;
	v0 =	vld.idx.msk [tilespmem:v0+s9+$0x0], $0xffff  }
0x541: {  	v16 =	vor.u32 $0x1, v4;
	v17 =	vor.u32 $0x2, v4;
	v6 =	vshll.u32 v6, $0x2;
	v18 =	vld.idx.msk [tilespmem:v8+s9+$0x0], $0xffff  }
0x542: {  	v19 =	vld.idx.msk [tilespmem:v5+s9+$0x0], $0xffff;
	v20 =	vor.u32 $0x1, v6;
	v21 =	vor.u32 $0x2, v6;
	v7 =	vshll.u32 v7, $0x2  }
0x543: {  	v24 =	vor.u32 $0x1, v8;
	v9 =	vshll.u32 v9, $0x2;
	v22 =	vld.idx.msk [tilespmem:v2+s9+$0x0], $0xffff;
	v23 =	vor.u32 $0x1, v7  }
0x544: {  	v28 =	vor.u32 $0x2, v7;
	v25 =	vor.u32 $0x1, v9;
	v26 =	vor.u32 $0x2, v9;
	v27 =	vld.idx.msk [tilespmem:v3+s9+$0x0], $0xffff  }
0x545: {  	v30 =	vor.u32 $0x3, v5;
	v31 =	vor.u32 $0x3, v2;
	v29 =	vor.u32 $0x3, v9;
	v2 =	vld.idx.msk [tilespmem:v4+s9+$0x0], $0xffff;
	[tilespmem:s23+$0xFFFFFFE0] =	vst v1  }
0x546: {  	v32 =	vor.u32 $0x3, v3;
	v33 =	vor.u32 $0x3, v4;
	v1 =	vor.u32 $0x3, v6;
	v3 =	vld.idx.msk [tilespmem:v6+s9+$0x0], $0xffff;
	[tilespmem:s23+$0xFFFFFFF0] =	vst v0;
	s23 =	sadd.s32 $0x200, s23  }
0x547: {  	v0 =	vor.u32 $0x3, v7;
	v4 =	vld.idx.msk [tilespmem:v7+s9+$0x0], $0xffff;
	[tilespmem:s23+$0xFFFFFE80] =	vst v18  }
0x548: {  	[tilespmem:s23+$0xFFFFFE20] =	vst v19;
	v5 =	vld.idx.msk [tilespmem:v24+s9+$0x0], $0xffff  }
0x549: {  	v6 =	vld.idx.msk [tilespmem:v9+s9+$0x0], $0xffff;
	[tilespmem:s23+$0xFFFFFE30] =	vst v22  }
0x54a: {  	v9 =	vor.u32 $0x2, v8;
	v7 =	vld.idx.msk [tilespmem:v10+s9+$0x0], $0xffff;
	[tilespmem:s23+$0xFFFFFE40] =	vst v27  }
0x54b: {  	v10 =	vld.idx.msk [tilespmem:v12+s9+$0x0], $0xffff;
	[tilespmem:s23+$0xFFFFFE50] =	vst v2  }
0x54c: {  	v2 =	vld.idx.msk [tilespmem:v14+s9+$0x0], $0xffff;
	[tilespmem:s23+$0xFFFFFE60] =	vst v3  }
0x54d: {  	v3 =	vld.idx.msk [tilespmem:v16+s9+$0x0], $0xffff;
	[tilespmem:s23+$0xFFFFFE70] =	vst v4  }
0x54e: {  	v4 =	vld.idx.msk [tilespmem:v20+s9+$0x0], $0xffff;
	[tilespmem:s23+$0xFFFFFF00] =	vst v5  }
0x54f: {  	[tilespmem:s23+$0xFFFFFE10] =	vst v6;
	v5 =	vld.idx.msk [tilespmem:v9+s9+$0x0], $0xffff  }
0x550: {  	v6 =	vld.idx.msk [tilespmem:v25+s9+$0x0], $0xffff;
	[tilespmem:s23+$0xFFFFFEA0] =	vst v7  }
0x551: {  	v8 =	vor.u32 $0x3, v8;
	[tilespmem:s23+$0xFFFFFEB0] =	vst v10;
	v7 =	vld.idx.msk [tilespmem:v23+s9+$0x0], $0xffff  }
0x552: {  	v9 =	vld.idx.msk [tilespmem:v11+s9+$0x0], $0xffff;
	[tilespmem:s23+$0xFFFFFEC0] =	vst v2  }
0x553: {  	v2 =	vld.idx.msk [tilespmem:v13+s9+$0x0], $0xffff;
	[tilespmem:s23+$0xFFFFFED0] =	vst v3  }
0x554: {  	v3 =	vld.idx.msk [tilespmem:v15+s9+$0x0], $0xffff;
	[tilespmem:s23+$0xFFFFFEE0] =	vst v4  }
0x555: {  	v4 =	vld.idx.msk [tilespmem:v17+s9+$0x0], $0xffff;
	[tilespmem:s23+$0xFFFFFF80] =	vst v5  }
0x556: {  	[tilespmem:s23+$0xFFFFFE90] =	vst v6;
	v6 =	vld.idx.msk [tilespmem:v8+s9+$0x0], $0xffff  }
0x557: {  	v8 =	vld.idx.msk [tilespmem:v26+s9+$0x0], $0xffff;
	[tilespmem:s23+$0xFFFFFEF0] =	vst v7  }
0x558: {  	[tilespmem:s23+$0xFFFFFF20] =	vst v9;
	v9 =	vld.idx.msk [tilespmem:v21+s9+$0x0], $0xffff  }
0x559: {  	[tilespmem:s23+$0xFFFFFF30] =	vst v2;
	v5 =	vld.idx.msk [tilespmem:v28+s9+$0x0], $0xffff  }
.Ltmp19:
0x55a: {  	v2 =	vld.idx.msk [tilespmem:v30+s9+$0x0], $0xffff;
	[tilespmem:s23+$0xFFFFFF40] =	vst v3;
	(pc) =	sbr.rel @p0 .LBB2_32-.Ltmp19, $4  }
0x55b: {  	v3 =	vld.idx.msk [tilespmem:v31+s9+$0x0], $0xffff;
	[tilespmem:s23+$0xFFFFFF50] =	vst v4  }
0x55c: {  	v4 =	vld.idx.msk [tilespmem:v32+s9+$0x0], $0xffff;
	[tilespmem:s23+$0x0] =	vst v6  }
0x55d: {  	[tilespmem:s23+$0xFFFFFF10] =	vst v8;
	v6 =	vld.idx.msk [tilespmem:v33+s9+$0x0], $0xffff  }
0x55e: {  	s26 =	sadd.s32 $0x400, s26;
	v7 =	vld.idx.msk [tilespmem:v29+s9+$0x0], $0xffff;
	[tilespmem:s23+$0xFFFFFF60] =	vst v9  }
0x55f: {  	_ =	sdelay $0x2  }
0x560: {  	[tilespmem:s23+$0xFFFFFF70] =	vst v5  }
0x561: {  	[tilespmem:s23+$0xFFFFFFA0] =	vst v2;
	v1 =	vld.idx.msk [tilespmem:v1+s9+$0x0], $0xffff  }
0x562: {  	[tilespmem:s23+$0xFFFFFFB0] =	vst v3;
	v0 =	vld.idx.msk [tilespmem:v0+s9+$0x0], $0xffff  }
0x563: {  	[tilespmem:s23+$0xFFFFFFC0] =	vst v4  }
0x564: {  	[tilespmem:s23+$0xFFFFFFD0] =	vst v6  }
0x565: {  	[tilespmem:s23+$0xFFFFFF90] =	vst v7  }
0x566: {  	[tilespmem:s23+$0xFFFFFFE0] =	vst v1  }
0x567: {  	[tilespmem:s23+$0xFFFFFFF0] =	vst v0  }
0x568: {  	v0 =	vld [tilespmem:s24+$0x0]  }
0x569: {  	v1 =	vld [tilespmem:s24+$0xFFFFFFA0]  }
0x56a: {  	v2 =	vld [tilespmem:s24+$0xFFFFFFB0]  }
0x56b: {  	v3 =	vld [tilespmem:s24+$0xFFFFFFC0]  }
0x56c: {  	v4 =	vld [tilespmem:s24+$0xFFFFFFD0]  }
0x56d: {  	v5 =	vld [tilespmem:s24+$0xFFFFFFE0];
	v0 =	vshll.u32 v0, $0x2  }
0x56e: {  	v6 =	vld [tilespmem:s24+$0xFFFFFFF0];
	v1 =	vshll.u32 v1, $0x2  }
0x56f: {  	v7 =	vld [tilespmem:s24+$0xFFFFFF90];
	v2 =	vshll.u32 v2, $0x2  }
0x570: {  	v3 =	vshll.u32 v3, $0x2  }
0x571: {  	v4 =	vshll.u32 v4, $0x2  }
0x572: {  	v8 =	vshll.u32 v5, $0x2;
	v5 =	vld.idx.msk [tilespmem:v0+s9+$0x0], $0xffff  }
0x573: {  	v10 =	vshll.u32 v6, $0x2;
	v9 =	vld.idx.msk [tilespmem:v1+s9+$0x0], $0xffff  }
0x574: {  	v7 =	vshll.u32 v7, $0x2;
	v6 =	vld.idx.msk [tilespmem:v2+s9+$0x0], $0xffff  }
0x575: {  	v11 =	vor.u32 $0x1, v0;
	v12 =	vld.idx.msk [tilespmem:v3+s9+$0x0], $0xffff  }
0x576: {  	v13 =	vor.u32 $0x1, v1;
	v14 =	vld.idx.msk [tilespmem:v4+s9+$0x0], $0xffff  }
0x577: {  	v15 =	vor.u32 $0x1, v2;
	v16 =	vld.idx.msk [tilespmem:v8+s9+$0x0], $0xffff  }
0x578: {  	v17 =	vor.u32 $0x1, v3;
	v18 =	vld.idx.msk [tilespmem:v10+s9+$0x0], $0xffff;
	[tilespmem:s22+$0xFFFFFE80] =	vst v5  }
0x579: {  	v48 =	vor.u32 $0x1, v8;
	v19 =	vld.idx.msk [tilespmem:v7+s9+$0x0], $0xffff;
	[tilespmem:s22+$0xFFFFFE20] =	vst v9  }
0x57a: {  	v50 =	vor.u32 $0x1, v7;
	[tilespmem:s22+$0xFFFFFE30] =	vst v6;
	v47 =	vld.idx.msk [tilespmem:v11+s9+$0x0], $0xffff  }
0x57b: {  	v5 =	vor.u32 $0x1, v4;
	[tilespmem:s22+$0xFFFFFE40] =	vst v12;
	v6 =	vld.idx.msk [tilespmem:v13+s9+$0x0], $0xffff  }
0x57c: {  	v51 =	vor.u32 $0x1, v10;
	[tilespmem:s22+$0xFFFFFE50] =	vst v14;
	v15 =	vld.idx.msk [tilespmem:v15+s9+$0x0], $0xffff  }
0x57d: {  	v49 =	vor.u32 $0x2, v0;
	[tilespmem:s22+$0xFFFFFE60] =	vst v16;
	v17 =	vld.idx.msk [tilespmem:v17+s9+$0x0], $0xffff  }
0x57e: {  	v52 =	vor.u32 $0x2, v1;
	[tilespmem:s22+$0xFFFFFE10] =	vst v19;
	v11 =	vld.idx.msk [tilespmem:v48+s9+$0x0], $0xffff  }
0x57f: {  	v53 =	vor.u32 $0x2, v2;
	[tilespmem:s22+$0xFFFFFE70] =	vst v18;
	v13 =	vld.idx.msk [tilespmem:v50+s9+$0x0], $0xffff  }
0x580: {  	v54 =	vor.u32 $0x2, v3;
	v5 =	vld.idx.msk [tilespmem:v5+s9+$0x0], $0xffff;
	[tilespmem:s22+$0xFFFFFF00] =	vst v47  }
0x581: {  	v56 =	vor.u32 $0x2, v7;
	[tilespmem:s22+$0xFFFFFEA0] =	vst v6;
	v6 =	vld.idx.msk [tilespmem:v51+s9+$0x0], $0xffff  }
0x582: {  	v58 =	vor.u32 $0x2, v8;
	[tilespmem:s22+$0xFFFFFEB0] =	vst v15;
	v12 =	vld.idx.msk [tilespmem:v49+s9+$0x0], $0xffff  }
0x583: {  	v55 =	vor.u32 $0x2, v4;
	[tilespmem:s22+$0xFFFFFEC0] =	vst v17;
	v57 =	vld.idx.msk [tilespmem:v52+s9+$0x0], $0xffff  }
0x584: {  	v0 =	vor.u32 $0x3, v0;
	[tilespmem:s22+$0xFFFFFEE0] =	vst v11;
	v59 =	vld.idx.msk [tilespmem:v53+s9+$0x0], $0xffff  }
0x585: {  	v1 =	vor.u32 $0x3, v1;
	[tilespmem:s22+$0xFFFFFE90] =	vst v13;
	v9 =	vld.idx.msk [tilespmem:v54+s9+$0x0], $0xffff  }
0x586: {  	v14 =	vld.idx.msk [tilespmem:v56+s9+$0x0], $0xffff;
	[tilespmem:s22+$0xFFFFFED0] =	vst v5;
	v5 =	vor.u32 $0x2, v10  }
0x587: {  	v61 =	vor.u32 $0x3, v2;
	v63 =	vld.idx.msk [tilespmem:v58+s9+$0x0], $0xffff;
	[tilespmem:s22+$0xFFFFFEF0] =	vst v6  }
0x588: {  	v62 =	vor.u32 $0x3, v3;
	v60 =	vld.idx.msk [tilespmem:v55+s9+$0x0], $0xffff;
	[tilespmem:s22+$0xFFFFFF80] =	vst v12  }
0x589: {  	v7 =	vor.u32 $0x3, v7;
	[tilespmem:s22+$0xFFFFFF20] =	vst v57;
	v0 =	vld.idx.msk [tilespmem:v0+s9+$0x0], $0xffff  }
0x58a: {  	v6 =	vor.u32 $0x3, v4;
	[tilespmem:s22+$0xFFFFFF30] =	vst v59;
	v2 =	vld.idx.msk [tilespmem:v1+s9+$0x0], $0xffff  }
0x58b: {  	[tilespmem:s22+$0xFFFFFF40] =	vst v9;
	v5 =	vld.idx.msk [tilespmem:v5+s9+$0x0], $0xffff  }
0x58c: {  	[tilespmem:s22+$0xFFFFFF10] =	vst v14;
	v3 =	vld.idx.msk [tilespmem:v61+s9+$0x0], $0xffff  }
0x58d: {  	[tilespmem:s22+$0xFFFFFF60] =	vst v63;
	v4 =	vld.idx.msk [tilespmem:v62+s9+$0x0], $0xffff  }
0x58e: {  	v7 =	vld.idx.msk [tilespmem:v7+s9+$0x0], $0xffff;
	[tilespmem:s22+$0xFFFFFF50] =	vst v60  }
0x58f: {  	s23 =	simm.s32 $0x0;
	s24 =	simm.s32 $0x17F0;
	v1 =	vor.u32 $0x3, v8;
	v6 =	vld.idx.msk [tilespmem:v6+s9+$0x0], $0xffff;
	[tilespmem:s22+$0x0] =	vst v0;
	v0 =	vor.u32 $0x3, v10  }
.LBB2_34:
0x590: {  	v8 =	vld [tilespmem:s24+$0x0];
	s23 =	sadd.s32 $0x8, s23;
	[tilespmem:s22+$0xFFFFFF70] =	vst v5  }
0x591: {  	v5 =	vld [tilespmem:s24+$0xFFFFFFA0];
	p0 =	slt.u32 s23, $0x18;
	[tilespmem:s22+$0xFFFFFFA0] =	vst v2  }
0x592: {  	v2 =	vld [tilespmem:s24+$0xFFFFFFB0];
	[tilespmem:s22+$0xFFFFFFB0] =	vst v3  }
0x593: {  	v3 =	vld [tilespmem:s24+$0xFFFFFFC0];
	[tilespmem:s22+$0xFFFFFFC0] =	vst v4  }
0x594: {  	v4 =	vld [tilespmem:s24+$0xFFFFFFD0];
	[tilespmem:s22+$0xFFFFFFD0] =	vst v6  }
0x595: {  	v6 =	vld [tilespmem:s24+$0xFFFFFFE0];
	v8 =	vshll.u32 v8, $0x2;
	[tilespmem:s22+$0xFFFFFF90] =	vst v7  }
0x596: {  	v5 =	vshll.u32 v5, $0x2;
	v7 =	vld [tilespmem:s24+$0xFFFFFFF0]  }
0x597: {  	v9 =	vld [tilespmem:s24+$0xFFFFFF90];
	v10 =	vor.u32 $0x1, v5;
	v11 =	vor.u32 $0x2, v5;
	v2 =	vshll.u32 v2, $0x2  }
0x598: {  	v12 =	vor.u32 $0x1, v2;
	v13 =	vor.u32 $0x2, v2;
	v3 =	vshll.u32 v3, $0x2;
	v1 =	vld.idx.msk [tilespmem:v1+s9+$0x0], $0xffff  }
0x599: {  	v14 =	vor.u32 $0x1, v3;
	v15 =	vor.u32 $0x2, v3;
	v4 =	vshll.u32 v4, $0x2;
	v0 =	vld.idx.msk [tilespmem:v0+s9+$0x0], $0xffff  }
0x59a: {  	v16 =	vor.u32 $0x1, v4;
	v17 =	vor.u32 $0x2, v4;
	v6 =	vshll.u32 v6, $0x2;
	v18 =	vld.idx.msk [tilespmem:v8+s9+$0x0], $0xffff  }
0x59b: {  	v19 =	vld.idx.msk [tilespmem:v5+s9+$0x0], $0xffff;
	v20 =	vor.u32 $0x1, v6;
	v21 =	vor.u32 $0x2, v6;
	v7 =	vshll.u32 v7, $0x2  }
0x59c: {  	v24 =	vor.u32 $0x1, v8;
	v9 =	vshll.u32 v9, $0x2;
	v22 =	vld.idx.msk [tilespmem:v2+s9+$0x0], $0xffff;
	v23 =	vor.u32 $0x1, v7  }
0x59d: {  	v28 =	vor.u32 $0x2, v7;
	v25 =	vor.u32 $0x1, v9;
	v26 =	vor.u32 $0x2, v9;
	v27 =	vld.idx.msk [tilespmem:v3+s9+$0x0], $0xffff  }
0x59e: {  	v30 =	vor.u32 $0x3, v5;
	v31 =	vor.u32 $0x3, v2;
	v29 =	vor.u32 $0x3, v9;
	v2 =	vld.idx.msk [tilespmem:v4+s9+$0x0], $0xffff;
	[tilespmem:s22+$0xFFFFFFE0] =	vst v1  }
0x59f: {  	v32 =	vor.u32 $0x3, v3;
	v33 =	vor.u32 $0x3, v4;
	v1 =	vor.u32 $0x3, v6;
	v3 =	vld.idx.msk [tilespmem:v6+s9+$0x0], $0xffff;
	[tilespmem:s22+$0xFFFFFFF0] =	vst v0;
	s22 =	sadd.s32 $0x200, s22  }
0x5a0: {  	v0 =	vor.u32 $0x3, v7;
	v4 =	vld.idx.msk [tilespmem:v7+s9+$0x0], $0xffff;
	[tilespmem:s22+$0xFFFFFE80] =	vst v18  }
0x5a1: {  	[tilespmem:s22+$0xFFFFFE20] =	vst v19;
	v5 =	vld.idx.msk [tilespmem:v24+s9+$0x0], $0xffff  }
0x5a2: {  	v6 =	vld.idx.msk [tilespmem:v9+s9+$0x0], $0xffff;
	[tilespmem:s22+$0xFFFFFE30] =	vst v22  }
0x5a3: {  	v9 =	vor.u32 $0x2, v8;
	v7 =	vld.idx.msk [tilespmem:v10+s9+$0x0], $0xffff;
	[tilespmem:s22+$0xFFFFFE40] =	vst v27  }
0x5a4: {  	v10 =	vld.idx.msk [tilespmem:v12+s9+$0x0], $0xffff;
	[tilespmem:s22+$0xFFFFFE50] =	vst v2  }
0x5a5: {  	v2 =	vld.idx.msk [tilespmem:v14+s9+$0x0], $0xffff;
	[tilespmem:s22+$0xFFFFFE60] =	vst v3  }
0x5a6: {  	v3 =	vld.idx.msk [tilespmem:v16+s9+$0x0], $0xffff;
	[tilespmem:s22+$0xFFFFFE70] =	vst v4  }
0x5a7: {  	v4 =	vld.idx.msk [tilespmem:v20+s9+$0x0], $0xffff;
	[tilespmem:s22+$0xFFFFFF00] =	vst v5  }
0x5a8: {  	[tilespmem:s22+$0xFFFFFE10] =	vst v6;
	v5 =	vld.idx.msk [tilespmem:v9+s9+$0x0], $0xffff  }
0x5a9: {  	v6 =	vld.idx.msk [tilespmem:v25+s9+$0x0], $0xffff;
	[tilespmem:s22+$0xFFFFFEA0] =	vst v7  }
0x5aa: {  	v8 =	vor.u32 $0x3, v8;
	[tilespmem:s22+$0xFFFFFEB0] =	vst v10;
	v7 =	vld.idx.msk [tilespmem:v23+s9+$0x0], $0xffff  }
0x5ab: {  	v9 =	vld.idx.msk [tilespmem:v11+s9+$0x0], $0xffff;
	[tilespmem:s22+$0xFFFFFEC0] =	vst v2  }
0x5ac: {  	v2 =	vld.idx.msk [tilespmem:v13+s9+$0x0], $0xffff;
	[tilespmem:s22+$0xFFFFFED0] =	vst v3  }
0x5ad: {  	v3 =	vld.idx.msk [tilespmem:v15+s9+$0x0], $0xffff;
	[tilespmem:s22+$0xFFFFFEE0] =	vst v4  }
0x5ae: {  	v4 =	vld.idx.msk [tilespmem:v17+s9+$0x0], $0xffff;
	[tilespmem:s22+$0xFFFFFF80] =	vst v5  }
0x5af: {  	[tilespmem:s22+$0xFFFFFE90] =	vst v6;
	v6 =	vld.idx.msk [tilespmem:v8+s9+$0x0], $0xffff  }
0x5b0: {  	v8 =	vld.idx.msk [tilespmem:v26+s9+$0x0], $0xffff;
	[tilespmem:s22+$0xFFFFFEF0] =	vst v7  }
0x5b1: {  	[tilespmem:s22+$0xFFFFFF20] =	vst v9;
	v9 =	vld.idx.msk [tilespmem:v21+s9+$0x0], $0xffff  }
0x5b2: {  	[tilespmem:s22+$0xFFFFFF30] =	vst v2;
	v5 =	vld.idx.msk [tilespmem:v28+s9+$0x0], $0xffff  }
.Ltmp20:
0x5b3: {  	v2 =	vld.idx.msk [tilespmem:v30+s9+$0x0], $0xffff;
	[tilespmem:s22+$0xFFFFFF40] =	vst v3;
	(pc) =	sbr.rel @p0 .LBB2_34-.Ltmp20, $4  }
0x5b4: {  	v3 =	vld.idx.msk [tilespmem:v31+s9+$0x0], $0xffff;
	[tilespmem:s22+$0xFFFFFF50] =	vst v4  }
0x5b5: {  	v4 =	vld.idx.msk [tilespmem:v32+s9+$0x0], $0xffff;
	[tilespmem:s22+$0x0] =	vst v6  }
0x5b6: {  	[tilespmem:s22+$0xFFFFFF10] =	vst v8;
	v6 =	vld.idx.msk [tilespmem:v33+s9+$0x0], $0xffff  }
0x5b7: {  	s24 =	sadd.s32 $0x400, s24;
	v7 =	vld.idx.msk [tilespmem:v29+s9+$0x0], $0xffff;
	[tilespmem:s22+$0xFFFFFF60] =	vst v9  }
0x5b8: {  	_ =	sdelay $0x2  }
0x5b9: {  	[tilespmem:s22+$0xFFFFFF70] =	vst v5  }
0x5ba: {  	[tilespmem:s22+$0xFFFFFFA0] =	vst v2;
	v1 =	vld.idx.msk [tilespmem:v1+s9+$0x0], $0xffff  }
0x5bb: {  	[tilespmem:s22+$0xFFFFFFB0] =	vst v3;
	v0 =	vld.idx.msk [tilespmem:v0+s9+$0x0], $0xffff  }
0x5bc: {  	[tilespmem:s22+$0xFFFFFFC0] =	vst v4  }
.Ltmp21:
0x5bd: {  	s21 =	sshll.u32 s21, $0x13;
	[tilespmem:s22+$0xFFFFFFD0] =	vst v6;
	(pc) =	sbr.rel .LBB2_36-.Ltmp21, $4  }
0x5be: {  	s21 =	sor.u32 s6, s21;
	[tilespmem:s22+$0xFFFFFF90] =	vst v7  }
0x5bf: {  	s21 =	sshrl.u32 s21, $0x3;
	[tilespmem:s22+$0xFFFFFFE0] =	vst v1  }
0x5c0: {  	s21 =	sadd.s32 s2, s21;
	[tilespmem:s22+$0xFFFFFFF0] =	vst v0  }
0x5c1: {  	[hbm4b:s21+s12] =	stream.strided.scatter [tilespmem:s16], [sflag:$0x4], $0x4000, s13, s12, $0x38;
	[tilespmem:$0xA080] =	vst v63  }
.LBB2_38:
0x5c2: {  	_ =	sfence.sel $0x180000  }
0x5c3: {  	[bflag:$0x0] =	sbarrier.arrive $0xFFFF  }
0x5c4: {  	p0 =	sne.s32 s1, $0x0;
	_ =	strace $0x90000047  }
0x5c5: {  	s0 =	sadd.s32 @!p0 $0x100000, s0;
	[bflag:$0x2] =	sbarrier.arrive $0xFFFF  }
0x5c6: {  	[sflag:s0] =	ssyncadd.tile.s32 @!p0 $0x1;
	_ =	shalt  }
.Lfunc_end2:
_tile_overlayer_lowered:
.L_overlay_start_2:
0x5c7: {  	(tag) =	ssettag $0x2  }
0x5c8: {  	s0 =	rddreg [dreg:$0x0];
	s2 =	stileid.u32  }
0x5c9: {  	s1 =	rddreg [dreg:$0x1];
	p0 =	sne.s32 s2, $0x0  }
0x5ca: {  	s3 =	rddreg [dreg:$0x2];
	[bflag:$0x3] =	sbarrier.arrive $0xFFFF;
	s2 =	simm.s32 @!p0 $0x1C05  }
0x5cb: {  	[timem:s3], [sflag:s2] =	dma.local @!p0 [hbm:s0], s1  }
0x5cc: {  	s0 =	simm.s32 @!p0 $0x5  }
0x5cd: {  	_ =	swait.ge @!p0 [sflag:s0], s1  }
0x5ce: {  	s1 =	ssub.s32 @!p0 $0x0, s1;
	[sflag:s0] =	ssyncset.done @!p0 $0x0  }
0x5cf: {  	[sflag:s0] =	ssyncadd.s32 @!p0 s1  }
0x5d0: {  	[bflag:$0x3] =	sbarrier.arrive $0xFFFF  }
0x5d1: {  	_ =	shalt  }

</sc_bundles>
